<compile_context>
chip_gen: v7x
topology: tpu7x:2x2x1
jax: 0.10.2.dev20260603
libtpu: 0.0.44.dev20260713+nightly
codegen_flags: <defaults>
</compile_context>

<pallas_src>
import functools

import jax
import jax.numpy as jnp
from jax import lax
from jax.experimental import pallas as pl
from jax.experimental.pallas import tpu as pltpu
from jax.experimental.pallas import tpu_sc as plsc

N = 10000
NC = 2
NS = 16
NW = NC * NS
C = 128
KI = 8
EBLK = NW * C * KI
NB64, D64 = 2, 1
NB128, D128 = 2, 1
N_ACC = 10240
ROWS_PER_TILE = N_ACC // NS

_MESH = dict(core_axis_name="c", subcore_axis_name="s")
_SC_PARAMS = pltpu.CompilerParams(use_tc_tiling_on_sc=False)


def _pad_edges(r, c):
    nnz = r.shape[0]
    pad = (-nnz) % EBLK
    rp = jnp.concatenate([r, jnp.full((pad,), N, jnp.int32)]).reshape(-1, C)
    cp = jnp.concatenate([c, jnp.zeros((pad,), jnp.int32)]).reshape(-1, C)
    return rp, cp


def _deg_pair(row1p, row2p):
    cpw1 = row1p.shape[0] // NW
    cpw2 = row2p.shape[0] // NW

    @functools.partial(
        pl.kernel,
        mesh=plsc.VectorSubcoreMesh(**_MESH),
        out_type=(
            jax.ShapeDtypeStruct((NC, N_ACC, 16), jnp.float32),
            jax.ShapeDtypeStruct((NC, N_ACC, 16), jnp.float32),
        ),
        scratch_types=[
            pltpu.VMEM((KI, C), jnp.int32),
            pltpu.VMEM((C, 16), jnp.float32),
            pltpu.VMEM((C, 16), jnp.float32),
            pltpu.VMEM_SHARED((N_ACC, 16), jnp.float32),
            pltpu.VMEM_SHARED((N_ACC, 16), jnp.float32),
            pltpu.SemaphoreType.DMA,
        ],
        compiler_params=_SC_PARAMS,
    )
    def k(row1_hbm, row2_hbm, deg1_hbm, deg2_hbm, idxv, onesv, zerov, acc1,
          acc2, sem):
        cid = lax.axis_index("c")
        sid = lax.axis_index("s")
        wid = sid * NC + cid

        @pl.loop(0, C)
        def _(i):
            onesv[pl.ds(i, 1), :] = jnp.full((1, 16), 1.0, jnp.float32)
            zerov[pl.ds(i, 1), :] = jnp.zeros((1, 16), jnp.float32)

        r0 = sid * ROWS_PER_TILE

        @pl.loop(0, ROWS_PER_TILE, step=C)
        def _(r):
            pltpu.sync_copy(zerov, acc1.at[pl.ds(r0 + r, C)])
            pltpu.sync_copy(zerov, acc2.at[pl.ds(r0 + r, C)])

        plsc.subcore_barrier()

        def hist(row_hbm, acc, cpw):
            c0 = wid * cpw

            @pl.loop(0, cpw // KI)
            def _(s):
                pltpu.sync_copy(row_hbm.at[pl.ds(c0 + s * KI, KI)], idxv)
                hs = [pltpu.async_copy(onesv, acc.at[idxv.at[j]], sem,
                                       add=True) for j in range(KI)]
                for h in hs:
                    h.wait()

        hist(row1_hbm, acc1, cpw1)
        hist(row2_hbm, acc2, cpw2)

        plsc.subcore_barrier()
        pltpu.sync_copy(acc1.at[pl.ds(r0, ROWS_PER_TILE)],
                        deg1_hbm.at[cid, pl.ds(r0, ROWS_PER_TILE)])
        pltpu.sync_copy(acc2.at[pl.ds(r0, ROWS_PER_TILE)],
                        deg2_hbm.at[cid, pl.ds(r0, ROWS_PER_TILE)])

    return k(row1p, row2p)


def _edge_pass(h_hbm, col_hbm, row_hbm, acc, colv, rowv, gbufs, gsems, ssems,
               wid, cpw, nb, d):
    c0 = wid * cpw

    @pl.loop(0, cpw // KI)
    def _(s):
        ch0 = c0 + s * KI
        pltpu.sync_copy(col_hbm.at[pl.ds(ch0, KI)], colv)
        pltpu.sync_copy(row_hbm.at[pl.ds(ch0, KI)], rowv)
        gh = [None] * KI
        sh = [None] * KI

        def start_scatter(t):
            gh[t].wait()
            sh[t] = pltpu.async_copy(gbufs[t % nb], acc.at[rowv.at[t]],
                                     ssems[t % nb], add=True)

        for j in range(KI):
            if j >= nb:
                sh[j - nb].wait()
            gh[j] = pltpu.async_copy(h_hbm.at[colv.at[j]], gbufs[j % nb],
                                     gsems[j % nb])
            if j >= d:
                start_scatter(j - d)
        for t in range(KI - d, KI):
            start_scatter(t)
        for t in range(KI - nb, KI):
            sh[t].wait()


def _zero_acc(zbuf, acc, r0):
    @pl.loop(0, ROWS_PER_TILE, step=C)
    def _(r):
        pltpu.sync_copy(zbuf, acc.at[pl.ds(r0 + r, C)])


def _spmm(h, colp, rowp, F):
    cpw = colp.shape[0] // NW

    @functools.partial(
        pl.kernel,
        mesh=plsc.VectorSubcoreMesh(**_MESH),
        out_type=jax.ShapeDtypeStruct((NC, N_ACC, F), jnp.float32),
        scratch_types=[
            pltpu.VMEM((KI, C), jnp.int32),
            pltpu.VMEM((KI, C), jnp.int32),
            tuple(pltpu.VMEM((C, F), jnp.float32) for _ in range(NB128)),
            tuple(pltpu.SemaphoreType.DMA for _ in range(NB128)),
            tuple(pltpu.SemaphoreType.DMA for _ in range(NB128)),
            pltpu.VMEM_SHARED((N_ACC, F), jnp.float32),
        ],
        compiler_params=_SC_PARAMS,
    )
    def k(h_hbm, col_hbm, row_hbm, out_hbm, colv, rowv, gbufs, gsems, ssems,
          acc):
        cid = lax.axis_index("c")
        sid = lax.axis_index("s")
        wid = sid * NC + cid
        zbuf = gbufs[0]

        @pl.loop(0, C)
        def _(i):
            @pl.loop(0, F, step=16)
            def _(j):
                zbuf[pl.ds(i, 1), pl.ds(j, 16)] = jnp.zeros((1, 16), jnp.float32)

        r0 = sid * ROWS_PER_TILE
        _zero_acc(zbuf, acc, r0)
        plsc.subcore_barrier()
        _edge_pass(h_hbm, col_hbm, row_hbm, acc, colv, rowv, gbufs, gsems,
                   ssems, wid, cpw, NB128, D128)
        plsc.subcore_barrier()
        pltpu.sync_copy(acc.at[pl.ds(r0, ROWS_PER_TILE)],
                        out_hbm.at[cid, pl.ds(r0, ROWS_PER_TILE)])

    return k(h, colp, rowp)


BN = 2000
_GRID = N // BN


def _deg_spec():
    return pl.BlockSpec((NC, BN, 16), lambda r: (0, r, 0))


def _part_spec(F):
    return pl.BlockSpec((NC, BN, F), lambda r: (0, r, 0))


def _full_spec(shape):
    nd = len(shape)
    return pl.BlockSpec(shape, lambda r: (0,) * nd)


def _dinv_from(deg_ref):
    d = deg_ref[0, :, 0] + deg_ref[1, :, 0]
    return jnp.where(d > 0.5, lax.rsqrt(d), 0.0)[:, None]


def _stage_a1(x, W1, b1):
    def body(x_ref, w_ref, b_ref, h_ref):
        h = jnp.dot(x_ref[...], w_ref[...], preferred_element_type=jnp.float32)
        h_ref[...] = jnp.maximum(h + b_ref[...][None, :], 0.0)

    F = W1.shape[1]
    return pl.pallas_call(
        body,
        grid=(_GRID,),
        in_specs=[pl.BlockSpec((BN, x.shape[1]), lambda r: (r, 0)),
                  _full_spec(W1.shape), _full_spec(b1.shape)],
        out_specs=pl.BlockSpec((BN, F), lambda r: (r, 0)),
        out_shape=jax.ShapeDtypeStruct((N, F), jnp.float32),
    )(x, W1, b1)


def _stage_a2(h, deg1p, deg2p):
    def body(h_ref, d1_ref, d2_ref, hg1_ref, hg2_ref):
        h = h_ref[...]
        hg1_ref[...] = h * _dinv_from(d1_ref)
        hg2_ref[...] = h * _dinv_from(d2_ref)

    F = h.shape[1]
    row_spec = pl.BlockSpec((BN, F), lambda r: (r, 0))
    return pl.pallas_call(
        body,
        grid=(_GRID,),
        in_specs=[row_spec, _deg_spec(), _deg_spec()],
        out_specs=[row_spec, row_spec],
        out_shape=(
            jax.ShapeDtypeStruct((N, F), jnp.float32),
            jax.ShapeDtypeStruct((N, F), jnp.float32),
        ),
    )(h, deg1p, deg2p)


def _stage_b(s1p, s2p, deg1p, deg2p, gamma, beta):
    F = s1p.shape[2]
    F2 = 2 * F

    def body1(s1_ref, s2_ref, d1_ref, d2_ref, h1c_ref, sum_ref, sq_ref):
        u1 = _dinv_from(d1_ref) * (s1_ref[0] + s1_ref[1])
        u2 = _dinv_from(d2_ref) * (s2_ref[0] + s2_ref[1])
        h1c = jnp.concatenate([u1, u2], axis=1)
        h1c_ref[...] = h1c
        ps = jnp.sum(h1c, axis=0, keepdims=True)
        pq = jnp.sum(h1c * h1c, axis=0, keepdims=True)

        @pl.when(pl.program_id(0) == 0)
        def _():
            sum_ref[...] = ps
            sq_ref[...] = pq

        @pl.when(pl.program_id(0) != 0)
        def _():
            sum_ref[...] += ps
            sq_ref[...] += pq

    stat_spec = pl.BlockSpec((1, F2), lambda r: (0, 0))
    h1c, csum, csq = pl.pallas_call(
        body1,
        grid=(_GRID,),
        in_specs=[_part_spec(F), _part_spec(F), _deg_spec(), _deg_spec()],
        out_specs=[pl.BlockSpec((BN, F2), lambda r: (r, 0)), stat_spec,
                   stat_spec],
        out_shape=(
            jax.ShapeDtypeStruct((N, F2), jnp.float32),
            jax.ShapeDtypeStruct((1, F2), jnp.float32),
            jax.ShapeDtypeStruct((1, F2), jnp.float32),
        ),
    )(s1p, s2p, deg1p, deg2p)

    def body2(h1c_ref, sum_ref, sq_ref, d1_ref, d2_ref, g_ref, be_ref,
              h1_ref, h1g1_ref, h1g2_ref):
        mean = sum_ref[...] * (1.0 / N)
        var = jnp.maximum(sq_ref[...] * (1.0 / N) - mean * mean, 0.0)
        scale = g_ref[...][None, :] * lax.rsqrt(var + 1e-5)
        h1 = (h1c_ref[...] - mean) * scale + be_ref[...][None, :]
        h1_ref[...] = h1
        h1g1_ref[...] = h1 * _dinv_from(d1_ref)
        h1g2_ref[...] = h1 * _dinv_from(d2_ref)

    row_spec = pl.BlockSpec((BN, F2), lambda r: (r, 0))
    return pl.pallas_call(
        body2,
        grid=(_GRID,),
        in_specs=[row_spec, stat_spec, stat_spec, _deg_spec(), _deg_spec(),
                  _full_spec(gamma.shape), _full_spec(beta.shape)],
        out_specs=[row_spec, row_spec, row_spec],
        out_shape=(
            jax.ShapeDtypeStruct((N, F2), jnp.float32),
            jax.ShapeDtypeStruct((N, F2), jnp.float32),
            jax.ShapeDtypeStruct((N, F2), jnp.float32),
        ),
    )(h1c, csum, csq, deg1p, deg2p, gamma, beta)


def _stage_c(h, h1, s3p, s4p, deg1p, deg2p, W2, b2):
    def body(h_ref, h1_ref, s3_ref, s4_ref, d1_ref, d2_ref, w_ref, b_ref,
             o_ref):
        v1 = _dinv_from(d1_ref) * (s3_ref[0] + s3_ref[1])
        v2 = _dinv_from(d2_ref) * (s4_ref[0] + s4_ref[1])
        w = w_ref[...]
        acc = jnp.dot(h_ref[...], w[0:64], preferred_element_type=jnp.float32)
        acc += jnp.dot(h1_ref[...], w[64:192], preferred_element_type=jnp.float32)
        acc += jnp.dot(v1, w[192:320], preferred_element_type=jnp.float32)
        acc += jnp.dot(v2, w[320:448], preferred_element_type=jnp.float32)
        o_ref[...] = acc + b_ref[...][None, :]

    OUT_C = W2.shape[1]
    return pl.pallas_call(
        body,
        grid=(_GRID,),
        in_specs=[pl.BlockSpec((BN, 64), lambda r: (r, 0)),
                  pl.BlockSpec((BN, 128), lambda r: (r, 0)),
                  _part_spec(128), _part_spec(128),
                  _deg_spec(), _deg_spec(),
                  _full_spec(W2.shape), _full_spec(b2.shape)],
        out_specs=pl.BlockSpec((BN, OUT_C), lambda r: (r, 0)),
        out_shape=jax.ShapeDtypeStruct((N, OUT_C), jnp.float32),
    )(h, h1, s3p, s4p, deg1p, deg2p, W2, b2)


def kernel(x, y, row, col, val, row2, col2, val2, W1, b1, gamma, beta, W2, b2):
    del y, val, val2
    row1p, col1p = _pad_edges(row, col)
    row2p, col2p = _pad_edges(row2, col2)
    deg1p, deg2p = _deg_pair(row1p, row2p)
    h = _stage_a1(x, W1, b1)
    hg1, hg2 = _stage_a2(h, deg1p, deg2p)
    s1p = _spmm(hg1, col1p, row1p, 64)
    s2p = _spmm(hg2, col2p, row2p, 64)
    h1, h1g1, h1g2 = _stage_b(s1p, s2p, deg1p, deg2p, gamma, beta)
    s3p = _spmm(h1g1, col1p, row1p, 128)
    s4p = _spmm(h1g2, col2p, row2p, 128)
    return _stage_c(h, h1, s3p, s4p, deg1p, deg2p, W2, b2)

# --- scband reference (transcript-rebuilt; emitter-appended) ---
"""Pipeline reference for scband-h2-gcn-824633721277 (READ-ONLY COPY).

The authoritative reference and input builder live on the scoring server;
editing this copy changes nothing except your own understanding.
"""

import jax, jax.numpy as jnp
import numpy as np

N_NODES = 10000
AVG_DEG = 16
D_FEAT = 128
HIDDEN = 64
OUT_C = 40


def _build_adjs(n, edge_index):
    # Mirrors H2GCN.init_adj: adj_t = transpose(edge_index) binarized, no self loops;
    # adj_t2 = strict two-hop (adj_t @ adj_t, minus diag, minus adj_t, binarized);
    # both gcn-normalized (D^-1/2 A D^-1/2, no self loops).
    src = edge_index[0].astype(np.int64)
    dst = edge_index[1].astype(np.int64)
    row = dst
    col = src
    m = row != col
    keys = np.unique(row[m] * n + col[m])
    row = keys // n
    col = keys % n
    degr = np.bincount(row, minlength=n)
    indptr = np.concatenate([np.zeros(1, np.int64), np.cumsum(degr)])
    order = np.argsort(row, kind='stable')
    colS = col[order]
    # join: edge (i,j) with edge (j,k) -> two-hop (i,k)
    cnt = degr[col]
    total = int(cnt.sum())
    i_rep = np.repeat(row, cnt)
    starts = indptr[col]
    csum = np.concatenate([np.zeros(1, np.int64), np.cumsum(cnt)[:-1].astype(np.int64)])
    pos = np.repeat(starts - csum, cnt) + np.arange(total)
    k_vals = colS[pos]
    m2 = i_rep != k_vals
    keys2 = np.unique(i_rep[m2] * n + k_vals[m2])
    keys2 = np.setdiff1d(keys2, keys, assume_unique=True)
    row2 = keys2 // n
    col2 = keys2 % n

    def norm(r, c):
        d = np.bincount(r, minlength=n).astype(np.float64)
        dinv = np.where(d > 0, 1.0 / np.sqrt(np.maximum(d, 1.0)), 0.0)
        return (dinv[r] * dinv[c]).astype(np.float32)

    return row, col, norm(row, col), row2, col2, norm(row2, col2)


def setup_inputs(seed: int = 0) -> dict:
    key = jax.random.key(seed)
    k1, k2, k3, k4, k5, k6 = jax.random.split(key, 6)
    rng = np.random.default_rng(0)
    edge_index = rng.integers(0, N_NODES, size=(2, N_NODES * AVG_DEG))
    row, col, val, row2, col2, val2 = _build_adjs(N_NODES, edge_index)
    x = jax.random.normal(k1, (N_NODES, D_FEAT), dtype=jnp.float32)
    y = jax.random.randint(k2, (N_NODES,), 0, OUT_C, dtype=jnp.int64) if jax.config.jax_enable_x64 else jax.random.randint(k2, (N_NODES,), 0, OUT_C, dtype=jnp.int32)
    last_dim = HIDDEN * (2 ** (2 + 1) - 1)  # hidden * 7 = 448
    W1 = jax.random.normal(k3, (D_FEAT, HIDDEN), dtype=jnp.float32) / np.sqrt(D_FEAT)
    b1 = jnp.zeros((HIDDEN,), dtype=jnp.float32)
    gamma = jnp.ones((HIDDEN * 2,), dtype=jnp.float32)
    beta = jnp.zeros((HIDDEN * 2,), dtype=jnp.float32)
    W2 = jax.random.normal(k4, (last_dim, OUT_C), dtype=jnp.float32) / np.sqrt(last_dim)
    b2 = jnp.zeros((OUT_C,), dtype=jnp.float32)
    return {
        'x': x, 'y': y,
        'row': jnp.asarray(row, dtype=jnp.int32), 'col': jnp.asarray(col, dtype=jnp.int32), 'val': jnp.asarray(val),
        'row2': jnp.asarray(row2, dtype=jnp.int32), 'col2': jnp.asarray(col2, dtype=jnp.int32), 'val2': jnp.asarray(val2),
        'W1': W1, 'b1': b1, 'gamma': gamma, 'beta': beta, 'W2': W2, 'b2': b2,
    }


def reference(x, y, row, col, val, row2, col2, val2, W1, b1, gamma, beta, W2, b2):
    n = x.shape[0]

    def spmm(r, c, v, h):
        return jax.ops.segment_sum(v[:, None] * h[c], r, num_segments=n)

    # feature_embed: MLP with num_mlp_layers=1 -> single Linear
    h = x @ W1 + b1
    h = jnp.maximum(h, 0.0)  # activation
    xs = [h]
    # dropout: identity in reference
    # conv 1 (H2GCNConv): cat([A h, A2 h]) then BatchNorm1d (training-mode batch stats)
    h1 = jnp.concatenate([spmm(row, col, val, h), spmm(row2, col2, val2, h)], axis=1)
    mean = jnp.mean(h1, axis=0)
    var = jnp.var(h1, axis=0)
    h1 = (h1 - mean) / jnp.sqrt(var + 1e-5) * gamma + beta
    xs.append(h1)
    # conv 2 (last conv, no bn)
    h2 = jnp.concatenate([spmm(row, col, val, h1), spmm(row2, col2, val2, h1)], axis=1)
    xs.append(h2)
    # JumpingKnowledge('cat') + final projection
    z = jnp.concatenate(xs, axis=1)
    return z @ W2 + b2

if __name__ == "__main__":
    import jax
    _d = setup_inputs()
    print(jax.jit(kernel)(*tuple(_d.values())))

</pallas_src>

<mosaic_0001>
#map = affine_map<(d0, d1) -> (0, 0)>
#map1 = affine_map<(d0, d1) -> (0, 0, 0)>
module attributes {stable_mosaic.version = 14 : i64} {
  func.func @k(%arg0: i32, %arg1: i32, %arg2: memref<1280x128xi32, #tpu.memory_space<hbm>>, %arg3: memref<19712x128xi32, #tpu.memory_space<hbm>>, %arg4: memref<2x10240x16xf32, #tpu.memory_space<hbm>>, %arg5: memref<2x10240x16xf32, #tpu.memory_space<hbm>>, %arg6: memref<8x128xi32, #tpu.memory_space<vmem>>, %arg7: memref<128x16xf32, #tpu.memory_space<vmem>>, %arg8: memref<128x16xf32, #tpu.memory_space<vmem>>, %arg9: memref<10240x16xf32, #tpu.memory_space<vmem_shared>>, %arg10: memref<10240x16xf32, #tpu.memory_space<vmem_shared>>, %arg11: memref<!tpu.dma_semaphore, #tpu.memory_space<semaphore_mem>>) attributes {dimension_semantics = [#tpu.dimension_semantics<core_parallel>, #tpu.dimension_semantics<subcore_parallel>], iteration_bounds = array<i64: 2, 16>, scalar_prefetch = 0 : i64, scratch_operands = 6 : i64, tpu.core_type = #tpu.core_type<sc_vector_subcore>, window_params = [{transform_indices = #map}, {transform_indices = #map}, {transform_indices = #map1}, {transform_indices = #map1}]} {
    %mul3A = arith.constant 2 : i32
    %mul3A_0 = arith.muli %arg1, %mul3A : i32
    %add3A = arith.addi %mul3A_0, %arg0 : i32
    %scan3A = arith.constant 0 : i32
    %scan3A_1 = arith.constant 128 : i32
    %scan3A_2 = arith.addi %scan3A, %scan3A_1 : i32
    %scan3A_3 = arith.constant 1 : i32
    scf.for %scan3A_27 = %scan3A to %scan3A_2 step %scan3A_3  : i32 {
      %mul3A_28 = arith.constant 1 : i32
      %mul3A_29 = arith.muli %scan3A_27, %mul3A_28 : i32
      %add3A_30 = arith.constant 0 : i32
      %add3A_31 = arith.addi %add3A_30, %mul3A_29 : i32
      %broadcast_in_dim3A = arith.constant 1.000000e+00 : f32
      %broadcast_in_dim3A_32 = vector.broadcast %broadcast_in_dim3A : f32 to vector<1x16xf32>
      %swap3A = arith.index_cast %add3A_31 : i32 to index
      %swap3A_33 = arith.constant 0 : index
      %swap3A_34 = tpu.vector_load %arg7[%swap3A, %swap3A_33] {strides = array<i32>} : memref<128x16xf32, #tpu.memory_space<vmem>>, vector<1x16xf32>,
      %swap3A_35 = vector.shape_cast %swap3A_34 : vector<1x16xf32> to vector<1x16xf32>
      %swap3A_36 = vector.shape_cast %broadcast_in_dim3A_32 : vector<1x16xf32> to vector<1x16xf32>
      tpu.vector_store %arg7[%swap3A, %swap3A_33], %swap3A_36 {strides = array<i32>} : memref<128x16xf32, #tpu.memory_space<vmem>>, vector<1x16xf32>,
      %broadcast_in_dim3A_37 = arith.constant 0.000000e+00 : f32
      %broadcast_in_dim3A_38 = vector.broadcast %broadcast_in_dim3A_37 : f32 to vector<1x16xf32>
      %swap3A_39 = arith.index_cast %add3A_31 : i32 to index
      %swap3A_40 = arith.constant 0 : index
      %swap3A_41 = tpu.vector_load %arg8[%swap3A_39, %swap3A_40] {strides = array<i32>} : memref<128x16xf32, #tpu.memory_space<vmem>>, vector<1x16xf32>,
      %swap3A_42 = vector.shape_cast %swap3A_41 : vector<1x16xf32> to vector<1x16xf32>
      %swap3A_43 = vector.shape_cast %broadcast_in_dim3A_38 : vector<1x16xf32> to vector<1x16xf32>
      tpu.vector_store %arg8[%swap3A_39, %swap3A_40], %swap3A_43 {strides = array<i32>} : memref<128x16xf32, #tpu.memory_space<vmem>>, vector<1x16xf32>,
    }
    %scan3A_4 = arith.constant 128 : i32
    %mul3A_5 = arith.constant 640 : i32
    %mul3A_6 = arith.muli %arg1, %mul3A_5 : i32
    %scan3A_7 = arith.constant 0 : i32
    %scan3A_8 = arith.constant 5 : i32
    %scan3A_9 = arith.addi %scan3A_7, %scan3A_8 : i32
    %scan3A_10 = arith.constant 1 : i32
    scf.for %scan3A_27 = %scan3A_7 to %scan3A_9 step %scan3A_10  : i32 {
      %mul3A_28 = arith.constant 128 : i32
      %mul3A_29 = arith.muli %scan3A_27, %mul3A_28 : i32
      %add3A_30 = arith.constant 0 : i32
      %add3A_31 = arith.addi %add3A_30, %mul3A_29 : i32
      %add3A_32 = arith.addi %mul3A_6, %add3A_31 : i32
      "tpu.region"() ({
        %run_scoped3A = tpu.sem_alloc : memref<!tpu.dma_semaphore, #tpu.memory_space<semaphore_mem>>
        %dma_start3A = arith.constant 0 : i32
        %dma_start3A_34 = tpu.memref_slice %arg9[%add3A_32, %dma_start3A] : memref<10240x16xf32, #tpu.memory_space<vmem_shared>> -> memref<128x16xf32, #tpu.memory_space<vmem_shared>>
        %dma_start3A_35 = arith.constant 0 : i32
        %dma_start3A_36 = tpu.memref_slice %arg9[%add3A_32, %dma_start3A_35] : memref<10240x16xf32, #tpu.memory_space<vmem_shared>> -> memref<128x16xf32, #tpu.memory_space<vmem_shared>>
        tpu.enqueue_dma source(%arg8 : memref<128x16xf32, #tpu.memory_space<vmem>>) target(%dma_start3A_36 : memref<128x16xf32, #tpu.memory_space<vmem_shared>>) target_semaphore(%run_scoped3A : memref<!tpu.dma_semaphore, #tpu.memory_space<semaphore_mem>>)
        %dma_wait3A = arith.constant 0 : i32
        %dma_wait3A_37 = tpu.memref_slice %arg9[%add3A_32, %dma_wait3A] : memref<10240x16xf32, #tpu.memory_space<vmem_shared>> -> memref<128x16xf32, #tpu.memory_space<vmem_shared>>
        %dma_wait3A_38 = arith.constant 0 : i32
        %dma_wait3A_39 = tpu.memref_slice %arg9[%add3A_32, %dma_wait3A_38] : memref<10240x16xf32, #tpu.memory_space<vmem_shared>> -> memref<128x16xf32, #tpu.memory_space<vmem_shared>>
        tpu.wait_dma2 semaphore(%run_scoped3A : memref<!tpu.dma_semaphore, #tpu.memory_space<semaphore_mem>>) src(%arg8 : memref<128x16xf32, #tpu.memory_space<vmem>>) dst(%dma_wait3A_39 : memref<128x16xf32, #tpu.memory_space<vmem_shared>>)
        tpu.yield
      }) : () -> ()
      %add3A_33 = arith.addi %mul3A_6, %add3A_31 : i32
      "tpu.region"() ({
        %run_scoped3A = tpu.sem_alloc : memref<!tpu.dma_semaphore, #tpu.memory_space<semaphore_mem>>
        %dma_start3A = arith.constant 0 : i32
        %dma_start3A_34 = tpu.memref_slice %arg10[%add3A_33, %dma_start3A] : memref<10240x16xf32, #tpu.memory_space<vmem_shared>> -> memref<128x16xf32, #tpu.memory_space<vmem_shared>>
        %dma_start3A_35 = arith.constant 0 : i32
        %dma_start3A_36 = tpu.memref_slice %arg10[%add3A_33, %dma_start3A_35] : memref<10240x16xf32, #tpu.memory_space<vmem_shared>> -> memref<128x16xf32, #tpu.memory_space<vmem_shared>>
        tpu.enqueue_dma source(%arg8 : memref<128x16xf32, #tpu.memory_space<vmem>>) target(%dma_start3A_36 : memref<128x16xf32, #tpu.memory_space<vmem_shared>>) target_semaphore(%run_scoped3A : memref<!tpu.dma_semaphore, #tpu.memory_space<semaphore_mem>>)
        %dma_wait3A = arith.constant 0 : i32
        %dma_wait3A_37 = tpu.memref_slice %arg10[%add3A_33, %dma_wait3A] : memref<10240x16xf32, #tpu.memory_space<vmem_shared>> -> memref<128x16xf32, #tpu.memory_space<vmem_shared>>
        %dma_wait3A_38 = arith.constant 0 : i32
        %dma_wait3A_39 = tpu.memref_slice %arg10[%add3A_33, %dma_wait3A_38] : memref<10240x16xf32, #tpu.memory_space<vmem_shared>> -> memref<128x16xf32, #tpu.memory_space<vmem_shared>>
        tpu.wait_dma2 semaphore(%run_scoped3A : memref<!tpu.dma_semaphore, #tpu.memory_space<semaphore_mem>>) src(%arg8 : memref<128x16xf32, #tpu.memory_space<vmem>>) dst(%dma_wait3A_39 : memref<128x16xf32, #tpu.memory_space<vmem_shared>>)
        tpu.yield
      }) : () -> ()
    }
    %scan3A_11 = arith.constant 5 : i32
    %barrier3A = arith.constant 0 : index
    tpu.barrier barrier_id(%barrier3A)
    %mul3A_12 = arith.constant 40 : i32
    %mul3A_13 = arith.muli %add3A, %mul3A_12 : i32
    %scan3A_14 = arith.constant 0 : i32
    %scan3A_15 = arith.constant 5 : i32
    %scan3A_16 = arith.addi %scan3A_14, %scan3A_15 : i32
    %scan3A_17 = arith.constant 1 : i32
    scf.for %scan3A_27 = %scan3A_14 to %scan3A_16 step %scan3A_17  : i32 {
      %mul3A_28 = arith.constant 1 : i32
      %mul3A_29 = arith.muli %scan3A_27, %mul3A_28 : i32
      %add3A_30 = arith.constant 0 : i32
      %add3A_31 = arith.addi %add3A_30, %mul3A_29 : i32
      %mul3A_32 = arith.constant 8 : i32
      %mul3A_33 = arith.muli %add3A_31, %mul3A_32 : i32
      %add3A_34 = arith.addi %mul3A_13, %mul3A_33 : i32
      "tpu.region"() ({
        %run_scoped3A = tpu.sem_alloc : memref<!tpu.dma_semaphore, #tpu.memory_space<semaphore_mem>>
        %dma_start3A_145 = arith.constant 0 : i32
        %dma_start3A_146 = tpu.memref_slice %arg2[%add3A_34, %dma_start3A_145] : memref<1280x128xi32, #tpu.memory_space<hbm>> -> memref<8x128xi32, #tpu.memory_space<hbm>>
        %dma_start3A_147 = arith.constant 0 : i32
        %dma_start3A_148 = tpu.memref_slice %arg2[%add3A_34, %dma_start3A_147] : memref<1280x128xi32, #tpu.memory_space<hbm>> -> memref<8x128xi32, #tpu.memory_space<hbm>>
        tpu.enqueue_dma source(%dma_start3A_148 : memref<8x128xi32, #tpu.memory_space<hbm>>) target(%arg6 : memref<8x128xi32, #tpu.memory_space<vmem>>) target_semaphore(%run_scoped3A : memref<!tpu.dma_semaphore, #tpu.memory_space<semaphore_mem>>)
        %dma_wait3A_149 = arith.constant 0 : i32
        %dma_wait3A_150 = tpu.memref_slice %arg2[%add3A_34, %dma_wait3A_149] : memref<1280x128xi32, #tpu.memory_space<hbm>> -> memref<8x128xi32, #tpu.memory_space<hbm>>
        %dma_wait3A_151 = arith.constant 0 : i32
        %dma_wait3A_152 = tpu.memref_slice %arg2[%add3A_34, %dma_wait3A_151] : memref<1280x128xi32, #tpu.memory_space<hbm>> -> memref<8x128xi32, #tpu.memory_space<hbm>>
        tpu.wait_dma2 semaphore(%run_scoped3A : memref<!tpu.dma_semaphore, #tpu.memory_space<semaphore_mem>>) src(%dma_wait3A_152 : memref<8x128xi32, #tpu.memory_space<hbm>>) dst(%arg6 : memref<8x128xi32, #tpu.memory_space<vmem>>)
        tpu.yield
      }) : () -> ()
      %dma_start3A = arith.constant 0 : i32
      %dma_start3A_35 = arith.constant 0 : i32
      %dma_start3A_36 = tpu.memref_slice %arg6[%dma_start3A, %dma_start3A_35] : memref<8x128xi32, #tpu.memory_space<vmem>> -> memref<1x128xi32, #tpu.memory_space<vmem>>
      %dma_start3A_37 = tpu.memref_squeeze %dma_start3A_36 : memref<1x128xi32, #tpu.memory_space<vmem>> -> memref<128xi32, #tpu.memory_space<vmem>>
      %dma_start3A_38 = arith.constant 0 : i32
      %dma_start3A_39 = arith.constant 0 : i32
      %dma_start3A_40 = tpu.memref_slice %arg9[%dma_start3A_38, %dma_start3A_39] : memref<10240x16xf32, #tpu.memory_space<vmem_shared>> -> memref<10240x16xf32, #tpu.memory_space<vmem_shared>>
      tpu.enqueue_indirect_dma source(%arg7 : memref<128x16xf32, #tpu.memory_space<vmem>>) target(%dma_start3A_40 : memref<10240x16xf32, #tpu.memory_space<vmem_shared>>) offsets(%dma_start3A_37 : memref<128xi32, #tpu.memory_space<vmem>>) semaphore(%arg11 : memref<!tpu.dma_semaphore, #tpu.memory_space<semaphore_mem>>) {add = true}
      %dma_start3A_41 = arith.constant 1 : i32
      %dma_start3A_42 = arith.constant 0 : i32
      %dma_start3A_43 = tpu.memref_slice %arg6[%dma_start3A_41, %dma_start3A_42] : memref<8x128xi32, #tpu.memory_space<vmem>> -> memref<1x128xi32, #tpu.memory_space<vmem>>
      %dma_start3A_44 = tpu.memref_squeeze %dma_start3A_43 : memref<1x128xi32, #tpu.memory_space<vmem>> -> memref<128xi32, #tpu.memory_space<vmem>>
      %dma_start3A_45 = arith.constant 0 : i32
      %dma_start3A_46 = arith.constant 0 : i32
      %dma_start3A_47 = tpu.memref_slice %arg9[%dma_start3A_45, %dma_start3A_46] : memref<10240x16xf32, #tpu.memory_space<vmem_shared>> -> memref<10240x16xf32, #tpu.memory_space<vmem_shared>>
      tpu.enqueue_indirect_dma source(%arg7 : memref<128x16xf32, #tpu.memory_space<vmem>>) target(%dma_start3A_47 : memref<10240x16xf32, #tpu.memory_space<vmem_shared>>) offsets(%dma_start3A_44 : memref<128xi32, #tpu.memory_space<vmem>>) semaphore(%arg11 : memref<!tpu.dma_semaphore, #tpu.memory_space<semaphore_mem>>) {add = true}
      %dma_start3A_48 = arith.constant 2 : i32
      %dma_start3A_49 = arith.constant 0 : i32
      %dma_start3A_50 = tpu.memref_slice %arg6[%dma_start3A_48, %dma_start3A_49] : memref<8x128xi32, #tpu.memory_space<vmem>> -> memref<1x128xi32, #tpu.memory_space<vmem>>
      %dma_start3A_51 = tpu.memref_squeeze %dma_start3A_50 : memref<1x128xi32, #tpu.memory_space<vmem>> -> memref<128xi32, #tpu.memory_space<vmem>>
      %dma_start3A_52 = arith.constant 0 : i32
      %dma_start3A_53 = arith.constant 0 : i32
      %dma_start3A_54 = tpu.memref_slice %arg9[%dma_start3A_52, %dma_start3A_53] : memref<10240x16xf32, #tpu.memory_space<vmem_shared>> -> memref<10240x16xf32, #tpu.memory_space<vmem_shared>>
      tpu.enqueue_indirect_dma source(%arg7 : memref<128x16xf32, #tpu.memory_space<vmem>>) target(%dma_start3A_54 : memref<10240x16xf32, #tpu.memory_space<vmem_shared>>) offsets(%dma_start3A_51 : memref<128xi32, #tpu.memory_space<vmem>>) semaphore(%arg11 : memref<!tpu.dma_semaphore, #tpu.memory_space<semaphore_mem>>) {add = true}
      %dma_start3A_55 = arith.constant 3 : i32
      %dma_start3A_56 = arith.constant 0 : i32
      %dma_start3A_57 = tpu.memref_slice %arg6[%dma_start3A_55, %dma_start3A_56] : memref<8x128xi32, #tpu.memory_space<vmem>> -> memref<1x128xi32, #tpu.memory_space<vmem>>
      %dma_start3A_58 = tpu.memref_squeeze %dma_start3A_57 : memref<1x128xi32, #tpu.memory_space<vmem>> -> memref<128xi32, #tpu.memory_space<vmem>>
      %dma_start3A_59 = arith.constant 0 : i32
      %dma_start3A_60 = arith.constant 0 : i32
      %dma_start3A_61 = tpu.memref_slice %arg9[%dma_start3A_59, %dma_start3A_60] : memref<10240x16xf32, #tpu.memory_space<vmem_shared>> -> memref<10240x16xf32, #tpu.memory_space<vmem_shared>>
      tpu.enqueue_indirect_dma source(%arg7 : memref<128x16xf32, #tpu.memory_space<vmem>>) target(%dma_start3A_61 : memref<10240x16xf32, #tpu.memory_space<vmem_shared>>) offsets(%dma_start3A_58 : memref<128xi32, #tpu.memory_space<vmem>>) semaphore(%arg11 : memref<!tpu.dma_semaphore, #tpu.memory_space<semaphore_mem>>) {add = true}
      %dma_start3A_62 = arith.constant 4 : i32
      %dma_start3A_63 = arith.constant 0 : i32
      %dma_start3A_64 = tpu.memref_slice %arg6[%dma_start3A_62, %dma_start3A_63] : memref<8x128xi32, #tpu.memory_space<vmem>> -> memref<1x128xi32, #tpu.memory_space<vmem>>
      %dma_start3A_65 = tpu.memref_squeeze %dma_start3A_64 : memref<1x128xi32, #tpu.memory_space<vmem>> -> memref<128xi32, #tpu.memory_space<vmem>>
      %dma_start3A_66 = arith.constant 0 : i32
      %dma_start3A_67 = arith.constant 0 : i32
      %dma_start3A_68 = tpu.memref_slice %arg9[%dma_start3A_66, %dma_start3A_67] : memref<10240x16xf32, #tpu.memory_space<vmem_shared>> -> memref<10240x16xf32, #tpu.memory_space<vmem_shared>>
      tpu.enqueue_indirect_dma source(%arg7 : memref<128x16xf32, #tpu.memory_space<vmem>>) target(%dma_start3A_68 : memref<10240x16xf32, #tpu.memory_space<vmem_shared>>) offsets(%dma_start3A_65 : memref<128xi32, #tpu.memory_space<vmem>>) semaphore(%arg11 : memref<!tpu.dma_semaphore, #tpu.memory_space<semaphore_mem>>) {add = true}
      %dma_start3A_69 = arith.constant 5 : i32
      %dma_start3A_70 = arith.constant 0 : i32
      %dma_start3A_71 = tpu.memref_slice %arg6[%dma_start3A_69, %dma_start3A_70] : memref<8x128xi32, #tpu.memory_space<vmem>> -> memref<1x128xi32, #tpu.memory_space<vmem>>
      %dma_start3A_72 = tpu.memref_squeeze %dma_start3A_71 : memref<1x128xi32, #tpu.memory_space<vmem>> -> memref<128xi32, #tpu.memory_space<vmem>>
      %dma_start3A_73 = arith.constant 0 : i32
      %dma_start3A_74 = arith.constant 0 : i32
      %dma_start3A_75 = tpu.memref_slice %arg9[%dma_start3A_73, %dma_start3A_74] : memref<10240x16xf32, #tpu.memory_space<vmem_shared>> -> memref<10240x16xf32, #tpu.memory_space<vmem_shared>>
      tpu.enqueue_indirect_dma source(%arg7 : memref<128x16xf32, #tpu.memory_space<vmem>>) target(%dma_start3A_75 : memref<10240x16xf32, #tpu.memory_space<vmem_shared>>) offsets(%dma_start3A_72 : memref<128xi32, #tpu.memory_space<vmem>>) semaphore(%arg11 : memref<!tpu.dma_semaphore, #tpu.memory_space<semaphore_mem>>) {add = true}
      %dma_start3A_76 = arith.constant 6 : i32
      %dma_start3A_77 = arith.constant 0 : i32
      %dma_start3A_78 = tpu.memref_slice %arg6[%dma_start3A_76, %dma_start3A_77] : memref<8x128xi32, #tpu.memory_space<vmem>> -> memref<1x128xi32, #tpu.memory_space<vmem>>
      %dma_start3A_79 = tpu.memref_squeeze %dma_start3A_78 : memref<1x128xi32, #tpu.memory_space<vmem>> -> memref<128xi32, #tpu.memory_space<vmem>>
      %dma_start3A_80 = arith.constant 0 : i32
      %dma_start3A_81 = arith.constant 0 : i32
      %dma_start3A_82 = tpu.memref_slice %arg9[%dma_start3A_80, %dma_start3A_81] : memref<10240x16xf32, #tpu.memory_space<vmem_shared>> -> memref<10240x16xf32, #tpu.memory_space<vmem_shared>>
      tpu.enqueue_indirect_dma source(%arg7 : memref<128x16xf32, #tpu.memory_space<vmem>>) target(%dma_start3A_82 : memref<10240x16xf32, #tpu.memory_space<vmem_shared>>) offsets(%dma_start3A_79 : memref<128xi32, #tpu.memory_space<vmem>>) semaphore(%arg11 : memref<!tpu.dma_semaphore, #tpu.memory_space<semaphore_mem>>) {add = true}
      %dma_start3A_83 = arith.constant 7 : i32
      %dma_start3A_84 = arith.constant 0 : i32
      %dma_start3A_85 = tpu.memref_slice %arg6[%dma_start3A_83, %dma_start3A_84] : memref<8x128xi32, #tpu.memory_space<vmem>> -> memref<1x128xi32, #tpu.memory_space<vmem>>
      %dma_start3A_86 = tpu.memref_squeeze %dma_start3A_85 : memref<1x128xi32, #tpu.memory_space<vmem>> -> memref<128xi32, #tpu.memory_space<vmem>>
      %dma_start3A_87 = arith.constant 0 : i32
      %dma_start3A_88 = arith.constant 0 : i32
      %dma_start3A_89 = tpu.memref_slice %arg9[%dma_start3A_87, %dma_start3A_88] : memref<10240x16xf32, #tpu.memory_space<vmem_shared>> -> memref<10240x16xf32, #tpu.memory_space<vmem_shared>>
      tpu.enqueue_indirect_dma source(%arg7 : memref<128x16xf32, #tpu.memory_space<vmem>>) target(%dma_start3A_89 : memref<10240x16xf32, #tpu.memory_space<vmem_shared>>) offsets(%dma_start3A_86 : memref<128xi32, #tpu.memory_space<vmem>>) semaphore(%arg11 : memref<!tpu.dma_semaphore, #tpu.memory_space<semaphore_mem>>) {add = true}
      %dma_wait3A = arith.constant 0 : i32
      %dma_wait3A_90 = arith.constant 0 : i32
      %dma_wait3A_91 = tpu.memref_slice %arg6[%dma_wait3A, %dma_wait3A_90] : memref<8x128xi32, #tpu.memory_space<vmem>> -> memref<1x128xi32, #tpu.memory_space<vmem>>
      %dma_wait3A_92 = tpu.memref_squeeze %dma_wait3A_91 : memref<1x128xi32, #tpu.memory_space<vmem>> -> memref<128xi32, #tpu.memory_space<vmem>>
      %dma_wait3A_93 = arith.constant 0 : i32
      %dma_wait3A_94 = arith.constant 0 : i32
      %dma_wait3A_95 = tpu.memref_slice %arg9[%dma_wait3A_93, %dma_wait3A_94] : memref<10240x16xf32, #tpu.memory_space<vmem_shared>> -> memref<10240x16xf32, #tpu.memory_space<vmem_shared>>
      tpu.wait_indirect_dma semaphore(%arg11 : memref<!tpu.dma_semaphore, #tpu.memory_space<semaphore_mem>>) src(%arg7 : memref<128x16xf32, #tpu.memory_space<vmem>>) dst(%dma_wait3A_95 : memref<10240x16xf32, #tpu.memory_space<vmem_shared>>)
      %dma_wait3A_96 = arith.constant 1 : i32
      %dma_wait3A_97 = arith.constant 0 : i32
      %dma_wait3A_98 = tpu.memref_slice %arg6[%dma_wait3A_96, %dma_wait3A_97] : memref<8x128xi32, #tpu.memory_space<vmem>> -> memref<1x128xi32, #tpu.memory_space<vmem>>
      %dma_wait3A_99 = tpu.memref_squeeze %dma_wait3A_98 : memref<1x128xi32, #tpu.memory_space<vmem>> -> memref<128xi32, #tpu.memory_space<vmem>>
      %dma_wait3A_100 = arith.constant 0 : i32
      %dma_wait3A_101 = arith.constant 0 : i32
      %dma_wait3A_102 = tpu.memref_slice %arg9[%dma_wait3A_100, %dma_wait3A_101] : memref<10240x16xf32, #tpu.memory_space<vmem_shared>> -> memref<10240x16xf32, #tpu.memory_space<vmem_shared>>
      tpu.wait_indirect_dma semaphore(%arg11 : memref<!tpu.dma_semaphore, #tpu.memory_space<semaphore_mem>>) src(%arg7 : memref<128x16xf32, #tpu.memory_space<vmem>>) dst(%dma_wait3A_102 : memref<10240x16xf32, #tpu.memory_space<vmem_shared>>)
      %dma_wait3A_103 = arith.constant 2 : i32
      %dma_wait3A_104 = arith.constant 0 : i32
      %dma_wait3A_105 = tpu.memref_slice %arg6[%dma_wait3A_103, %dma_wait3A_104] : memref<8x128xi32, #tpu.memory_space<vmem>> -> memref<1x128xi32, #tpu.memory_space<vmem>>
      %dma_wait3A_106 = tpu.memref_squeeze %dma_wait3A_105 : memref<1x128xi32, #tpu.memory_space<vmem>> -> memref<128xi32, #tpu.memory_space<vmem>>
      %dma_wait3A_107 = arith.constant 0 : i32
      %dma_wait3A_108 = arith.constant 0 : i32
      %dma_wait3A_109 = tpu.memref_slice %arg9[%dma_wait3A_107, %dma_wait3A_108] : memref<10240x16xf32, #tpu.memory_space<vmem_shared>> -> memref<10240x16xf32, #tpu.memory_space<vmem_shared>>
      tpu.wait_indirect_dma semaphore(%arg11 : memref<!tpu.dma_semaphore, #tpu.memory_space<semaphore_mem>>) src(%arg7 : memref<128x16xf32, #tpu.memory_space<vmem>>) dst(%dma_wait3A_109 : memref<10240x16xf32, #tpu.memory_space<vmem_shared>>)
      %dma_wait3A_110 = arith.constant 3 : i32
      %dma_wait3A_111 = arith.constant 0 : i32
      %dma_wait3A_112 = tpu.memref_slice %arg6[%dma_wait3A_110, %dma_wait3A_111] : memref<8x128xi32, #tpu.memory_space<vmem>> -> memref<1x128xi32, #tpu.memory_space<vmem>>
      %dma_wait3A_113 = tpu.memref_squeeze %dma_wait3A_112 : memref<1x128xi32, #tpu.memory_space<vmem>> -> memref<128xi32, #tpu.memory_space<vmem>>
      %dma_wait3A_114 = arith.constant 0 : i32
      %dma_wait3A_115 = arith.constant 0 : i32
      %dma_wait3A_116 = tpu.memref_slice %arg9[%dma_wait3A_114, %dma_wait3A_115] : memref<10240x16xf32, #tpu.memory_space<vmem_shared>> -> memref<10240x16xf32, #tpu.memory_space<vmem_shared>>
      tpu.wait_indirect_dma semaphore(%arg11 : memref<!tpu.dma_semaphore, #tpu.memory_space<semaphore_mem>>) src(%arg7 : memref<128x16xf32, #tpu.memory_space<vmem>>) dst(%dma_wait3A_116 : memref<10240x16xf32, #tpu.memory_space<vmem_shared>>)
      %dma_wait3A_117 = arith.constant 4 : i32
      %dma_wait3A_118 = arith.constant 0 : i32
      %dma_wait3A_119 = tpu.memref_slice %arg6[%dma_wait3A_117, %dma_wait3A_118] : memref<8x128xi32, #tpu.memory_space<vmem>> -> memref<1x128xi32, #tpu.memory_space<vmem>>
      %dma_wait3A_120 = tpu.memref_squeeze %dma_wait3A_119 : memref<1x128xi32, #tpu.memory_space<vmem>> -> memref<128xi32, #tpu.memory_space<vmem>>
      %dma_wait3A_121 = arith.constant 0 : i32
      %dma_wait3A_122 = arith.constant 0 : i32
      %dma_wait3A_123 = tpu.memref_slice %arg9[%dma_wait3A_121, %dma_wait3A_122] : memref<10240x16xf32, #tpu.memory_space<vmem_shared>> -> memref<10240x16xf32, #tpu.memory_space<vmem_shared>>
      tpu.wait_indirect_dma semaphore(%arg11 : memref<!tpu.dma_semaphore, #tpu.memory_space<semaphore_mem>>) src(%arg7 : memref<128x16xf32, #tpu.memory_space<vmem>>) dst(%dma_wait3A_123 : memref<10240x16xf32, #tpu.memory_space<vmem_shared>>)
      %dma_wait3A_124 = arith.constant 5 : i32
      %dma_wait3A_125 = arith.constant 0 : i32
      %dma_wait3A_126 = tpu.memref_slice %arg6[%dma_wait3A_124, %dma_wait3A_125] : memref<8x128xi32, #tpu.memory_space<vmem>> -> memref<1x128xi32, #tpu.memory_space<vmem>>
      %dma_wait3A_127 = tpu.memref_squeeze %dma_wait3A_126 : memref<1x128xi32, #tpu.memory_space<vmem>> -> memref<128xi32, #tpu.memory_space<vmem>>
      %dma_wait3A_128 = arith.constant 0 : i32
      %dma_wait3A_129 = arith.constant 0 : i32
      %dma_wait3A_130 = tpu.memref_slice %arg9[%dma_wait3A_128, %dma_wait3A_129] : memref<10240x16xf32, #tpu.memory_space<vmem_shared>> -> memref<10240x16xf32, #tpu.memory_space<vmem_shared>>
      tpu.wait_indirect_dma semaphore(%arg11 : memref<!tpu.dma_semaphore, #tpu.memory_space<semaphore_mem>>) src(%arg7 : memref<128x16xf32, #tpu.memory_space<vmem>>) dst(%dma_wait3A_130 : memref<10240x16xf32, #tpu.memory_space<vmem_shared>>)
      %dma_wait3A_131 = arith.constant 6 : i32
      %dma_wait3A_132 = arith.constant 0 : i32
      %dma_wait3A_133 = tpu.memref_slice %arg6[%dma_wait3A_131, %dma_wait3A_132] : memref<8x128xi32, #tpu.memory_space<vmem>> -> memref<1x128xi32, #tpu.memory_space<vmem>>
      %dma_wait3A_134 = tpu.memref_squeeze %dma_wait3A_133 : memref<1x128xi32, #tpu.memory_space<vmem>> -> memref<128xi32, #tpu.memory_space<vmem>>
      %dma_wait3A_135 = arith.constant 0 : i32
      %dma_wait3A_136 = arith.constant 0 : i32
      %dma_wait3A_137 = tpu.memref_slice %arg9[%dma_wait3A_135, %dma_wait3A_136] : memref<10240x16xf32, #tpu.memory_space<vmem_shared>> -> memref<10240x16xf32, #tpu.memory_space<vmem_shared>>
      tpu.wait_indirect_dma semaphore(%arg11 : memref<!tpu.dma_semaphore, #tpu.memory_space<semaphore_mem>>) src(%arg7 : memref<128x16xf32, #tpu.memory_space<vmem>>) dst(%dma_wait3A_137 : memref<10240x16xf32, #tpu.memory_space<vmem_shared>>)
      %dma_wait3A_138 = arith.constant 7 : i32
      %dma_wait3A_139 = arith.constant 0 : i32
      %dma_wait3A_140 = tpu.memref_slice %arg6[%dma_wait3A_138, %dma_wait3A_139] : memref<8x128xi32, #tpu.memory_space<vmem>> -> memref<1x128xi32, #tpu.memory_space<vmem>>
      %dma_wait3A_141 = tpu.memref_squeeze %dma_wait3A_140 : memref<1x128xi32, #tpu.memory_space<vmem>> -> memref<128xi32, #tpu.memory_space<vmem>>
      %dma_wait3A_142 = arith.constant 0 : i32
      %dma_wait3A_143 = arith.constant 0 : i32
      %dma_wait3A_144 = tpu.memref_slice %arg9[%dma_wait3A_142, %dma_wait3A_143] : memref<10240x16xf32, #tpu.memory_space<vmem_shared>> -> memref<10240x16xf32, #tpu.memory_space<vmem_shared>>
      tpu.wait_indirect_dma semaphore(%arg11 : memref<!tpu.dma_semaphore, #tpu.memory_space<semaphore_mem>>) src(%arg7 : memref<128x16xf32, #tpu.memory_space<vmem>>) dst(%dma_wait3A_144 : memref<10240x16xf32, #tpu.memory_space<vmem_shared>>)
    }
    %scan3A_18 = arith.constant 5 : i32
    %mul3A_19 = arith.constant 616 : i32
    %mul3A_20 = arith.muli %add3A, %mul3A_19 : i32
    %scan3A_21 = arith.constant 0 : i32
    %scan3A_22 = arith.constant 77 : i32
    %scan3A_23 = arith.addi %scan3A_21, %scan3A_22 : i32
    %scan3A_24 = arith.constant 1 : i32
    scf.for %scan3A_27 = %scan3A_21 to %scan3A_23 step %scan3A_24  : i32 {
      %mul3A_28 = arith.constant 1 : i32
      %mul3A_29 = arith.muli %scan3A_27, %mul3A_28 : i32
      %add3A_30 = arith.constant 0 : i32
      %add3A_31 = arith.addi %add3A_30, %mul3A_29 : i32
      %mul3A_32 = arith.constant 8 : i32
      %mul3A_33 = arith.muli %add3A_31, %mul3A_32 : i32
      %add3A_34 = arith.addi %mul3A_20, %mul3A_33 : i32
      "tpu.region"() ({
        %run_scoped3A = tpu.sem_alloc : memref<!tpu.dma_semaphore, #tpu.memory_space<semaphore_mem>>
        %dma_start3A_145 = arith.constant 0 : i32
        %dma_start3A_146 = tpu.memref_slice %arg3[%add3A_34, %dma_start3A_145] : memref<19712x128xi32, #tpu.memory_space<hbm>> -> memref<8x128xi32, #tpu.memory_space<hbm>>
        %dma_start3A_147 = arith.constant 0 : i32
        %dma_start3A_148 = tpu.memref_slice %arg3[%add3A_34, %dma_start3A_147] : memref<19712x128xi32, #tpu.memory_space<hbm>> -> memref<8x128xi32, #tpu.memory_space<hbm>>
        tpu.enqueue_dma source(%dma_start3A_148 : memref<8x128xi32, #tpu.memory_space<hbm>>) target(%arg6 : memref<8x128xi32, #tpu.memory_space<vmem>>) target_semaphore(%run_scoped3A : memref<!tpu.dma_semaphore, #tpu.memory_space<semaphore_mem>>)
        %dma_wait3A_149 = arith.constant 0 : i32
        %dma_wait3A_150 = tpu.memref_slice %arg3[%add3A_34, %dma_wait3A_149] : memref<19712x128xi32, #tpu.memory_space<hbm>> -> memref<8x128xi32, #tpu.memory_space<hbm>>
        %dma_wait3A_151 = arith.constant 0 : i32
        %dma_wait3A_152 = tpu.memref_slice %arg3[%add3A_34, %dma_wait3A_151] : memref<19712x128xi32, #tpu.memory_space<hbm>> -> memref<8x128xi32, #tpu.memory_space<hbm>>
        tpu.wait_dma2 semaphore(%run_scoped3A : memref<!tpu.dma_semaphore, #tpu.memory_space<semaphore_mem>>) src(%dma_wait3A_152 : memref<8x128xi32, #tpu.memory_space<hbm>>) dst(%arg6 : memref<8x128xi32, #tpu.memory_space<vmem>>)
        tpu.yield
      }) : () -> ()
      %dma_start3A = arith.constant 0 : i32
      %dma_start3A_35 = arith.constant 0 : i32
      %dma_start3A_36 = tpu.memref_slice %arg6[%dma_start3A, %dma_start3A_35] : memref<8x128xi32, #tpu.memory_space<vmem>> -> memref<1x128xi32, #tpu.memory_space<vmem>>
      %dma_start3A_37 = tpu.memref_squeeze %dma_start3A_36 : memref<1x128xi32, #tpu.memory_space<vmem>> -> memref<128xi32, #tpu.memory_space<vmem>>
      %dma_start3A_38 = arith.constant 0 : i32
      %dma_start3A_39 = arith.constant 0 : i32
      %dma_start3A_40 = tpu.memref_slice %arg10[%dma_start3A_38, %dma_start3A_39] : memref<10240x16xf32, #tpu.memory_space<vmem_shared>> -> memref<10240x16xf32, #tpu.memory_space<vmem_shared>>
      tpu.enqueue_indirect_dma source(%arg7 : memref<128x16xf32, #tpu.memory_space<vmem>>) target(%dma_start3A_40 : memref<10240x16xf32, #tpu.memory_space<vmem_shared>>) offsets(%dma_start3A_37 : memref<128xi32, #tpu.memory_space<vmem>>) semaphore(%arg11 : memref<!tpu.dma_semaphore, #tpu.memory_space<semaphore_mem>>) {add = true}
      %dma_start3A_41 = arith.constant 1 : i32
      %dma_start3A_42 = arith.constant 0 : i32
      %dma_start3A_43 = tpu.memref_slice %arg6[%dma_start3A_41, %dma_start3A_42] : memref<8x128xi32, #tpu.memory_space<vmem>> -> memref<1x128xi32, #tpu.memory_space<vmem>>
      %dma_start3A_44 = tpu.memref_squeeze %dma_start3A_43 : memref<1x128xi32, #tpu.memory_space<vmem>> -> memref<128xi32, #tpu.memory_space<vmem>>
      %dma_start3A_45 = arith.constant 0 : i32
      %dma_start3A_46 = arith.constant 0 : i32
      %dma_start3A_47 = tpu.memref_slice %arg10[%dma_start3A_45, %dma_start3A_46] : memref<10240x16xf32, #tpu.memory_space<vmem_shared>> -> memref<10240x16xf32, #tpu.memory_space<vmem_shared>>
      tpu.enqueue_indirect_dma source(%arg7 : memref<128x16xf32, #tpu.memory_space<vmem>>) target(%dma_start3A_47 : memref<10240x16xf32, #tpu.memory_space<vmem_shared>>) offsets(%dma_start3A_44 : memref<128xi32, #tpu.memory_space<vmem>>) semaphore(%arg11 : memref<!tpu.dma_semaphore, #tpu.memory_space<semaphore_mem>>) {add = true}
      %dma_start3A_48 = arith.constant 2 : i32
      %dma_start3A_49 = arith.constant 0 : i32
      %dma_start3A_50 = tpu.memref_slice %arg6[%dma_start3A_48, %dma_start3A_49] : memref<8x128xi32, #tpu.memory_space<vmem>> -> memref<1x128xi32, #tpu.memory_space<vmem>>
      %dma_start3A_51 = tpu.memref_squeeze %dma_start3A_50 : memref<1x128xi32, #tpu.memory_space<vmem>> -> memref<128xi32, #tpu.memory_space<vmem>>
      %dma_start3A_52 = arith.constant 0 : i32
      %dma_start3A_53 = arith.constant 0 : i32
      %dma_start3A_54 = tpu.memref_slice %arg10[%dma_start3A_52, %dma_start3A_53] : memref<10240x16xf32, #tpu.memory_space<vmem_shared>> -> memref<10240x16xf32, #tpu.memory_space<vmem_shared>>
      tpu.enqueue_indirect_dma source(%arg7 : memref<128x16xf32, #tpu.memory_space<vmem>>) target(%dma_start3A_54 : memref<10240x16xf32, #tpu.memory_space<vmem_shared>>) offsets(%dma_start3A_51 : memref<128xi32, #tpu.memory_space<vmem>>) semaphore(%arg11 : memref<!tpu.dma_semaphore, #tpu.memory_space<semaphore_mem>>) {add = true}
      %dma_start3A_55 = arith.constant 3 : i32
      %dma_start3A_56 = arith.constant 0 : i32
      %dma_start3A_57 = tpu.memref_slice %arg6[%dma_start3A_55, %dma_start3A_56] : memref<8x128xi32, #tpu.memory_space<vmem>> -> memref<1x128xi32, #tpu.memory_space<vmem>>
      %dma_start3A_58 = tpu.memref_squeeze %dma_start3A_57 : memref<1x128xi32, #tpu.memory_space<vmem>> -> memref<128xi32, #tpu.memory_space<vmem>>
      %dma_start3A_59 = arith.constant 0 : i32
      %dma_start3A_60 = arith.constant 0 : i32
      %dma_start3A_61 = tpu.memref_slice %arg10[%dma_start3A_59, %dma_start3A_60] : memref<10240x16xf32, #tpu.memory_space<vmem_shared>> -> memref<10240x16xf32, #tpu.memory_space<vmem_shared>>
      tpu.enqueue_indirect_dma source(%arg7 : memref<128x16xf32, #tpu.memory_space<vmem>>) target(%dma_start3A_61 : memref<10240x16xf32, #tpu.memory_space<vmem_shared>>) offsets(%dma_start3A_58 : memref<128xi32, #tpu.memory_space<vmem>>) semaphore(%arg11 : memref<!tpu.dma_semaphore, #tpu.memory_space<semaphore_mem>>) {add = true}
      %dma_start3A_62 = arith.constant 4 : i32
      %dma_start3A_63 = arith.constant 0 : i32
      %dma_start3A_64 = tpu.memref_slice %arg6[%dma_start3A_62, %dma_start3A_63] : memref<8x128xi32, #tpu.memory_space<vmem>> -> memref<1x128xi32, #tpu.memory_space<vmem>>
      %dma_start3A_65 = tpu.memref_squeeze %dma_start3A_64 : memref<1x128xi32, #tpu.memory_space<vmem>> -> memref<128xi32, #tpu.memory_space<vmem>>
      %dma_start3A_66 = arith.constant 0 : i32
      %dma_start3A_67 = arith.constant 0 : i32
      %dma_start3A_68 = tpu.memref_slice %arg10[%dma_start3A_66, %dma_start3A_67] : memref<10240x16xf32, #tpu.memory_space<vmem_shared>> -> memref<10240x16xf32, #tpu.memory_space<vmem_shared>>
      tpu.enqueue_indirect_dma source(%arg7 : memref<128x16xf32, #tpu.memory_space<vmem>>) target(%dma_start3A_68 : memref<10240x16xf32, #tpu.memory_space<vmem_shared>>) offsets(%dma_start3A_65 : memref<128xi32, #tpu.memory_space<vmem>>) semaphore(%arg11 : memref<!tpu.dma_semaphore, #tpu.memory_space<semaphore_mem>>) {add = true}
      %dma_start3A_69 = arith.constant 5 : i32
      %dma_start3A_70 = arith.constant 0 : i32
      %dma_start3A_71 = tpu.memref_slice %arg6[%dma_start3A_69, %dma_start3A_70] : memref<8x128xi32, #tpu.memory_space<vmem>> -> memref<1x128xi32, #tpu.memory_space<vmem>>
      %dma_start3A_72 = tpu.memref_squeeze %dma_start3A_71 : memref<1x128xi32, #tpu.memory_space<vmem>> -> memref<128xi32, #tpu.memory_space<vmem>>
      %dma_start3A_73 = arith.constant 0 : i32
      %dma_start3A_74 = arith.constant 0 : i32
      %dma_start3A_75 = tpu.memref_slice %arg10[%dma_start3A_73, %dma_start3A_74] : memref<10240x16xf32, #tpu.memory_space<vmem_shared>> -> memref<10240x16xf32, #tpu.memory_space<vmem_shared>>
      tpu.enqueue_indirect_dma source(%arg7 : memref<128x16xf32, #tpu.memory_space<vmem>>) target(%dma_start3A_75 : memref<10240x16xf32, #tpu.memory_space<vmem_shared>>) offsets(%dma_start3A_72 : memref<128xi32, #tpu.memory_space<vmem>>) semaphore(%arg11 : memref<!tpu.dma_semaphore, #tpu.memory_space<semaphore_mem>>) {add = true}
      %dma_start3A_76 = arith.constant 6 : i32
      %dma_start3A_77 = arith.constant 0 : i32
      %dma_start3A_78 = tpu.memref_slice %arg6[%dma_start3A_76, %dma_start3A_77] : memref<8x128xi32, #tpu.memory_space<vmem>> -> memref<1x128xi32, #tpu.memory_space<vmem>>
      %dma_start3A_79 = tpu.memref_squeeze %dma_start3A_78 : memref<1x128xi32, #tpu.memory_space<vmem>> -> memref<128xi32, #tpu.memory_space<vmem>>
      %dma_start3A_80 = arith.constant 0 : i32
      %dma_start3A_81 = arith.constant 0 : i32
      %dma_start3A_82 = tpu.memref_slice %arg10[%dma_start3A_80, %dma_start3A_81] : memref<10240x16xf32, #tpu.memory_space<vmem_shared>> -> memref<10240x16xf32, #tpu.memory_space<vmem_shared>>
      tpu.enqueue_indirect_dma source(%arg7 : memref<128x16xf32, #tpu.memory_space<vmem>>) target(%dma_start3A_82 : memref<10240x16xf32, #tpu.memory_space<vmem_shared>>) offsets(%dma_start3A_79 : memref<128xi32, #tpu.memory_space<vmem>>) semaphore(%arg11 : memref<!tpu.dma_semaphore, #tpu.memory_space<semaphore_mem>>) {add = true}
      %dma_start3A_83 = arith.constant 7 : i32
      %dma_start3A_84 = arith.constant 0 : i32
      %dma_start3A_85 = tpu.memref_slice %arg6[%dma_start3A_83, %dma_start3A_84] : memref<8x128xi32, #tpu.memory_space<vmem>> -> memref<1x128xi32, #tpu.memory_space<vmem>>
      %dma_start3A_86 = tpu.memref_squeeze %dma_start3A_85 : memref<1x128xi32, #tpu.memory_space<vmem>> -> memref<128xi32, #tpu.memory_space<vmem>>
      %dma_start3A_87 = arith.constant 0 : i32
      %dma_start3A_88 = arith.constant 0 : i32
      %dma_start3A_89 = tpu.memref_slice %arg10[%dma_start3A_87, %dma_start3A_88] : memref<10240x16xf32, #tpu.memory_space<vmem_shared>> -> memref<10240x16xf32, #tpu.memory_space<vmem_shared>>
      tpu.enqueue_indirect_dma source(%arg7 : memref<128x16xf32, #tpu.memory_space<vmem>>) target(%dma_start3A_89 : memref<10240x16xf32, #tpu.memory_space<vmem_shared>>) offsets(%dma_start3A_86 : memref<128xi32, #tpu.memory_space<vmem>>) semaphore(%arg11 : memref<!tpu.dma_semaphore, #tpu.memory_space<semaphore_mem>>) {add = true}
      %dma_wait3A = arith.constant 0 : i32
      %dma_wait3A_90 = arith.constant 0 : i32
      %dma_wait3A_91 = tpu.memref_slice %arg6[%dma_wait3A, %dma_wait3A_90] : memref<8x128xi32, #tpu.memory_space<vmem>> -> memref<1x128xi32, #tpu.memory_space<vmem>>
      %dma_wait3A_92 = tpu.memref_squeeze %dma_wait3A_91 : memref<1x128xi32, #tpu.memory_space<vmem>> -> memref<128xi32, #tpu.memory_space<vmem>>
      %dma_wait3A_93 = arith.constant 0 : i32
      %dma_wait3A_94 = arith.constant 0 : i32
      %dma_wait3A_95 = tpu.memref_slice %arg10[%dma_wait3A_93, %dma_wait3A_94] : memref<10240x16xf32, #tpu.memory_space<vmem_shared>> -> memref<10240x16xf32, #tpu.memory_space<vmem_shared>>
      tpu.wait_indirect_dma semaphore(%arg11 : memref<!tpu.dma_semaphore, #tpu.memory_space<semaphore_mem>>) src(%arg7 : memref<128x16xf32, #tpu.memory_space<vmem>>) dst(%dma_wait3A_95 : memref<10240x16xf32, #tpu.memory_space<vmem_shared>>)
      %dma_wait3A_96 = arith.constant 1 : i32
      %dma_wait3A_97 = arith.constant 0 : i32
      %dma_wait3A_98 = tpu.memref_slice %arg6[%dma_wait3A_96, %dma_wait3A_97] : memref<8x128xi32, #tpu.memory_space<vmem>> -> memref<1x128xi32, #tpu.memory_space<vmem>>
      %dma_wait3A_99 = tpu.memref_squeeze %dma_wait3A_98 : memref<1x128xi32, #tpu.memory_space<vmem>> -> memref<128xi32, #tpu.memory_space<vmem>>
      %dma_wait3A_100 = arith.constant 0 : i32
      %dma_wait3A_101 = arith.constant 0 : i32
      %dma_wait3A_102 = tpu.memref_slice %arg10[%dma_wait3A_100, %dma_wait3A_101] : memref<10240x16xf32, #tpu.memory_space<vmem_shared>> -> memref<10240x16xf32, #tpu.memory_space<vmem_shared>>
      tpu.wait_indirect_dma semaphore(%arg11 : memref<!tpu.dma_semaphore, #tpu.memory_space<semaphore_mem>>) src(%arg7 : memref<128x16xf32, #tpu.memory_space<vmem>>) dst(%dma_wait3A_102 : memref<10240x16xf32, #tpu.memory_space<vmem_shared>>)
      %dma_wait3A_103 = arith.constant 2 : i32
      %dma_wait3A_104 = arith.constant 0 : i32
      %dma_wait3A_105 = tpu.memref_slice %arg6[%dma_wait3A_103, %dma_wait3A_104] : memref<8x128xi32, #tpu.memory_space<vmem>> -> memref<1x128xi32, #tpu.memory_space<vmem>>
      %dma_wait3A_106 = tpu.memref_squeeze %dma_wait3A_105 : memref<1x128xi32, #tpu.memory_space<vmem>> -> memref<128xi32, #tpu.memory_space<vmem>>
      %dma_wait3A_107 = arith.constant 0 : i32
      %dma_wait3A_108 = arith.constant 0 : i32
      %dma_wait3A_109 = tpu.memref_slice %arg10[%dma_wait3A_107, %dma_wait3A_108] : memref<10240x16xf32, #tpu.memory_space<vmem_shared>> -> memref<10240x16xf32, #tpu.memory_space<vmem_shared>>
      tpu.wait_indirect_dma semaphore(%arg11 : memref<!tpu.dma_semaphore, #tpu.memory_space<semaphore_mem>>) src(%arg7 : memref<128x16xf32, #tpu.memory_space<vmem>>) dst(%dma_wait3A_109 : memref<10240x16xf32, #tpu.memory_space<vmem_shared>>)
      %dma_wait3A_110 = arith.constant 3 : i32
      %dma_wait3A_111 = arith.constant 0 : i32
      %dma_wait3A_112 = tpu.memref_slice %arg6[%dma_wait3A_110, %dma_wait3A_111] : memref<8x128xi32, #tpu.memory_space<vmem>> -> memref<1x128xi32, #tpu.memory_space<vmem>>
      %dma_wait3A_113 = tpu.memref_squeeze %dma_wait3A_112 : memref<1x128xi32, #tpu.memory_space<vmem>> -> memref<128xi32, #tpu.memory_space<vmem>>
      %dma_wait3A_114 = arith.constant 0 : i32
      %dma_wait3A_115 = arith.constant 0 : i32
      %dma_wait3A_116 = tpu.memref_slice %arg10[%dma_wait3A_114, %dma_wait3A_115] : memref<10240x16xf32, #tpu.memory_space<vmem_shared>> -> memref<10240x16xf32, #tpu.memory_space<vmem_shared>>
      tpu.wait_indirect_dma semaphore(%arg11 : memref<!tpu.dma_semaphore, #tpu.memory_space<semaphore_mem>>) src(%arg7 : memref<128x16xf32, #tpu.memory_space<vmem>>) dst(%dma_wait3A_116 : memref<10240x16xf32, #tpu.memory_space<vmem_shared>>)
      %dma_wait3A_117 = arith.constant 4 : i32
      %dma_wait3A_118 = arith.constant 0 : i32
      %dma_wait3A_119 = tpu.memref_slice %arg6[%dma_wait3A_117, %dma_wait3A_118] : memref<8x128xi32, #tpu.memory_space<vmem>> -> memref<1x128xi32, #tpu.memory_space<vmem>>
      %dma_wait3A_120 = tpu.memref_squeeze %dma_wait3A_119 : memref<1x128xi32, #tpu.memory_space<vmem>> -> memref<128xi32, #tpu.memory_space<vmem>>
      %dma_wait3A_121 = arith.constant 0 : i32
      %dma_wait3A_122 = arith.constant 0 : i32
      %dma_wait3A_123 = tpu.memref_slice %arg10[%dma_wait3A_121, %dma_wait3A_122] : memref<10240x16xf32, #tpu.memory_space<vmem_shared>> -> memref<10240x16xf32, #tpu.memory_space<vmem_shared>>
      tpu.wait_indirect_dma semaphore(%arg11 : memref<!tpu.dma_semaphore, #tpu.memory_space<semaphore_mem>>) src(%arg7 : memref<128x16xf32, #tpu.memory_space<vmem>>) dst(%dma_wait3A_123 : memref<10240x16xf32, #tpu.memory_space<vmem_shared>>)
      %dma_wait3A_124 = arith.constant 5 : i32
      %dma_wait3A_125 = arith.constant 0 : i32
      %dma_wait3A_126 = tpu.memref_slice %arg6[%dma_wait3A_124, %dma_wait3A_125] : memref<8x128xi32, #tpu.memory_space<vmem>> -> memref<1x128xi32, #tpu.memory_space<vmem>>
      %dma_wait3A_127 = tpu.memref_squeeze %dma_wait3A_126 : memref<1x128xi32, #tpu.memory_space<vmem>> -> memref<128xi32, #tpu.memory_space<vmem>>
      %dma_wait3A_128 = arith.constant 0 : i32
      %dma_wait3A_129 = arith.constant 0 : i32
      %dma_wait3A_130 = tpu.memref_slice %arg10[%dma_wait3A_128, %dma_wait3A_129] : memref<10240x16xf32, #tpu.memory_space<vmem_shared>> -> memref<10240x16xf32, #tpu.memory_space<vmem_shared>>
      tpu.wait_indirect_dma semaphore(%arg11 : memref<!tpu.dma_semaphore, #tpu.memory_space<semaphore_mem>>) src(%arg7 : memref<128x16xf32, #tpu.memory_space<vmem>>) dst(%dma_wait3A_130 : memref<10240x16xf32, #tpu.memory_space<vmem_shared>>)
      %dma_wait3A_131 = arith.constant 6 : i32
      %dma_wait3A_132 = arith.constant 0 : i32
      %dma_wait3A_133 = tpu.memref_slice %arg6[%dma_wait3A_131, %dma_wait3A_132] : memref<8x128xi32, #tpu.memory_space<vmem>> -> memref<1x128xi32, #tpu.memory_space<vmem>>
      %dma_wait3A_134 = tpu.memref_squeeze %dma_wait3A_133 : memref<1x128xi32, #tpu.memory_space<vmem>> -> memref<128xi32, #tpu.memory_space<vmem>>
      %dma_wait3A_135 = arith.constant 0 : i32
      %dma_wait3A_136 = arith.constant 0 : i32
      %dma_wait3A_137 = tpu.memref_slice %arg10[%dma_wait3A_135, %dma_wait3A_136] : memref<10240x16xf32, #tpu.memory_space<vmem_shared>> -> memref<10240x16xf32, #tpu.memory_space<vmem_shared>>
      tpu.wait_indirect_dma semaphore(%arg11 : memref<!tpu.dma_semaphore, #tpu.memory_space<semaphore_mem>>) src(%arg7 : memref<128x16xf32, #tpu.memory_space<vmem>>) dst(%dma_wait3A_137 : memref<10240x16xf32, #tpu.memory_space<vmem_shared>>)
      %dma_wait3A_138 = arith.constant 7 : i32
      %dma_wait3A_139 = arith.constant 0 : i32
      %dma_wait3A_140 = tpu.memref_slice %arg6[%dma_wait3A_138, %dma_wait3A_139] : memref<8x128xi32, #tpu.memory_space<vmem>> -> memref<1x128xi32, #tpu.memory_space<vmem>>
      %dma_wait3A_141 = tpu.memref_squeeze %dma_wait3A_140 : memref<1x128xi32, #tpu.memory_space<vmem>> -> memref<128xi32, #tpu.memory_space<vmem>>
      %dma_wait3A_142 = arith.constant 0 : i32
      %dma_wait3A_143 = arith.constant 0 : i32
      %dma_wait3A_144 = tpu.memref_slice %arg10[%dma_wait3A_142, %dma_wait3A_143] : memref<10240x16xf32, #tpu.memory_space<vmem_shared>> -> memref<10240x16xf32, #tpu.memory_space<vmem_shared>>
      tpu.wait_indirect_dma semaphore(%arg11 : memref<!tpu.dma_semaphore, #tpu.memory_space<semaphore_mem>>) src(%arg7 : memref<128x16xf32, #tpu.memory_space<vmem>>) dst(%dma_wait3A_144 : memref<10240x16xf32, #tpu.memory_space<vmem_shared>>)
    }
    %scan3A_25 = arith.constant 77 : i32
    %barrier3A_26 = arith.constant 0 : index
    tpu.barrier barrier_id(%barrier3A_26)
    "tpu.region"() ({
      %run_scoped3A = tpu.sem_alloc : memref<!tpu.dma_semaphore, #tpu.memory_space<semaphore_mem>>
      %dma_start3A = arith.constant 0 : i32
      %dma_start3A_27 = tpu.memref_slice %arg4[%arg0, %mul3A_6, %dma_start3A] : memref<2x10240x16xf32, #tpu.memory_space<hbm>> -> memref<1x640x16xf32, #tpu.memory_space<hbm>>
      %dma_start3A_28 = tpu.memref_squeeze %dma_start3A_27 : memref<1x640x16xf32, #tpu.memory_space<hbm>> -> memref<640x16xf32, #tpu.memory_space<hbm>>
      %dma_start3A_29 = arith.constant 0 : i32
      %dma_start3A_30 = tpu.memref_slice %arg9[%mul3A_6, %dma_start3A_29] : memref<10240x16xf32, #tpu.memory_space<vmem_shared>> -> memref<640x16xf32, #tpu.memory_space<vmem_shared>>
      tpu.enqueue_dma source(%dma_start3A_30 : memref<640x16xf32, #tpu.memory_space<vmem_shared>>) target(%dma_start3A_28 : memref<640x16xf32, #tpu.memory_space<hbm>>) target_semaphore(%run_scoped3A : memref<!tpu.dma_semaphore, #tpu.memory_space<semaphore_mem>>)
      %dma_wait3A = arith.constant 0 : i32
      %dma_wait3A_31 = tpu.memref_slice %arg4[%arg0, %mul3A_6, %dma_wait3A] : memref<2x10240x16xf32, #tpu.memory_space<hbm>> -> memref<1x640x16xf32, #tpu.memory_space<hbm>>
      %dma_wait3A_32 = tpu.memref_squeeze %dma_wait3A_31 : memref<1x640x16xf32, #tpu.memory_space<hbm>> -> memref<640x16xf32, #tpu.memory_space<hbm>>
      %dma_wait3A_33 = arith.constant 0 : i32
      %dma_wait3A_34 = tpu.memref_slice %arg9[%mul3A_6, %dma_wait3A_33] : memref<10240x16xf32, #tpu.memory_space<vmem_shared>> -> memref<640x16xf32, #tpu.memory_space<vmem_shared>>
      tpu.wait_dma2 semaphore(%run_scoped3A : memref<!tpu.dma_semaphore, #tpu.memory_space<semaphore_mem>>) src(%dma_wait3A_34 : memref<640x16xf32, #tpu.memory_space<vmem_shared>>) dst(%dma_wait3A_32 : memref<640x16xf32, #tpu.memory_space<hbm>>)
      tpu.yield
    }) : () -> ()
    "tpu.region"() ({
      %run_scoped3A = tpu.sem_alloc : memref<!tpu.dma_semaphore, #tpu.memory_space<semaphore_mem>>
      %dma_start3A = arith.constant 0 : i32
      %dma_start3A_27 = tpu.memref_slice %arg5[%arg0, %mul3A_6, %dma_start3A] : memref<2x10240x16xf32, #tpu.memory_space<hbm>> -> memref<1x640x16xf32, #tpu.memory_space<hbm>>
      %dma_start3A_28 = tpu.memref_squeeze %dma_start3A_27 : memref<1x640x16xf32, #tpu.memory_space<hbm>> -> memref<640x16xf32, #tpu.memory_space<hbm>>
      %dma_start3A_29 = arith.constant 0 : i32
      %dma_start3A_30 = tpu.memref_slice %arg10[%mul3A_6, %dma_start3A_29] : memref<10240x16xf32, #tpu.memory_space<vmem_shared>> -> memref<640x16xf32, #tpu.memory_space<vmem_shared>>
      tpu.enqueue_dma source(%dma_start3A_30 : memref<640x16xf32, #tpu.memory_space<vmem_shared>>) target(%dma_start3A_28 : memref<640x16xf32, #tpu.memory_space<hbm>>) target_semaphore(%run_scoped3A : memref<!tpu.dma_semaphore, #tpu.memory_space<semaphore_mem>>)
      %dma_wait3A = arith.constant 0 : i32
      %dma_wait3A_31 = tpu.memref_slice %arg5[%arg0, %mul3A_6, %dma_wait3A] : memref<2x10240x16xf32, #tpu.memory_space<hbm>> -> memref<1x640x16xf32, #tpu.memory_space<hbm>>
      %dma_wait3A_32 = tpu.memref_squeeze %dma_wait3A_31 : memref<1x640x16xf32, #tpu.memory_space<hbm>> -> memref<640x16xf32, #tpu.memory_space<hbm>>
      %dma_wait3A_33 = arith.constant 0 : i32
      %dma_wait3A_34 = tpu.memref_slice %arg10[%mul3A_6, %dma_wait3A_33] : memref<10240x16xf32, #tpu.memory_space<vmem_shared>> -> memref<640x16xf32, #tpu.memory_space<vmem_shared>>
      tpu.wait_dma2 semaphore(%run_scoped3A : memref<!tpu.dma_semaphore, #tpu.memory_space<semaphore_mem>>) src(%dma_wait3A_34 : memref<640x16xf32, #tpu.memory_space<vmem_shared>>) dst(%dma_wait3A_32 : memref<640x16xf32, #tpu.memory_space<hbm>>)
      tpu.yield
    }) : () -> ()
    return
  }
}

#map = affine_map<(d0, d1) -> (0, 0)>
#map1 = affine_map<(d0, d1) -> (0, 0, 0)>
module attributes {stable_mosaic.version = 14 : i64} {
  func.func @k(%arg0: i32, %arg1: i32, %arg2: memref<10000x64xf32, #tpu.memory_space<hbm>>, %arg3: memref<1280x128xi32, #tpu.memory_space<hbm>>, %arg4: memref<1280x128xi32, #tpu.memory_space<hbm>>, %arg5: memref<2x10240x64xf32, #tpu.memory_space<hbm>>, %arg6: memref<8x128xi32, #tpu.memory_space<vmem>>, %arg7: memref<8x128xi32, #tpu.memory_space<vmem>>, %arg8: memref<128x64xf32, #tpu.memory_space<vmem>>, %arg9: memref<128x64xf32, #tpu.memory_space<vmem>>, %arg10: memref<!tpu.dma_semaphore, #tpu.memory_space<semaphore_mem>>, %arg11: memref<!tpu.dma_semaphore, #tpu.memory_space<semaphore_mem>>, %arg12: memref<!tpu.dma_semaphore, #tpu.memory_space<semaphore_mem>>, %arg13: memref<!tpu.dma_semaphore, #tpu.memory_space<semaphore_mem>>, %arg14: memref<10240x64xf32, #tpu.memory_space<vmem_shared>>) attributes {dimension_semantics = [#tpu.dimension_semantics<core_parallel>, #tpu.dimension_semantics<subcore_parallel>], iteration_bounds = array<i64: 2, 16>, scalar_prefetch = 0 : i64, scratch_operands = 9 : i64, tpu.core_type = #tpu.core_type<sc_vector_subcore>, window_params = [{transform_indices = #map}, {transform_indices = #map}, {transform_indices = #map}, {transform_indices = #map1}]} {
    %mul3A = arith.constant 2 : i32
    %mul3A_0 = arith.muli %arg1, %mul3A : i32
    %add3A = arith.addi %mul3A_0, %arg0 : i32
    %scan3A = arith.constant 0 : i32
    %scan3A_1 = arith.constant 128 : i32
    %scan3A_2 = arith.addi %scan3A, %scan3A_1 : i32
    %scan3A_3 = arith.constant 1 : i32
    scf.for %scan3A_20 = %scan3A to %scan3A_2 step %scan3A_3  : i32 {
      %mul3A_21 = arith.constant 1 : i32
      %mul3A_22 = arith.muli %scan3A_20, %mul3A_21 : i32
      %add3A_23 = arith.constant 0 : i32
      %add3A_24 = arith.addi %add3A_23, %mul3A_22 : i32
      %scan3A_25 = arith.constant 0 : i32
      %scan3A_26 = arith.constant 4 : i32
      %scan3A_27 = arith.addi %scan3A_25, %scan3A_26 : i32
      %scan3A_28 = arith.constant 1 : i32
      scf.for %scan3A_30 = %scan3A_25 to %scan3A_27 step %scan3A_28  : i32 {
        %mul3A_31 = arith.constant 16 : i32
        %mul3A_32 = arith.muli %scan3A_30, %mul3A_31 : i32
        %add3A_33 = arith.constant 0 : i32
        %add3A_34 = arith.addi %add3A_33, %mul3A_32 : i32
        %broadcast_in_dim3A = arith.constant 0.000000e+00 : f32
        %broadcast_in_dim3A_35 = vector.broadcast %broadcast_in_dim3A : f32 to vector<1x16xf32>
        %swap3A = arith.index_cast %add3A_24 : i32 to index
        %swap3A_36 = arith.index_cast %add3A_34 : i32 to index
        %swap3A_37 = tpu.vector_load %arg8[%swap3A, %swap3A_36] {strides = array<i32>} : memref<128x64xf32, #tpu.memory_space<vmem>>, vector<1x16xf32>,
        %swap3A_38 = vector.shape_cast %swap3A_37 : vector<1x16xf32> to vector<1x16xf32>
        %swap3A_39 = vector.shape_cast %broadcast_in_dim3A_35 : vector<1x16xf32> to vector<1x16xf32>
        tpu.vector_store %arg8[%swap3A, %swap3A_36], %swap3A_39 {strides = array<i32>} : memref<128x64xf32, #tpu.memory_space<vmem>>, vector<1x16xf32>,
      }
      %scan3A_29 = arith.constant 4 : i32
    }
    %scan3A_4 = arith.constant 128 : i32
    %mul3A_5 = arith.constant 640 : i32
    %mul3A_6 = arith.muli %arg1, %mul3A_5 : i32
    %scan3A_7 = arith.constant 0 : i32
    %scan3A_8 = arith.constant 5 : i32
    %scan3A_9 = arith.addi %scan3A_7, %scan3A_8 : i32
    %scan3A_10 = arith.constant 1 : i32
    scf.for %scan3A_20 = %scan3A_7 to %scan3A_9 step %scan3A_10  : i32 {
      %mul3A_21 = arith.constant 128 : i32
      %mul3A_22 = arith.muli %scan3A_20, %mul3A_21 : i32
      %add3A_23 = arith.constant 0 : i32
      %add3A_24 = arith.addi %add3A_23, %mul3A_22 : i32
      %add3A_25 = arith.addi %mul3A_6, %add3A_24 : i32
      "tpu.region"() ({
        %run_scoped3A = tpu.sem_alloc : memref<!tpu.dma_semaphore, #tpu.memory_space<semaphore_mem>>
        %dma_start3A = arith.constant 0 : i32
        %dma_start3A_26 = tpu.memref_slice %arg14[%add3A_25, %dma_start3A] : memref<10240x64xf32, #tpu.memory_space<vmem_shared>> -> memref<128x64xf32, #tpu.memory_space<vmem_shared>>
        %dma_start3A_27 = arith.constant 0 : i32
        %dma_start3A_28 = tpu.memref_slice %arg14[%add3A_25, %dma_start3A_27] : memref<10240x64xf32, #tpu.memory_space<vmem_shared>> -> memref<128x64xf32, #tpu.memory_space<vmem_shared>>
        tpu.enqueue_dma source(%arg8 : memref<128x64xf32, #tpu.memory_space<vmem>>) target(%dma_start3A_28 : memref<128x64xf32, #tpu.memory_space<vmem_shared>>) target_semaphore(%run_scoped3A : memref<!tpu.dma_semaphore, #tpu.memory_space<semaphore_mem>>)
        %dma_wait3A = arith.constant 0 : i32
        %dma_wait3A_29 = tpu.memref_slice %arg14[%add3A_25, %dma_wait3A] : memref<10240x64xf32, #tpu.memory_space<vmem_shared>> -> memref<128x64xf32, #tpu.memory_space<vmem_shared>>
        %dma_wait3A_30 = arith.constant 0 : i32
        %dma_wait3A_31 = tpu.memref_slice %arg14[%add3A_25, %dma_wait3A_30] : memref<10240x64xf32, #tpu.memory_space<vmem_shared>> -> memref<128x64xf32, #tpu.memory_space<vmem_shared>>
        tpu.wait_dma2 semaphore(%run_scoped3A : memref<!tpu.dma_semaphore, #tpu.memory_space<semaphore_mem>>) src(%arg8 : memref<128x64xf32, #tpu.memory_space<vmem>>) dst(%dma_wait3A_31 : memref<128x64xf32, #tpu.memory_space<vmem_shared>>)
        tpu.yield
      }) : () -> ()
    }
    %scan3A_11 = arith.constant 5 : i32
    %barrier3A = arith.constant 0 : index
    tpu.barrier barrier_id(%barrier3A)
    %mul3A_12 = arith.constant 40 : i32
    %mul3A_13 = arith.muli %add3A, %mul3A_12 : i32
    %scan3A_14 = arith.constant 0 : i32
    %scan3A_15 = arith.constant 5 : i32
    %scan3A_16 = arith.addi %scan3A_14, %scan3A_15 : i32
    %scan3A_17 = arith.constant 1 : i32
    scf.for %scan3A_20 = %scan3A_14 to %scan3A_16 step %scan3A_17  : i32 {
      %mul3A_21 = arith.constant 1 : i32
      %mul3A_22 = arith.muli %scan3A_20, %mul3A_21 : i32
      %add3A_23 = arith.constant 0 : i32
      %add3A_24 = arith.addi %add3A_23, %mul3A_22 : i32
      %mul3A_25 = arith.constant 8 : i32
      %mul3A_26 = arith.muli %add3A_24, %mul3A_25 : i32
      %add3A_27 = arith.addi %mul3A_13, %mul3A_26 : i32
      "tpu.region"() ({
        %run_scoped3A = tpu.sem_alloc : memref<!tpu.dma_semaphore, #tpu.memory_space<semaphore_mem>>
        %dma_start3A_250 = arith.constant 0 : i32
        %dma_start3A_251 = tpu.memref_slice %arg3[%add3A_27, %dma_start3A_250] : memref<1280x128xi32, #tpu.memory_space<hbm>> -> memref<8x128xi32, #tpu.memory_space<hbm>>
        %dma_start3A_252 = arith.constant 0 : i32
        %dma_start3A_253 = tpu.memref_slice %arg3[%add3A_27, %dma_start3A_252] : memref<1280x128xi32, #tpu.memory_space<hbm>> -> memref<8x128xi32, #tpu.memory_space<hbm>>
        tpu.enqueue_dma source(%dma_start3A_253 : memref<8x128xi32, #tpu.memory_space<hbm>>) target(%arg6 : memref<8x128xi32, #tpu.memory_space<vmem>>) target_semaphore(%run_scoped3A : memref<!tpu.dma_semaphore, #tpu.memory_space<semaphore_mem>>)
        %dma_wait3A_254 = arith.constant 0 : i32
        %dma_wait3A_255 = tpu.memref_slice %arg3[%add3A_27, %dma_wait3A_254] : memref<1280x128xi32, #tpu.memory_space<hbm>> -> memref<8x128xi32, #tpu.memory_space<hbm>>
        %dma_wait3A_256 = arith.constant 0 : i32
        %dma_wait3A_257 = tpu.memref_slice %arg3[%add3A_27, %dma_wait3A_256] : memref<1280x128xi32, #tpu.memory_space<hbm>> -> memref<8x128xi32, #tpu.memory_space<hbm>>
        tpu.wait_dma2 semaphore(%run_scoped3A : memref<!tpu.dma_semaphore, #tpu.memory_space<semaphore_mem>>) src(%dma_wait3A_257 : memref<8x128xi32, #tpu.memory_space<hbm>>) dst(%arg6 : memref<8x128xi32, #tpu.memory_space<vmem>>)
        tpu.yield
      }) : () -> ()
      "tpu.region"() ({
        %run_scoped3A = tpu.sem_alloc : memref<!tpu.dma_semaphore, #tpu.memory_space<semaphore_mem>>
        %dma_start3A_250 = arith.constant 0 : i32
        %dma_start3A_251 = tpu.memref_slice %arg4[%add3A_27, %dma_start3A_250] : memref<1280x128xi32, #tpu.memory_space<hbm>> -> memref<8x128xi32, #tpu.memory_space<hbm>>
        %dma_start3A_252 = arith.constant 0 : i32
        %dma_start3A_253 = tpu.memref_slice %arg4[%add3A_27, %dma_start3A_252] : memref<1280x128xi32, #tpu.memory_space<hbm>> -> memref<8x128xi32, #tpu.memory_space<hbm>>
        tpu.enqueue_dma source(%dma_start3A_253 : memref<8x128xi32, #tpu.memory_space<hbm>>) target(%arg7 : memref<8x128xi32, #tpu.memory_space<vmem>>) target_semaphore(%run_scoped3A : memref<!tpu.dma_semaphore, #tpu.memory_space<semaphore_mem>>)
        %dma_wait3A_254 = arith.constant 0 : i32
        %dma_wait3A_255 = tpu.memref_slice %arg4[%add3A_27, %dma_wait3A_254] : memref<1280x128xi32, #tpu.memory_space<hbm>> -> memref<8x128xi32, #tpu.memory_space<hbm>>
        %dma_wait3A_256 = arith.constant 0 : i32
        %dma_wait3A_257 = tpu.memref_slice %arg4[%add3A_27, %dma_wait3A_256] : memref<1280x128xi32, #tpu.memory_space<hbm>> -> memref<8x128xi32, #tpu.memory_space<hbm>>
        tpu.wait_dma2 semaphore(%run_scoped3A : memref<!tpu.dma_semaphore, #tpu.memory_space<semaphore_mem>>) src(%dma_wait3A_257 : memref<8x128xi32, #tpu.memory_space<hbm>>) dst(%arg7 : memref<8x128xi32, #tpu.memory_space<vmem>>)
        tpu.yield
      }) : () -> ()
      %dma_start3A = arith.constant 0 : i32
      %dma_start3A_28 = arith.constant 0 : i32
      %dma_start3A_29 = tpu.memref_slice %arg6[%dma_start3A, %dma_start3A_28] : memref<8x128xi32, #tpu.memory_space<vmem>> -> memref<1x128xi32, #tpu.memory_space<vmem>>
      %dma_start3A_30 = tpu.memref_squeeze %dma_start3A_29 : memref<1x128xi32, #tpu.memory_space<vmem>> -> memref<128xi32, #tpu.memory_space<vmem>>
      %dma_start3A_31 = arith.constant 0 : i32
      %dma_start3A_32 = arith.constant 0 : i32
      %dma_start3A_33 = tpu.memref_slice %arg2[%dma_start3A_31, %dma_start3A_32] : memref<10000x64xf32, #tpu.memory_space<hbm>> -> memref<10000x64xf32, #tpu.memory_space<hbm>>
      tpu.enqueue_indirect_dma source(%dma_start3A_33 : memref<10000x64xf32, #tpu.memory_space<hbm>>) target(%arg8 : memref<128x64xf32, #tpu.memory_space<vmem>>) offsets(%dma_start3A_30 : memref<128xi32, #tpu.memory_space<vmem>>) semaphore(%arg10 : memref<!tpu.dma_semaphore, #tpu.memory_space<semaphore_mem>>)
      %dma_start3A_34 = arith.constant 1 : i32
      %dma_start3A_35 = arith.constant 0 : i32
      %dma_start3A_36 = tpu.memref_slice %arg6[%dma_start3A_34, %dma_start3A_35] : memref<8x128xi32, #tpu.memory_space<vmem>> -> memref<1x128xi32, #tpu.memory_space<vmem>>
      %dma_start3A_37 = tpu.memref_squeeze %dma_start3A_36 : memref<1x128xi32, #tpu.memory_space<vmem>> -> memref<128xi32, #tpu.memory_space<vmem>>
      %dma_start3A_38 = arith.constant 0 : i32
      %dma_start3A_39 = arith.constant 0 : i32
      %dma_start3A_40 = tpu.memref_slice %arg2[%dma_start3A_38, %dma_start3A_39] : memref<10000x64xf32, #tpu.memory_space<hbm>> -> memref<10000x64xf32, #tpu.memory_space<hbm>>
      tpu.enqueue_indirect_dma source(%dma_start3A_40 : memref<10000x64xf32, #tpu.memory_space<hbm>>) target(%arg9 : memref<128x64xf32, #tpu.memory_space<vmem>>) offsets(%dma_start3A_37 : memref<128xi32, #tpu.memory_space<vmem>>) semaphore(%arg11 : memref<!tpu.dma_semaphore, #tpu.memory_space<semaphore_mem>>)
      %dma_wait3A = arith.constant 0 : i32
      %dma_wait3A_41 = arith.constant 0 : i32
      %dma_wait3A_42 = tpu.memref_slice %arg6[%dma_wait3A, %dma_wait3A_41] : memref<8x128xi32, #tpu.memory_space<vmem>> -> memref<1x128xi32, #tpu.memory_space<vmem>>
      %dma_wait3A_43 = tpu.memref_squeeze %dma_wait3A_42 : memref<1x128xi32, #tpu.memory_space<vmem>> -> memref<128xi32, #tpu.memory_space<vmem>>
      %dma_wait3A_44 = arith.constant 0 : i32
      %dma_wait3A_45 = arith.constant 0 : i32
      %dma_wait3A_46 = tpu.memref_slice %arg2[%dma_wait3A_44, %dma_wait3A_45] : memref<10000x64xf32, #tpu.memory_space<hbm>> -> memref<10000x64xf32, #tpu.memory_space<hbm>>
      tpu.wait_indirect_dma semaphore(%arg10 : memref<!tpu.dma_semaphore, #tpu.memory_space<semaphore_mem>>) src(%dma_wait3A_46 : memref<10000x64xf32, #tpu.memory_space<hbm>>) dst(%arg8 : memref<128x64xf32, #tpu.memory_space<vmem>>)
      %dma_start3A_47 = arith.constant 0 : i32
      %dma_start3A_48 = arith.constant 0 : i32
      %dma_start3A_49 = tpu.memref_slice %arg7[%dma_start3A_47, %dma_start3A_48] : memref<8x128xi32, #tpu.memory_space<vmem>> -> memref<1x128xi32, #tpu.memory_space<vmem>>
      %dma_start3A_50 = tpu.memref_squeeze %dma_start3A_49 : memref<1x128xi32, #tpu.memory_space<vmem>> -> memref<128xi32, #tpu.memory_space<vmem>>
      %dma_start3A_51 = arith.constant 0 : i32
      %dma_start3A_52 = arith.constant 0 : i32
      %dma_start3A_53 = tpu.memref_slice %arg14[%dma_start3A_51, %dma_start3A_52] : memref<10240x64xf32, #tpu.memory_space<vmem_shared>> -> memref<10240x64xf32, #tpu.memory_space<vmem_shared>>
      tpu.enqueue_indirect_dma source(%arg8 : memref<128x64xf32, #tpu.memory_space<vmem>>) target(%dma_start3A_53 : memref<10240x64xf32, #tpu.memory_space<vmem_shared>>) offsets(%dma_start3A_50 : memref<128xi32, #tpu.memory_space<vmem>>) semaphore(%arg12 : memref<!tpu.dma_semaphore, #tpu.memory_space<semaphore_mem>>) {add = true}
      %dma_wait3A_54 = arith.constant 0 : i32
      %dma_wait3A_55 = arith.constant 0 : i32
      %dma_wait3A_56 = tpu.memref_slice %arg7[%dma_wait3A_54, %dma_wait3A_55] : memref<8x128xi32, #tpu.memory_space<vmem>> -> memref<1x128xi32, #tpu.memory_space<vmem>>
      %dma_wait3A_57 = tpu.memref_squeeze %dma_wait3A_56 : memref<1x128xi32, #tpu.memory_space<vmem>> -> memref<128xi32, #tpu.memory_space<vmem>>
      %dma_wait3A_58 = arith.constant 0 : i32
      %dma_wait3A_59 = arith.constant 0 : i32
      %dma_wait3A_60 = tpu.memref_slice %arg14[%dma_wait3A_58, %dma_wait3A_59] : memref<10240x64xf32, #tpu.memory_space<vmem_shared>> -> memref<10240x64xf32, #tpu.memory_space<vmem_shared>>
      tpu.wait_indirect_dma semaphore(%arg12 : memref<!tpu.dma_semaphore, #tpu.memory_space<semaphore_mem>>) src(%arg8 : memref<128x64xf32, #tpu.memory_space<vmem>>) dst(%dma_wait3A_60 : memref<10240x64xf32, #tpu.memory_space<vmem_shared>>)
      %dma_start3A_61 = arith.constant 2 : i32
      %dma_start3A_62 = arith.constant 0 : i32
      %dma_start3A_63 = tpu.memref_slice %arg6[%dma_start3A_61, %dma_start3A_62] : memref<8x128xi32, #tpu.memory_space<vmem>> -> memref<1x128xi32, #tpu.memory_space<vmem>>
      %dma_start3A_64 = tpu.memref_squeeze %dma_start3A_63 : memref<1x128xi32, #tpu.memory_space<vmem>> -> memref<128xi32, #tpu.memory_space<vmem>>
      %dma_start3A_65 = arith.constant 0 : i32
      %dma_start3A_66 = arith.constant 0 : i32
      %dma_start3A_67 = tpu.memref_slice %arg2[%dma_start3A_65, %dma_start3A_66] : memref<10000x64xf32, #tpu.memory_space<hbm>> -> memref<10000x64xf32, #tpu.memory_space<hbm>>
      tpu.enqueue_indirect_dma source(%dma_start3A_67 : memref<10000x64xf32, #tpu.memory_space<hbm>>) target(%arg8 : memref<128x64xf32, #tpu.memory_space<vmem>>) offsets(%dma_start3A_64 : memref<128xi32, #tpu.memory_space<vmem>>) semaphore(%arg10 : memref<!tpu.dma_semaphore, #tpu.memory_space<semaphore_mem>>)
      %dma_wait3A_68 = arith.constant 1 : i32
      %dma_wait3A_69 = arith.constant 0 : i32
      %dma_wait3A_70 = tpu.memref_slice %arg6[%dma_wait3A_68, %dma_wait3A_69] : memref<8x128xi32, #tpu.memory_space<vmem>> -> memref<1x128xi32, #tpu.memory_space<vmem>>
      %dma_wait3A_71 = tpu.memref_squeeze %dma_wait3A_70 : memref<1x128xi32, #tpu.memory_space<vmem>> -> memref<128xi32, #tpu.memory_space<vmem>>
      %dma_wait3A_72 = arith.constant 0 : i32
      %dma_wait3A_73 = arith.constant 0 : i32
      %dma_wait3A_74 = tpu.memref_slice %arg2[%dma_wait3A_72, %dma_wait3A_73] : memref<10000x64xf32, #tpu.memory_space<hbm>> -> memref<10000x64xf32, #tpu.memory_space<hbm>>
      tpu.wait_indirect_dma semaphore(%arg11 : memref<!tpu.dma_semaphore, #tpu.memory_space<semaphore_mem>>) src(%dma_wait3A_74 : memref<10000x64xf32, #tpu.memory_space<hbm>>) dst(%arg9 : memref<128x64xf32, #tpu.memory_space<vmem>>)
      %dma_start3A_75 = arith.constant 1 : i32
      %dma_start3A_76 = arith.constant 0 : i32
      %dma_start3A_77 = tpu.memref_slice %arg7[%dma_start3A_75, %dma_start3A_76] : memref<8x128xi32, #tpu.memory_space<vmem>> -> memref<1x128xi32, #tpu.memory_space<vmem>>
      %dma_start3A_78 = tpu.memref_squeeze %dma_start3A_77 : memref<1x128xi32, #tpu.memory_space<vmem>> -> memref<128xi32, #tpu.memory_space<vmem>>
      %dma_start3A_79 = arith.constant 0 : i32
      %dma_start3A_80 = arith.constant 0 : i32
      %dma_start3A_81 = tpu.memref_slice %arg14[%dma_start3A_79, %dma_start3A_80] : memref<10240x64xf32, #tpu.memory_space<vmem_shared>> -> memref<10240x64xf32, #tpu.memory_space<vmem_shared>>
      tpu.enqueue_indirect_dma source(%arg9 : memref<128x64xf32, #tpu.memory_space<vmem>>) target(%dma_start3A_81 : memref<10240x64xf32, #tpu.memory_space<vmem_shared>>) offsets(%dma_start3A_78 : memref<128xi32, #tpu.memory_space<vmem>>) semaphore(%arg13 : memref<!tpu.dma_semaphore, #tpu.memory_space<semaphore_mem>>) {add = true}
      %dma_wait3A_82 = arith.constant 1 : i32
      %dma_wait3A_83 = arith.constant 0 : i32
      %dma_wait3A_84 = tpu.memref_slice %arg7[%dma_wait3A_82, %dma_wait3A_83] : memref<8x128xi32, #tpu.memory_space<vmem>> -> memref<1x128xi32, #tpu.memory_space<vmem>>
      %dma_wait3A_85 = tpu.memref_squeeze %dma_wait3A_84 : memref<1x128xi32, #tpu.memory_space<vmem>> -> memref<128xi32, #tpu.memory_space<vmem>>
      %dma_wait3A_86 = arith.constant 0 : i32
      %dma_wait3A_87 = arith.constant 0 : i32
      %dma_wait3A_88 = tpu.memref_slice %arg14[%dma_wait3A_86, %dma_wait3A_87] : memref<10240x64xf32, #tpu.memory_space<vmem_shared>> -> memref<10240x64xf32, #tpu.memory_space<vmem_shared>>
      tpu.wait_indirect_dma semaphore(%arg13 : memref<!tpu.dma_semaphore, #tpu.memory_space<semaphore_mem>>) src(%arg9 : memref<128x64xf32, #tpu.memory_space<vmem>>) dst(%dma_wait3A_88 : memref<10240x64xf32, #tpu.memory_space<vmem_shared>>)
      %dma_start3A_89 = arith.constant 3 : i32
      %dma_start3A_90 = arith.constant 0 : i32
      %dma_start3A_91 = tpu.memref_slice %arg6[%dma_start3A_89, %dma_start3A_90] : memref<8x128xi32, #tpu.memory_space<vmem>> -> memref<1x128xi32, #tpu.memory_space<vmem>>
      %dma_start3A_92 = tpu.memref_squeeze %dma_start3A_91 : memref<1x128xi32, #tpu.memory_space<vmem>> -> memref<128xi32, #tpu.memory_space<vmem>>
      %dma_start3A_93 = arith.constant 0 : i32
      %dma_start3A_94 = arith.constant 0 : i32
      %dma_start3A_95 = tpu.memref_slice %arg2[%dma_start3A_93, %dma_start3A_94] : memref<10000x64xf32, #tpu.memory_space<hbm>> -> memref<10000x64xf32, #tpu.memory_space<hbm>>
      tpu.enqueue_indirect_dma source(%dma_start3A_95 : memref<10000x64xf32, #tpu.memory_space<hbm>>) target(%arg9 : memref<128x64xf32, #tpu.memory_space<vmem>>) offsets(%dma_start3A_92 : memref<128xi32, #tpu.memory_space<vmem>>) semaphore(%arg11 : memref<!tpu.dma_semaphore, #tpu.memory_space<semaphore_mem>>)
      %dma_wait3A_96 = arith.constant 2 : i32
      %dma_wait3A_97 = arith.constant 0 : i32
      %dma_wait3A_98 = tpu.memref_slice %arg6[%dma_wait3A_96, %dma_wait3A_97] : memref<8x128xi32, #tpu.memory_space<vmem>> -> memref<1x128xi32, #tpu.memory_space<vmem>>
      %dma_wait3A_99 = tpu.memref_squeeze %dma_wait3A_98 : memref<1x128xi32, #tpu.memory_space<vmem>> -> memref<128xi32, #tpu.memory_space<vmem>>
      %dma_wait3A_100 = arith.constant 0 : i32
      %dma_wait3A_101 = arith.constant 0 : i32
      %dma_wait3A_102 = tpu.memref_slice %arg2[%dma_wait3A_100, %dma_wait3A_101] : memref<10000x64xf32, #tpu.memory_space<hbm>> -> memref<10000x64xf32, #tpu.memory_space<hbm>>
      tpu.wait_indirect_dma semaphore(%arg10 : memref<!tpu.dma_semaphore, #tpu.memory_space<semaphore_mem>>) src(%dma_wait3A_102 : memref<10000x64xf32, #tpu.memory_space<hbm>>) dst(%arg8 : memref<128x64xf32, #tpu.memory_space<vmem>>)
      %dma_start3A_103 = arith.constant 2 : i32
      %dma_start3A_104 = arith.constant 0 : i32
      %dma_start3A_105 = tpu.memref_slice %arg7[%dma_start3A_103, %dma_start3A_104] : memref<8x128xi32, #tpu.memory_space<vmem>> -> memref<1x128xi32, #tpu.memory_space<vmem>>
      %dma_start3A_106 = tpu.memref_squeeze %dma_start3A_105 : memref<1x128xi32, #tpu.memory_space<vmem>> -> memref<128xi32, #tpu.memory_space<vmem>>
      %dma_start3A_107 = arith.constant 0 : i32
      %dma_start3A_108 = arith.constant 0 : i32
      %dma_start3A_109 = tpu.memref_slice %arg14[%dma_start3A_107, %dma_start3A_108] : memref<10240x64xf32, #tpu.memory_space<vmem_shared>> -> memref<10240x64xf32, #tpu.memory_space<vmem_shared>>
      tpu.enqueue_indirect_dma source(%arg8 : memref<128x64xf32, #tpu.memory_space<vmem>>) target(%dma_start3A_109 : memref<10240x64xf32, #tpu.memory_space<vmem_shared>>) offsets(%dma_start3A_106 : memref<128xi32, #tpu.memory_space<vmem>>) semaphore(%arg12 : memref<!tpu.dma_semaphore, #tpu.memory_space<semaphore_mem>>) {add = true}
      %dma_wait3A_110 = arith.constant 2 : i32
      %dma_wait3A_111 = arith.constant 0 : i32
      %dma_wait3A_112 = tpu.memref_slice %arg7[%dma_wait3A_110, %dma_wait3A_111] : memref<8x128xi32, #tpu.memory_space<vmem>> -> memref<1x128xi32, #tpu.memory_space<vmem>>
      %dma_wait3A_113 = tpu.memref_squeeze %dma_wait3A_112 : memref<1x128xi32, #tpu.memory_space<vmem>> -> memref<128xi32, #tpu.memory_space<vmem>>
      %dma_wait3A_114 = arith.constant 0 : i32
      %dma_wait3A_115 = arith.constant 0 : i32
      %dma_wait3A_116 = tpu.memref_slice %arg14[%dma_wait3A_114, %dma_wait3A_115] : memref<10240x64xf32, #tpu.memory_space<vmem_shared>> -> memref<10240x64xf32, #tpu.memory_space<vmem_shared>>
      tpu.wait_indirect_dma semaphore(%arg12 : memref<!tpu.dma_semaphore, #tpu.memory_space<semaphore_mem>>) src(%arg8 : memref<128x64xf32, #tpu.memory_space<vmem>>) dst(%dma_wait3A_116 : memref<10240x64xf32, #tpu.memory_space<vmem_shared>>)
      %dma_start3A_117 = arith.constant 4 : i32
      %dma_start3A_118 = arith.constant 0 : i32
      %dma_start3A_119 = tpu.memref_slice %arg6[%dma_start3A_117, %dma_start3A_118] : memref<8x128xi32, #tpu.memory_space<vmem>> -> memref<1x128xi32, #tpu.memory_space<vmem>>
      %dma_start3A_120 = tpu.memref_squeeze %dma_start3A_119 : memref<1x128xi32, #tpu.memory_space<vmem>> -> memref<128xi32, #tpu.memory_space<vmem>>
      %dma_start3A_121 = arith.constant 0 : i32
      %dma_start3A_122 = arith.constant 0 : i32
      %dma_start3A_123 = tpu.memref_slice %arg2[%dma_start3A_121, %dma_start3A_122] : memref<10000x64xf32, #tpu.memory_space<hbm>> -> memref<10000x64xf32, #tpu.memory_space<hbm>>
      tpu.enqueue_indirect_dma source(%dma_start3A_123 : memref<10000x64xf32, #tpu.memory_space<hbm>>) target(%arg8 : memref<128x64xf32, #tpu.memory_space<vmem>>) offsets(%dma_start3A_120 : memref<128xi32, #tpu.memory_space<vmem>>) semaphore(%arg10 : memref<!tpu.dma_semaphore, #tpu.memory_space<semaphore_mem>>)
      %dma_wait3A_124 = arith.constant 3 : i32
      %dma_wait3A_125 = arith.constant 0 : i32
      %dma_wait3A_126 = tpu.memref_slice %arg6[%dma_wait3A_124, %dma_wait3A_125] : memref<8x128xi32, #tpu.memory_space<vmem>> -> memref<1x128xi32, #tpu.memory_space<vmem>>
      %dma_wait3A_127 = tpu.memref_squeeze %dma_wait3A_126 : memref<1x128xi32, #tpu.memory_space<vmem>> -> memref<128xi32, #tpu.memory_space<vmem>>
      %dma_wait3A_128 = arith.constant 0 : i32
      %dma_wait3A_129 = arith.constant 0 : i32
      %dma_wait3A_130 = tpu.memref_slice %arg2[%dma_wait3A_128, %dma_wait3A_129] : memref<10000x64xf32, #tpu.memory_space<hbm>> -> memref<10000x64xf32, #tpu.memory_space<hbm>>
      tpu.wait_indirect_dma semaphore(%arg11 : memref<!tpu.dma_semaphore, #tpu.memory_space<semaphore_mem>>) src(%dma_wait3A_130 : memref<10000x64xf32, #tpu.memory_space<hbm>>) dst(%arg9 : memref<128x64xf32, #tpu.memory_space<vmem>>)
      %dma_start3A_131 = arith.constant 3 : i32
      %dma_start3A_132 = arith.constant 0 : i32
      %dma_start3A_133 = tpu.memref_slice %arg7[%dma_start3A_131, %dma_start3A_132] : memref<8x128xi32, #tpu.memory_space<vmem>> -> memref<1x128xi32, #tpu.memory_space<vmem>>
      %dma_start3A_134 = tpu.memref_squeeze %dma_start3A_133 : memref<1x128xi32, #tpu.memory_space<vmem>> -> memref<128xi32, #tpu.memory_space<vmem>>
      %dma_start3A_135 = arith.constant 0 : i32
      %dma_start3A_136 = arith.constant 0 : i32
      %dma_start3A_137 = tpu.memref_slice %arg14[%dma_start3A_135, %dma_start3A_136] : memref<10240x64xf32, #tpu.memory_space<vmem_shared>> -> memref<10240x64xf32, #tpu.memory_space<vmem_shared>>
      tpu.enqueue_indirect_dma source(%arg9 : memref<128x64xf32, #tpu.memory_space<vmem>>) target(%dma_start3A_137 : memref<10240x64xf32, #tpu.memory_space<vmem_shared>>) offsets(%dma_start3A_134 : memref<128xi32, #tpu.memory_space<vmem>>) semaphore(%arg13 : memref<!tpu.dma_semaphore, #tpu.memory_space<semaphore_mem>>) {add = true}
      %dma_wait3A_138 = arith.constant 3 : i32
      %dma_wait3A_139 = arith.constant 0 : i32
      %dma_wait3A_140 = tpu.memref_slice %arg7[%dma_wait3A_138, %dma_wait3A_139] : memref<8x128xi32, #tpu.memory_space<vmem>> -> memref<1x128xi32, #tpu.memory_space<vmem>>
      %dma_wait3A_141 = tpu.memref_squeeze %dma_wait3A_140 : memref<1x128xi32, #tpu.memory_space<vmem>> -> memref<128xi32, #tpu.memory_space<vmem>>
      %dma_wait3A_142 = arith.constant 0 : i32
      %dma_wait3A_143 = arith.constant 0 : i32
      %dma_wait3A_144 = tpu.memref_slice %arg14[%dma_wait3A_142, %dma_wait3A_143] : memref<10240x64xf32, #tpu.memory_space<vmem_shared>> -> memref<10240x64xf32, #tpu.memory_space<vmem_shared>>
      tpu.wait_indirect_dma semaphore(%arg13 : memref<!tpu.dma_semaphore, #tpu.memory_space<semaphore_mem>>) src(%arg9 : memref<128x64xf32, #tpu.memory_space<vmem>>) dst(%dma_wait3A_144 : memref<10240x64xf32, #tpu.memory_space<vmem_shared>>)
      %dma_start3A_145 = arith.constant 5 : i32
      %dma_start3A_146 = arith.constant 0 : i32
      %dma_start3A_147 = tpu.memref_slice %arg6[%dma_start3A_145, %dma_start3A_146] : memref<8x128xi32, #tpu.memory_space<vmem>> -> memref<1x128xi32, #tpu.memory_space<vmem>>
      %dma_start3A_148 = tpu.memref_squeeze %dma_start3A_147 : memref<1x128xi32, #tpu.memory_space<vmem>> -> memref<128xi32, #tpu.memory_space<vmem>>
      %dma_start3A_149 = arith.constant 0 : i32
      %dma_start3A_150 = arith.constant 0 : i32
      %dma_start3A_151 = tpu.memref_slice %arg2[%dma_start3A_149, %dma_start3A_150] : memref<10000x64xf32, #tpu.memory_space<hbm>> -> memref<10000x64xf32, #tpu.memory_space<hbm>>
      tpu.enqueue_indirect_dma source(%dma_start3A_151 : memref<10000x64xf32, #tpu.memory_space<hbm>>) target(%arg9 : memref<128x64xf32, #tpu.memory_space<vmem>>) offsets(%dma_start3A_148 : memref<128xi32, #tpu.memory_space<vmem>>) semaphore(%arg11 : memref<!tpu.dma_semaphore, #tpu.memory_space<semaphore_mem>>)
      %dma_wait3A_152 = arith.constant 4 : i32
      %dma_wait3A_153 = arith.constant 0 : i32
      %dma_wait3A_154 = tpu.memref_slice %arg6[%dma_wait3A_152, %dma_wait3A_153] : memref<8x128xi32, #tpu.memory_space<vmem>> -> memref<1x128xi32, #tpu.memory_space<vmem>>
      %dma_wait3A_155 = tpu.memref_squeeze %dma_wait3A_154 : memref<1x128xi32, #tpu.memory_space<vmem>> -> memref<128xi32, #tpu.memory_space<vmem>>
      %dma_wait3A_156 = arith.constant 0 : i32
      %dma_wait3A_157 = arith.constant 0 : i32
      %dma_wait3A_158 = tpu.memref_slice %arg2[%dma_wait3A_156, %dma_wait3A_157] : memref<10000x64xf32, #tpu.memory_space<hbm>> -> memref<10000x64xf32, #tpu.memory_space<hbm>>
      tpu.wait_indirect_dma semaphore(%arg10 : memref<!tpu.dma_semaphore, #tpu.memory_space<semaphore_mem>>) src(%dma_wait3A_158 : memref<10000x64xf32, #tpu.memory_space<hbm>>) dst(%arg8 : memref<128x64xf32, #tpu.memory_space<vmem>>)
      %dma_start3A_159 = arith.constant 4 : i32
      %dma_start3A_160 = arith.constant 0 : i32
      %dma_start3A_161 = tpu.memref_slice %arg7[%dma_start3A_159, %dma_start3A_160] : memref<8x128xi32, #tpu.memory_space<vmem>> -> memref<1x128xi32, #tpu.memory_space<vmem>>
      %dma_start3A_162 = tpu.memref_squeeze %dma_start3A_161 : memref<1x128xi32, #tpu.memory_space<vmem>> -> memref<128xi32, #tpu.memory_space<vmem>>
      %dma_start3A_163 = arith.constant 0 : i32
      %dma_start3A_164 = arith.constant 0 : i32
      %dma_start3A_165 = tpu.memref_slice %arg14[%dma_start3A_163, %dma_start3A_164] : memref<10240x64xf32, #tpu.memory_space<vmem_shared>> -> memref<10240x64xf32, #tpu.memory_space<vmem_shared>>
      tpu.enqueue_indirect_dma source(%arg8 : memref<128x64xf32, #tpu.memory_space<vmem>>) target(%dma_start3A_165 : memref<10240x64xf32, #tpu.memory_space<vmem_shared>>) offsets(%dma_start3A_162 : memref<128xi32, #tpu.memory_space<vmem>>) semaphore(%arg12 : memref<!tpu.dma_semaphore, #tpu.memory_space<semaphore_mem>>) {add = true}
      %dma_wait3A_166 = arith.constant 4 : i32
      %dma_wait3A_167 = arith.constant 0 : i32
      %dma_wait3A_168 = tpu.memref_slice %arg7[%dma_wait3A_166, %dma_wait3A_167] : memref<8x128xi32, #tpu.memory_space<vmem>> -> memref<1x128xi32, #tpu.memory_space<vmem>>
      %dma_wait3A_169 = tpu.memref_squeeze %dma_wait3A_168 : memref<1x128xi32, #tpu.memory_space<vmem>> -> memref<128xi32, #tpu.memory_space<vmem>>
      %dma_wait3A_170 = arith.constant 0 : i32
      %dma_wait3A_171 = arith.constant 0 : i32
      %dma_wait3A_172 = tpu.memref_slice %arg14[%dma_wait3A_170, %dma_wait3A_171] : memref<10240x64xf32, #tpu.memory_space<vmem_shared>> -> memref<10240x64xf32, #tpu.memory_space<vmem_shared>>
      tpu.wait_indirect_dma semaphore(%arg12 : memref<!tpu.dma_semaphore, #tpu.memory_space<semaphore_mem>>) src(%arg8 : memref<128x64xf32, #tpu.memory_space<vmem>>) dst(%dma_wait3A_172 : memref<10240x64xf32, #tpu.memory_space<vmem_shared>>)
      %dma_start3A_173 = arith.constant 6 : i32
      %dma_start3A_174 = arith.constant 0 : i32
      %dma_start3A_175 = tpu.memref_slice %arg6[%dma_start3A_173, %dma_start3A_174] : memref<8x128xi32, #tpu.memory_space<vmem>> -> memref<1x128xi32, #tpu.memory_space<vmem>>
      %dma_start3A_176 = tpu.memref_squeeze %dma_start3A_175 : memref<1x128xi32, #tpu.memory_space<vmem>> -> memref<128xi32, #tpu.memory_space<vmem>>
      %dma_start3A_177 = arith.constant 0 : i32
      %dma_start3A_178 = arith.constant 0 : i32
      %dma_start3A_179 = tpu.memref_slice %arg2[%dma_start3A_177, %dma_start3A_178] : memref<10000x64xf32, #tpu.memory_space<hbm>> -> memref<10000x64xf32, #tpu.memory_space<hbm>>
      tpu.enqueue_indirect_dma source(%dma_start3A_179 : memref<10000x64xf32, #tpu.memory_space<hbm>>) target(%arg8 : memref<128x64xf32, #tpu.memory_space<vmem>>) offsets(%dma_start3A_176 : memref<128xi32, #tpu.memory_space<vmem>>) semaphore(%arg10 : memref<!tpu.dma_semaphore, #tpu.memory_space<semaphore_mem>>)
      %dma_wait3A_180 = arith.constant 5 : i32
      %dma_wait3A_181 = arith.constant 0 : i32
      %dma_wait3A_182 = tpu.memref_slice %arg6[%dma_wait3A_180, %dma_wait3A_181] : memref<8x128xi32, #tpu.memory_space<vmem>> -> memref<1x128xi32, #tpu.memory_space<vmem>>
      %dma_wait3A_183 = tpu.memref_squeeze %dma_wait3A_182 : memref<1x128xi32, #tpu.memory_space<vmem>> -> memref<128xi32, #tpu.memory_space<vmem>>
      %dma_wait3A_184 = arith.constant 0 : i32
      %dma_wait3A_185 = arith.constant 0 : i32
      %dma_wait3A_186 = tpu.memref_slice %arg2[%dma_wait3A_184, %dma_wait3A_185] : memref<10000x64xf32, #tpu.memory_space<hbm>> -> memref<10000x64xf32, #tpu.memory_space<hbm>>
      tpu.wait_indirect_dma semaphore(%arg11 : memref<!tpu.dma_semaphore, #tpu.memory_space<semaphore_mem>>) src(%dma_wait3A_186 : memref<10000x64xf32, #tpu.memory_space<hbm>>) dst(%arg9 : memref<128x64xf32, #tpu.memory_space<vmem>>)
      %dma_start3A_187 = arith.constant 5 : i32
      %dma_start3A_188 = arith.constant 0 : i32
      %dma_start3A_189 = tpu.memref_slice %arg7[%dma_start3A_187, %dma_start3A_188] : memref<8x128xi32, #tpu.memory_space<vmem>> -> memref<1x128xi32, #tpu.memory_space<vmem>>
      %dma_start3A_190 = tpu.memref_squeeze %dma_start3A_189 : memref<1x128xi32, #tpu.memory_space<vmem>> -> memref<128xi32, #tpu.memory_space<vmem>>
      %dma_start3A_191 = arith.constant 0 : i32
      %dma_start3A_192 = arith.constant 0 : i32
      %dma_start3A_193 = tpu.memref_slice %arg14[%dma_start3A_191, %dma_start3A_192] : memref<10240x64xf32, #tpu.memory_space<vmem_shared>> -> memref<10240x64xf32, #tpu.memory_space<vmem_shared>>
      tpu.enqueue_indirect_dma source(%arg9 : memref<128x64xf32, #tpu.memory_space<vmem>>) target(%dma_start3A_193 : memref<10240x64xf32, #tpu.memory_space<vmem_shared>>) offsets(%dma_start3A_190 : memref<128xi32, #tpu.memory_space<vmem>>) semaphore(%arg13 : memref<!tpu.dma_semaphore, #tpu.memory_space<semaphore_mem>>) {add = true}
      %dma_wait3A_194 = arith.constant 5 : i32
      %dma_wait3A_195 = arith.constant 0 : i32
      %dma_wait3A_196 = tpu.memref_slice %arg7[%dma_wait3A_194, %dma_wait3A_195] : memref<8x128xi32, #tpu.memory_space<vmem>> -> memref<1x128xi32, #tpu.memory_space<vmem>>
      %dma_wait3A_197 = tpu.memref_squeeze %dma_wait3A_196 : memref<1x128xi32, #tpu.memory_space<vmem>> -> memref<128xi32, #tpu.memory_space<vmem>>
      %dma_wait3A_198 = arith.constant 0 : i32
      %dma_wait3A_199 = arith.constant 0 : i32
      %dma_wait3A_200 = tpu.memref_slice %arg14[%dma_wait3A_198, %dma_wait3A_199] : memref<10240x64xf32, #tpu.memory_space<vmem_shared>> -> memref<10240x64xf32, #tpu.memory_space<vmem_shared>>
      tpu.wait_indirect_dma semaphore(%arg13 : memref<!tpu.dma_semaphore, #tpu.memory_space<semaphore_mem>>) src(%arg9 : memref<128x64xf32, #tpu.memory_space<vmem>>) dst(%dma_wait3A_200 : memref<10240x64xf32, #tpu.memory_space<vmem_shared>>)
      %dma_start3A_201 = arith.constant 7 : i32
      %dma_start3A_202 = arith.constant 0 : i32
      %dma_start3A_203 = tpu.memref_slice %arg6[%dma_start3A_201, %dma_start3A_202] : memref<8x128xi32, #tpu.memory_space<vmem>> -> memref<1x128xi32, #tpu.memory_space<vmem>>
      %dma_start3A_204 = tpu.memref_squeeze %dma_start3A_203 : memref<1x128xi32, #tpu.memory_space<vmem>> -> memref<128xi32, #tpu.memory_space<vmem>>
      %dma_start3A_205 = arith.constant 0 : i32
      %dma_start3A_206 = arith.constant 0 : i32
      %dma_start3A_207 = tpu.memref_slice %arg2[%dma_start3A_205, %dma_start3A_206] : memref<10000x64xf32, #tpu.memory_space<hbm>> -> memref<10000x64xf32, #tpu.memory_space<hbm>>
      tpu.enqueue_indirect_dma source(%dma_start3A_207 : memref<10000x64xf32, #tpu.memory_space<hbm>>) target(%arg9 : memref<128x64xf32, #tpu.memory_space<vmem>>) offsets(%dma_start3A_204 : memref<128xi32, #tpu.memory_space<vmem>>) semaphore(%arg11 : memref<!tpu.dma_semaphore, #tpu.memory_space<semaphore_mem>>)
      %dma_wait3A_208 = arith.constant 6 : i32
      %dma_wait3A_209 = arith.constant 0 : i32
      %dma_wait3A_210 = tpu.memref_slice %arg6[%dma_wait3A_208, %dma_wait3A_209] : memref<8x128xi32, #tpu.memory_space<vmem>> -> memref<1x128xi32, #tpu.memory_space<vmem>>
      %dma_wait3A_211 = tpu.memref_squeeze %dma_wait3A_210 : memref<1x128xi32, #tpu.memory_space<vmem>> -> memref<128xi32, #tpu.memory_space<vmem>>
      %dma_wait3A_212 = arith.constant 0 : i32
      %dma_wait3A_213 = arith.constant 0 : i32
      %dma_wait3A_214 = tpu.memref_slice %arg2[%dma_wait3A_212, %dma_wait3A_213] : memref<10000x64xf32, #tpu.memory_space<hbm>> -> memref<10000x64xf32, #tpu.memory_space<hbm>>
      tpu.wait_indirect_dma semaphore(%arg10 : memref<!tpu.dma_semaphore, #tpu.memory_space<semaphore_mem>>) src(%dma_wait3A_214 : memref<10000x64xf32, #tpu.memory_space<hbm>>) dst(%arg8 : memref<128x64xf32, #tpu.memory_space<vmem>>)
      %dma_start3A_215 = arith.constant 6 : i32
      %dma_start3A_216 = arith.constant 0 : i32
      %dma_start3A_217 = tpu.memref_slice %arg7[%dma_start3A_215, %dma_start3A_216] : memref<8x128xi32, #tpu.memory_space<vmem>> -> memref<1x128xi32, #tpu.memory_space<vmem>>
      %dma_start3A_218 = tpu.memref_squeeze %dma_start3A_217 : memref<1x128xi32, #tpu.memory_space<vmem>> -> memref<128xi32, #tpu.memory_space<vmem>>
      %dma_start3A_219 = arith.constant 0 : i32
      %dma_start3A_220 = arith.constant 0 : i32
      %dma_start3A_221 = tpu.memref_slice %arg14[%dma_start3A_219, %dma_start3A_220] : memref<10240x64xf32, #tpu.memory_space<vmem_shared>> -> memref<10240x64xf32, #tpu.memory_space<vmem_shared>>
      tpu.enqueue_indirect_dma source(%arg8 : memref<128x64xf32, #tpu.memory_space<vmem>>) target(%dma_start3A_221 : memref<10240x64xf32, #tpu.memory_space<vmem_shared>>) offsets(%dma_start3A_218 : memref<128xi32, #tpu.memory_space<vmem>>) semaphore(%arg12 : memref<!tpu.dma_semaphore, #tpu.memory_space<semaphore_mem>>) {add = true}
      %dma_wait3A_222 = arith.constant 7 : i32
      %dma_wait3A_223 = arith.constant 0 : i32
      %dma_wait3A_224 = tpu.memref_slice %arg6[%dma_wait3A_222, %dma_wait3A_223] : memref<8x128xi32, #tpu.memory_space<vmem>> -> memref<1x128xi32, #tpu.memory_space<vmem>>
      %dma_wait3A_225 = tpu.memref_squeeze %dma_wait3A_224 : memref<1x128xi32, #tpu.memory_space<vmem>> -> memref<128xi32, #tpu.memory_space<vmem>>
      %dma_wait3A_226 = arith.constant 0 : i32
      %dma_wait3A_227 = arith.constant 0 : i32
      %dma_wait3A_228 = tpu.memref_slice %arg2[%dma_wait3A_226, %dma_wait3A_227] : memref<10000x64xf32, #tpu.memory_space<hbm>> -> memref<10000x64xf32, #tpu.memory_space<hbm>>
      tpu.wait_indirect_dma semaphore(%arg11 : memref<!tpu.dma_semaphore, #tpu.memory_space<semaphore_mem>>) src(%dma_wait3A_228 : memref<10000x64xf32, #tpu.memory_space<hbm>>) dst(%arg9 : memref<128x64xf32, #tpu.memory_space<vmem>>)
      %dma_start3A_229 = arith.constant 7 : i32
      %dma_start3A_230 = arith.constant 0 : i32
      %dma_start3A_231 = tpu.memref_slice %arg7[%dma_start3A_229, %dma_start3A_230] : memref<8x128xi32, #tpu.memory_space<vmem>> -> memref<1x128xi32, #tpu.memory_space<vmem>>
      %dma_start3A_232 = tpu.memref_squeeze %dma_start3A_231 : memref<1x128xi32, #tpu.memory_space<vmem>> -> memref<128xi32, #tpu.memory_space<vmem>>
      %dma_start3A_233 = arith.constant 0 : i32
      %dma_start3A_234 = arith.constant 0 : i32
      %dma_start3A_235 = tpu.memref_slice %arg14[%dma_start3A_233, %dma_start3A_234] : memref<10240x64xf32, #tpu.memory_space<vmem_shared>> -> memref<10240x64xf32, #tpu.memory_space<vmem_shared>>
      tpu.enqueue_indirect_dma source(%arg9 : memref<128x64xf32, #tpu.memory_space<vmem>>) target(%dma_start3A_235 : memref<10240x64xf32, #tpu.memory_space<vmem_shared>>) offsets(%dma_start3A_232 : memref<128xi32, #tpu.memory_space<vmem>>) semaphore(%arg13 : memref<!tpu.dma_semaphore, #tpu.memory_space<semaphore_mem>>) {add = true}
      %dma_wait3A_236 = arith.constant 6 : i32
      %dma_wait3A_237 = arith.constant 0 : i32
      %dma_wait3A_238 = tpu.memref_slice %arg7[%dma_wait3A_236, %dma_wait3A_237] : memref<8x128xi32, #tpu.memory_space<vmem>> -> memref<1x128xi32, #tpu.memory_space<vmem>>
      %dma_wait3A_239 = tpu.memref_squeeze %dma_wait3A_238 : memref<1x128xi32, #tpu.memory_space<vmem>> -> memref<128xi32, #tpu.memory_space<vmem>>
      %dma_wait3A_240 = arith.constant 0 : i32
      %dma_wait3A_241 = arith.constant 0 : i32
      %dma_wait3A_242 = tpu.memref_slice %arg14[%dma_wait3A_240, %dma_wait3A_241] : memref<10240x64xf32, #tpu.memory_space<vmem_shared>> -> memref<10240x64xf32, #tpu.memory_space<vmem_shared>>
      tpu.wait_indirect_dma semaphore(%arg12 : memref<!tpu.dma_semaphore, #tpu.memory_space<semaphore_mem>>) src(%arg8 : memref<128x64xf32, #tpu.memory_space<vmem>>) dst(%dma_wait3A_242 : memref<10240x64xf32, #tpu.memory_space<vmem_shared>>)
      %dma_wait3A_243 = arith.constant 7 : i32
      %dma_wait3A_244 = arith.constant 0 : i32
      %dma_wait3A_245 = tpu.memref_slice %arg7[%dma_wait3A_243, %dma_wait3A_244] : memref<8x128xi32, #tpu.memory_space<vmem>> -> memref<1x128xi32, #tpu.memory_space<vmem>>
      %dma_wait3A_246 = tpu.memref_squeeze %dma_wait3A_245 : memref<1x128xi32, #tpu.memory_space<vmem>> -> memref<128xi32, #tpu.memory_space<vmem>>
      %dma_wait3A_247 = arith.constant 0 : i32
      %dma_wait3A_248 = arith.constant 0 : i32
      %dma_wait3A_249 = tpu.memref_slice %arg14[%dma_wait3A_247, %dma_wait3A_248] : memref<10240x64xf32, #tpu.memory_space<vmem_shared>> -> memref<10240x64xf32, #tpu.memory_space<vmem_shared>>
      tpu.wait_indirect_dma semaphore(%arg13 : memref<!tpu.dma_semaphore, #tpu.memory_space<semaphore_mem>>) src(%arg9 : memref<128x64xf32, #tpu.memory_space<vmem>>) dst(%dma_wait3A_249 : memref<10240x64xf32, #tpu.memory_space<vmem_shared>>)
    }
    %scan3A_18 = arith.constant 5 : i32
    %barrier3A_19 = arith.constant 0 : index
    tpu.barrier barrier_id(%barrier3A_19)
    "tpu.region"() ({
      %run_scoped3A = tpu.sem_alloc : memref<!tpu.dma_semaphore, #tpu.memory_space<semaphore_mem>>
      %dma_start3A = arith.constant 0 : i32
      %dma_start3A_20 = tpu.memref_slice %arg5[%arg0, %mul3A_6, %dma_start3A] : memref<2x10240x64xf32, #tpu.memory_space<hbm>> -> memref<1x640x64xf32, #tpu.memory_space<hbm>>
      %dma_start3A_21 = tpu.memref_squeeze %dma_start3A_20 : memref<1x640x64xf32, #tpu.memory_space<hbm>> -> memref<640x64xf32, #tpu.memory_space<hbm>>
      %dma_start3A_22 = arith.constant 0 : i32
      %dma_start3A_23 = tpu.memref_slice %arg14[%mul3A_6, %dma_start3A_22] : memref<10240x64xf32, #tpu.memory_space<vmem_shared>> -> memref<640x64xf32, #tpu.memory_space<vmem_shared>>
      tpu.enqueue_dma source(%dma_start3A_23 : memref<640x64xf32, #tpu.memory_space<vmem_shared>>) target(%dma_start3A_21 : memref<640x64xf32, #tpu.memory_space<hbm>>) target_semaphore(%run_scoped3A : memref<!tpu.dma_semaphore, #tpu.memory_space<semaphore_mem>>)
      %dma_wait3A = arith.constant 0 : i32
      %dma_wait3A_24 = tpu.memref_slice %arg5[%arg0, %mul3A_6, %dma_wait3A] : memref<2x10240x64xf32, #tpu.memory_space<hbm>> -> memref<1x640x64xf32, #tpu.memory_space<hbm>>
      %dma_wait3A_25 = tpu.memref_squeeze %dma_wait3A_24 : memref<1x640x64xf32, #tpu.memory_space<hbm>> -> memref<640x64xf32, #tpu.memory_space<hbm>>
      %dma_wait3A_26 = arith.constant 0 : i32
      %dma_wait3A_27 = tpu.memref_slice %arg14[%mul3A_6, %dma_wait3A_26] : memref<10240x64xf32, #tpu.memory_space<vmem_shared>> -> memref<640x64xf32, #tpu.memory_space<vmem_shared>>
      tpu.wait_dma2 semaphore(%run_scoped3A : memref<!tpu.dma_semaphore, #tpu.memory_space<semaphore_mem>>) src(%dma_wait3A_27 : memref<640x64xf32, #tpu.memory_space<vmem_shared>>) dst(%dma_wait3A_25 : memref<640x64xf32, #tpu.memory_space<hbm>>)
      tpu.yield
    }) : () -> ()
    return
  }
}

#map = affine_map<(d0, d1) -> (0, 0)>
#map1 = affine_map<(d0, d1) -> (0, 0, 0)>
module attributes {stable_mosaic.version = 14 : i64} {
  func.func @k(%arg0: i32, %arg1: i32, %arg2: memref<10000x64xf32, #tpu.memory_space<hbm>>, %arg3: memref<19712x128xi32, #tpu.memory_space<hbm>>, %arg4: memref<19712x128xi32, #tpu.memory_space<hbm>>, %arg5: memref<2x10240x64xf32, #tpu.memory_space<hbm>>, %arg6: memref<8x128xi32, #tpu.memory_space<vmem>>, %arg7: memref<8x128xi32, #tpu.memory_space<vmem>>, %arg8: memref<128x64xf32, #tpu.memory_space<vmem>>, %arg9: memref<128x64xf32, #tpu.memory_space<vmem>>, %arg10: memref<!tpu.dma_semaphore, #tpu.memory_space<semaphore_mem>>, %arg11: memref<!tpu.dma_semaphore, #tpu.memory_space<semaphore_mem>>, %arg12: memref<!tpu.dma_semaphore, #tpu.memory_space<semaphore_mem>>, %arg13: memref<!tpu.dma_semaphore, #tpu.memory_space<semaphore_mem>>, %arg14: memref<10240x64xf32, #tpu.memory_space<vmem_shared>>) attributes {dimension_semantics = [#tpu.dimension_semantics<core_parallel>, #tpu.dimension_semantics<subcore_parallel>], iteration_bounds = array<i64: 2, 16>, scalar_prefetch = 0 : i64, scratch_operands = 9 : i64, tpu.core_type = #tpu.core_type<sc_vector_subcore>, window_params = [{transform_indices = #map}, {transform_indices = #map}, {transform_indices = #map}, {transform_indices = #map1}]} {
    %mul3A = arith.constant 2 : i32
    %mul3A_0 = arith.muli %arg1, %mul3A : i32
    %add3A = arith.addi %mul3A_0, %arg0 : i32
    %scan3A = arith.constant 0 : i32
    %scan3A_1 = arith.constant 128 : i32
    %scan3A_2 = arith.addi %scan3A, %scan3A_1 : i32
    %scan3A_3 = arith.constant 1 : i32
    scf.for %scan3A_20 = %scan3A to %scan3A_2 step %scan3A_3  : i32 {
      %mul3A_21 = arith.constant 1 : i32
      %mul3A_22 = arith.muli %scan3A_20, %mul3A_21 : i32
      %add3A_23 = arith.constant 0 : i32
      %add3A_24 = arith.addi %add3A_23, %mul3A_22 : i32
      %scan3A_25 = arith.constant 0 : i32
      %scan3A_26 = arith.constant 4 : i32
      %scan3A_27 = arith.addi %scan3A_25, %scan3A_26 : i32
      %scan3A_28 = arith.constant 1 : i32
      scf.for %scan3A_30 = %scan3A_25 to %scan3A_27 step %scan3A_28  : i32 {
        %mul3A_31 = arith.constant 16 : i32
        %mul3A_32 = arith.muli %scan3A_30, %mul3A_31 : i32
        %add3A_33 = arith.constant 0 : i32
        %add3A_34 = arith.addi %add3A_33, %mul3A_32 : i32
        %broadcast_in_dim3A = arith.constant 0.000000e+00 : f32
        %broadcast_in_dim3A_35 = vector.broadcast %broadcast_in_dim3A : f32 to vector<1x16xf32>
        %swap3A = arith.index_cast %add3A_24 : i32 to index
        %swap3A_36 = arith.index_cast %add3A_34 : i32 to index
        %swap3A_37 = tpu.vector_load %arg8[%swap3A, %swap3A_36] {strides = array<i32>} : memref<128x64xf32, #tpu.memory_space<vmem>>, vector<1x16xf32>,
        %swap3A_38 = vector.shape_cast %swap3A_37 : vector<1x16xf32> to vector<1x16xf32>
        %swap3A_39 = vector.shape_cast %broadcast_in_dim3A_35 : vector<1x16xf32> to vector<1x16xf32>
        tpu.vector_store %arg8[%swap3A, %swap3A_36], %swap3A_39 {strides = array<i32>} : memref<128x64xf32, #tpu.memory_space<vmem>>, vector<1x16xf32>,
      }
      %scan3A_29 = arith.constant 4 : i32
    }
    %scan3A_4 = arith.constant 128 : i32
    %mul3A_5 = arith.constant 640 : i32
    %mul3A_6 = arith.muli %arg1, %mul3A_5 : i32
    %scan3A_7 = arith.constant 0 : i32
    %scan3A_8 = arith.constant 5 : i32
    %scan3A_9 = arith.addi %scan3A_7, %scan3A_8 : i32
    %scan3A_10 = arith.constant 1 : i32
    scf.for %scan3A_20 = %scan3A_7 to %scan3A_9 step %scan3A_10  : i32 {
      %mul3A_21 = arith.constant 128 : i32
      %mul3A_22 = arith.muli %scan3A_20, %mul3A_21 : i32
      %add3A_23 = arith.constant 0 : i32
      %add3A_24 = arith.addi %add3A_23, %mul3A_22 : i32
      %add3A_25 = arith.addi %mul3A_6, %add3A_24 : i32
      "tpu.region"() ({
        %run_scoped3A = tpu.sem_alloc : memref<!tpu.dma_semaphore, #tpu.memory_space<semaphore_mem>>
        %dma_start3A = arith.constant 0 : i32
        %dma_start3A_26 = tpu.memref_slice %arg14[%add3A_25, %dma_start3A] : memref<10240x64xf32, #tpu.memory_space<vmem_shared>> -> memref<128x64xf32, #tpu.memory_space<vmem_shared>>
        %dma_start3A_27 = arith.constant 0 : i32
        %dma_start3A_28 = tpu.memref_slice %arg14[%add3A_25, %dma_start3A_27] : memref<10240x64xf32, #tpu.memory_space<vmem_shared>> -> memref<128x64xf32, #tpu.memory_space<vmem_shared>>
        tpu.enqueue_dma source(%arg8 : memref<128x64xf32, #tpu.memory_space<vmem>>) target(%dma_start3A_28 : memref<128x64xf32, #tpu.memory_space<vmem_shared>>) target_semaphore(%run_scoped3A : memref<!tpu.dma_semaphore, #tpu.memory_space<semaphore_mem>>)
        %dma_wait3A = arith.constant 0 : i32
        %dma_wait3A_29 = tpu.memref_slice %arg14[%add3A_25, %dma_wait3A] : memref<10240x64xf32, #tpu.memory_space<vmem_shared>> -> memref<128x64xf32, #tpu.memory_space<vmem_shared>>
        %dma_wait3A_30 = arith.constant 0 : i32
        %dma_wait3A_31 = tpu.memref_slice %arg14[%add3A_25, %dma_wait3A_30] : memref<10240x64xf32, #tpu.memory_space<vmem_shared>> -> memref<128x64xf32, #tpu.memory_space<vmem_shared>>
        tpu.wait_dma2 semaphore(%run_scoped3A : memref<!tpu.dma_semaphore, #tpu.memory_space<semaphore_mem>>) src(%arg8 : memref<128x64xf32, #tpu.memory_space<vmem>>) dst(%dma_wait3A_31 : memref<128x64xf32, #tpu.memory_space<vmem_shared>>)
        tpu.yield
      }) : () -> ()
    }
    %scan3A_11 = arith.constant 5 : i32
    %barrier3A = arith.constant 0 : index
    tpu.barrier barrier_id(%barrier3A)
    %mul3A_12 = arith.constant 616 : i32
    %mul3A_13 = arith.muli %add3A, %mul3A_12 : i32
    %scan3A_14 = arith.constant 0 : i32
    %scan3A_15 = arith.constant 77 : i32
    %scan3A_16 = arith.addi %scan3A_14, %scan3A_15 : i32
    %scan3A_17 = arith.constant 1 : i32
    scf.for %scan3A_20 = %scan3A_14 to %scan3A_16 step %scan3A_17  : i32 {
      %mul3A_21 = arith.constant 1 : i32
      %mul3A_22 = arith.muli %scan3A_20, %mul3A_21 : i32
      %add3A_23 = arith.constant 0 : i32
      %add3A_24 = arith.addi %add3A_23, %mul3A_22 : i32
      %mul3A_25 = arith.constant 8 : i32
      %mul3A_26 = arith.muli %add3A_24, %mul3A_25 : i32
      %add3A_27 = arith.addi %mul3A_13, %mul3A_26 : i32
      "tpu.region"() ({
        %run_scoped3A = tpu.sem_alloc : memref<!tpu.dma_semaphore, #tpu.memory_space<semaphore_mem>>
        %dma_start3A_250 = arith.constant 0 : i32
        %dma_start3A_251 = tpu.memref_slice %arg3[%add3A_27, %dma_start3A_250] : memref<19712x128xi32, #tpu.memory_space<hbm>> -> memref<8x128xi32, #tpu.memory_space<hbm>>
        %dma_start3A_252 = arith.constant 0 : i32
        %dma_start3A_253 = tpu.memref_slice %arg3[%add3A_27, %dma_start3A_252] : memref<19712x128xi32, #tpu.memory_space<hbm>> -> memref<8x128xi32, #tpu.memory_space<hbm>>
        tpu.enqueue_dma source(%dma_start3A_253 : memref<8x128xi32, #tpu.memory_space<hbm>>) target(%arg6 : memref<8x128xi32, #tpu.memory_space<vmem>>) target_semaphore(%run_scoped3A : memref<!tpu.dma_semaphore, #tpu.memory_space<semaphore_mem>>)
        %dma_wait3A_254 = arith.constant 0 : i32
        %dma_wait3A_255 = tpu.memref_slice %arg3[%add3A_27, %dma_wait3A_254] : memref<19712x128xi32, #tpu.memory_space<hbm>> -> memref<8x128xi32, #tpu.memory_space<hbm>>
        %dma_wait3A_256 = arith.constant 0 : i32
        %dma_wait3A_257 = tpu.memref_slice %arg3[%add3A_27, %dma_wait3A_256] : memref<19712x128xi32, #tpu.memory_space<hbm>> -> memref<8x128xi32, #tpu.memory_space<hbm>>
        tpu.wait_dma2 semaphore(%run_scoped3A : memref<!tpu.dma_semaphore, #tpu.memory_space<semaphore_mem>>) src(%dma_wait3A_257 : memref<8x128xi32, #tpu.memory_space<hbm>>) dst(%arg6 : memref<8x128xi32, #tpu.memory_space<vmem>>)
        tpu.yield
      }) : () -> ()
      "tpu.region"() ({
        %run_scoped3A = tpu.sem_alloc : memref<!tpu.dma_semaphore, #tpu.memory_space<semaphore_mem>>
        %dma_start3A_250 = arith.constant 0 : i32
        %dma_start3A_251 = tpu.memref_slice %arg4[%add3A_27, %dma_start3A_250] : memref<19712x128xi32, #tpu.memory_space<hbm>> -> memref<8x128xi32, #tpu.memory_space<hbm>>
        %dma_start3A_252 = arith.constant 0 : i32
        %dma_start3A_253 = tpu.memref_slice %arg4[%add3A_27, %dma_start3A_252] : memref<19712x128xi32, #tpu.memory_space<hbm>> -> memref<8x128xi32, #tpu.memory_space<hbm>>
        tpu.enqueue_dma source(%dma_start3A_253 : memref<8x128xi32, #tpu.memory_space<hbm>>) target(%arg7 : memref<8x128xi32, #tpu.memory_space<vmem>>) target_semaphore(%run_scoped3A : memref<!tpu.dma_semaphore, #tpu.memory_space<semaphore_mem>>)
        %dma_wait3A_254 = arith.constant 0 : i32
        %dma_wait3A_255 = tpu.memref_slice %arg4[%add3A_27, %dma_wait3A_254] : memref<19712x128xi32, #tpu.memory_space<hbm>> -> memref<8x128xi32, #tpu.memory_space<hbm>>
        %dma_wait3A_256 = arith.constant 0 : i32
        %dma_wait3A_257 = tpu.memref_slice %arg4[%add3A_27, %dma_wait3A_256] : memref<19712x128xi32, #tpu.memory_space<hbm>> -> memref<8x128xi32, #tpu.memory_space<hbm>>
        tpu.wait_dma2 semaphore(%run_scoped3A : memref<!tpu.dma_semaphore, #tpu.memory_space<semaphore_mem>>) src(%dma_wait3A_257 : memref<8x128xi32, #tpu.memory_space<hbm>>) dst(%arg7 : memref<8x128xi32, #tpu.memory_space<vmem>>)
        tpu.yield
      }) : () -> ()
      %dma_start3A = arith.constant 0 : i32
      %dma_start3A_28 = arith.constant 0 : i32
      %dma_start3A_29 = tpu.memref_slice %arg6[%dma_start3A, %dma_start3A_28] : memref<8x128xi32, #tpu.memory_space<vmem>> -> memref<1x128xi32, #tpu.memory_space<vmem>>
      %dma_start3A_30 = tpu.memref_squeeze %dma_start3A_29 : memref<1x128xi32, #tpu.memory_space<vmem>> -> memref<128xi32, #tpu.memory_space<vmem>>
      %dma_start3A_31 = arith.constant 0 : i32
      %dma_start3A_32 = arith.constant 0 : i32
      %dma_start3A_33 = tpu.memref_slice %arg2[%dma_start3A_31, %dma_start3A_32] : memref<10000x64xf32, #tpu.memory_space<hbm>> -> memref<10000x64xf32, #tpu.memory_space<hbm>>
      tpu.enqueue_indirect_dma source(%dma_start3A_33 : memref<10000x64xf32, #tpu.memory_space<hbm>>) target(%arg8 : memref<128x64xf32, #tpu.memory_space<vmem>>) offsets(%dma_start3A_30 : memref<128xi32, #tpu.memory_space<vmem>>) semaphore(%arg10 : memref<!tpu.dma_semaphore, #tpu.memory_space<semaphore_mem>>)
      %dma_start3A_34 = arith.constant 1 : i32
      %dma_start3A_35 = arith.constant 0 : i32
      %dma_start3A_36 = tpu.memref_slice %arg6[%dma_start3A_34, %dma_start3A_35] : memref<8x128xi32, #tpu.memory_space<vmem>> -> memref<1x128xi32, #tpu.memory_space<vmem>>
      %dma_start3A_37 = tpu.memref_squeeze %dma_start3A_36 : memref<1x128xi32, #tpu.memory_space<vmem>> -> memref<128xi32, #tpu.memory_space<vmem>>
      %dma_start3A_38 = arith.constant 0 : i32
      %dma_start3A_39 = arith.constant 0 : i32
      %dma_start3A_40 = tpu.memref_slice %arg2[%dma_start3A_38, %dma_start3A_39] : memref<10000x64xf32, #tpu.memory_space<hbm>> -> memref<10000x64xf32, #tpu.memory_space<hbm>>
      tpu.enqueue_indirect_dma source(%dma_start3A_40 : memref<10000x64xf32, #tpu.memory_space<hbm>>) target(%arg9 : memref<128x64xf32, #tpu.memory_space<vmem>>) offsets(%dma_start3A_37 : memref<128xi32, #tpu.memory_space<vmem>>) semaphore(%arg11 : memref<!tpu.dma_semaphore, #tpu.memory_space<semaphore_mem>>)
      %dma_wait3A = arith.constant 0 : i32
      %dma_wait3A_41 = arith.constant 0 : i32
      %dma_wait3A_42 = tpu.memref_slice %arg6[%dma_wait3A, %dma_wait3A_41] : memref<8x128xi32, #tpu.memory_space<vmem>> -> memref<1x128xi32, #tpu.memory_space<vmem>>
      %dma_wait3A_43 = tpu.memref_squeeze %dma_wait3A_42 : memref<1x128xi32, #tpu.memory_space<vmem>> -> memref<128xi32, #tpu.memory_space<vmem>>
      %dma_wait3A_44 = arith.constant 0 : i32
      %dma_wait3A_45 = arith.constant 0 : i32
      %dma_wait3A_46 = tpu.memref_slice %arg2[%dma_wait3A_44, %dma_wait3A_45] : memref<10000x64xf32, #tpu.memory_space<hbm>> -> memref<10000x64xf32, #tpu.memory_space<hbm>>
      tpu.wait_indirect_dma semaphore(%arg10 : memref<!tpu.dma_semaphore, #tpu.memory_space<semaphore_mem>>) src(%dma_wait3A_46 : memref<10000x64xf32, #tpu.memory_space<hbm>>) dst(%arg8 : memref<128x64xf32, #tpu.memory_space<vmem>>)
      %dma_start3A_47 = arith.constant 0 : i32
      %dma_start3A_48 = arith.constant 0 : i32
      %dma_start3A_49 = tpu.memref_slice %arg7[%dma_start3A_47, %dma_start3A_48] : memref<8x128xi32, #tpu.memory_space<vmem>> -> memref<1x128xi32, #tpu.memory_space<vmem>>
      %dma_start3A_50 = tpu.memref_squeeze %dma_start3A_49 : memref<1x128xi32, #tpu.memory_space<vmem>> -> memref<128xi32, #tpu.memory_space<vmem>>
      %dma_start3A_51 = arith.constant 0 : i32
      %dma_start3A_52 = arith.constant 0 : i32
      %dma_start3A_53 = tpu.memref_slice %arg14[%dma_start3A_51, %dma_start3A_52] : memref<10240x64xf32, #tpu.memory_space<vmem_shared>> -> memref<10240x64xf32, #tpu.memory_space<vmem_shared>>
      tpu.enqueue_indirect_dma source(%arg8 : memref<128x64xf32, #tpu.memory_space<vmem>>) target(%dma_start3A_53 : memref<10240x64xf32, #tpu.memory_space<vmem_shared>>) offsets(%dma_start3A_50 : memref<128xi32, #tpu.memory_space<vmem>>) semaphore(%arg12 : memref<!tpu.dma_semaphore, #tpu.memory_space<semaphore_mem>>) {add = true}
      %dma_wait3A_54 = arith.constant 0 : i32
      %dma_wait3A_55 = arith.constant 0 : i32
      %dma_wait3A_56 = tpu.memref_slice %arg7[%dma_wait3A_54, %dma_wait3A_55] : memref<8x128xi32, #tpu.memory_space<vmem>> -> memref<1x128xi32, #tpu.memory_space<vmem>>
      %dma_wait3A_57 = tpu.memref_squeeze %dma_wait3A_56 : memref<1x128xi32, #tpu.memory_space<vmem>> -> memref<128xi32, #tpu.memory_space<vmem>>
      %dma_wait3A_58 = arith.constant 0 : i32
      %dma_wait3A_59 = arith.constant 0 : i32
      %dma_wait3A_60 = tpu.memref_slice %arg14[%dma_wait3A_58, %dma_wait3A_59] : memref<10240x64xf32, #tpu.memory_space<vmem_shared>> -> memref<10240x64xf32, #tpu.memory_space<vmem_shared>>
      tpu.wait_indirect_dma semaphore(%arg12 : memref<!tpu.dma_semaphore, #tpu.memory_space<semaphore_mem>>) src(%arg8 : memref<128x64xf32, #tpu.memory_space<vmem>>) dst(%dma_wait3A_60 : memref<10240x64xf32, #tpu.memory_space<vmem_shared>>)
      %dma_start3A_61 = arith.constant 2 : i32
      %dma_start3A_62 = arith.constant 0 : i32
      %dma_start3A_63 = tpu.memref_slice %arg6[%dma_start3A_61, %dma_start3A_62] : memref<8x128xi32, #tpu.memory_space<vmem>> -> memref<1x128xi32, #tpu.memory_space<vmem>>
      %dma_start3A_64 = tpu.memref_squeeze %dma_start3A_63 : memref<1x128xi32, #tpu.memory_space<vmem>> -> memref<128xi32, #tpu.memory_space<vmem>>
      %dma_start3A_65 = arith.constant 0 : i32
      %dma_start3A_66 = arith.constant 0 : i32
      %dma_start3A_67 = tpu.memref_slice %arg2[%dma_start3A_65, %dma_start3A_66] : memref<10000x64xf32, #tpu.memory_space<hbm>> -> memref<10000x64xf32, #tpu.memory_space<hbm>>
      tpu.enqueue_indirect_dma source(%dma_start3A_67 : memref<10000x64xf32, #tpu.memory_space<hbm>>) target(%arg8 : memref<128x64xf32, #tpu.memory_space<vmem>>) offsets(%dma_start3A_64 : memref<128xi32, #tpu.memory_space<vmem>>) semaphore(%arg10 : memref<!tpu.dma_semaphore, #tpu.memory_space<semaphore_mem>>)
      %dma_wait3A_68 = arith.constant 1 : i32
      %dma_wait3A_69 = arith.constant 0 : i32
      %dma_wait3A_70 = tpu.memref_slice %arg6[%dma_wait3A_68, %dma_wait3A_69] : memref<8x128xi32, #tpu.memory_space<vmem>> -> memref<1x128xi32, #tpu.memory_space<vmem>>
      %dma_wait3A_71 = tpu.memref_squeeze %dma_wait3A_70 : memref<1x128xi32, #tpu.memory_space<vmem>> -> memref<128xi32, #tpu.memory_space<vmem>>
      %dma_wait3A_72 = arith.constant 0 : i32
      %dma_wait3A_73 = arith.constant 0 : i32
      %dma_wait3A_74 = tpu.memref_slice %arg2[%dma_wait3A_72, %dma_wait3A_73] : memref<10000x64xf32, #tpu.memory_space<hbm>> -> memref<10000x64xf32, #tpu.memory_space<hbm>>
      tpu.wait_indirect_dma semaphore(%arg11 : memref<!tpu.dma_semaphore, #tpu.memory_space<semaphore_mem>>) src(%dma_wait3A_74 : memref<10000x64xf32, #tpu.memory_space<hbm>>) dst(%arg9 : memref<128x64xf32, #tpu.memory_space<vmem>>)
      %dma_start3A_75 = arith.constant 1 : i32
      %dma_start3A_76 = arith.constant 0 : i32
      %dma_start3A_77 = tpu.memref_slice %arg7[%dma_start3A_75, %dma_start3A_76] : memref<8x128xi32, #tpu.memory_space<vmem>> -> memref<1x128xi32, #tpu.memory_space<vmem>>
      %dma_start3A_78 = tpu.memref_squeeze %dma_start3A_77 : memref<1x128xi32, #tpu.memory_space<vmem>> -> memref<128xi32, #tpu.memory_space<vmem>>
      %dma_start3A_79 = arith.constant 0 : i32
      %dma_start3A_80 = arith.constant 0 : i32
      %dma_start3A_81 = tpu.memref_slice %arg14[%dma_start3A_79, %dma_start3A_80] : memref<10240x64xf32, #tpu.memory_space<vmem_shared>> -> memref<10240x64xf32, #tpu.memory_space<vmem_shared>>
      tpu.enqueue_indirect_dma source(%arg9 : memref<128x64xf32, #tpu.memory_space<vmem>>) target(%dma_start3A_81 : memref<10240x64xf32, #tpu.memory_space<vmem_shared>>) offsets(%dma_start3A_78 : memref<128xi32, #tpu.memory_space<vmem>>) semaphore(%arg13 : memref<!tpu.dma_semaphore, #tpu.memory_space<semaphore_mem>>) {add = true}
      %dma_wait3A_82 = arith.constant 1 : i32
      %dma_wait3A_83 = arith.constant 0 : i32
      %dma_wait3A_84 = tpu.memref_slice %arg7[%dma_wait3A_82, %dma_wait3A_83] : memref<8x128xi32, #tpu.memory_space<vmem>> -> memref<1x128xi32, #tpu.memory_space<vmem>>
      %dma_wait3A_85 = tpu.memref_squeeze %dma_wait3A_84 : memref<1x128xi32, #tpu.memory_space<vmem>> -> memref<128xi32, #tpu.memory_space<vmem>>
      %dma_wait3A_86 = arith.constant 0 : i32
      %dma_wait3A_87 = arith.constant 0 : i32
      %dma_wait3A_88 = tpu.memref_slice %arg14[%dma_wait3A_86, %dma_wait3A_87] : memref<10240x64xf32, #tpu.memory_space<vmem_shared>> -> memref<10240x64xf32, #tpu.memory_space<vmem_shared>>
      tpu.wait_indirect_dma semaphore(%arg13 : memref<!tpu.dma_semaphore, #tpu.memory_space<semaphore_mem>>) src(%arg9 : memref<128x64xf32, #tpu.memory_space<vmem>>) dst(%dma_wait3A_88 : memref<10240x64xf32, #tpu.memory_space<vmem_shared>>)
      %dma_start3A_89 = arith.constant 3 : i32
      %dma_start3A_90 = arith.constant 0 : i32
      %dma_start3A_91 = tpu.memref_slice %arg6[%dma_start3A_89, %dma_start3A_90] : memref<8x128xi32, #tpu.memory_space<vmem>> -> memref<1x128xi32, #tpu.memory_space<vmem>>
      %dma_start3A_92 = tpu.memref_squeeze %dma_start3A_91 : memref<1x128xi32, #tpu.memory_space<vmem>> -> memref<128xi32, #tpu.memory_space<vmem>>
      %dma_start3A_93 = arith.constant 0 : i32
      %dma_start3A_94 = arith.constant 0 : i32
      %dma_start3A_95 = tpu.memref_slice %arg2[%dma_start3A_93, %dma_start3A_94] : memref<10000x64xf32, #tpu.memory_space<hbm>> -> memref<10000x64xf32, #tpu.memory_space<hbm>>
      tpu.enqueue_indirect_dma source(%dma_start3A_95 : memref<10000x64xf32, #tpu.memory_space<hbm>>) target(%arg9 : memref<128x64xf32, #tpu.memory_space<vmem>>) offsets(%dma_start3A_92 : memref<128xi32, #tpu.memory_space<vmem>>) semaphore(%arg11 : memref<!tpu.dma_semaphore, #tpu.memory_space<semaphore_mem>>)
      %dma_wait3A_96 = arith.constant 2 : i32
      %dma_wait3A_97 = arith.constant 0 : i32
      %dma_wait3A_98 = tpu.memref_slice %arg6[%dma_wait3A_96, %dma_wait3A_97] : memref<8x128xi32, #tpu.memory_space<vmem>> -> memref<1x128xi32, #tpu.memory_space<vmem>>
      %dma_wait3A_99 = tpu.memref_squeeze %dma_wait3A_98 : memref<1x128xi32, #tpu.memory_space<vmem>> -> memref<128xi32, #tpu.memory_space<vmem>>
      %dma_wait3A_100 = arith.constant 0 : i32
      %dma_wait3A_101 = arith.constant 0 : i32
      %dma_wait3A_102 = tpu.memref_slice %arg2[%dma_wait3A_100, %dma_wait3A_101] : memref<10000x64xf32, #tpu.memory_space<hbm>> -> memref<10000x64xf32, #tpu.memory_space<hbm>>
      tpu.wait_indirect_dma semaphore(%arg10 : memref<!tpu.dma_semaphore, #tpu.memory_space<semaphore_mem>>) src(%dma_wait3A_102 : memref<10000x64xf32, #tpu.memory_space<hbm>>) dst(%arg8 : memref<128x64xf32, #tpu.memory_space<vmem>>)
      %dma_start3A_103 = arith.constant 2 : i32
      %dma_start3A_104 = arith.constant 0 : i32
      %dma_start3A_105 = tpu.memref_slice %arg7[%dma_start3A_103, %dma_start3A_104] : memref<8x128xi32, #tpu.memory_space<vmem>> -> memref<1x128xi32, #tpu.memory_space<vmem>>
      %dma_start3A_106 = tpu.memref_squeeze %dma_start3A_105 : memref<1x128xi32, #tpu.memory_space<vmem>> -> memref<128xi32, #tpu.memory_space<vmem>>
      %dma_start3A_107 = arith.constant 0 : i32
      %dma_start3A_108 = arith.constant 0 : i32
      %dma_start3A_109 = tpu.memref_slice %arg14[%dma_start3A_107, %dma_start3A_108] : memref<10240x64xf32, #tpu.memory_space<vmem_shared>> -> memref<10240x64xf32, #tpu.memory_space<vmem_shared>>
      tpu.enqueue_indirect_dma source(%arg8 : memref<128x64xf32, #tpu.memory_space<vmem>>) target(%dma_start3A_109 : memref<10240x64xf32, #tpu.memory_space<vmem_shared>>) offsets(%dma_start3A_106 : memref<128xi32, #tpu.memory_space<vmem>>) semaphore(%arg12 : memref<!tpu.dma_semaphore, #tpu.memory_space<semaphore_mem>>) {add = true}
      %dma_wait3A_110 = arith.constant 2 : i32
      %dma_wait3A_111 = arith.constant 0 : i32
      %dma_wait3A_112 = tpu.memref_slice %arg7[%dma_wait3A_110, %dma_wait3A_111] : memref<8x128xi32, #tpu.memory_space<vmem>> -> memref<1x128xi32, #tpu.memory_space<vmem>>
      %dma_wait3A_113 = tpu.memref_squeeze %dma_wait3A_112 : memref<1x128xi32, #tpu.memory_space<vmem>> -> memref<128xi32, #tpu.memory_space<vmem>>
      %dma_wait3A_114 = arith.constant 0 : i32
      %dma_wait3A_115 = arith.constant 0 : i32
      %dma_wait3A_116 = tpu.memref_slice %arg14[%dma_wait3A_114, %dma_wait3A_115] : memref<10240x64xf32, #tpu.memory_space<vmem_shared>> -> memref<10240x64xf32, #tpu.memory_space<vmem_shared>>
      tpu.wait_indirect_dma semaphore(%arg12 : memref<!tpu.dma_semaphore, #tpu.memory_space<semaphore_mem>>) src(%arg8 : memref<128x64xf32, #tpu.memory_space<vmem>>) dst(%dma_wait3A_116 : memref<10240x64xf32, #tpu.memory_space<vmem_shared>>)
      %dma_start3A_117 = arith.constant 4 : i32
      %dma_start3A_118 = arith.constant 0 : i32
      %dma_start3A_119 = tpu.memref_slice %arg6[%dma_start3A_117, %dma_start3A_118] : memref<8x128xi32, #tpu.memory_space<vmem>> -> memref<1x128xi32, #tpu.memory_space<vmem>>
      %dma_start3A_120 = tpu.memref_squeeze %dma_start3A_119 : memref<1x128xi32, #tpu.memory_space<vmem>> -> memref<128xi32, #tpu.memory_space<vmem>>
      %dma_start3A_121 = arith.constant 0 : i32
      %dma_start3A_122 = arith.constant 0 : i32
      %dma_start3A_123 = tpu.memref_slice %arg2[%dma_start3A_121, %dma_start3A_122] : memref<10000x64xf32, #tpu.memory_space<hbm>> -> memref<10000x64xf32, #tpu.memory_space<hbm>>
      tpu.enqueue_indirect_dma source(%dma_start3A_123 : memref<10000x64xf32, #tpu.memory_space<hbm>>) target(%arg8 : memref<128x64xf32, #tpu.memory_space<vmem>>) offsets(%dma_start3A_120 : memref<128xi32, #tpu.memory_space<vmem>>) semaphore(%arg10 : memref<!tpu.dma_semaphore, #tpu.memory_space<semaphore_mem>>)
      %dma_wait3A_124 = arith.constant 3 : i32
      %dma_wait3A_125 = arith.constant 0 : i32
      %dma_wait3A_126 = tpu.memref_slice %arg6[%dma_wait3A_124, %dma_wait3A_125] : memref<8x128xi32, #tpu.memory_space<vmem>> -> memref<1x128xi32, #tpu.memory_space<vmem>>
      %dma_wait3A_127 = tpu.memref_squeeze %dma_wait3A_126 : memref<1x128xi32, #tpu.memory_space<vmem>> -> memref<128xi32, #tpu.memory_space<vmem>>
      %dma_wait3A_128 = arith.constant 0 : i32
      %dma_wait3A_129 = arith.constant 0 : i32
      %dma_wait3A_130 = tpu.memref_slice %arg2[%dma_wait3A_128, %dma_wait3A_129] : memref<10000x64xf32, #tpu.memory_space<hbm>> -> memref<10000x64xf32, #tpu.memory_space<hbm>>
      tpu.wait_indirect_dma semaphore(%arg11 : memref<!tpu.dma_semaphore, #tpu.memory_space<semaphore_mem>>) src(%dma_wait3A_130 : memref<10000x64xf32, #tpu.memory_space<hbm>>) dst(%arg9 : memref<128x64xf32, #tpu.memory_space<vmem>>)
      %dma_start3A_131 = arith.constant 3 : i32
      %dma_start3A_132 = arith.constant 0 : i32
      %dma_start3A_133 = tpu.memref_slice %arg7[%dma_start3A_131, %dma_start3A_132] : memref<8x128xi32, #tpu.memory_space<vmem>> -> memref<1x128xi32, #tpu.memory_space<vmem>>
      %dma_start3A_134 = tpu.memref_squeeze %dma_start3A_133 : memref<1x128xi32, #tpu.memory_space<vmem>> -> memref<128xi32, #tpu.memory_space<vmem>>
      %dma_start3A_135 = arith.constant 0 : i32
      %dma_start3A_136 = arith.constant 0 : i32
      %dma_start3A_137 = tpu.memref_slice %arg14[%dma_start3A_135, %dma_start3A_136] : memref<10240x64xf32, #tpu.memory_space<vmem_shared>> -> memref<10240x64xf32, #tpu.memory_space<vmem_shared>>
      tpu.enqueue_indirect_dma source(%arg9 : memref<128x64xf32, #tpu.memory_space<vmem>>) target(%dma_start3A_137 : memref<10240x64xf32, #tpu.memory_space<vmem_shared>>) offsets(%dma_start3A_134 : memref<128xi32, #tpu.memory_space<vmem>>) semaphore(%arg13 : memref<!tpu.dma_semaphore, #tpu.memory_space<semaphore_mem>>) {add = true}
      %dma_wait3A_138 = arith.constant 3 : i32
      %dma_wait3A_139 = arith.constant 0 : i32
      %dma_wait3A_140 = tpu.memref_slice %arg7[%dma_wait3A_138, %dma_wait3A_139] : memref<8x128xi32, #tpu.memory_space<vmem>> -> memref<1x128xi32, #tpu.memory_space<vmem>>
      %dma_wait3A_141 = tpu.memref_squeeze %dma_wait3A_140 : memref<1x128xi32, #tpu.memory_space<vmem>> -> memref<128xi32, #tpu.memory_space<vmem>>
      %dma_wait3A_142 = arith.constant 0 : i32
      %dma_wait3A_143 = arith.constant 0 : i32
      %dma_wait3A_144 = tpu.memref_slice %arg14[%dma_wait3A_142, %dma_wait3A_143] : memref<10240x64xf32, #tpu.memory_space<vmem_shared>> -> memref<10240x64xf32, #tpu.memory_space<vmem_shared>>
      tpu.wait_indirect_dma semaphore(%arg13 : memref<!tpu.dma_semaphore, #tpu.memory_space<semaphore_mem>>) src(%arg9 : memref<128x64xf32, #tpu.memory_space<vmem>>) dst(%dma_wait3A_144 : memref<10240x64xf32, #tpu.memory_space<vmem_shared>>)
      %dma_start3A_145 = arith.constant 5 : i32
      %dma_start3A_146 = arith.constant 0 : i32
      %dma_start3A_147 = tpu.memref_slice %arg6[%dma_start3A_145, %dma_start3A_146] : memref<8x128xi32, #tpu.memory_space<vmem>> -> memref<1x128xi32, #tpu.memory_space<vmem>>
      %dma_start3A_148 = tpu.memref_squeeze %dma_start3A_147 : memref<1x128xi32, #tpu.memory_space<vmem>> -> memref<128xi32, #tpu.memory_space<vmem>>
      %dma_start3A_149 = arith.constant 0 : i32
      %dma_start3A_150 = arith.constant 0 : i32
      %dma_start3A_151 = tpu.memref_slice %arg2[%dma_start3A_149, %dma_start3A_150] : memref<10000x64xf32, #tpu.memory_space<hbm>> -> memref<10000x64xf32, #tpu.memory_space<hbm>>
      tpu.enqueue_indirect_dma source(%dma_start3A_151 : memref<10000x64xf32, #tpu.memory_space<hbm>>) target(%arg9 : memref<128x64xf32, #tpu.memory_space<vmem>>) offsets(%dma_start3A_148 : memref<128xi32, #tpu.memory_space<vmem>>) semaphore(%arg11 : memref<!tpu.dma_semaphore, #tpu.memory_space<semaphore_mem>>)
      %dma_wait3A_152 = arith.constant 4 : i32
      %dma_wait3A_153 = arith.constant 0 : i32
      %dma_wait3A_154 = tpu.memref_slice %arg6[%dma_wait3A_152, %dma_wait3A_153] : memref<8x128xi32, #tpu.memory_space<vmem>> -> memref<1x128xi32, #tpu.memory_space<vmem>>
      %dma_wait3A_155 = tpu.memref_squeeze %dma_wait3A_154 : memref<1x128xi32, #tpu.memory_space<vmem>> -> memref<128xi32, #tpu.memory_space<vmem>>
      %dma_wait3A_156 = arith.constant 0 : i32
      %dma_wait3A_157 = arith.constant 0 : i32
      %dma_wait3A_158 = tpu.memref_slice %arg2[%dma_wait3A_156, %dma_wait3A_157] : memref<10000x64xf32, #tpu.memory_space<hbm>> -> memref<10000x64xf32, #tpu.memory_space<hbm>>
      tpu.wait_indirect_dma semaphore(%arg10 : memref<!tpu.dma_semaphore, #tpu.memory_space<semaphore_mem>>) src(%dma_wait3A_158 : memref<10000x64xf32, #tpu.memory_space<hbm>>) dst(%arg8 : memref<128x64xf32, #tpu.memory_space<vmem>>)
      %dma_start3A_159 = arith.constant 4 : i32
      %dma_start3A_160 = arith.constant 0 : i32
      %dma_start3A_161 = tpu.memref_slice %arg7[%dma_start3A_159, %dma_start3A_160] : memref<8x128xi32, #tpu.memory_space<vmem>> -> memref<1x128xi32, #tpu.memory_space<vmem>>
      %dma_start3A_162 = tpu.memref_squeeze %dma_start3A_161 : memref<1x128xi32, #tpu.memory_space<vmem>> -> memref<128xi32, #tpu.memory_space<vmem>>
      %dma_start3A_163 = arith.constant 0 : i32
      %dma_start3A_164 = arith.constant 0 : i32
      %dma_start3A_165 = tpu.memref_slice %arg14[%dma_start3A_163, %dma_start3A_164] : memref<10240x64xf32, #tpu.memory_space<vmem_shared>> -> memref<10240x64xf32, #tpu.memory_space<vmem_shared>>
      tpu.enqueue_indirect_dma source(%arg8 : memref<128x64xf32, #tpu.memory_space<vmem>>) target(%dma_start3A_165 : memref<10240x64xf32, #tpu.memory_space<vmem_shared>>) offsets(%dma_start3A_162 : memref<128xi32, #tpu.memory_space<vmem>>) semaphore(%arg12 : memref<!tpu.dma_semaphore, #tpu.memory_space<semaphore_mem>>) {add = true}
      %dma_wait3A_166 = arith.constant 4 : i32
      %dma_wait3A_167 = arith.constant 0 : i32
      %dma_wait3A_168 = tpu.memref_slice %arg7[%dma_wait3A_166, %dma_wait3A_167] : memref<8x128xi32, #tpu.memory_space<vmem>> -> memref<1x128xi32, #tpu.memory_space<vmem>>
      %dma_wait3A_169 = tpu.memref_squeeze %dma_wait3A_168 : memref<1x128xi32, #tpu.memory_space<vmem>> -> memref<128xi32, #tpu.memory_space<vmem>>
      %dma_wait3A_170 = arith.constant 0 : i32
      %dma_wait3A_171 = arith.constant 0 : i32
      %dma_wait3A_172 = tpu.memref_slice %arg14[%dma_wait3A_170, %dma_wait3A_171] : memref<10240x64xf32, #tpu.memory_space<vmem_shared>> -> memref<10240x64xf32, #tpu.memory_space<vmem_shared>>
      tpu.wait_indirect_dma semaphore(%arg12 : memref<!tpu.dma_semaphore, #tpu.memory_space<semaphore_mem>>) src(%arg8 : memref<128x64xf32, #tpu.memory_space<vmem>>) dst(%dma_wait3A_172 : memref<10240x64xf32, #tpu.memory_space<vmem_shared>>)
      %dma_start3A_173 = arith.constant 6 : i32
      %dma_start3A_174 = arith.constant 0 : i32
      %dma_start3A_175 = tpu.memref_slice %arg6[%dma_start3A_173, %dma_start3A_174] : memref<8x128xi32, #tpu.memory_space<vmem>> -> memref<1x128xi32, #tpu.memory_space<vmem>>
      %dma_start3A_176 = tpu.memref_squeeze %dma_start3A_175 : memref<1x128xi32, #tpu.memory_space<vmem>> -> memref<128xi32, #tpu.memory_space<vmem>>
      %dma_start3A_177 = arith.constant 0 : i32
      %dma_start3A_178 = arith.constant 0 : i32
      %dma_start3A_179 = tpu.memref_slice %arg2[%dma_start3A_177, %dma_start3A_178] : memref<10000x64xf32, #tpu.memory_space<hbm>> -> memref<10000x64xf32, #tpu.memory_space<hbm>>
      tpu.enqueue_indirect_dma source(%dma_start3A_179 : memref<10000x64xf32, #tpu.memory_space<hbm>>) target(%arg8 : memref<128x64xf32, #tpu.memory_space<vmem>>) offsets(%dma_start3A_176 : memref<128xi32, #tpu.memory_space<vmem>>) semaphore(%arg10 : memref<!tpu.dma_semaphore, #tpu.memory_space<semaphore_mem>>)
      %dma_wait3A_180 = arith.constant 5 : i32
      %dma_wait3A_181 = arith.constant 0 : i32
      %dma_wait3A_182 = tpu.memref_slice %arg6[%dma_wait3A_180, %dma_wait3A_181] : memref<8x128xi32, #tpu.memory_space<vmem>> -> memref<1x128xi32, #tpu.memory_space<vmem>>
      %dma_wait3A_183 = tpu.memref_squeeze %dma_wait3A_182 : memref<1x128xi32, #tpu.memory_space<vmem>> -> memref<128xi32, #tpu.memory_space<vmem>>
      %dma_wait3A_184 = arith.constant 0 : i32
      %dma_wait3A_185 = arith.constant 0 : i32
      %dma_wait3A_186 = tpu.memref_slice %arg2[%dma_wait3A_184, %dma_wait3A_185] : memref<10000x64xf32, #tpu.memory_space<hbm>> -> memref<10000x64xf32, #tpu.memory_space<hbm>>
      tpu.wait_indirect_dma semaphore(%arg11 : memref<!tpu.dma_semaphore, #tpu.memory_space<semaphore_mem>>) src(%dma_wait3A_186 : memref<10000x64xf32, #tpu.memory_space<hbm>>) dst(%arg9 : memref<128x64xf32, #tpu.memory_space<vmem>>)
      %dma_start3A_187 = arith.constant 5 : i32
      %dma_start3A_188 = arith.constant 0 : i32
      %dma_start3A_189 = tpu.memref_slice %arg7[%dma_start3A_187, %dma_start3A_188] : memref<8x128xi32, #tpu.memory_space<vmem>> -> memref<1x128xi32, #tpu.memory_space<vmem>>
      %dma_start3A_190 = tpu.memref_squeeze %dma_start3A_189 : memref<1x128xi32, #tpu.memory_space<vmem>> -> memref<128xi32, #tpu.memory_space<vmem>>
      %dma_start3A_191 = arith.constant 0 : i32
      %dma_start3A_192 = arith.constant 0 : i32
      %dma_start3A_193 = tpu.memref_slice %arg14[%dma_start3A_191, %dma_start3A_192] : memref<10240x64xf32, #tpu.memory_space<vmem_shared>> -> memref<10240x64xf32, #tpu.memory_space<vmem_shared>>
      tpu.enqueue_indirect_dma source(%arg9 : memref<128x64xf32, #tpu.memory_space<vmem>>) target(%dma_start3A_193 : memref<10240x64xf32, #tpu.memory_space<vmem_shared>>) offsets(%dma_start3A_190 : memref<128xi32, #tpu.memory_space<vmem>>) semaphore(%arg13 : memref<!tpu.dma_semaphore, #tpu.memory_space<semaphore_mem>>) {add = true}
      %dma_wait3A_194 = arith.constant 5 : i32
      %dma_wait3A_195 = arith.constant 0 : i32
      %dma_wait3A_196 = tpu.memref_slice %arg7[%dma_wait3A_194, %dma_wait3A_195] : memref<8x128xi32, #tpu.memory_space<vmem>> -> memref<1x128xi32, #tpu.memory_space<vmem>>
      %dma_wait3A_197 = tpu.memref_squeeze %dma_wait3A_196 : memref<1x128xi32, #tpu.memory_space<vmem>> -> memref<128xi32, #tpu.memory_space<vmem>>
      %dma_wait3A_198 = arith.constant 0 : i32
      %dma_wait3A_199 = arith.constant 0 : i32
      %dma_wait3A_200 = tpu.memref_slice %arg14[%dma_wait3A_198, %dma_wait3A_199] : memref<10240x64xf32, #tpu.memory_space<vmem_shared>> -> memref<10240x64xf32, #tpu.memory_space<vmem_shared>>
      tpu.wait_indirect_dma semaphore(%arg13 : memref<!tpu.dma_semaphore, #tpu.memory_space<semaphore_mem>>) src(%arg9 : memref<128x64xf32, #tpu.memory_space<vmem>>) dst(%dma_wait3A_200 : memref<10240x64xf32, #tpu.memory_space<vmem_shared>>)
      %dma_start3A_201 = arith.constant 7 : i32
      %dma_start3A_202 = arith.constant 0 : i32
      %dma_start3A_203 = tpu.memref_slice %arg6[%dma_start3A_201, %dma_start3A_202] : memref<8x128xi32, #tpu.memory_space<vmem>> -> memref<1x128xi32, #tpu.memory_space<vmem>>
      %dma_start3A_204 = tpu.memref_squeeze %dma_start3A_203 : memref<1x128xi32, #tpu.memory_space<vmem>> -> memref<128xi32, #tpu.memory_space<vmem>>
      %dma_start3A_205 = arith.constant 0 : i32
      %dma_start3A_206 = arith.constant 0 : i32
      %dma_start3A_207 = tpu.memref_slice %arg2[%dma_start3A_205, %dma_start3A_206] : memref<10000x64xf32, #tpu.memory_space<hbm>> -> memref<10000x64xf32, #tpu.memory_space<hbm>>
      tpu.enqueue_indirect_dma source(%dma_start3A_207 : memref<10000x64xf32, #tpu.memory_space<hbm>>) target(%arg9 : memref<128x64xf32, #tpu.memory_space<vmem>>) offsets(%dma_start3A_204 : memref<128xi32, #tpu.memory_space<vmem>>) semaphore(%arg11 : memref<!tpu.dma_semaphore, #tpu.memory_space<semaphore_mem>>)
      %dma_wait3A_208 = arith.constant 6 : i32
      %dma_wait3A_209 = arith.constant 0 : i32
      %dma_wait3A_210 = tpu.memref_slice %arg6[%dma_wait3A_208, %dma_wait3A_209] : memref<8x128xi32, #tpu.memory_space<vmem>> -> memref<1x128xi32, #tpu.memory_space<vmem>>
      %dma_wait3A_211 = tpu.memref_squeeze %dma_wait3A_210 : memref<1x128xi32, #tpu.memory_space<vmem>> -> memref<128xi32, #tpu.memory_space<vmem>>
      %dma_wait3A_212 = arith.constant 0 : i32
      %dma_wait3A_213 = arith.constant 0 : i32
      %dma_wait3A_214 = tpu.memref_slice %arg2[%dma_wait3A_212, %dma_wait3A_213] : memref<10000x64xf32, #tpu.memory_space<hbm>> -> memref<10000x64xf32, #tpu.memory_space<hbm>>
      tpu.wait_indirect_dma semaphore(%arg10 : memref<!tpu.dma_semaphore, #tpu.memory_space<semaphore_mem>>) src(%dma_wait3A_214 : memref<10000x64xf32, #tpu.memory_space<hbm>>) dst(%arg8 : memref<128x64xf32, #tpu.memory_space<vmem>>)
      %dma_start3A_215 = arith.constant 6 : i32
      %dma_start3A_216 = arith.constant 0 : i32
      %dma_start3A_217 = tpu.memref_slice %arg7[%dma_start3A_215, %dma_start3A_216] : memref<8x128xi32, #tpu.memory_space<vmem>> -> memref<1x128xi32, #tpu.memory_space<vmem>>
      %dma_start3A_218 = tpu.memref_squeeze %dma_start3A_217 : memref<1x128xi32, #tpu.memory_space<vmem>> -> memref<128xi32, #tpu.memory_space<vmem>>
      %dma_start3A_219 = arith.constant 0 : i32
      %dma_start3A_220 = arith.constant 0 : i32
      %dma_start3A_221 = tpu.memref_slice %arg14[%dma_start3A_219, %dma_start3A_220] : memref<10240x64xf32, #tpu.memory_space<vmem_shared>> -> memref<10240x64xf32, #tpu.memory_space<vmem_shared>>
      tpu.enqueue_indirect_dma source(%arg8 : memref<128x64xf32, #tpu.memory_space<vmem>>) target(%dma_start3A_221 : memref<10240x64xf32, #tpu.memory_space<vmem_shared>>) offsets(%dma_start3A_218 : memref<128xi32, #tpu.memory_space<vmem>>) semaphore(%arg12 : memref<!tpu.dma_semaphore, #tpu.memory_space<semaphore_mem>>) {add = true}
      %dma_wait3A_222 = arith.constant 7 : i32
      %dma_wait3A_223 = arith.constant 0 : i32
      %dma_wait3A_224 = tpu.memref_slice %arg6[%dma_wait3A_222, %dma_wait3A_223] : memref<8x128xi32, #tpu.memory_space<vmem>> -> memref<1x128xi32, #tpu.memory_space<vmem>>
      %dma_wait3A_225 = tpu.memref_squeeze %dma_wait3A_224 : memref<1x128xi32, #tpu.memory_space<vmem>> -> memref<128xi32, #tpu.memory_space<vmem>>
      %dma_wait3A_226 = arith.constant 0 : i32
      %dma_wait3A_227 = arith.constant 0 : i32
      %dma_wait3A_228 = tpu.memref_slice %arg2[%dma_wait3A_226, %dma_wait3A_227] : memref<10000x64xf32, #tpu.memory_space<hbm>> -> memref<10000x64xf32, #tpu.memory_space<hbm>>
      tpu.wait_indirect_dma semaphore(%arg11 : memref<!tpu.dma_semaphore, #tpu.memory_space<semaphore_mem>>) src(%dma_wait3A_228 : memref<10000x64xf32, #tpu.memory_space<hbm>>) dst(%arg9 : memref<128x64xf32, #tpu.memory_space<vmem>>)
      %dma_start3A_229 = arith.constant 7 : i32
      %dma_start3A_230 = arith.constant 0 : i32
      %dma_start3A_231 = tpu.memref_slice %arg7[%dma_start3A_229, %dma_start3A_230] : memref<8x128xi32, #tpu.memory_space<vmem>> -> memref<1x128xi32, #tpu.memory_space<vmem>>
      %dma_start3A_232 = tpu.memref_squeeze %dma_start3A_231 : memref<1x128xi32, #tpu.memory_space<vmem>> -> memref<128xi32, #tpu.memory_space<vmem>>
      %dma_start3A_233 = arith.constant 0 : i32
      %dma_start3A_234 = arith.constant 0 : i32
      %dma_start3A_235 = tpu.memref_slice %arg14[%dma_start3A_233, %dma_start3A_234] : memref<10240x64xf32, #tpu.memory_space<vmem_shared>> -> memref<10240x64xf32, #tpu.memory_space<vmem_shared>>
      tpu.enqueue_indirect_dma source(%arg9 : memref<128x64xf32, #tpu.memory_space<vmem>>) target(%dma_start3A_235 : memref<10240x64xf32, #tpu.memory_space<vmem_shared>>) offsets(%dma_start3A_232 : memref<128xi32, #tpu.memory_space<vmem>>) semaphore(%arg13 : memref<!tpu.dma_semaphore, #tpu.memory_space<semaphore_mem>>) {add = true}
      %dma_wait3A_236 = arith.constant 6 : i32
      %dma_wait3A_237 = arith.constant 0 : i32
      %dma_wait3A_238 = tpu.memref_slice %arg7[%dma_wait3A_236, %dma_wait3A_237] : memref<8x128xi32, #tpu.memory_space<vmem>> -> memref<1x128xi32, #tpu.memory_space<vmem>>
      %dma_wait3A_239 = tpu.memref_squeeze %dma_wait3A_238 : memref<1x128xi32, #tpu.memory_space<vmem>> -> memref<128xi32, #tpu.memory_space<vmem>>
      %dma_wait3A_240 = arith.constant 0 : i32
      %dma_wait3A_241 = arith.constant 0 : i32
      %dma_wait3A_242 = tpu.memref_slice %arg14[%dma_wait3A_240, %dma_wait3A_241] : memref<10240x64xf32, #tpu.memory_space<vmem_shared>> -> memref<10240x64xf32, #tpu.memory_space<vmem_shared>>
      tpu.wait_indirect_dma semaphore(%arg12 : memref<!tpu.dma_semaphore, #tpu.memory_space<semaphore_mem>>) src(%arg8 : memref<128x64xf32, #tpu.memory_space<vmem>>) dst(%dma_wait3A_242 : memref<10240x64xf32, #tpu.memory_space<vmem_shared>>)
      %dma_wait3A_243 = arith.constant 7 : i32
      %dma_wait3A_244 = arith.constant 0 : i32
      %dma_wait3A_245 = tpu.memref_slice %arg7[%dma_wait3A_243, %dma_wait3A_244] : memref<8x128xi32, #tpu.memory_space<vmem>> -> memref<1x128xi32, #tpu.memory_space<vmem>>
      %dma_wait3A_246 = tpu.memref_squeeze %dma_wait3A_245 : memref<1x128xi32, #tpu.memory_space<vmem>> -> memref<128xi32, #tpu.memory_space<vmem>>
      %dma_wait3A_247 = arith.constant 0 : i32
      %dma_wait3A_248 = arith.constant 0 : i32
      %dma_wait3A_249 = tpu.memref_slice %arg14[%dma_wait3A_247, %dma_wait3A_248] : memref<10240x64xf32, #tpu.memory_space<vmem_shared>> -> memref<10240x64xf32, #tpu.memory_space<vmem_shared>>
      tpu.wait_indirect_dma semaphore(%arg13 : memref<!tpu.dma_semaphore, #tpu.memory_space<semaphore_mem>>) src(%arg9 : memref<128x64xf32, #tpu.memory_space<vmem>>) dst(%dma_wait3A_249 : memref<10240x64xf32, #tpu.memory_space<vmem_shared>>)
    }
    %scan3A_18 = arith.constant 77 : i32
    %barrier3A_19 = arith.constant 0 : index
    tpu.barrier barrier_id(%barrier3A_19)
    "tpu.region"() ({
      %run_scoped3A = tpu.sem_alloc : memref<!tpu.dma_semaphore, #tpu.memory_space<semaphore_mem>>
      %dma_start3A = arith.constant 0 : i32
      %dma_start3A_20 = tpu.memref_slice %arg5[%arg0, %mul3A_6, %dma_start3A] : memref<2x10240x64xf32, #tpu.memory_space<hbm>> -> memref<1x640x64xf32, #tpu.memory_space<hbm>>
      %dma_start3A_21 = tpu.memref_squeeze %dma_start3A_20 : memref<1x640x64xf32, #tpu.memory_space<hbm>> -> memref<640x64xf32, #tpu.memory_space<hbm>>
      %dma_start3A_22 = arith.constant 0 : i32
      %dma_start3A_23 = tpu.memref_slice %arg14[%mul3A_6, %dma_start3A_22] : memref<10240x64xf32, #tpu.memory_space<vmem_shared>> -> memref<640x64xf32, #tpu.memory_space<vmem_shared>>
      tpu.enqueue_dma source(%dma_start3A_23 : memref<640x64xf32, #tpu.memory_space<vmem_shared>>) target(%dma_start3A_21 : memref<640x64xf32, #tpu.memory_space<hbm>>) target_semaphore(%run_scoped3A : memref<!tpu.dma_semaphore, #tpu.memory_space<semaphore_mem>>)
      %dma_wait3A = arith.constant 0 : i32
      %dma_wait3A_24 = tpu.memref_slice %arg5[%arg0, %mul3A_6, %dma_wait3A] : memref<2x10240x64xf32, #tpu.memory_space<hbm>> -> memref<1x640x64xf32, #tpu.memory_space<hbm>>
      %dma_wait3A_25 = tpu.memref_squeeze %dma_wait3A_24 : memref<1x640x64xf32, #tpu.memory_space<hbm>> -> memref<640x64xf32, #tpu.memory_space<hbm>>
      %dma_wait3A_26 = arith.constant 0 : i32
      %dma_wait3A_27 = tpu.memref_slice %arg14[%mul3A_6, %dma_wait3A_26] : memref<10240x64xf32, #tpu.memory_space<vmem_shared>> -> memref<640x64xf32, #tpu.memory_space<vmem_shared>>
      tpu.wait_dma2 semaphore(%run_scoped3A : memref<!tpu.dma_semaphore, #tpu.memory_space<semaphore_mem>>) src(%dma_wait3A_27 : memref<640x64xf32, #tpu.memory_space<vmem_shared>>) dst(%dma_wait3A_25 : memref<640x64xf32, #tpu.memory_space<hbm>>)
      tpu.yield
    }) : () -> ()
    return
  }
}

#map = affine_map<(d0, d1) -> (0, 0)>
#map1 = affine_map<(d0, d1) -> (0, 0, 0)>
module attributes {stable_mosaic.version = 14 : i64} {
  func.func @k(%arg0: i32, %arg1: i32, %arg2: memref<10000x128xf32, #tpu.memory_space<hbm>>, %arg3: memref<19712x128xi32, #tpu.memory_space<hbm>>, %arg4: memref<19712x128xi32, #tpu.memory_space<hbm>>, %arg5: memref<2x10240x128xf32, #tpu.memory_space<hbm>>, %arg6: memref<8x128xi32, #tpu.memory_space<vmem>>, %arg7: memref<8x128xi32, #tpu.memory_space<vmem>>, %arg8: memref<128x128xf32, #tpu.memory_space<vmem>>, %arg9: memref<128x128xf32, #tpu.memory_space<vmem>>, %arg10: memref<!tpu.dma_semaphore, #tpu.memory_space<semaphore_mem>>, %arg11: memref<!tpu.dma_semaphore, #tpu.memory_space<semaphore_mem>>, %arg12: memref<!tpu.dma_semaphore, #tpu.memory_space<semaphore_mem>>, %arg13: memref<!tpu.dma_semaphore, #tpu.memory_space<semaphore_mem>>, %arg14: memref<10240x128xf32, #tpu.memory_space<vmem_shared>>) attributes {dimension_semantics = [#tpu.dimension_semantics<core_parallel>, #tpu.dimension_semantics<subcore_parallel>], iteration_bounds = array<i64: 2, 16>, scalar_prefetch = 0 : i64, scratch_operands = 9 : i64, tpu.core_type = #tpu.core_type<sc_vector_subcore>, window_params = [{transform_indices = #map}, {transform_indices = #map}, {transform_indices = #map}, {transform_indices = #map1}]} {
    %mul3A = arith.constant 2 : i32
    %mul3A_0 = arith.muli %arg1, %mul3A : i32
    %add3A = arith.addi %mul3A_0, %arg0 : i32
    %scan3A = arith.constant 0 : i32
    %scan3A_1 = arith.constant 128 : i32
    %scan3A_2 = arith.addi %scan3A, %scan3A_1 : i32
    %scan3A_3 = arith.constant 1 : i32
    scf.for %scan3A_20 = %scan3A to %scan3A_2 step %scan3A_3  : i32 {
      %mul3A_21 = arith.constant 1 : i32
      %mul3A_22 = arith.muli %scan3A_20, %mul3A_21 : i32
      %add3A_23 = arith.constant 0 : i32
      %add3A_24 = arith.addi %add3A_23, %mul3A_22 : i32
      %scan3A_25 = arith.constant 0 : i32
      %scan3A_26 = arith.constant 8 : i32
      %scan3A_27 = arith.addi %scan3A_25, %scan3A_26 : i32
      %scan3A_28 = arith.constant 1 : i32
      scf.for %scan3A_30 = %scan3A_25 to %scan3A_27 step %scan3A_28  : i32 {
        %mul3A_31 = arith.constant 16 : i32
        %mul3A_32 = arith.muli %scan3A_30, %mul3A_31 : i32
        %add3A_33 = arith.constant 0 : i32
        %add3A_34 = arith.addi %add3A_33, %mul3A_32 : i32
        %broadcast_in_dim3A = arith.constant 0.000000e+00 : f32
        %broadcast_in_dim3A_35 = vector.broadcast %broadcast_in_dim3A : f32 to vector<1x16xf32>
        %swap3A = arith.index_cast %add3A_24 : i32 to index
        %swap3A_36 = arith.index_cast %add3A_34 : i32 to index
        %swap3A_37 = tpu.vector_load %arg8[%swap3A, %swap3A_36] {strides = array<i32>} : memref<128x128xf32, #tpu.memory_space<vmem>>, vector<1x16xf32>,
        %swap3A_38 = vector.shape_cast %swap3A_37 : vector<1x16xf32> to vector<1x16xf32>
        %swap3A_39 = vector.shape_cast %broadcast_in_dim3A_35 : vector<1x16xf32> to vector<1x16xf32>
        tpu.vector_store %arg8[%swap3A, %swap3A_36], %swap3A_39 {strides = array<i32>} : memref<128x128xf32, #tpu.memory_space<vmem>>, vector<1x16xf32>,
      }
      %scan3A_29 = arith.constant 8 : i32
    }
    %scan3A_4 = arith.constant 128 : i32
    %mul3A_5 = arith.constant 640 : i32
    %mul3A_6 = arith.muli %arg1, %mul3A_5 : i32
    %scan3A_7 = arith.constant 0 : i32
    %scan3A_8 = arith.constant 5 : i32
    %scan3A_9 = arith.addi %scan3A_7, %scan3A_8 : i32
    %scan3A_10 = arith.constant 1 : i32
    scf.for %scan3A_20 = %scan3A_7 to %scan3A_9 step %scan3A_10  : i32 {
      %mul3A_21 = arith.constant 128 : i32
      %mul3A_22 = arith.muli %scan3A_20, %mul3A_21 : i32
      %add3A_23 = arith.constant 0 : i32
      %add3A_24 = arith.addi %add3A_23, %mul3A_22 : i32
      %add3A_25 = arith.addi %mul3A_6, %add3A_24 : i32
      "tpu.region"() ({
        %run_scoped3A = tpu.sem_alloc : memref<!tpu.dma_semaphore, #tpu.memory_space<semaphore_mem>>
        %dma_start3A = arith.constant 0 : i32
        %dma_start3A_26 = tpu.memref_slice %arg14[%add3A_25, %dma_start3A] : memref<10240x128xf32, #tpu.memory_space<vmem_shared>> -> memref<128x128xf32, #tpu.memory_space<vmem_shared>>
        %dma_start3A_27 = arith.constant 0 : i32
        %dma_start3A_28 = tpu.memref_slice %arg14[%add3A_25, %dma_start3A_27] : memref<10240x128xf32, #tpu.memory_space<vmem_shared>> -> memref<128x128xf32, #tpu.memory_space<vmem_shared>>
        tpu.enqueue_dma source(%arg8 : memref<128x128xf32, #tpu.memory_space<vmem>>) target(%dma_start3A_28 : memref<128x128xf32, #tpu.memory_space<vmem_shared>>) target_semaphore(%run_scoped3A : memref<!tpu.dma_semaphore, #tpu.memory_space<semaphore_mem>>)
        %dma_wait3A = arith.constant 0 : i32
        %dma_wait3A_29 = tpu.memref_slice %arg14[%add3A_25, %dma_wait3A] : memref<10240x128xf32, #tpu.memory_space<vmem_shared>> -> memref<128x128xf32, #tpu.memory_space<vmem_shared>>
        %dma_wait3A_30 = arith.constant 0 : i32
        %dma_wait3A_31 = tpu.memref_slice %arg14[%add3A_25, %dma_wait3A_30] : memref<10240x128xf32, #tpu.memory_space<vmem_shared>> -> memref<128x128xf32, #tpu.memory_space<vmem_shared>>
        tpu.wait_dma2 semaphore(%run_scoped3A : memref<!tpu.dma_semaphore, #tpu.memory_space<semaphore_mem>>) src(%arg8 : memref<128x128xf32, #tpu.memory_space<vmem>>) dst(%dma_wait3A_31 : memref<128x128xf32, #tpu.memory_space<vmem_shared>>)
        tpu.yield
      }) : () -> ()
    }
    %scan3A_11 = arith.constant 5 : i32
    %barrier3A = arith.constant 0 : index
    tpu.barrier barrier_id(%barrier3A)
    %mul3A_12 = arith.constant 616 : i32
    %mul3A_13 = arith.muli %add3A, %mul3A_12 : i32
    %scan3A_14 = arith.constant 0 : i32
    %scan3A_15 = arith.constant 77 : i32
    %scan3A_16 = arith.addi %scan3A_14, %scan3A_15 : i32
    %scan3A_17 = arith.constant 1 : i32
    scf.for %scan3A_20 = %scan3A_14 to %scan3A_16 step %scan3A_17  : i32 {
      %mul3A_21 = arith.constant 1 : i32
      %mul3A_22 = arith.muli %scan3A_20, %mul3A_21 : i32
      %add3A_23 = arith.constant 0 : i32
      %add3A_24 = arith.addi %add3A_23, %mul3A_22 : i32
      %mul3A_25 = arith.constant 8 : i32
      %mul3A_26 = arith.muli %add3A_24, %mul3A_25 : i32
      %add3A_27 = arith.addi %mul3A_13, %mul3A_26 : i32
      "tpu.region"() ({
        %run_scoped3A = tpu.sem_alloc : memref<!tpu.dma_semaphore, #tpu.memory_space<semaphore_mem>>
        %dma_start3A_250 = arith.constant 0 : i32
        %dma_start3A_251 = tpu.memref_slice %arg3[%add3A_27, %dma_start3A_250] : memref<19712x128xi32, #tpu.memory_space<hbm>> -> memref<8x128xi32, #tpu.memory_space<hbm>>
        %dma_start3A_252 = arith.constant 0 : i32
        %dma_start3A_253 = tpu.memref_slice %arg3[%add3A_27, %dma_start3A_252] : memref<19712x128xi32, #tpu.memory_space<hbm>> -> memref<8x128xi32, #tpu.memory_space<hbm>>
        tpu.enqueue_dma source(%dma_start3A_253 : memref<8x128xi32, #tpu.memory_space<hbm>>) target(%arg6 : memref<8x128xi32, #tpu.memory_space<vmem>>) target_semaphore(%run_scoped3A : memref<!tpu.dma_semaphore, #tpu.memory_space<semaphore_mem>>)
        %dma_wait3A_254 = arith.constant 0 : i32
        %dma_wait3A_255 = tpu.memref_slice %arg3[%add3A_27, %dma_wait3A_254] : memref<19712x128xi32, #tpu.memory_space<hbm>> -> memref<8x128xi32, #tpu.memory_space<hbm>>
        %dma_wait3A_256 = arith.constant 0 : i32
        %dma_wait3A_257 = tpu.memref_slice %arg3[%add3A_27, %dma_wait3A_256] : memref<19712x128xi32, #tpu.memory_space<hbm>> -> memref<8x128xi32, #tpu.memory_space<hbm>>
        tpu.wait_dma2 semaphore(%run_scoped3A : memref<!tpu.dma_semaphore, #tpu.memory_space<semaphore_mem>>) src(%dma_wait3A_257 : memref<8x128xi32, #tpu.memory_space<hbm>>) dst(%arg6 : memref<8x128xi32, #tpu.memory_space<vmem>>)
        tpu.yield
      }) : () -> ()
      "tpu.region"() ({
        %run_scoped3A = tpu.sem_alloc : memref<!tpu.dma_semaphore, #tpu.memory_space<semaphore_mem>>
        %dma_start3A_250 = arith.constant 0 : i32
        %dma_start3A_251 = tpu.memref_slice %arg4[%add3A_27, %dma_start3A_250] : memref<19712x128xi32, #tpu.memory_space<hbm>> -> memref<8x128xi32, #tpu.memory_space<hbm>>
        %dma_start3A_252 = arith.constant 0 : i32
        %dma_start3A_253 = tpu.memref_slice %arg4[%add3A_27, %dma_start3A_252] : memref<19712x128xi32, #tpu.memory_space<hbm>> -> memref<8x128xi32, #tpu.memory_space<hbm>>
        tpu.enqueue_dma source(%dma_start3A_253 : memref<8x128xi32, #tpu.memory_space<hbm>>) target(%arg7 : memref<8x128xi32, #tpu.memory_space<vmem>>) target_semaphore(%run_scoped3A : memref<!tpu.dma_semaphore, #tpu.memory_space<semaphore_mem>>)
        %dma_wait3A_254 = arith.constant 0 : i32
        %dma_wait3A_255 = tpu.memref_slice %arg4[%add3A_27, %dma_wait3A_254] : memref<19712x128xi32, #tpu.memory_space<hbm>> -> memref<8x128xi32, #tpu.memory_space<hbm>>
        %dma_wait3A_256 = arith.constant 0 : i32
        %dma_wait3A_257 = tpu.memref_slice %arg4[%add3A_27, %dma_wait3A_256] : memref<19712x128xi32, #tpu.memory_space<hbm>> -> memref<8x128xi32, #tpu.memory_space<hbm>>
        tpu.wait_dma2 semaphore(%run_scoped3A : memref<!tpu.dma_semaphore, #tpu.memory_space<semaphore_mem>>) src(%dma_wait3A_257 : memref<8x128xi32, #tpu.memory_space<hbm>>) dst(%arg7 : memref<8x128xi32, #tpu.memory_space<vmem>>)
        tpu.yield
      }) : () -> ()
      %dma_start3A = arith.constant 0 : i32
      %dma_start3A_28 = arith.constant 0 : i32
      %dma_start3A_29 = tpu.memref_slice %arg6[%dma_start3A, %dma_start3A_28] : memref<8x128xi32, #tpu.memory_space<vmem>> -> memref<1x128xi32, #tpu.memory_space<vmem>>
      %dma_start3A_30 = tpu.memref_squeeze %dma_start3A_29 : memref<1x128xi32, #tpu.memory_space<vmem>> -> memref<128xi32, #tpu.memory_space<vmem>>
      %dma_start3A_31 = arith.constant 0 : i32
      %dma_start3A_32 = arith.constant 0 : i32
      %dma_start3A_33 = tpu.memref_slice %arg2[%dma_start3A_31, %dma_start3A_32] : memref<10000x128xf32, #tpu.memory_space<hbm>> -> memref<10000x128xf32, #tpu.memory_space<hbm>>
      tpu.enqueue_indirect_dma source(%dma_start3A_33 : memref<10000x128xf32, #tpu.memory_space<hbm>>) target(%arg8 : memref<128x128xf32, #tpu.memory_space<vmem>>) offsets(%dma_start3A_30 : memref<128xi32, #tpu.memory_space<vmem>>) semaphore(%arg10 : memref<!tpu.dma_semaphore, #tpu.memory_space<semaphore_mem>>)
      %dma_start3A_34 = arith.constant 1 : i32
      %dma_start3A_35 = arith.constant 0 : i32
      %dma_start3A_36 = tpu.memref_slice %arg6[%dma_start3A_34, %dma_start3A_35] : memref<8x128xi32, #tpu.memory_space<vmem>> -> memref<1x128xi32, #tpu.memory_space<vmem>>
      %dma_start3A_37 = tpu.memref_squeeze %dma_start3A_36 : memref<1x128xi32, #tpu.memory_space<vmem>> -> memref<128xi32, #tpu.memory_space<vmem>>
      %dma_start3A_38 = arith.constant 0 : i32
      %dma_start3A_39 = arith.constant 0 : i32
      %dma_start3A_40 = tpu.memref_slice %arg2[%dma_start3A_38, %dma_start3A_39] : memref<10000x128xf32, #tpu.memory_space<hbm>> -> memref<10000x128xf32, #tpu.memory_space<hbm>>
      tpu.enqueue_indirect_dma source(%dma_start3A_40 : memref<10000x128xf32, #tpu.memory_space<hbm>>) target(%arg9 : memref<128x128xf32, #tpu.memory_space<vmem>>) offsets(%dma_start3A_37 : memref<128xi32, #tpu.memory_space<vmem>>) semaphore(%arg11 : memref<!tpu.dma_semaphore, #tpu.memory_space<semaphore_mem>>)
      %dma_wait3A = arith.constant 0 : i32
      %dma_wait3A_41 = arith.constant 0 : i32
      %dma_wait3A_42 = tpu.memref_slice %arg6[%dma_wait3A, %dma_wait3A_41] : memref<8x128xi32, #tpu.memory_space<vmem>> -> memref<1x128xi32, #tpu.memory_space<vmem>>
      %dma_wait3A_43 = tpu.memref_squeeze %dma_wait3A_42 : memref<1x128xi32, #tpu.memory_space<vmem>> -> memref<128xi32, #tpu.memory_space<vmem>>
      %dma_wait3A_44 = arith.constant 0 : i32
      %dma_wait3A_45 = arith.constant 0 : i32
      %dma_wait3A_46 = tpu.memref_slice %arg2[%dma_wait3A_44, %dma_wait3A_45] : memref<10000x128xf32, #tpu.memory_space<hbm>> -> memref<10000x128xf32, #tpu.memory_space<hbm>>
      tpu.wait_indirect_dma semaphore(%arg10 : memref<!tpu.dma_semaphore, #tpu.memory_space<semaphore_mem>>) src(%dma_wait3A_46 : memref<10000x128xf32, #tpu.memory_space<hbm>>) dst(%arg8 : memref<128x128xf32, #tpu.memory_space<vmem>>)
      %dma_start3A_47 = arith.constant 0 : i32
      %dma_start3A_48 = arith.constant 0 : i32
      %dma_start3A_49 = tpu.memref_slice %arg7[%dma_start3A_47, %dma_start3A_48] : memref<8x128xi32, #tpu.memory_space<vmem>> -> memref<1x128xi32, #tpu.memory_space<vmem>>
      %dma_start3A_50 = tpu.memref_squeeze %dma_start3A_49 : memref<1x128xi32, #tpu.memory_space<vmem>> -> memref<128xi32, #tpu.memory_space<vmem>>
      %dma_start3A_51 = arith.constant 0 : i32
      %dma_start3A_52 = arith.constant 0 : i32
      %dma_start3A_53 = tpu.memref_slice %arg14[%dma_start3A_51, %dma_start3A_52] : memref<10240x128xf32, #tpu.memory_space<vmem_shared>> -> memref<10240x128xf32, #tpu.memory_space<vmem_shared>>
      tpu.enqueue_indirect_dma source(%arg8 : memref<128x128xf32, #tpu.memory_space<vmem>>) target(%dma_start3A_53 : memref<10240x128xf32, #tpu.memory_space<vmem_shared>>) offsets(%dma_start3A_50 : memref<128xi32, #tpu.memory_space<vmem>>) semaphore(%arg12 : memref<!tpu.dma_semaphore, #tpu.memory_space<semaphore_mem>>) {add = true}
      %dma_wait3A_54 = arith.constant 0 : i32
      %dma_wait3A_55 = arith.constant 0 : i32
      %dma_wait3A_56 = tpu.memref_slice %arg7[%dma_wait3A_54, %dma_wait3A_55] : memref<8x128xi32, #tpu.memory_space<vmem>> -> memref<1x128xi32, #tpu.memory_space<vmem>>
      %dma_wait3A_57 = tpu.memref_squeeze %dma_wait3A_56 : memref<1x128xi32, #tpu.memory_space<vmem>> -> memref<128xi32, #tpu.memory_space<vmem>>
      %dma_wait3A_58 = arith.constant 0 : i32
      %dma_wait3A_59 = arith.constant 0 : i32
      %dma_wait3A_60 = tpu.memref_slice %arg14[%dma_wait3A_58, %dma_wait3A_59] : memref<10240x128xf32, #tpu.memory_space<vmem_shared>> -> memref<10240x128xf32, #tpu.memory_space<vmem_shared>>
      tpu.wait_indirect_dma semaphore(%arg12 : memref<!tpu.dma_semaphore, #tpu.memory_space<semaphore_mem>>) src(%arg8 : memref<128x128xf32, #tpu.memory_space<vmem>>) dst(%dma_wait3A_60 : memref<10240x128xf32, #tpu.memory_space<vmem_shared>>)
      %dma_start3A_61 = arith.constant 2 : i32
      %dma_start3A_62 = arith.constant 0 : i32
      %dma_start3A_63 = tpu.memref_slice %arg6[%dma_start3A_61, %dma_start3A_62] : memref<8x128xi32, #tpu.memory_space<vmem>> -> memref<1x128xi32, #tpu.memory_space<vmem>>
      %dma_start3A_64 = tpu.memref_squeeze %dma_start3A_63 : memref<1x128xi32, #tpu.memory_space<vmem>> -> memref<128xi32, #tpu.memory_space<vmem>>
      %dma_start3A_65 = arith.constant 0 : i32
      %dma_start3A_66 = arith.constant 0 : i32
      %dma_start3A_67 = tpu.memref_slice %arg2[%dma_start3A_65, %dma_start3A_66] : memref<10000x128xf32, #tpu.memory_space<hbm>> -> memref<10000x128xf32, #tpu.memory_space<hbm>>
      tpu.enqueue_indirect_dma source(%dma_start3A_67 : memref<10000x128xf32, #tpu.memory_space<hbm>>) target(%arg8 : memref<128x128xf32, #tpu.memory_space<vmem>>) offsets(%dma_start3A_64 : memref<128xi32, #tpu.memory_space<vmem>>) semaphore(%arg10 : memref<!tpu.dma_semaphore, #tpu.memory_space<semaphore_mem>>)
      %dma_wait3A_68 = arith.constant 1 : i32
      %dma_wait3A_69 = arith.constant 0 : i32
      %dma_wait3A_70 = tpu.memref_slice %arg6[%dma_wait3A_68, %dma_wait3A_69] : memref<8x128xi32, #tpu.memory_space<vmem>> -> memref<1x128xi32, #tpu.memory_space<vmem>>
      %dma_wait3A_71 = tpu.memref_squeeze %dma_wait3A_70 : memref<1x128xi32, #tpu.memory_space<vmem>> -> memref<128xi32, #tpu.memory_space<vmem>>
      %dma_wait3A_72 = arith.constant 0 : i32
      %dma_wait3A_73 = arith.constant 0 : i32
      %dma_wait3A_74 = tpu.memref_slice %arg2[%dma_wait3A_72, %dma_wait3A_73] : memref<10000x128xf32, #tpu.memory_space<hbm>> -> memref<10000x128xf32, #tpu.memory_space<hbm>>
      tpu.wait_indirect_dma semaphore(%arg11 : memref<!tpu.dma_semaphore, #tpu.memory_space<semaphore_mem>>) src(%dma_wait3A_74 : memref<10000x128xf32, #tpu.memory_space<hbm>>) dst(%arg9 : memref<128x128xf32, #tpu.memory_space<vmem>>)
      %dma_start3A_75 = arith.constant 1 : i32
      %dma_start3A_76 = arith.constant 0 : i32
      %dma_start3A_77 = tpu.memref_slice %arg7[%dma_start3A_75, %dma_start3A_76] : memref<8x128xi32, #tpu.memory_space<vmem>> -> memref<1x128xi32, #tpu.memory_space<vmem>>
      %dma_start3A_78 = tpu.memref_squeeze %dma_start3A_77 : memref<1x128xi32, #tpu.memory_space<vmem>> -> memref<128xi32, #tpu.memory_space<vmem>>
      %dma_start3A_79 = arith.constant 0 : i32
      %dma_start3A_80 = arith.constant 0 : i32
      %dma_start3A_81 = tpu.memref_slice %arg14[%dma_start3A_79, %dma_start3A_80] : memref<10240x128xf32, #tpu.memory_space<vmem_shared>> -> memref<10240x128xf32, #tpu.memory_space<vmem_shared>>
      tpu.enqueue_indirect_dma source(%arg9 : memref<128x128xf32, #tpu.memory_space<vmem>>) target(%dma_start3A_81 : memref<10240x128xf32, #tpu.memory_space<vmem_shared>>) offsets(%dma_start3A_78 : memref<128xi32, #tpu.memory_space<vmem>>) semaphore(%arg13 : memref<!tpu.dma_semaphore, #tpu.memory_space<semaphore_mem>>) {add = true}
      %dma_wait3A_82 = arith.constant 1 : i32
      %dma_wait3A_83 = arith.constant 0 : i32
      %dma_wait3A_84 = tpu.memref_slice %arg7[%dma_wait3A_82, %dma_wait3A_83] : memref<8x128xi32, #tpu.memory_space<vmem>> -> memref<1x128xi32, #tpu.memory_space<vmem>>
      %dma_wait3A_85 = tpu.memref_squeeze %dma_wait3A_84 : memref<1x128xi32, #tpu.memory_space<vmem>> -> memref<128xi32, #tpu.memory_space<vmem>>
      %dma_wait3A_86 = arith.constant 0 : i32
      %dma_wait3A_87 = arith.constant 0 : i32
      %dma_wait3A_88 = tpu.memref_slice %arg14[%dma_wait3A_86, %dma_wait3A_87] : memref<10240x128xf32, #tpu.memory_space<vmem_shared>> -> memref<10240x128xf32, #tpu.memory_space<vmem_shared>>
      tpu.wait_indirect_dma semaphore(%arg13 : memref<!tpu.dma_semaphore, #tpu.memory_space<semaphore_mem>>) src(%arg9 : memref<128x128xf32, #tpu.memory_space<vmem>>) dst(%dma_wait3A_88 : memref<10240x128xf32, #tpu.memory_space<vmem_shared>>)
      %dma_start3A_89 = arith.constant 3 : i32
      %dma_start3A_90 = arith.constant 0 : i32
      %dma_start3A_91 = tpu.memref_slice %arg6[%dma_start3A_89, %dma_start3A_90] : memref<8x128xi32, #tpu.memory_space<vmem>> -> memref<1x128xi32, #tpu.memory_space<vmem>>
      %dma_start3A_92 = tpu.memref_squeeze %dma_start3A_91 : memref<1x128xi32, #tpu.memory_space<vmem>> -> memref<128xi32, #tpu.memory_space<vmem>>
      %dma_start3A_93 = arith.constant 0 : i32
      %dma_start3A_94 = arith.constant 0 : i32
      %dma_start3A_95 = tpu.memref_slice %arg2[%dma_start3A_93, %dma_start3A_94] : memref<10000x128xf32, #tpu.memory_space<hbm>> -> memref<10000x128xf32, #tpu.memory_space<hbm>>
      tpu.enqueue_indirect_dma source(%dma_start3A_95 : memref<10000x128xf32, #tpu.memory_space<hbm>>) target(%arg9 : memref<128x128xf32, #tpu.memory_space<vmem>>) offsets(%dma_start3A_92 : memref<128xi32, #tpu.memory_space<vmem>>) semaphore(%arg11 : memref<!tpu.dma_semaphore, #tpu.memory_space<semaphore_mem>>)
      %dma_wait3A_96 = arith.constant 2 : i32
      %dma_wait3A_97 = arith.constant 0 : i32
      %dma_wait3A_98 = tpu.memref_slice %arg6[%dma_wait3A_96, %dma_wait3A_97] : memref<8x128xi32, #tpu.memory_space<vmem>> -> memref<1x128xi32, #tpu.memory_space<vmem>>
      %dma_wait3A_99 = tpu.memref_squeeze %dma_wait3A_98 : memref<1x128xi32, #tpu.memory_space<vmem>> -> memref<128xi32, #tpu.memory_space<vmem>>
      %dma_wait3A_100 = arith.constant 0 : i32
      %dma_wait3A_101 = arith.constant 0 : i32
      %dma_wait3A_102 = tpu.memref_slice %arg2[%dma_wait3A_100, %dma_wait3A_101] : memref<10000x128xf32, #tpu.memory_space<hbm>> -> memref<10000x128xf32, #tpu.memory_space<hbm>>
      tpu.wait_indirect_dma semaphore(%arg10 : memref<!tpu.dma_semaphore, #tpu.memory_space<semaphore_mem>>) src(%dma_wait3A_102 : memref<10000x128xf32, #tpu.memory_space<hbm>>) dst(%arg8 : memref<128x128xf32, #tpu.memory_space<vmem>>)
      %dma_start3A_103 = arith.constant 2 : i32
      %dma_start3A_104 = arith.constant 0 : i32
      %dma_start3A_105 = tpu.memref_slice %arg7[%dma_start3A_103, %dma_start3A_104] : memref<8x128xi32, #tpu.memory_space<vmem>> -> memref<1x128xi32, #tpu.memory_space<vmem>>
      %dma_start3A_106 = tpu.memref_squeeze %dma_start3A_105 : memref<1x128xi32, #tpu.memory_space<vmem>> -> memref<128xi32, #tpu.memory_space<vmem>>
      %dma_start3A_107 = arith.constant 0 : i32
      %dma_start3A_108 = arith.constant 0 : i32
      %dma_start3A_109 = tpu.memref_slice %arg14[%dma_start3A_107, %dma_start3A_108] : memref<10240x128xf32, #tpu.memory_space<vmem_shared>> -> memref<10240x128xf32, #tpu.memory_space<vmem_shared>>
      tpu.enqueue_indirect_dma source(%arg8 : memref<128x128xf32, #tpu.memory_space<vmem>>) target(%dma_start3A_109 : memref<10240x128xf32, #tpu.memory_space<vmem_shared>>) offsets(%dma_start3A_106 : memref<128xi32, #tpu.memory_space<vmem>>) semaphore(%arg12 : memref<!tpu.dma_semaphore, #tpu.memory_space<semaphore_mem>>) {add = true}
      %dma_wait3A_110 = arith.constant 2 : i32
      %dma_wait3A_111 = arith.constant 0 : i32
      %dma_wait3A_112 = tpu.memref_slice %arg7[%dma_wait3A_110, %dma_wait3A_111] : memref<8x128xi32, #tpu.memory_space<vmem>> -> memref<1x128xi32, #tpu.memory_space<vmem>>
      %dma_wait3A_113 = tpu.memref_squeeze %dma_wait3A_112 : memref<1x128xi32, #tpu.memory_space<vmem>> -> memref<128xi32, #tpu.memory_space<vmem>>
      %dma_wait3A_114 = arith.constant 0 : i32
      %dma_wait3A_115 = arith.constant 0 : i32
      %dma_wait3A_116 = tpu.memref_slice %arg14[%dma_wait3A_114, %dma_wait3A_115] : memref<10240x128xf32, #tpu.memory_space<vmem_shared>> -> memref<10240x128xf32, #tpu.memory_space<vmem_shared>>
      tpu.wait_indirect_dma semaphore(%arg12 : memref<!tpu.dma_semaphore, #tpu.memory_space<semaphore_mem>>) src(%arg8 : memref<128x128xf32, #tpu.memory_space<vmem>>) dst(%dma_wait3A_116 : memref<10240x128xf32, #tpu.memory_space<vmem_shared>>)
      %dma_start3A_117 = arith.constant 4 : i32
      %dma_start3A_118 = arith.constant 0 : i32
      %dma_start3A_119 = tpu.memref_slice %arg6[%dma_start3A_117, %dma_start3A_118] : memref<8x128xi32, #tpu.memory_space<vmem>> -> memref<1x128xi32, #tpu.memory_space<vmem>>
      %dma_start3A_120 = tpu.memref_squeeze %dma_start3A_119 : memref<1x128xi32, #tpu.memory_space<vmem>> -> memref<128xi32, #tpu.memory_space<vmem>>
      %dma_start3A_121 = arith.constant 0 : i32
      %dma_start3A_122 = arith.constant 0 : i32
      %dma_start3A_123 = tpu.memref_slice %arg2[%dma_start3A_121, %dma_start3A_122] : memref<10000x128xf32, #tpu.memory_space<hbm>> -> memref<10000x128xf32, #tpu.memory_space<hbm>>
      tpu.enqueue_indirect_dma source(%dma_start3A_123 : memref<10000x128xf32, #tpu.memory_space<hbm>>) target(%arg8 : memref<128x128xf32, #tpu.memory_space<vmem>>) offsets(%dma_start3A_120 : memref<128xi32, #tpu.memory_space<vmem>>) semaphore(%arg10 : memref<!tpu.dma_semaphore, #tpu.memory_space<semaphore_mem>>)
      %dma_wait3A_124 = arith.constant 3 : i32
      %dma_wait3A_125 = arith.constant 0 : i32
      %dma_wait3A_126 = tpu.memref_slice %arg6[%dma_wait3A_124, %dma_wait3A_125] : memref<8x128xi32, #tpu.memory_space<vmem>> -> memref<1x128xi32, #tpu.memory_space<vmem>>
      %dma_wait3A_127 = tpu.memref_squeeze %dma_wait3A_126 : memref<1x128xi32, #tpu.memory_space<vmem>> -> memref<128xi32, #tpu.memory_space<vmem>>
      %dma_wait3A_128 = arith.constant 0 : i32
      %dma_wait3A_129 = arith.constant 0 : i32
      %dma_wait3A_130 = tpu.memref_slice %arg2[%dma_wait3A_128, %dma_wait3A_129] : memref<10000x128xf32, #tpu.memory_space<hbm>> -> memref<10000x128xf32, #tpu.memory_space<hbm>>
      tpu.wait_indirect_dma semaphore(%arg11 : memref<!tpu.dma_semaphore, #tpu.memory_space<semaphore_mem>>) src(%dma_wait3A_130 : memref<10000x128xf32, #tpu.memory_space<hbm>>) dst(%arg9 : memref<128x128xf32, #tpu.memory_space<vmem>>)
      %dma_start3A_131 = arith.constant 3 : i32
      %dma_start3A_132 = arith.constant 0 : i32
      %dma_start3A_133 = tpu.memref_slice %arg7[%dma_start3A_131, %dma_start3A_132] : memref<8x128xi32, #tpu.memory_space<vmem>> -> memref<1x128xi32, #tpu.memory_space<vmem>>
      %dma_start3A_134 = tpu.memref_squeeze %dma_start3A_133 : memref<1x128xi32, #tpu.memory_space<vmem>> -> memref<128xi32, #tpu.memory_space<vmem>>
      %dma_start3A_135 = arith.constant 0 : i32
      %dma_start3A_136 = arith.constant 0 : i32
      %dma_start3A_137 = tpu.memref_slice %arg14[%dma_start3A_135, %dma_start3A_136] : memref<10240x128xf32, #tpu.memory_space<vmem_shared>> -> memref<10240x128xf32, #tpu.memory_space<vmem_shared>>
      tpu.enqueue_indirect_dma source(%arg9 : memref<128x128xf32, #tpu.memory_space<vmem>>) target(%dma_start3A_137 : memref<10240x128xf32, #tpu.memory_space<vmem_shared>>) offsets(%dma_start3A_134 : memref<128xi32, #tpu.memory_space<vmem>>) semaphore(%arg13 : memref<!tpu.dma_semaphore, #tpu.memory_space<semaphore_mem>>) {add = true}
      %dma_wait3A_138 = arith.constant 3 : i32
      %dma_wait3A_139 = arith.constant 0 : i32
      %dma_wait3A_140 = tpu.memref_slice %arg7[%dma_wait3A_138, %dma_wait3A_139] : memref<8x128xi32, #tpu.memory_space<vmem>> -> memref<1x128xi32, #tpu.memory_space<vmem>>
      %dma_wait3A_141 = tpu.memref_squeeze %dma_wait3A_140 : memref<1x128xi32, #tpu.memory_space<vmem>> -> memref<128xi32, #tpu.memory_space<vmem>>
      %dma_wait3A_142 = arith.constant 0 : i32
      %dma_wait3A_143 = arith.constant 0 : i32
      %dma_wait3A_144 = tpu.memref_slice %arg14[%dma_wait3A_142, %dma_wait3A_143] : memref<10240x128xf32, #tpu.memory_space<vmem_shared>> -> memref<10240x128xf32, #tpu.memory_space<vmem_shared>>
      tpu.wait_indirect_dma semaphore(%arg13 : memref<!tpu.dma_semaphore, #tpu.memory_space<semaphore_mem>>) src(%arg9 : memref<128x128xf32, #tpu.memory_space<vmem>>) dst(%dma_wait3A_144 : memref<10240x128xf32, #tpu.memory_space<vmem_shared>>)
      %dma_start3A_145 = arith.constant 5 : i32
      %dma_start3A_146 = arith.constant 0 : i32
      %dma_start3A_147 = tpu.memref_slice %arg6[%dma_start3A_145, %dma_start3A_146] : memref<8x128xi32, #tpu.memory_space<vmem>> -> memref<1x128xi32, #tpu.memory_space<vmem>>
      %dma_start3A_148 = tpu.memref_squeeze %dma_start3A_147 : memref<1x128xi32, #tpu.memory_space<vmem>> -> memref<128xi32, #tpu.memory_space<vmem>>
      %dma_start3A_149 = arith.constant 0 : i32
      %dma_start3A_150 = arith.constant 0 : i32
      %dma_start3A_151 = tpu.memref_slice %arg2[%dma_start3A_149, %dma_start3A_150] : memref<10000x128xf32, #tpu.memory_space<hbm>> -> memref<10000x128xf32, #tpu.memory_space<hbm>>
      tpu.enqueue_indirect_dma source(%dma_start3A_151 : memref<10000x128xf32, #tpu.memory_space<hbm>>) target(%arg9 : memref<128x128xf32, #tpu.memory_space<vmem>>) offsets(%dma_start3A_148 : memref<128xi32, #tpu.memory_space<vmem>>) semaphore(%arg11 : memref<!tpu.dma_semaphore, #tpu.memory_space<semaphore_mem>>)
      %dma_wait3A_152 = arith.constant 4 : i32
      %dma_wait3A_153 = arith.constant 0 : i32
      %dma_wait3A_154 = tpu.memref_slice %arg6[%dma_wait3A_152, %dma_wait3A_153] : memref<8x128xi32, #tpu.memory_space<vmem>> -> memref<1x128xi32, #tpu.memory_space<vmem>>
      %dma_wait3A_155 = tpu.memref_squeeze %dma_wait3A_154 : memref<1x128xi32, #tpu.memory_space<vmem>> -> memref<128xi32, #tpu.memory_space<vmem>>
      %dma_wait3A_156 = arith.constant 0 : i32
      %dma_wait3A_157 = arith.constant 0 : i32
      %dma_wait3A_158 = tpu.memref_slice %arg2[%dma_wait3A_156, %dma_wait3A_157] : memref<10000x128xf32, #tpu.memory_space<hbm>> -> memref<10000x128xf32, #tpu.memory_space<hbm>>
      tpu.wait_indirect_dma semaphore(%arg10 : memref<!tpu.dma_semaphore, #tpu.memory_space<semaphore_mem>>) src(%dma_wait3A_158 : memref<10000x128xf32, #tpu.memory_space<hbm>>) dst(%arg8 : memref<128x128xf32, #tpu.memory_space<vmem>>)
      %dma_start3A_159 = arith.constant 4 : i32
      %dma_start3A_160 = arith.constant 0 : i32
      %dma_start3A_161 = tpu.memref_slice %arg7[%dma_start3A_159, %dma_start3A_160] : memref<8x128xi32, #tpu.memory_space<vmem>> -> memref<1x128xi32, #tpu.memory_space<vmem>>
      %dma_start3A_162 = tpu.memref_squeeze %dma_start3A_161 : memref<1x128xi32, #tpu.memory_space<vmem>> -> memref<128xi32, #tpu.memory_space<vmem>>
      %dma_start3A_163 = arith.constant 0 : i32
      %dma_start3A_164 = arith.constant 0 : i32
      %dma_start3A_165 = tpu.memref_slice %arg14[%dma_start3A_163, %dma_start3A_164] : memref<10240x128xf32, #tpu.memory_space<vmem_shared>> -> memref<10240x128xf32, #tpu.memory_space<vmem_shared>>
      tpu.enqueue_indirect_dma source(%arg8 : memref<128x128xf32, #tpu.memory_space<vmem>>) target(%dma_start3A_165 : memref<10240x128xf32, #tpu.memory_space<vmem_shared>>) offsets(%dma_start3A_162 : memref<128xi32, #tpu.memory_space<vmem>>) semaphore(%arg12 : memref<!tpu.dma_semaphore, #tpu.memory_space<semaphore_mem>>) {add = true}
      %dma_wait3A_166 = arith.constant 4 : i32
      %dma_wait3A_167 = arith.constant 0 : i32
      %dma_wait3A_168 = tpu.memref_slice %arg7[%dma_wait3A_166, %dma_wait3A_167] : memref<8x128xi32, #tpu.memory_space<vmem>> -> memref<1x128xi32, #tpu.memory_space<vmem>>
      %dma_wait3A_169 = tpu.memref_squeeze %dma_wait3A_168 : memref<1x128xi32, #tpu.memory_space<vmem>> -> memref<128xi32, #tpu.memory_space<vmem>>
      %dma_wait3A_170 = arith.constant 0 : i32
      %dma_wait3A_171 = arith.constant 0 : i32
      %dma_wait3A_172 = tpu.memref_slice %arg14[%dma_wait3A_170, %dma_wait3A_171] : memref<10240x128xf32, #tpu.memory_space<vmem_shared>> -> memref<10240x128xf32, #tpu.memory_space<vmem_shared>>
      tpu.wait_indirect_dma semaphore(%arg12 : memref<!tpu.dma_semaphore, #tpu.memory_space<semaphore_mem>>) src(%arg8 : memref<128x128xf32, #tpu.memory_space<vmem>>) dst(%dma_wait3A_172 : memref<10240x128xf32, #tpu.memory_space<vmem_shared>>)
      %dma_start3A_173 = arith.constant 6 : i32
      %dma_start3A_174 = arith.constant 0 : i32
      %dma_start3A_175 = tpu.memref_slice %arg6[%dma_start3A_173, %dma_start3A_174] : memref<8x128xi32, #tpu.memory_space<vmem>> -> memref<1x128xi32, #tpu.memory_space<vmem>>
      %dma_start3A_176 = tpu.memref_squeeze %dma_start3A_175 : memref<1x128xi32, #tpu.memory_space<vmem>> -> memref<128xi32, #tpu.memory_space<vmem>>
      %dma_start3A_177 = arith.constant 0 : i32
      %dma_start3A_178 = arith.constant 0 : i32
      %dma_start3A_179 = tpu.memref_slice %arg2[%dma_start3A_177, %dma_start3A_178] : memref<10000x128xf32, #tpu.memory_space<hbm>> -> memref<10000x128xf32, #tpu.memory_space<hbm>>
      tpu.enqueue_indirect_dma source(%dma_start3A_179 : memref<10000x128xf32, #tpu.memory_space<hbm>>) target(%arg8 : memref<128x128xf32, #tpu.memory_space<vmem>>) offsets(%dma_start3A_176 : memref<128xi32, #tpu.memory_space<vmem>>) semaphore(%arg10 : memref<!tpu.dma_semaphore, #tpu.memory_space<semaphore_mem>>)
      %dma_wait3A_180 = arith.constant 5 : i32
      %dma_wait3A_181 = arith.constant 0 : i32
      %dma_wait3A_182 = tpu.memref_slice %arg6[%dma_wait3A_180, %dma_wait3A_181] : memref<8x128xi32, #tpu.memory_space<vmem>> -> memref<1x128xi32, #tpu.memory_space<vmem>>
      %dma_wait3A_183 = tpu.memref_squeeze %dma_wait3A_182 : memref<1x128xi32, #tpu.memory_space<vmem>> -> memref<128xi32, #tpu.memory_space<vmem>>
      %dma_wait3A_184 = arith.constant 0 : i32
      %dma_wait3A_185 = arith.constant 0 : i32
      %dma_wait3A_186 = tpu.memref_slice %arg2[%dma_wait3A_184, %dma_wait3A_185] : memref<10000x128xf32, #tpu.memory_space<hbm>> -> memref<10000x128xf32, #tpu.memory_space<hbm>>
      tpu.wait_indirect_dma semaphore(%arg11 : memref<!tpu.dma_semaphore, #tpu.memory_space<semaphore_mem>>) src(%dma_wait3A_186 : memref<10000x128xf32, #tpu.memory_space<hbm>>) dst(%arg9 : memref<128x128xf32, #tpu.memory_space<vmem>>)
      %dma_start3A_187 = arith.constant 5 : i32
      %dma_start3A_188 = arith.constant 0 : i32
      %dma_start3A_189 = tpu.memref_slice %arg7[%dma_start3A_187, %dma_start3A_188] : memref<8x128xi32, #tpu.memory_space<vmem>> -> memref<1x128xi32, #tpu.memory_space<vmem>>
      %dma_start3A_190 = tpu.memref_squeeze %dma_start3A_189 : memref<1x128xi32, #tpu.memory_space<vmem>> -> memref<128xi32, #tpu.memory_space<vmem>>
      %dma_start3A_191 = arith.constant 0 : i32
      %dma_start3A_192 = arith.constant 0 : i32
      %dma_start3A_193 = tpu.memref_slice %arg14[%dma_start3A_191, %dma_start3A_192] : memref<10240x128xf32, #tpu.memory_space<vmem_shared>> -> memref<10240x128xf32, #tpu.memory_space<vmem_shared>>
      tpu.enqueue_indirect_dma source(%arg9 : memref<128x128xf32, #tpu.memory_space<vmem>>) target(%dma_start3A_193 : memref<10240x128xf32, #tpu.memory_space<vmem_shared>>) offsets(%dma_start3A_190 : memref<128xi32, #tpu.memory_space<vmem>>) semaphore(%arg13 : memref<!tpu.dma_semaphore, #tpu.memory_space<semaphore_mem>>) {add = true}
      %dma_wait3A_194 = arith.constant 5 : i32
      %dma_wait3A_195 = arith.constant 0 : i32
      %dma_wait3A_196 = tpu.memref_slice %arg7[%dma_wait3A_194, %dma_wait3A_195] : memref<8x128xi32, #tpu.memory_space<vmem>> -> memref<1x128xi32, #tpu.memory_space<vmem>>
      %dma_wait3A_197 = tpu.memref_squeeze %dma_wait3A_196 : memref<1x128xi32, #tpu.memory_space<vmem>> -> memref<128xi32, #tpu.memory_space<vmem>>
      %dma_wait3A_198 = arith.constant 0 : i32
      %dma_wait3A_199 = arith.constant 0 : i32
      %dma_wait3A_200 = tpu.memref_slice %arg14[%dma_wait3A_198, %dma_wait3A_199] : memref<10240x128xf32, #tpu.memory_space<vmem_shared>> -> memref<10240x128xf32, #tpu.memory_space<vmem_shared>>
      tpu.wait_indirect_dma semaphore(%arg13 : memref<!tpu.dma_semaphore, #tpu.memory_space<semaphore_mem>>) src(%arg9 : memref<128x128xf32, #tpu.memory_space<vmem>>) dst(%dma_wait3A_200 : memref<10240x128xf32, #tpu.memory_space<vmem_shared>>)
      %dma_start3A_201 = arith.constant 7 : i32
      %dma_start3A_202 = arith.constant 0 : i32
      %dma_start3A_203 = tpu.memref_slice %arg6[%dma_start3A_201, %dma_start3A_202] : memref<8x128xi32, #tpu.memory_space<vmem>> -> memref<1x128xi32, #tpu.memory_space<vmem>>
      %dma_start3A_204 = tpu.memref_squeeze %dma_start3A_203 : memref<1x128xi32, #tpu.memory_space<vmem>> -> memref<128xi32, #tpu.memory_space<vmem>>
      %dma_start3A_205 = arith.constant 0 : i32
      %dma_start3A_206 = arith.constant 0 : i32
      %dma_start3A_207 = tpu.memref_slice %arg2[%dma_start3A_205, %dma_start3A_206] : memref<10000x128xf32, #tpu.memory_space<hbm>> -> memref<10000x128xf32, #tpu.memory_space<hbm>>
      tpu.enqueue_indirect_dma source(%dma_start3A_207 : memref<10000x128xf32, #tpu.memory_space<hbm>>) target(%arg9 : memref<128x128xf32, #tpu.memory_space<vmem>>) offsets(%dma_start3A_204 : memref<128xi32, #tpu.memory_space<vmem>>) semaphore(%arg11 : memref<!tpu.dma_semaphore, #tpu.memory_space<semaphore_mem>>)
      %dma_wait3A_208 = arith.constant 6 : i32
      %dma_wait3A_209 = arith.constant 0 : i32
      %dma_wait3A_210 = tpu.memref_slice %arg6[%dma_wait3A_208, %dma_wait3A_209] : memref<8x128xi32, #tpu.memory_space<vmem>> -> memref<1x128xi32, #tpu.memory_space<vmem>>
      %dma_wait3A_211 = tpu.memref_squeeze %dma_wait3A_210 : memref<1x128xi32, #tpu.memory_space<vmem>> -> memref<128xi32, #tpu.memory_space<vmem>>
      %dma_wait3A_212 = arith.constant 0 : i32
      %dma_wait3A_213 = arith.constant 0 : i32
      %dma_wait3A_214 = tpu.memref_slice %arg2[%dma_wait3A_212, %dma_wait3A_213] : memref<10000x128xf32, #tpu.memory_space<hbm>> -> memref<10000x128xf32, #tpu.memory_space<hbm>>
      tpu.wait_indirect_dma semaphore(%arg10 : memref<!tpu.dma_semaphore, #tpu.memory_space<semaphore_mem>>) src(%dma_wait3A_214 : memref<10000x128xf32, #tpu.memory_space<hbm>>) dst(%arg8 : memref<128x128xf32, #tpu.memory_space<vmem>>)
      %dma_start3A_215 = arith.constant 6 : i32
      %dma_start3A_216 = arith.constant 0 : i32
      %dma_start3A_217 = tpu.memref_slice %arg7[%dma_start3A_215, %dma_start3A_216] : memref<8x128xi32, #tpu.memory_space<vmem>> -> memref<1x128xi32, #tpu.memory_space<vmem>>
      %dma_start3A_218 = tpu.memref_squeeze %dma_start3A_217 : memref<1x128xi32, #tpu.memory_space<vmem>> -> memref<128xi32, #tpu.memory_space<vmem>>
      %dma_start3A_219 = arith.constant 0 : i32
      %dma_start3A_220 = arith.constant 0 : i32
      %dma_start3A_221 = tpu.memref_slice %arg14[%dma_start3A_219, %dma_start3A_220] : memref<10240x128xf32, #tpu.memory_space<vmem_shared>> -> memref<10240x128xf32, #tpu.memory_space<vmem_shared>>
      tpu.enqueue_indirect_dma source(%arg8 : memref<128x128xf32, #tpu.memory_space<vmem>>) target(%dma_start3A_221 : memref<10240x128xf32, #tpu.memory_space<vmem_shared>>) offsets(%dma_start3A_218 : memref<128xi32, #tpu.memory_space<vmem>>) semaphore(%arg12 : memref<!tpu.dma_semaphore, #tpu.memory_space<semaphore_mem>>) {add = true}
      %dma_wait3A_222 = arith.constant 7 : i32
      %dma_wait3A_223 = arith.constant 0 : i32
      %dma_wait3A_224 = tpu.memref_slice %arg6[%dma_wait3A_222, %dma_wait3A_223] : memref<8x128xi32, #tpu.memory_space<vmem>> -> memref<1x128xi32, #tpu.memory_space<vmem>>
      %dma_wait3A_225 = tpu.memref_squeeze %dma_wait3A_224 : memref<1x128xi32, #tpu.memory_space<vmem>> -> memref<128xi32, #tpu.memory_space<vmem>>
      %dma_wait3A_226 = arith.constant 0 : i32
      %dma_wait3A_227 = arith.constant 0 : i32
      %dma_wait3A_228 = tpu.memref_slice %arg2[%dma_wait3A_226, %dma_wait3A_227] : memref<10000x128xf32, #tpu.memory_space<hbm>> -> memref<10000x128xf32, #tpu.memory_space<hbm>>
      tpu.wait_indirect_dma semaphore(%arg11 : memref<!tpu.dma_semaphore, #tpu.memory_space<semaphore_mem>>) src(%dma_wait3A_228 : memref<10000x128xf32, #tpu.memory_space<hbm>>) dst(%arg9 : memref<128x128xf32, #tpu.memory_space<vmem>>)
      %dma_start3A_229 = arith.constant 7 : i32
      %dma_start3A_230 = arith.constant 0 : i32
      %dma_start3A_231 = tpu.memref_slice %arg7[%dma_start3A_229, %dma_start3A_230] : memref<8x128xi32, #tpu.memory_space<vmem>> -> memref<1x128xi32, #tpu.memory_space<vmem>>
      %dma_start3A_232 = tpu.memref_squeeze %dma_start3A_231 : memref<1x128xi32, #tpu.memory_space<vmem>> -> memref<128xi32, #tpu.memory_space<vmem>>
      %dma_start3A_233 = arith.constant 0 : i32
      %dma_start3A_234 = arith.constant 0 : i32
      %dma_start3A_235 = tpu.memref_slice %arg14[%dma_start3A_233, %dma_start3A_234] : memref<10240x128xf32, #tpu.memory_space<vmem_shared>> -> memref<10240x128xf32, #tpu.memory_space<vmem_shared>>
      tpu.enqueue_indirect_dma source(%arg9 : memref<128x128xf32, #tpu.memory_space<vmem>>) target(%dma_start3A_235 : memref<10240x128xf32, #tpu.memory_space<vmem_shared>>) offsets(%dma_start3A_232 : memref<128xi32, #tpu.memory_space<vmem>>) semaphore(%arg13 : memref<!tpu.dma_semaphore, #tpu.memory_space<semaphore_mem>>) {add = true}
      %dma_wait3A_236 = arith.constant 6 : i32
      %dma_wait3A_237 = arith.constant 0 : i32
      %dma_wait3A_238 = tpu.memref_slice %arg7[%dma_wait3A_236, %dma_wait3A_237] : memref<8x128xi32, #tpu.memory_space<vmem>> -> memref<1x128xi32, #tpu.memory_space<vmem>>
      %dma_wait3A_239 = tpu.memref_squeeze %dma_wait3A_238 : memref<1x128xi32, #tpu.memory_space<vmem>> -> memref<128xi32, #tpu.memory_space<vmem>>
      %dma_wait3A_240 = arith.constant 0 : i32
      %dma_wait3A_241 = arith.constant 0 : i32
      %dma_wait3A_242 = tpu.memref_slice %arg14[%dma_wait3A_240, %dma_wait3A_241] : memref<10240x128xf32, #tpu.memory_space<vmem_shared>> -> memref<10240x128xf32, #tpu.memory_space<vmem_shared>>
      tpu.wait_indirect_dma semaphore(%arg12 : memref<!tpu.dma_semaphore, #tpu.memory_space<semaphore_mem>>) src(%arg8 : memref<128x128xf32, #tpu.memory_space<vmem>>) dst(%dma_wait3A_242 : memref<10240x128xf32, #tpu.memory_space<vmem_shared>>)
      %dma_wait3A_243 = arith.constant 7 : i32
      %dma_wait3A_244 = arith.constant 0 : i32
      %dma_wait3A_245 = tpu.memref_slice %arg7[%dma_wait3A_243, %dma_wait3A_244] : memref<8x128xi32, #tpu.memory_space<vmem>> -> memref<1x128xi32, #tpu.memory_space<vmem>>
      %dma_wait3A_246 = tpu.memref_squeeze %dma_wait3A_245 : memref<1x128xi32, #tpu.memory_space<vmem>> -> memref<128xi32, #tpu.memory_space<vmem>>
      %dma_wait3A_247 = arith.constant 0 : i32
      %dma_wait3A_248 = arith.constant 0 : i32
      %dma_wait3A_249 = tpu.memref_slice %arg14[%dma_wait3A_247, %dma_wait3A_248] : memref<10240x128xf32, #tpu.memory_space<vmem_shared>> -> memref<10240x128xf32, #tpu.memory_space<vmem_shared>>
      tpu.wait_indirect_dma semaphore(%arg13 : memref<!tpu.dma_semaphore, #tpu.memory_space<semaphore_mem>>) src(%arg9 : memref<128x128xf32, #tpu.memory_space<vmem>>) dst(%dma_wait3A_249 : memref<10240x128xf32, #tpu.memory_space<vmem_shared>>)
    }
    %scan3A_18 = arith.constant 77 : i32
    %barrier3A_19 = arith.constant 0 : index
    tpu.barrier barrier_id(%barrier3A_19)
    "tpu.region"() ({
      %run_scoped3A = tpu.sem_alloc : memref<!tpu.dma_semaphore, #tpu.memory_space<semaphore_mem>>
      %dma_start3A = arith.constant 0 : i32
      %dma_start3A_20 = tpu.memref_slice %arg5[%arg0, %mul3A_6, %dma_start3A] : memref<2x10240x128xf32, #tpu.memory_space<hbm>> -> memref<1x640x128xf32, #tpu.memory_space<hbm>>
      %dma_start3A_21 = tpu.memref_squeeze %dma_start3A_20 : memref<1x640x128xf32, #tpu.memory_space<hbm>> -> memref<640x128xf32, #tpu.memory_space<hbm>>
      %dma_start3A_22 = arith.constant 0 : i32
      %dma_start3A_23 = tpu.memref_slice %arg14[%mul3A_6, %dma_start3A_22] : memref<10240x128xf32, #tpu.memory_space<vmem_shared>> -> memref<640x128xf32, #tpu.memory_space<vmem_shared>>
      tpu.enqueue_dma source(%dma_start3A_23 : memref<640x128xf32, #tpu.memory_space<vmem_shared>>) target(%dma_start3A_21 : memref<640x128xf32, #tpu.memory_space<hbm>>) target_semaphore(%run_scoped3A : memref<!tpu.dma_semaphore, #tpu.memory_space<semaphore_mem>>)
      %dma_wait3A = arith.constant 0 : i32
      %dma_wait3A_24 = tpu.memref_slice %arg5[%arg0, %mul3A_6, %dma_wait3A] : memref<2x10240x128xf32, #tpu.memory_space<hbm>> -> memref<1x640x128xf32, #tpu.memory_space<hbm>>
      %dma_wait3A_25 = tpu.memref_squeeze %dma_wait3A_24 : memref<1x640x128xf32, #tpu.memory_space<hbm>> -> memref<640x128xf32, #tpu.memory_space<hbm>>
      %dma_wait3A_26 = arith.constant 0 : i32
      %dma_wait3A_27 = tpu.memref_slice %arg14[%mul3A_6, %dma_wait3A_26] : memref<10240x128xf32, #tpu.memory_space<vmem_shared>> -> memref<640x128xf32, #tpu.memory_space<vmem_shared>>
      tpu.wait_dma2 semaphore(%run_scoped3A : memref<!tpu.dma_semaphore, #tpu.memory_space<semaphore_mem>>) src(%dma_wait3A_27 : memref<640x128xf32, #tpu.memory_space<vmem_shared>>) dst(%dma_wait3A_25 : memref<640x128xf32, #tpu.memory_space<hbm>>)
      tpu.yield
    }) : () -> ()
    return
  }
}

#map = affine_map<(d0, d1) -> (0, 0)>
#map1 = affine_map<(d0, d1) -> (0, 0, 0)>
module attributes {stable_mosaic.version = 14 : i64} {
  func.func @k(%arg0: i32, %arg1: i32, %arg2: memref<10000x128xf32, #tpu.memory_space<hbm>>, %arg3: memref<1280x128xi32, #tpu.memory_space<hbm>>, %arg4: memref<1280x128xi32, #tpu.memory_space<hbm>>, %arg5: memref<2x10240x128xf32, #tpu.memory_space<hbm>>, %arg6: memref<8x128xi32, #tpu.memory_space<vmem>>, %arg7: memref<8x128xi32, #tpu.memory_space<vmem>>, %arg8: memref<128x128xf32, #tpu.memory_space<vmem>>, %arg9: memref<128x128xf32, #tpu.memory_space<vmem>>, %arg10: memref<!tpu.dma_semaphore, #tpu.memory_space<semaphore_mem>>, %arg11: memref<!tpu.dma_semaphore, #tpu.memory_space<semaphore_mem>>, %arg12: memref<!tpu.dma_semaphore, #tpu.memory_space<semaphore_mem>>, %arg13: memref<!tpu.dma_semaphore, #tpu.memory_space<semaphore_mem>>, %arg14: memref<10240x128xf32, #tpu.memory_space<vmem_shared>>) attributes {dimension_semantics = [#tpu.dimension_semantics<core_parallel>, #tpu.dimension_semantics<subcore_parallel>], iteration_bounds = array<i64: 2, 16>, scalar_prefetch = 0 : i64, scratch_operands = 9 : i64, tpu.core_type = #tpu.core_type<sc_vector_subcore>, window_params = [{transform_indices = #map}, {transform_indices = #map}, {transform_indices = #map}, {transform_indices = #map1}]} {
    %mul3A = arith.constant 2 : i32
    %mul3A_0 = arith.muli %arg1, %mul3A : i32
    %add3A = arith.addi %mul3A_0, %arg0 : i32
    %scan3A = arith.constant 0 : i32
    %scan3A_1 = arith.constant 128 : i32
    %scan3A_2 = arith.addi %scan3A, %scan3A_1 : i32
    %scan3A_3 = arith.constant 1 : i32
    scf.for %scan3A_20 = %scan3A to %scan3A_2 step %scan3A_3  : i32 {
      %mul3A_21 = arith.constant 1 : i32
      %mul3A_22 = arith.muli %scan3A_20, %mul3A_21 : i32
      %add3A_23 = arith.constant 0 : i32
      %add3A_24 = arith.addi %add3A_23, %mul3A_22 : i32
      %scan3A_25 = arith.constant 0 : i32
      %scan3A_26 = arith.constant 8 : i32
      %scan3A_27 = arith.addi %scan3A_25, %scan3A_26 : i32
      %scan3A_28 = arith.constant 1 : i32
      scf.for %scan3A_30 = %scan3A_25 to %scan3A_27 step %scan3A_28  : i32 {
        %mul3A_31 = arith.constant 16 : i32
        %mul3A_32 = arith.muli %scan3A_30, %mul3A_31 : i32
        %add3A_33 = arith.constant 0 : i32
        %add3A_34 = arith.addi %add3A_33, %mul3A_32 : i32
        %broadcast_in_dim3A = arith.constant 0.000000e+00 : f32
        %broadcast_in_dim3A_35 = vector.broadcast %broadcast_in_dim3A : f32 to vector<1x16xf32>
        %swap3A = arith.index_cast %add3A_24 : i32 to index
        %swap3A_36 = arith.index_cast %add3A_34 : i32 to index
        %swap3A_37 = tpu.vector_load %arg8[%swap3A, %swap3A_36] {strides = array<i32>} : memref<128x128xf32, #tpu.memory_space<vmem>>, vector<1x16xf32>,
        %swap3A_38 = vector.shape_cast %swap3A_37 : vector<1x16xf32> to vector<1x16xf32>
        %swap3A_39 = vector.shape_cast %broadcast_in_dim3A_35 : vector<1x16xf32> to vector<1x16xf32>
        tpu.vector_store %arg8[%swap3A, %swap3A_36], %swap3A_39 {strides = array<i32>} : memref<128x128xf32, #tpu.memory_space<vmem>>, vector<1x16xf32>,
      }
      %scan3A_29 = arith.constant 8 : i32
    }
    %scan3A_4 = arith.constant 128 : i32
    %mul3A_5 = arith.constant 640 : i32
    %mul3A_6 = arith.muli %arg1, %mul3A_5 : i32
    %scan3A_7 = arith.constant 0 : i32
    %scan3A_8 = arith.constant 5 : i32
    %scan3A_9 = arith.addi %scan3A_7, %scan3A_8 : i32
    %scan3A_10 = arith.constant 1 : i32
    scf.for %scan3A_20 = %scan3A_7 to %scan3A_9 step %scan3A_10  : i32 {
      %mul3A_21 = arith.constant 128 : i32
      %mul3A_22 = arith.muli %scan3A_20, %mul3A_21 : i32
      %add3A_23 = arith.constant 0 : i32
      %add3A_24 = arith.addi %add3A_23, %mul3A_22 : i32
      %add3A_25 = arith.addi %mul3A_6, %add3A_24 : i32
      "tpu.region"() ({
        %run_scoped3A = tpu.sem_alloc : memref<!tpu.dma_semaphore, #tpu.memory_space<semaphore_mem>>
        %dma_start3A = arith.constant 0 : i32
        %dma_start3A_26 = tpu.memref_slice %arg14[%add3A_25, %dma_start3A] : memref<10240x128xf32, #tpu.memory_space<vmem_shared>> -> memref<128x128xf32, #tpu.memory_space<vmem_shared>>
        %dma_start3A_27 = arith.constant 0 : i32
        %dma_start3A_28 = tpu.memref_slice %arg14[%add3A_25, %dma_start3A_27] : memref<10240x128xf32, #tpu.memory_space<vmem_shared>> -> memref<128x128xf32, #tpu.memory_space<vmem_shared>>
        tpu.enqueue_dma source(%arg8 : memref<128x128xf32, #tpu.memory_space<vmem>>) target(%dma_start3A_28 : memref<128x128xf32, #tpu.memory_space<vmem_shared>>) target_semaphore(%run_scoped3A : memref<!tpu.dma_semaphore, #tpu.memory_space<semaphore_mem>>)
        %dma_wait3A = arith.constant 0 : i32
        %dma_wait3A_29 = tpu.memref_slice %arg14[%add3A_25, %dma_wait3A] : memref<10240x128xf32, #tpu.memory_space<vmem_shared>> -> memref<128x128xf32, #tpu.memory_space<vmem_shared>>
        %dma_wait3A_30 = arith.constant 0 : i32
        %dma_wait3A_31 = tpu.memref_slice %arg14[%add3A_25, %dma_wait3A_30] : memref<10240x128xf32, #tpu.memory_space<vmem_shared>> -> memref<128x128xf32, #tpu.memory_space<vmem_shared>>
        tpu.wait_dma2 semaphore(%run_scoped3A : memref<!tpu.dma_semaphore, #tpu.memory_space<semaphore_mem>>) src(%arg8 : memref<128x128xf32, #tpu.memory_space<vmem>>) dst(%dma_wait3A_31 : memref<128x128xf32, #tpu.memory_space<vmem_shared>>)
        tpu.yield
      }) : () -> ()
    }
    %scan3A_11 = arith.constant 5 : i32
    %barrier3A = arith.constant 0 : index
    tpu.barrier barrier_id(%barrier3A)
    %mul3A_12 = arith.constant 40 : i32
    %mul3A_13 = arith.muli %add3A, %mul3A_12 : i32
    %scan3A_14 = arith.constant 0 : i32
    %scan3A_15 = arith.constant 5 : i32
    %scan3A_16 = arith.addi %scan3A_14, %scan3A_15 : i32
    %scan3A_17 = arith.constant 1 : i32
    scf.for %scan3A_20 = %scan3A_14 to %scan3A_16 step %scan3A_17  : i32 {
      %mul3A_21 = arith.constant 1 : i32
      %mul3A_22 = arith.muli %scan3A_20, %mul3A_21 : i32
      %add3A_23 = arith.constant 0 : i32
      %add3A_24 = arith.addi %add3A_23, %mul3A_22 : i32
      %mul3A_25 = arith.constant 8 : i32
      %mul3A_26 = arith.muli %add3A_24, %mul3A_25 : i32
      %add3A_27 = arith.addi %mul3A_13, %mul3A_26 : i32
      "tpu.region"() ({
        %run_scoped3A = tpu.sem_alloc : memref<!tpu.dma_semaphore, #tpu.memory_space<semaphore_mem>>
        %dma_start3A_250 = arith.constant 0 : i32
        %dma_start3A_251 = tpu.memref_slice %arg3[%add3A_27, %dma_start3A_250] : memref<1280x128xi32, #tpu.memory_space<hbm>> -> memref<8x128xi32, #tpu.memory_space<hbm>>
        %dma_start3A_252 = arith.constant 0 : i32
        %dma_start3A_253 = tpu.memref_slice %arg3[%add3A_27, %dma_start3A_252] : memref<1280x128xi32, #tpu.memory_space<hbm>> -> memref<8x128xi32, #tpu.memory_space<hbm>>
        tpu.enqueue_dma source(%dma_start3A_253 : memref<8x128xi32, #tpu.memory_space<hbm>>) target(%arg6 : memref<8x128xi32, #tpu.memory_space<vmem>>) target_semaphore(%run_scoped3A : memref<!tpu.dma_semaphore, #tpu.memory_space<semaphore_mem>>)
        %dma_wait3A_254 = arith.constant 0 : i32
        %dma_wait3A_255 = tpu.memref_slice %arg3[%add3A_27, %dma_wait3A_254] : memref<1280x128xi32, #tpu.memory_space<hbm>> -> memref<8x128xi32, #tpu.memory_space<hbm>>
        %dma_wait3A_256 = arith.constant 0 : i32
        %dma_wait3A_257 = tpu.memref_slice %arg3[%add3A_27, %dma_wait3A_256] : memref<1280x128xi32, #tpu.memory_space<hbm>> -> memref<8x128xi32, #tpu.memory_space<hbm>>
        tpu.wait_dma2 semaphore(%run_scoped3A : memref<!tpu.dma_semaphore, #tpu.memory_space<semaphore_mem>>) src(%dma_wait3A_257 : memref<8x128xi32, #tpu.memory_space<hbm>>) dst(%arg6 : memref<8x128xi32, #tpu.memory_space<vmem>>)
        tpu.yield
      }) : () -> ()
      "tpu.region"() ({
        %run_scoped3A = tpu.sem_alloc : memref<!tpu.dma_semaphore, #tpu.memory_space<semaphore_mem>>
        %dma_start3A_250 = arith.constant 0 : i32
        %dma_start3A_251 = tpu.memref_slice %arg4[%add3A_27, %dma_start3A_250] : memref<1280x128xi32, #tpu.memory_space<hbm>> -> memref<8x128xi32, #tpu.memory_space<hbm>>
        %dma_start3A_252 = arith.constant 0 : i32
        %dma_start3A_253 = tpu.memref_slice %arg4[%add3A_27, %dma_start3A_252] : memref<1280x128xi32, #tpu.memory_space<hbm>> -> memref<8x128xi32, #tpu.memory_space<hbm>>
        tpu.enqueue_dma source(%dma_start3A_253 : memref<8x128xi32, #tpu.memory_space<hbm>>) target(%arg7 : memref<8x128xi32, #tpu.memory_space<vmem>>) target_semaphore(%run_scoped3A : memref<!tpu.dma_semaphore, #tpu.memory_space<semaphore_mem>>)
        %dma_wait3A_254 = arith.constant 0 : i32
        %dma_wait3A_255 = tpu.memref_slice %arg4[%add3A_27, %dma_wait3A_254] : memref<1280x128xi32, #tpu.memory_space<hbm>> -> memref<8x128xi32, #tpu.memory_space<hbm>>
        %dma_wait3A_256 = arith.constant 0 : i32
        %dma_wait3A_257 = tpu.memref_slice %arg4[%add3A_27, %dma_wait3A_256] : memref<1280x128xi32, #tpu.memory_space<hbm>> -> memref<8x128xi32, #tpu.memory_space<hbm>>
        tpu.wait_dma2 semaphore(%run_scoped3A : memref<!tpu.dma_semaphore, #tpu.memory_space<semaphore_mem>>) src(%dma_wait3A_257 : memref<8x128xi32, #tpu.memory_space<hbm>>) dst(%arg7 : memref<8x128xi32, #tpu.memory_space<vmem>>)
        tpu.yield
      }) : () -> ()
      %dma_start3A = arith.constant 0 : i32
      %dma_start3A_28 = arith.constant 0 : i32
      %dma_start3A_29 = tpu.memref_slice %arg6[%dma_start3A, %dma_start3A_28] : memref<8x128xi32, #tpu.memory_space<vmem>> -> memref<1x128xi32, #tpu.memory_space<vmem>>
      %dma_start3A_30 = tpu.memref_squeeze %dma_start3A_29 : memref<1x128xi32, #tpu.memory_space<vmem>> -> memref<128xi32, #tpu.memory_space<vmem>>
      %dma_start3A_31 = arith.constant 0 : i32
      %dma_start3A_32 = arith.constant 0 : i32
      %dma_start3A_33 = tpu.memref_slice %arg2[%dma_start3A_31, %dma_start3A_32] : memref<10000x128xf32, #tpu.memory_space<hbm>> -> memref<10000x128xf32, #tpu.memory_space<hbm>>
      tpu.enqueue_indirect_dma source(%dma_start3A_33 : memref<10000x128xf32, #tpu.memory_space<hbm>>) target(%arg8 : memref<128x128xf32, #tpu.memory_space<vmem>>) offsets(%dma_start3A_30 : memref<128xi32, #tpu.memory_space<vmem>>) semaphore(%arg10 : memref<!tpu.dma_semaphore, #tpu.memory_space<semaphore_mem>>)
      %dma_start3A_34 = arith.constant 1 : i32
      %dma_start3A_35 = arith.constant 0 : i32
      %dma_start3A_36 = tpu.memref_slice %arg6[%dma_start3A_34, %dma_start3A_35] : memref<8x128xi32, #tpu.memory_space<vmem>> -> memref<1x128xi32, #tpu.memory_space<vmem>>
      %dma_start3A_37 = tpu.memref_squeeze %dma_start3A_36 : memref<1x128xi32, #tpu.memory_space<vmem>> -> memref<128xi32, #tpu.memory_space<vmem>>
      %dma_start3A_38 = arith.constant 0 : i32
      %dma_start3A_39 = arith.constant 0 : i32
      %dma_start3A_40 = tpu.memref_slice %arg2[%dma_start3A_38, %dma_start3A_39] : memref<10000x128xf32, #tpu.memory_space<hbm>> -> memref<10000x128xf32, #tpu.memory_space<hbm>>
      tpu.enqueue_indirect_dma source(%dma_start3A_40 : memref<10000x128xf32, #tpu.memory_space<hbm>>) target(%arg9 : memref<128x128xf32, #tpu.memory_space<vmem>>) offsets(%dma_start3A_37 : memref<128xi32, #tpu.memory_space<vmem>>) semaphore(%arg11 : memref<!tpu.dma_semaphore, #tpu.memory_space<semaphore_mem>>)
      %dma_wait3A = arith.constant 0 : i32
      %dma_wait3A_41 = arith.constant 0 : i32
      %dma_wait3A_42 = tpu.memref_slice %arg6[%dma_wait3A, %dma_wait3A_41] : memref<8x128xi32, #tpu.memory_space<vmem>> -> memref<1x128xi32, #tpu.memory_space<vmem>>
      %dma_wait3A_43 = tpu.memref_squeeze %dma_wait3A_42 : memref<1x128xi32, #tpu.memory_space<vmem>> -> memref<128xi32, #tpu.memory_space<vmem>>
      %dma_wait3A_44 = arith.constant 0 : i32
      %dma_wait3A_45 = arith.constant 0 : i32
      %dma_wait3A_46 = tpu.memref_slice %arg2[%dma_wait3A_44, %dma_wait3A_45] : memref<10000x128xf32, #tpu.memory_space<hbm>> -> memref<10000x128xf32, #tpu.memory_space<hbm>>
      tpu.wait_indirect_dma semaphore(%arg10 : memref<!tpu.dma_semaphore, #tpu.memory_space<semaphore_mem>>) src(%dma_wait3A_46 : memref<10000x128xf32, #tpu.memory_space<hbm>>) dst(%arg8 : memref<128x128xf32, #tpu.memory_space<vmem>>)
      %dma_start3A_47 = arith.constant 0 : i32
      %dma_start3A_48 = arith.constant 0 : i32
      %dma_start3A_49 = tpu.memref_slice %arg7[%dma_start3A_47, %dma_start3A_48] : memref<8x128xi32, #tpu.memory_space<vmem>> -> memref<1x128xi32, #tpu.memory_space<vmem>>
      %dma_start3A_50 = tpu.memref_squeeze %dma_start3A_49 : memref<1x128xi32, #tpu.memory_space<vmem>> -> memref<128xi32, #tpu.memory_space<vmem>>
      %dma_start3A_51 = arith.constant 0 : i32
      %dma_start3A_52 = arith.constant 0 : i32
      %dma_start3A_53 = tpu.memref_slice %arg14[%dma_start3A_51, %dma_start3A_52] : memref<10240x128xf32, #tpu.memory_space<vmem_shared>> -> memref<10240x128xf32, #tpu.memory_space<vmem_shared>>
      tpu.enqueue_indirect_dma source(%arg8 : memref<128x128xf32, #tpu.memory_space<vmem>>) target(%dma_start3A_53 : memref<10240x128xf32, #tpu.memory_space<vmem_shared>>) offsets(%dma_start3A_50 : memref<128xi32, #tpu.memory_space<vmem>>) semaphore(%arg12 : memref<!tpu.dma_semaphore, #tpu.memory_space<semaphore_mem>>) {add = true}
      %dma_wait3A_54 = arith.constant 0 : i32
      %dma_wait3A_55 = arith.constant 0 : i32
      %dma_wait3A_56 = tpu.memref_slice %arg7[%dma_wait3A_54, %dma_wait3A_55] : memref<8x128xi32, #tpu.memory_space<vmem>> -> memref<1x128xi32, #tpu.memory_space<vmem>>
      %dma_wait3A_57 = tpu.memref_squeeze %dma_wait3A_56 : memref<1x128xi32, #tpu.memory_space<vmem>> -> memref<128xi32, #tpu.memory_space<vmem>>
      %dma_wait3A_58 = arith.constant 0 : i32
      %dma_wait3A_59 = arith.constant 0 : i32
      %dma_wait3A_60 = tpu.memref_slice %arg14[%dma_wait3A_58, %dma_wait3A_59] : memref<10240x128xf32, #tpu.memory_space<vmem_shared>> -> memref<10240x128xf32, #tpu.memory_space<vmem_shared>>
      tpu.wait_indirect_dma semaphore(%arg12 : memref<!tpu.dma_semaphore, #tpu.memory_space<semaphore_mem>>) src(%arg8 : memref<128x128xf32, #tpu.memory_space<vmem>>) dst(%dma_wait3A_60 : memref<10240x128xf32, #tpu.memory_space<vmem_shared>>)
      %dma_start3A_61 = arith.constant 2 : i32
      %dma_start3A_62 = arith.constant 0 : i32
      %dma_start3A_63 = tpu.memref_slice %arg6[%dma_start3A_61, %dma_start3A_62] : memref<8x128xi32, #tpu.memory_space<vmem>> -> memref<1x128xi32, #tpu.memory_space<vmem>>
      %dma_start3A_64 = tpu.memref_squeeze %dma_start3A_63 : memref<1x128xi32, #tpu.memory_space<vmem>> -> memref<128xi32, #tpu.memory_space<vmem>>
      %dma_start3A_65 = arith.constant 0 : i32
      %dma_start3A_66 = arith.constant 0 : i32
      %dma_start3A_67 = tpu.memref_slice %arg2[%dma_start3A_65, %dma_start3A_66] : memref<10000x128xf32, #tpu.memory_space<hbm>> -> memref<10000x128xf32, #tpu.memory_space<hbm>>
      tpu.enqueue_indirect_dma source(%dma_start3A_67 : memref<10000x128xf32, #tpu.memory_space<hbm>>) target(%arg8 : memref<128x128xf32, #tpu.memory_space<vmem>>) offsets(%dma_start3A_64 : memref<128xi32, #tpu.memory_space<vmem>>) semaphore(%arg10 : memref<!tpu.dma_semaphore, #tpu.memory_space<semaphore_mem>>)
      %dma_wait3A_68 = arith.constant 1 : i32
      %dma_wait3A_69 = arith.constant 0 : i32
      %dma_wait3A_70 = tpu.memref_slice %arg6[%dma_wait3A_68, %dma_wait3A_69] : memref<8x128xi32, #tpu.memory_space<vmem>> -> memref<1x128xi32, #tpu.memory_space<vmem>>
      %dma_wait3A_71 = tpu.memref_squeeze %dma_wait3A_70 : memref<1x128xi32, #tpu.memory_space<vmem>> -> memref<128xi32, #tpu.memory_space<vmem>>
      %dma_wait3A_72 = arith.constant 0 : i32
      %dma_wait3A_73 = arith.constant 0 : i32
      %dma_wait3A_74 = tpu.memref_slice %arg2[%dma_wait3A_72, %dma_wait3A_73] : memref<10000x128xf32, #tpu.memory_space<hbm>> -> memref<10000x128xf32, #tpu.memory_space<hbm>>
      tpu.wait_indirect_dma semaphore(%arg11 : memref<!tpu.dma_semaphore, #tpu.memory_space<semaphore_mem>>) src(%dma_wait3A_74 : memref<10000x128xf32, #tpu.memory_space<hbm>>) dst(%arg9 : memref<128x128xf32, #tpu.memory_space<vmem>>)
      %dma_start3A_75 = arith.constant 1 : i32
      %dma_start3A_76 = arith.constant 0 : i32
      %dma_start3A_77 = tpu.memref_slice %arg7[%dma_start3A_75, %dma_start3A_76] : memref<8x128xi32, #tpu.memory_space<vmem>> -> memref<1x128xi32, #tpu.memory_space<vmem>>
      %dma_start3A_78 = tpu.memref_squeeze %dma_start3A_77 : memref<1x128xi32, #tpu.memory_space<vmem>> -> memref<128xi32, #tpu.memory_space<vmem>>
      %dma_start3A_79 = arith.constant 0 : i32
      %dma_start3A_80 = arith.constant 0 : i32
      %dma_start3A_81 = tpu.memref_slice %arg14[%dma_start3A_79, %dma_start3A_80] : memref<10240x128xf32, #tpu.memory_space<vmem_shared>> -> memref<10240x128xf32, #tpu.memory_space<vmem_shared>>
      tpu.enqueue_indirect_dma source(%arg9 : memref<128x128xf32, #tpu.memory_space<vmem>>) target(%dma_start3A_81 : memref<10240x128xf32, #tpu.memory_space<vmem_shared>>) offsets(%dma_start3A_78 : memref<128xi32, #tpu.memory_space<vmem>>) semaphore(%arg13 : memref<!tpu.dma_semaphore, #tpu.memory_space<semaphore_mem>>) {add = true}
      %dma_wait3A_82 = arith.constant 1 : i32
      %dma_wait3A_83 = arith.constant 0 : i32
      %dma_wait3A_84 = tpu.memref_slice %arg7[%dma_wait3A_82, %dma_wait3A_83] : memref<8x128xi32, #tpu.memory_space<vmem>> -> memref<1x128xi32, #tpu.memory_space<vmem>>
      %dma_wait3A_85 = tpu.memref_squeeze %dma_wait3A_84 : memref<1x128xi32, #tpu.memory_space<vmem>> -> memref<128xi32, #tpu.memory_space<vmem>>
      %dma_wait3A_86 = arith.constant 0 : i32
      %dma_wait3A_87 = arith.constant 0 : i32
      %dma_wait3A_88 = tpu.memref_slice %arg14[%dma_wait3A_86, %dma_wait3A_87] : memref<10240x128xf32, #tpu.memory_space<vmem_shared>> -> memref<10240x128xf32, #tpu.memory_space<vmem_shared>>
      tpu.wait_indirect_dma semaphore(%arg13 : memref<!tpu.dma_semaphore, #tpu.memory_space<semaphore_mem>>) src(%arg9 : memref<128x128xf32, #tpu.memory_space<vmem>>) dst(%dma_wait3A_88 : memref<10240x128xf32, #tpu.memory_space<vmem_shared>>)
      %dma_start3A_89 = arith.constant 3 : i32
      %dma_start3A_90 = arith.constant 0 : i32
      %dma_start3A_91 = tpu.memref_slice %arg6[%dma_start3A_89, %dma_start3A_90] : memref<8x128xi32, #tpu.memory_space<vmem>> -> memref<1x128xi32, #tpu.memory_space<vmem>>
      %dma_start3A_92 = tpu.memref_squeeze %dma_start3A_91 : memref<1x128xi32, #tpu.memory_space<vmem>> -> memref<128xi32, #tpu.memory_space<vmem>>
      %dma_start3A_93 = arith.constant 0 : i32
      %dma_start3A_94 = arith.constant 0 : i32
      %dma_start3A_95 = tpu.memref_slice %arg2[%dma_start3A_93, %dma_start3A_94] : memref<10000x128xf32, #tpu.memory_space<hbm>> -> memref<10000x128xf32, #tpu.memory_space<hbm>>
      tpu.enqueue_indirect_dma source(%dma_start3A_95 : memref<10000x128xf32, #tpu.memory_space<hbm>>) target(%arg9 : memref<128x128xf32, #tpu.memory_space<vmem>>) offsets(%dma_start3A_92 : memref<128xi32, #tpu.memory_space<vmem>>) semaphore(%arg11 : memref<!tpu.dma_semaphore, #tpu.memory_space<semaphore_mem>>)
      %dma_wait3A_96 = arith.constant 2 : i32
      %dma_wait3A_97 = arith.constant 0 : i32
      %dma_wait3A_98 = tpu.memref_slice %arg6[%dma_wait3A_96, %dma_wait3A_97] : memref<8x128xi32, #tpu.memory_space<vmem>> -> memref<1x128xi32, #tpu.memory_space<vmem>>
      %dma_wait3A_99 = tpu.memref_squeeze %dma_wait3A_98 : memref<1x128xi32, #tpu.memory_space<vmem>> -> memref<128xi32, #tpu.memory_space<vmem>>
      %dma_wait3A_100 = arith.constant 0 : i32
      %dma_wait3A_101 = arith.constant 0 : i32
      %dma_wait3A_102 = tpu.memref_slice %arg2[%dma_wait3A_100, %dma_wait3A_101] : memref<10000x128xf32, #tpu.memory_space<hbm>> -> memref<10000x128xf32, #tpu.memory_space<hbm>>
      tpu.wait_indirect_dma semaphore(%arg10 : memref<!tpu.dma_semaphore, #tpu.memory_space<semaphore_mem>>) src(%dma_wait3A_102 : memref<10000x128xf32, #tpu.memory_space<hbm>>) dst(%arg8 : memref<128x128xf32, #tpu.memory_space<vmem>>)
      %dma_start3A_103 = arith.constant 2 : i32
      %dma_start3A_104 = arith.constant 0 : i32
      %dma_start3A_105 = tpu.memref_slice %arg7[%dma_start3A_103, %dma_start3A_104] : memref<8x128xi32, #tpu.memory_space<vmem>> -> memref<1x128xi32, #tpu.memory_space<vmem>>
      %dma_start3A_106 = tpu.memref_squeeze %dma_start3A_105 : memref<1x128xi32, #tpu.memory_space<vmem>> -> memref<128xi32, #tpu.memory_space<vmem>>
      %dma_start3A_107 = arith.constant 0 : i32
      %dma_start3A_108 = arith.constant 0 : i32
      %dma_start3A_109 = tpu.memref_slice %arg14[%dma_start3A_107, %dma_start3A_108] : memref<10240x128xf32, #tpu.memory_space<vmem_shared>> -> memref<10240x128xf32, #tpu.memory_space<vmem_shared>>
      tpu.enqueue_indirect_dma source(%arg8 : memref<128x128xf32, #tpu.memory_space<vmem>>) target(%dma_start3A_109 : memref<10240x128xf32, #tpu.memory_space<vmem_shared>>) offsets(%dma_start3A_106 : memref<128xi32, #tpu.memory_space<vmem>>) semaphore(%arg12 : memref<!tpu.dma_semaphore, #tpu.memory_space<semaphore_mem>>) {add = true}
      %dma_wait3A_110 = arith.constant 2 : i32
      %dma_wait3A_111 = arith.constant 0 : i32
      %dma_wait3A_112 = tpu.memref_slice %arg7[%dma_wait3A_110, %dma_wait3A_111] : memref<8x128xi32, #tpu.memory_space<vmem>> -> memref<1x128xi32, #tpu.memory_space<vmem>>
      %dma_wait3A_113 = tpu.memref_squeeze %dma_wait3A_112 : memref<1x128xi32, #tpu.memory_space<vmem>> -> memref<128xi32, #tpu.memory_space<vmem>>
      %dma_wait3A_114 = arith.constant 0 : i32
      %dma_wait3A_115 = arith.constant 0 : i32
      %dma_wait3A_116 = tpu.memref_slice %arg14[%dma_wait3A_114, %dma_wait3A_115] : memref<10240x128xf32, #tpu.memory_space<vmem_shared>> -> memref<10240x128xf32, #tpu.memory_space<vmem_shared>>
      tpu.wait_indirect_dma semaphore(%arg12 : memref<!tpu.dma_semaphore, #tpu.memory_space<semaphore_mem>>) src(%arg8 : memref<128x128xf32, #tpu.memory_space<vmem>>) dst(%dma_wait3A_116 : memref<10240x128xf32, #tpu.memory_space<vmem_shared>>)
      %dma_start3A_117 = arith.constant 4 : i32
      %dma_start3A_118 = arith.constant 0 : i32
      %dma_start3A_119 = tpu.memref_slice %arg6[%dma_start3A_117, %dma_start3A_118] : memref<8x128xi32, #tpu.memory_space<vmem>> -> memref<1x128xi32, #tpu.memory_space<vmem>>
      %dma_start3A_120 = tpu.memref_squeeze %dma_start3A_119 : memref<1x128xi32, #tpu.memory_space<vmem>> -> memref<128xi32, #tpu.memory_space<vmem>>
      %dma_start3A_121 = arith.constant 0 : i32
      %dma_start3A_122 = arith.constant 0 : i32
      %dma_start3A_123 = tpu.memref_slice %arg2[%dma_start3A_121, %dma_start3A_122] : memref<10000x128xf32, #tpu.memory_space<hbm>> -> memref<10000x128xf32, #tpu.memory_space<hbm>>
      tpu.enqueue_indirect_dma source(%dma_start3A_123 : memref<10000x128xf32, #tpu.memory_space<hbm>>) target(%arg8 : memref<128x128xf32, #tpu.memory_space<vmem>>) offsets(%dma_start3A_120 : memref<128xi32, #tpu.memory_space<vmem>>) semaphore(%arg10 : memref<!tpu.dma_semaphore, #tpu.memory_space<semaphore_mem>>)
      %dma_wait3A_124 = arith.constant 3 : i32
      %dma_wait3A_125 = arith.constant 0 : i32
      %dma_wait3A_126 = tpu.memref_slice %arg6[%dma_wait3A_124, %dma_wait3A_125] : memref<8x128xi32, #tpu.memory_space<vmem>> -> memref<1x128xi32, #tpu.memory_space<vmem>>
      %dma_wait3A_127 = tpu.memref_squeeze %dma_wait3A_126 : memref<1x128xi32, #tpu.memory_space<vmem>> -> memref<128xi32, #tpu.memory_space<vmem>>
      %dma_wait3A_128 = arith.constant 0 : i32
      %dma_wait3A_129 = arith.constant 0 : i32
      %dma_wait3A_130 = tpu.memref_slice %arg2[%dma_wait3A_128, %dma_wait3A_129] : memref<10000x128xf32, #tpu.memory_space<hbm>> -> memref<10000x128xf32, #tpu.memory_space<hbm>>
      tpu.wait_indirect_dma semaphore(%arg11 : memref<!tpu.dma_semaphore, #tpu.memory_space<semaphore_mem>>) src(%dma_wait3A_130 : memref<10000x128xf32, #tpu.memory_space<hbm>>) dst(%arg9 : memref<128x128xf32, #tpu.memory_space<vmem>>)
      %dma_start3A_131 = arith.constant 3 : i32
      %dma_start3A_132 = arith.constant 0 : i32
      %dma_start3A_133 = tpu.memref_slice %arg7[%dma_start3A_131, %dma_start3A_132] : memref<8x128xi32, #tpu.memory_space<vmem>> -> memref<1x128xi32, #tpu.memory_space<vmem>>
      %dma_start3A_134 = tpu.memref_squeeze %dma_start3A_133 : memref<1x128xi32, #tpu.memory_space<vmem>> -> memref<128xi32, #tpu.memory_space<vmem>>
      %dma_start3A_135 = arith.constant 0 : i32
      %dma_start3A_136 = arith.constant 0 : i32
      %dma_start3A_137 = tpu.memref_slice %arg14[%dma_start3A_135, %dma_start3A_136] : memref<10240x128xf32, #tpu.memory_space<vmem_shared>> -> memref<10240x128xf32, #tpu.memory_space<vmem_shared>>
      tpu.enqueue_indirect_dma source(%arg9 : memref<128x128xf32, #tpu.memory_space<vmem>>) target(%dma_start3A_137 : memref<10240x128xf32, #tpu.memory_space<vmem_shared>>) offsets(%dma_start3A_134 : memref<128xi32, #tpu.memory_space<vmem>>) semaphore(%arg13 : memref<!tpu.dma_semaphore, #tpu.memory_space<semaphore_mem>>) {add = true}
      %dma_wait3A_138 = arith.constant 3 : i32
      %dma_wait3A_139 = arith.constant 0 : i32
      %dma_wait3A_140 = tpu.memref_slice %arg7[%dma_wait3A_138, %dma_wait3A_139] : memref<8x128xi32, #tpu.memory_space<vmem>> -> memref<1x128xi32, #tpu.memory_space<vmem>>
      %dma_wait3A_141 = tpu.memref_squeeze %dma_wait3A_140 : memref<1x128xi32, #tpu.memory_space<vmem>> -> memref<128xi32, #tpu.memory_space<vmem>>
      %dma_wait3A_142 = arith.constant 0 : i32
      %dma_wait3A_143 = arith.constant 0 : i32
      %dma_wait3A_144 = tpu.memref_slice %arg14[%dma_wait3A_142, %dma_wait3A_143] : memref<10240x128xf32, #tpu.memory_space<vmem_shared>> -> memref<10240x128xf32, #tpu.memory_space<vmem_shared>>
      tpu.wait_indirect_dma semaphore(%arg13 : memref<!tpu.dma_semaphore, #tpu.memory_space<semaphore_mem>>) src(%arg9 : memref<128x128xf32, #tpu.memory_space<vmem>>) dst(%dma_wait3A_144 : memref<10240x128xf32, #tpu.memory_space<vmem_shared>>)
      %dma_start3A_145 = arith.constant 5 : i32
      %dma_start3A_146 = arith.constant 0 : i32
      %dma_start3A_147 = tpu.memref_slice %arg6[%dma_start3A_145, %dma_start3A_146] : memref<8x128xi32, #tpu.memory_space<vmem>> -> memref<1x128xi32, #tpu.memory_space<vmem>>
      %dma_start3A_148 = tpu.memref_squeeze %dma_start3A_147 : memref<1x128xi32, #tpu.memory_space<vmem>> -> memref<128xi32, #tpu.memory_space<vmem>>
      %dma_start3A_149 = arith.constant 0 : i32
      %dma_start3A_150 = arith.constant 0 : i32
      %dma_start3A_151 = tpu.memref_slice %arg2[%dma_start3A_149, %dma_start3A_150] : memref<10000x128xf32, #tpu.memory_space<hbm>> -> memref<10000x128xf32, #tpu.memory_space<hbm>>
      tpu.enqueue_indirect_dma source(%dma_start3A_151 : memref<10000x128xf32, #tpu.memory_space<hbm>>) target(%arg9 : memref<128x128xf32, #tpu.memory_space<vmem>>) offsets(%dma_start3A_148 : memref<128xi32, #tpu.memory_space<vmem>>) semaphore(%arg11 : memref<!tpu.dma_semaphore, #tpu.memory_space<semaphore_mem>>)
      %dma_wait3A_152 = arith.constant 4 : i32
      %dma_wait3A_153 = arith.constant 0 : i32
      %dma_wait3A_154 = tpu.memref_slice %arg6[%dma_wait3A_152, %dma_wait3A_153] : memref<8x128xi32, #tpu.memory_space<vmem>> -> memref<1x128xi32, #tpu.memory_space<vmem>>
      %dma_wait3A_155 = tpu.memref_squeeze %dma_wait3A_154 : memref<1x128xi32, #tpu.memory_space<vmem>> -> memref<128xi32, #tpu.memory_space<vmem>>
      %dma_wait3A_156 = arith.constant 0 : i32
      %dma_wait3A_157 = arith.constant 0 : i32
      %dma_wait3A_158 = tpu.memref_slice %arg2[%dma_wait3A_156, %dma_wait3A_157] : memref<10000x128xf32, #tpu.memory_space<hbm>> -> memref<10000x128xf32, #tpu.memory_space<hbm>>
      tpu.wait_indirect_dma semaphore(%arg10 : memref<!tpu.dma_semaphore, #tpu.memory_space<semaphore_mem>>) src(%dma_wait3A_158 : memref<10000x128xf32, #tpu.memory_space<hbm>>) dst(%arg8 : memref<128x128xf32, #tpu.memory_space<vmem>>)
      %dma_start3A_159 = arith.constant 4 : i32
      %dma_start3A_160 = arith.constant 0 : i32
      %dma_start3A_161 = tpu.memref_slice %arg7[%dma_start3A_159, %dma_start3A_160] : memref<8x128xi32, #tpu.memory_space<vmem>> -> memref<1x128xi32, #tpu.memory_space<vmem>>
      %dma_start3A_162 = tpu.memref_squeeze %dma_start3A_161 : memref<1x128xi32, #tpu.memory_space<vmem>> -> memref<128xi32, #tpu.memory_space<vmem>>
      %dma_start3A_163 = arith.constant 0 : i32
      %dma_start3A_164 = arith.constant 0 : i32
      %dma_start3A_165 = tpu.memref_slice %arg14[%dma_start3A_163, %dma_start3A_164] : memref<10240x128xf32, #tpu.memory_space<vmem_shared>> -> memref<10240x128xf32, #tpu.memory_space<vmem_shared>>
      tpu.enqueue_indirect_dma source(%arg8 : memref<128x128xf32, #tpu.memory_space<vmem>>) target(%dma_start3A_165 : memref<10240x128xf32, #tpu.memory_space<vmem_shared>>) offsets(%dma_start3A_162 : memref<128xi32, #tpu.memory_space<vmem>>) semaphore(%arg12 : memref<!tpu.dma_semaphore, #tpu.memory_space<semaphore_mem>>) {add = true}
      %dma_wait3A_166 = arith.constant 4 : i32
      %dma_wait3A_167 = arith.constant 0 : i32
      %dma_wait3A_168 = tpu.memref_slice %arg7[%dma_wait3A_166, %dma_wait3A_167] : memref<8x128xi32, #tpu.memory_space<vmem>> -> memref<1x128xi32, #tpu.memory_space<vmem>>
      %dma_wait3A_169 = tpu.memref_squeeze %dma_wait3A_168 : memref<1x128xi32, #tpu.memory_space<vmem>> -> memref<128xi32, #tpu.memory_space<vmem>>
      %dma_wait3A_170 = arith.constant 0 : i32
      %dma_wait3A_171 = arith.constant 0 : i32
      %dma_wait3A_172 = tpu.memref_slice %arg14[%dma_wait3A_170, %dma_wait3A_171] : memref<10240x128xf32, #tpu.memory_space<vmem_shared>> -> memref<10240x128xf32, #tpu.memory_space<vmem_shared>>
      tpu.wait_indirect_dma semaphore(%arg12 : memref<!tpu.dma_semaphore, #tpu.memory_space<semaphore_mem>>) src(%arg8 : memref<128x128xf32, #tpu.memory_space<vmem>>) dst(%dma_wait3A_172 : memref<10240x128xf32, #tpu.memory_space<vmem_shared>>)
      %dma_start3A_173 = arith.constant 6 : i32
      %dma_start3A_174 = arith.constant 0 : i32
      %dma_start3A_175 = tpu.memref_slice %arg6[%dma_start3A_173, %dma_start3A_174] : memref<8x128xi32, #tpu.memory_space<vmem>> -> memref<1x128xi32, #tpu.memory_space<vmem>>
      %dma_start3A_176 = tpu.memref_squeeze %dma_start3A_175 : memref<1x128xi32, #tpu.memory_space<vmem>> -> memref<128xi32, #tpu.memory_space<vmem>>
      %dma_start3A_177 = arith.constant 0 : i32
      %dma_start3A_178 = arith.constant 0 : i32
      %dma_start3A_179 = tpu.memref_slice %arg2[%dma_start3A_177, %dma_start3A_178] : memref<10000x128xf32, #tpu.memory_space<hbm>> -> memref<10000x128xf32, #tpu.memory_space<hbm>>
      tpu.enqueue_indirect_dma source(%dma_start3A_179 : memref<10000x128xf32, #tpu.memory_space<hbm>>) target(%arg8 : memref<128x128xf32, #tpu.memory_space<vmem>>) offsets(%dma_start3A_176 : memref<128xi32, #tpu.memory_space<vmem>>) semaphore(%arg10 : memref<!tpu.dma_semaphore, #tpu.memory_space<semaphore_mem>>)
      %dma_wait3A_180 = arith.constant 5 : i32
      %dma_wait3A_181 = arith.constant 0 : i32
      %dma_wait3A_182 = tpu.memref_slice %arg6[%dma_wait3A_180, %dma_wait3A_181] : memref<8x128xi32, #tpu.memory_space<vmem>> -> memref<1x128xi32, #tpu.memory_space<vmem>>
      %dma_wait3A_183 = tpu.memref_squeeze %dma_wait3A_182 : memref<1x128xi32, #tpu.memory_space<vmem>> -> memref<128xi32, #tpu.memory_space<vmem>>
      %dma_wait3A_184 = arith.constant 0 : i32
      %dma_wait3A_185 = arith.constant 0 : i32
      %dma_wait3A_186 = tpu.memref_slice %arg2[%dma_wait3A_184, %dma_wait3A_185] : memref<10000x128xf32, #tpu.memory_space<hbm>> -> memref<10000x128xf32, #tpu.memory_space<hbm>>
      tpu.wait_indirect_dma semaphore(%arg11 : memref<!tpu.dma_semaphore, #tpu.memory_space<semaphore_mem>>) src(%dma_wait3A_186 : memref<10000x128xf32, #tpu.memory_space<hbm>>) dst(%arg9 : memref<128x128xf32, #tpu.memory_space<vmem>>)
      %dma_start3A_187 = arith.constant 5 : i32
      %dma_start3A_188 = arith.constant 0 : i32
      %dma_start3A_189 = tpu.memref_slice %arg7[%dma_start3A_187, %dma_start3A_188] : memref<8x128xi32, #tpu.memory_space<vmem>> -> memref<1x128xi32, #tpu.memory_space<vmem>>
      %dma_start3A_190 = tpu.memref_squeeze %dma_start3A_189 : memref<1x128xi32, #tpu.memory_space<vmem>> -> memref<128xi32, #tpu.memory_space<vmem>>
      %dma_start3A_191 = arith.constant 0 : i32
      %dma_start3A_192 = arith.constant 0 : i32
      %dma_start3A_193 = tpu.memref_slice %arg14[%dma_start3A_191, %dma_start3A_192] : memref<10240x128xf32, #tpu.memory_space<vmem_shared>> -> memref<10240x128xf32, #tpu.memory_space<vmem_shared>>
      tpu.enqueue_indirect_dma source(%arg9 : memref<128x128xf32, #tpu.memory_space<vmem>>) target(%dma_start3A_193 : memref<10240x128xf32, #tpu.memory_space<vmem_shared>>) offsets(%dma_start3A_190 : memref<128xi32, #tpu.memory_space<vmem>>) semaphore(%arg13 : memref<!tpu.dma_semaphore, #tpu.memory_space<semaphore_mem>>) {add = true}
      %dma_wait3A_194 = arith.constant 5 : i32
      %dma_wait3A_195 = arith.constant 0 : i32
      %dma_wait3A_196 = tpu.memref_slice %arg7[%dma_wait3A_194, %dma_wait3A_195] : memref<8x128xi32, #tpu.memory_space<vmem>> -> memref<1x128xi32, #tpu.memory_space<vmem>>
      %dma_wait3A_197 = tpu.memref_squeeze %dma_wait3A_196 : memref<1x128xi32, #tpu.memory_space<vmem>> -> memref<128xi32, #tpu.memory_space<vmem>>
      %dma_wait3A_198 = arith.constant 0 : i32
      %dma_wait3A_199 = arith.constant 0 : i32
      %dma_wait3A_200 = tpu.memref_slice %arg14[%dma_wait3A_198, %dma_wait3A_199] : memref<10240x128xf32, #tpu.memory_space<vmem_shared>> -> memref<10240x128xf32, #tpu.memory_space<vmem_shared>>
      tpu.wait_indirect_dma semaphore(%arg13 : memref<!tpu.dma_semaphore, #tpu.memory_space<semaphore_mem>>) src(%arg9 : memref<128x128xf32, #tpu.memory_space<vmem>>) dst(%dma_wait3A_200 : memref<10240x128xf32, #tpu.memory_space<vmem_shared>>)
      %dma_start3A_201 = arith.constant 7 : i32
      %dma_start3A_202 = arith.constant 0 : i32
      %dma_start3A_203 = tpu.memref_slice %arg6[%dma_start3A_201, %dma_start3A_202] : memref<8x128xi32, #tpu.memory_space<vmem>> -> memref<1x128xi32, #tpu.memory_space<vmem>>
      %dma_start3A_204 = tpu.memref_squeeze %dma_start3A_203 : memref<1x128xi32, #tpu.memory_space<vmem>> -> memref<128xi32, #tpu.memory_space<vmem>>
      %dma_start3A_205 = arith.constant 0 : i32
      %dma_start3A_206 = arith.constant 0 : i32
      %dma_start3A_207 = tpu.memref_slice %arg2[%dma_start3A_205, %dma_start3A_206] : memref<10000x128xf32, #tpu.memory_space<hbm>> -> memref<10000x128xf32, #tpu.memory_space<hbm>>
      tpu.enqueue_indirect_dma source(%dma_start3A_207 : memref<10000x128xf32, #tpu.memory_space<hbm>>) target(%arg9 : memref<128x128xf32, #tpu.memory_space<vmem>>) offsets(%dma_start3A_204 : memref<128xi32, #tpu.memory_space<vmem>>) semaphore(%arg11 : memref<!tpu.dma_semaphore, #tpu.memory_space<semaphore_mem>>)
      %dma_wait3A_208 = arith.constant 6 : i32
      %dma_wait3A_209 = arith.constant 0 : i32
      %dma_wait3A_210 = tpu.memref_slice %arg6[%dma_wait3A_208, %dma_wait3A_209] : memref<8x128xi32, #tpu.memory_space<vmem>> -> memref<1x128xi32, #tpu.memory_space<vmem>>
      %dma_wait3A_211 = tpu.memref_squeeze %dma_wait3A_210 : memref<1x128xi32, #tpu.memory_space<vmem>> -> memref<128xi32, #tpu.memory_space<vmem>>
      %dma_wait3A_212 = arith.constant 0 : i32
      %dma_wait3A_213 = arith.constant 0 : i32
      %dma_wait3A_214 = tpu.memref_slice %arg2[%dma_wait3A_212, %dma_wait3A_213] : memref<10000x128xf32, #tpu.memory_space<hbm>> -> memref<10000x128xf32, #tpu.memory_space<hbm>>
      tpu.wait_indirect_dma semaphore(%arg10 : memref<!tpu.dma_semaphore, #tpu.memory_space<semaphore_mem>>) src(%dma_wait3A_214 : memref<10000x128xf32, #tpu.memory_space<hbm>>) dst(%arg8 : memref<128x128xf32, #tpu.memory_space<vmem>>)
      %dma_start3A_215 = arith.constant 6 : i32
      %dma_start3A_216 = arith.constant 0 : i32
      %dma_start3A_217 = tpu.memref_slice %arg7[%dma_start3A_215, %dma_start3A_216] : memref<8x128xi32, #tpu.memory_space<vmem>> -> memref<1x128xi32, #tpu.memory_space<vmem>>
      %dma_start3A_218 = tpu.memref_squeeze %dma_start3A_217 : memref<1x128xi32, #tpu.memory_space<vmem>> -> memref<128xi32, #tpu.memory_space<vmem>>
      %dma_start3A_219 = arith.constant 0 : i32
      %dma_start3A_220 = arith.constant 0 : i32
      %dma_start3A_221 = tpu.memref_slice %arg14[%dma_start3A_219, %dma_start3A_220] : memref<10240x128xf32, #tpu.memory_space<vmem_shared>> -> memref<10240x128xf32, #tpu.memory_space<vmem_shared>>
      tpu.enqueue_indirect_dma source(%arg8 : memref<128x128xf32, #tpu.memory_space<vmem>>) target(%dma_start3A_221 : memref<10240x128xf32, #tpu.memory_space<vmem_shared>>) offsets(%dma_start3A_218 : memref<128xi32, #tpu.memory_space<vmem>>) semaphore(%arg12 : memref<!tpu.dma_semaphore, #tpu.memory_space<semaphore_mem>>) {add = true}
      %dma_wait3A_222 = arith.constant 7 : i32
      %dma_wait3A_223 = arith.constant 0 : i32
      %dma_wait3A_224 = tpu.memref_slice %arg6[%dma_wait3A_222, %dma_wait3A_223] : memref<8x128xi32, #tpu.memory_space<vmem>> -> memref<1x128xi32, #tpu.memory_space<vmem>>
      %dma_wait3A_225 = tpu.memref_squeeze %dma_wait3A_224 : memref<1x128xi32, #tpu.memory_space<vmem>> -> memref<128xi32, #tpu.memory_space<vmem>>
      %dma_wait3A_226 = arith.constant 0 : i32
      %dma_wait3A_227 = arith.constant 0 : i32
      %dma_wait3A_228 = tpu.memref_slice %arg2[%dma_wait3A_226, %dma_wait3A_227] : memref<10000x128xf32, #tpu.memory_space<hbm>> -> memref<10000x128xf32, #tpu.memory_space<hbm>>
      tpu.wait_indirect_dma semaphore(%arg11 : memref<!tpu.dma_semaphore, #tpu.memory_space<semaphore_mem>>) src(%dma_wait3A_228 : memref<10000x128xf32, #tpu.memory_space<hbm>>) dst(%arg9 : memref<128x128xf32, #tpu.memory_space<vmem>>)
      %dma_start3A_229 = arith.constant 7 : i32
      %dma_start3A_230 = arith.constant 0 : i32
      %dma_start3A_231 = tpu.memref_slice %arg7[%dma_start3A_229, %dma_start3A_230] : memref<8x128xi32, #tpu.memory_space<vmem>> -> memref<1x128xi32, #tpu.memory_space<vmem>>
      %dma_start3A_232 = tpu.memref_squeeze %dma_start3A_231 : memref<1x128xi32, #tpu.memory_space<vmem>> -> memref<128xi32, #tpu.memory_space<vmem>>
      %dma_start3A_233 = arith.constant 0 : i32
      %dma_start3A_234 = arith.constant 0 : i32
      %dma_start3A_235 = tpu.memref_slice %arg14[%dma_start3A_233, %dma_start3A_234] : memref<10240x128xf32, #tpu.memory_space<vmem_shared>> -> memref<10240x128xf32, #tpu.memory_space<vmem_shared>>
      tpu.enqueue_indirect_dma source(%arg9 : memref<128x128xf32, #tpu.memory_space<vmem>>) target(%dma_start3A_235 : memref<10240x128xf32, #tpu.memory_space<vmem_shared>>) offsets(%dma_start3A_232 : memref<128xi32, #tpu.memory_space<vmem>>) semaphore(%arg13 : memref<!tpu.dma_semaphore, #tpu.memory_space<semaphore_mem>>) {add = true}
      %dma_wait3A_236 = arith.constant 6 : i32
      %dma_wait3A_237 = arith.constant 0 : i32
      %dma_wait3A_238 = tpu.memref_slice %arg7[%dma_wait3A_236, %dma_wait3A_237] : memref<8x128xi32, #tpu.memory_space<vmem>> -> memref<1x128xi32, #tpu.memory_space<vmem>>
      %dma_wait3A_239 = tpu.memref_squeeze %dma_wait3A_238 : memref<1x128xi32, #tpu.memory_space<vmem>> -> memref<128xi32, #tpu.memory_space<vmem>>
      %dma_wait3A_240 = arith.constant 0 : i32
      %dma_wait3A_241 = arith.constant 0 : i32
      %dma_wait3A_242 = tpu.memref_slice %arg14[%dma_wait3A_240, %dma_wait3A_241] : memref<10240x128xf32, #tpu.memory_space<vmem_shared>> -> memref<10240x128xf32, #tpu.memory_space<vmem_shared>>
      tpu.wait_indirect_dma semaphore(%arg12 : memref<!tpu.dma_semaphore, #tpu.memory_space<semaphore_mem>>) src(%arg8 : memref<128x128xf32, #tpu.memory_space<vmem>>) dst(%dma_wait3A_242 : memref<10240x128xf32, #tpu.memory_space<vmem_shared>>)
      %dma_wait3A_243 = arith.constant 7 : i32
      %dma_wait3A_244 = arith.constant 0 : i32
      %dma_wait3A_245 = tpu.memref_slice %arg7[%dma_wait3A_243, %dma_wait3A_244] : memref<8x128xi32, #tpu.memory_space<vmem>> -> memref<1x128xi32, #tpu.memory_space<vmem>>
      %dma_wait3A_246 = tpu.memref_squeeze %dma_wait3A_245 : memref<1x128xi32, #tpu.memory_space<vmem>> -> memref<128xi32, #tpu.memory_space<vmem>>
      %dma_wait3A_247 = arith.constant 0 : i32
      %dma_wait3A_248 = arith.constant 0 : i32
      %dma_wait3A_249 = tpu.memref_slice %arg14[%dma_wait3A_247, %dma_wait3A_248] : memref<10240x128xf32, #tpu.memory_space<vmem_shared>> -> memref<10240x128xf32, #tpu.memory_space<vmem_shared>>
      tpu.wait_indirect_dma semaphore(%arg13 : memref<!tpu.dma_semaphore, #tpu.memory_space<semaphore_mem>>) src(%arg9 : memref<128x128xf32, #tpu.memory_space<vmem>>) dst(%dma_wait3A_249 : memref<10240x128xf32, #tpu.memory_space<vmem_shared>>)
    }
    %scan3A_18 = arith.constant 5 : i32
    %barrier3A_19 = arith.constant 0 : index
    tpu.barrier barrier_id(%barrier3A_19)
    "tpu.region"() ({
      %run_scoped3A = tpu.sem_alloc : memref<!tpu.dma_semaphore, #tpu.memory_space<semaphore_mem>>
      %dma_start3A = arith.constant 0 : i32
      %dma_start3A_20 = tpu.memref_slice %arg5[%arg0, %mul3A_6, %dma_start3A] : memref<2x10240x128xf32, #tpu.memory_space<hbm>> -> memref<1x640x128xf32, #tpu.memory_space<hbm>>
      %dma_start3A_21 = tpu.memref_squeeze %dma_start3A_20 : memref<1x640x128xf32, #tpu.memory_space<hbm>> -> memref<640x128xf32, #tpu.memory_space<hbm>>
      %dma_start3A_22 = arith.constant 0 : i32
      %dma_start3A_23 = tpu.memref_slice %arg14[%mul3A_6, %dma_start3A_22] : memref<10240x128xf32, #tpu.memory_space<vmem_shared>> -> memref<640x128xf32, #tpu.memory_space<vmem_shared>>
      tpu.enqueue_dma source(%dma_start3A_23 : memref<640x128xf32, #tpu.memory_space<vmem_shared>>) target(%dma_start3A_21 : memref<640x128xf32, #tpu.memory_space<hbm>>) target_semaphore(%run_scoped3A : memref<!tpu.dma_semaphore, #tpu.memory_space<semaphore_mem>>)
      %dma_wait3A = arith.constant 0 : i32
      %dma_wait3A_24 = tpu.memref_slice %arg5[%arg0, %mul3A_6, %dma_wait3A] : memref<2x10240x128xf32, #tpu.memory_space<hbm>> -> memref<1x640x128xf32, #tpu.memory_space<hbm>>
      %dma_wait3A_25 = tpu.memref_squeeze %dma_wait3A_24 : memref<1x640x128xf32, #tpu.memory_space<hbm>> -> memref<640x128xf32, #tpu.memory_space<hbm>>
      %dma_wait3A_26 = arith.constant 0 : i32
      %dma_wait3A_27 = tpu.memref_slice %arg14[%mul3A_6, %dma_wait3A_26] : memref<10240x128xf32, #tpu.memory_space<vmem_shared>> -> memref<640x128xf32, #tpu.memory_space<vmem_shared>>
      tpu.wait_dma2 semaphore(%run_scoped3A : memref<!tpu.dma_semaphore, #tpu.memory_space<semaphore_mem>>) src(%dma_wait3A_27 : memref<640x128xf32, #tpu.memory_space<vmem_shared>>) dst(%dma_wait3A_25 : memref<640x128xf32, #tpu.memory_space<hbm>>)
      tpu.yield
    }) : () -> ()
    return
  }
}

module attributes {stable_mosaic.version = 14 : i64} {
  func.func @body(%arg0: i32, %arg1: memref<2000x128xf32, #tpu.memory_space<vmem>>, %arg2: memref<128x64xf32, #tpu.memory_space<vmem>>, %arg3: memref<64xf32, #tpu.memory_space<vmem>>, %arg4: memref<2000x64xf32, #tpu.memory_space<vmem>>) attributes {dimension_semantics = [#tpu.dimension_semantics<arbitrary>], iteration_bounds = array<i64: 5>, scalar_prefetch = 0 : i64, scratch_operands = 0 : i64, tpu.core_type = #tpu.core_type<tc>, window_params = [{transform_indices = @transform_0, window_bounds = array<i64: 2000, 128>}, {pipeline_mode = #tpu.pipeline_mode<synchronous>, transform_indices = @transform_1, window_bounds = array<i64: 128, 64>}, {pipeline_mode = #tpu.pipeline_mode<synchronous>, transform_indices = @transform_2, window_bounds = array<i64: 64>}, {transform_indices = @transform_3, window_bounds = array<i64: 2000, 64>}]} {
    %get3A = arith.constant 0 : index
    %get3A_0 = arith.constant 0 : index
    %get3A_1 = vector.load %arg1[%get3A, %get3A_0] : memref<2000x128xf32, #tpu.memory_space<vmem>>, vector<2000x128xf32>
    %get3A_2 = arith.constant 0 : index
    %get3A_3 = arith.constant 0 : index
    %get3A_4 = vector.load %arg2[%get3A_2, %get3A_3] : memref<128x64xf32, #tpu.memory_space<vmem>>, vector<128x64xf32>
    %dot_general3A = arith.constant dense<0.000000e+00> : vector<2000x64xf32>
    %dot_general3A_5 = tpu.matmul %get3A_1, %get3A_4, %dot_general3A {dimension_numbers = #tpu.dot_dimension_numbers<[1], [0], [0], [1], [0, 0, 1, 1], [], []>, transpose_lhs_hint = false} : vector<2000x128xf32>, vector<128x64xf32>, vector<2000x64xf32> -> vector<2000x64xf32>
    %get3A_6 = arith.constant 0 : index
    %get3A_7 = vector.load %arg3[%get3A_6] : memref<64xf32, #tpu.memory_space<vmem>>, vector<64xf32>
    %broadcast_in_dim3A = vector.shape_cast %get3A_7 : vector<64xf32> to vector<1x64xf32>
    %add3A = vector.broadcast %broadcast_in_dim3A : vector<1x64xf32> to vector<2000x64xf32>
    %add3A_8 = arith.addf %dot_general3A_5, %add3A : vector<2000x64xf32>
    %max3A = arith.constant 0.000000e+00 : f32
    %max3A_9 = vector.broadcast %max3A : f32 to vector<2000x64xf32>
    %max3A_10 = arith.maximumf %add3A_8, %max3A_9 : vector<2000x64xf32>
    %swap3A = arith.constant 0 : index
    %swap3A_11 = arith.constant 0 : index
    %swap3A_12 = vector.load %arg4[%swap3A, %swap3A_11] : memref<2000x64xf32, #tpu.memory_space<vmem>>, vector<2000x64xf32>
    tpu.vector_store %arg4[%swap3A, %swap3A_11], %max3A_10 {strides = array<i32>} : memref<2000x64xf32, #tpu.memory_space<vmem>>, vector<2000x64xf32>,
    return
  }
  func.func @transform_0(%arg0: i32) -> (i32, i32) {
    %c0_i32 = arith.constant 0 : i32
    %c0_i32_0 = arith.constant 0 : i32
    return %arg0, %c0_i32 : i32, i32
  }
  func.func @transform_1(%arg0: i32) -> (i32, i32) {
    %c0_i32 = arith.constant 0 : i32
    %c0_i32_0 = arith.constant 0 : i32
    %c0_i32_1 = arith.constant 0 : i32
    return %c0_i32, %c0_i32_0 : i32, i32
  }
  func.func @transform_2(%arg0: i32) -> i32 {
    %c0_i32 = arith.constant 0 : i32
    %c0_i32_0 = arith.constant 0 : i32
    return %c0_i32 : i32
  }
  func.func @transform_3(%arg0: i32) -> (i32, i32) {
    %c0_i32 = arith.constant 0 : i32
    %c0_i32_0 = arith.constant 0 : i32
    return %arg0, %c0_i32 : i32, i32
  }
}

module attributes {stable_mosaic.version = 14 : i64} {
  func.func @body(%arg0: i32, %arg1: memref<2000x64xf32, #tpu.memory_space<vmem>>, %arg2: memref<2x2000x16xf32, #tpu.memory_space<vmem>>, %arg3: memref<2x2000x16xf32, #tpu.memory_space<vmem>>, %arg4: memref<2000x64xf32, #tpu.memory_space<vmem>>, %arg5: memref<2000x64xf32, #tpu.memory_space<vmem>>) attributes {dimension_semantics = [#tpu.dimension_semantics<arbitrary>], iteration_bounds = array<i64: 5>, scalar_prefetch = 0 : i64, scratch_operands = 0 : i64, tpu.core_type = #tpu.core_type<tc>, window_params = [{transform_indices = @transform_0, window_bounds = array<i64: 2000, 64>}, {transform_indices = @transform_1, window_bounds = array<i64: 2, 2000, 16>}, {transform_indices = @transform_2, window_bounds = array<i64: 2, 2000, 16>}, {transform_indices = @transform_3, window_bounds = array<i64: 2000, 64>}, {transform_indices = @transform_4, window_bounds = array<i64: 2000, 64>}]} {
    %get3A = arith.constant 0 : index
    %get3A_0 = arith.constant 0 : index
    %get3A_1 = vector.load %arg1[%get3A, %get3A_0] : memref<2000x64xf32, #tpu.memory_space<vmem>>, vector<2000x64xf32>
    %get3A_2 = arith.constant 0 : index
    %get3A_3 = arith.constant 0 : index
    %get3A_4 = arith.constant 0 : index
    %get3A_5 = vector.load %arg2[%get3A_2, %get3A_3, %get3A_4] : memref<2x2000x16xf32, #tpu.memory_space<vmem>>, vector<1x2000x1xf32>
    %get3A_6 = vector.shape_cast %get3A_5 : vector<1x2000x1xf32> to vector<2000xf32>
    %get3A_7 = arith.constant 1 : index
    %get3A_8 = arith.constant 0 : index
    %get3A_9 = arith.constant 0 : index
    %get3A_10 = vector.load %arg2[%get3A_7, %get3A_8, %get3A_9] : memref<2x2000x16xf32, #tpu.memory_space<vmem>>, vector<1x2000x1xf32>
    %get3A_11 = vector.shape_cast %get3A_10 : vector<1x2000x1xf32> to vector<2000xf32>
    %add3A = arith.addf %get3A_6, %get3A_11 : vector<2000xf32>
    %gt3A = arith.constant 5.000000e-01 : f32
    %gt3A_12 = vector.broadcast %gt3A : f32 to vector<2000xf32>
    %gt3A_13 = arith.cmpf ogt, %add3A, %gt3A_12 : vector<2000xf32>
    %rsqrt3A = math.rsqrt %add3A : vector<2000xf32>
    %jit3A = arith.constant 0.000000e+00 : f32
    %broadcast_in_dim3A = vector.broadcast %jit3A : f32 to vector<2000xf32>
    %select_n3A = arith.select %gt3A_13, %rsqrt3A, %broadcast_in_dim3A : vector<2000xi1>, vector<2000xf32>
    %broadcast_in_dim3A_14 = vector.shape_cast %select_n3A : vector<2000xf32> to vector<2000x1xf32>
    %mul3A = vector.broadcast %broadcast_in_dim3A_14 : vector<2000x1xf32> to vector<2000x64xf32>
    %mul3A_15 = arith.mulf %get3A_1, %mul3A : vector<2000x64xf32>
    %swap3A = arith.constant 0 : index
    %swap3A_16 = arith.constant 0 : index
    %swap3A_17 = vector.load %arg4[%swap3A, %swap3A_16] : memref<2000x64xf32, #tpu.memory_space<vmem>>, vector<2000x64xf32>
    tpu.vector_store %arg4[%swap3A, %swap3A_16], %mul3A_15 {strides = array<i32>} : memref<2000x64xf32, #tpu.memory_space<vmem>>, vector<2000x64xf32>,
    %get3A_18 = arith.constant 0 : index
    %get3A_19 = arith.constant 0 : index
    %get3A_20 = arith.constant 0 : index
    %get3A_21 = vector.load %arg3[%get3A_18, %get3A_19, %get3A_20] : memref<2x2000x16xf32, #tpu.memory_space<vmem>>, vector<1x2000x1xf32>
    %get3A_22 = vector.shape_cast %get3A_21 : vector<1x2000x1xf32> to vector<2000xf32>
    %get3A_23 = arith.constant 1 : index
    %get3A_24 = arith.constant 0 : index
    %get3A_25 = arith.constant 0 : index
    %get3A_26 = vector.load %arg3[%get3A_23, %get3A_24, %get3A_25] : memref<2x2000x16xf32, #tpu.memory_space<vmem>>, vector<1x2000x1xf32>
    %get3A_27 = vector.shape_cast %get3A_26 : vector<1x2000x1xf32> to vector<2000xf32>
    %add3A_28 = arith.addf %get3A_22, %get3A_27 : vector<2000xf32>
    %gt3A_29 = arith.constant 5.000000e-01 : f32
    %gt3A_30 = vector.broadcast %gt3A_29 : f32 to vector<2000xf32>
    %gt3A_31 = arith.cmpf ogt, %add3A_28, %gt3A_30 : vector<2000xf32>
    %rsqrt3A_32 = math.rsqrt %add3A_28 : vector<2000xf32>
    %jit3A_33 = arith.constant 0.000000e+00 : f32
    %broadcast_in_dim3A_34 = vector.broadcast %jit3A_33 : f32 to vector<2000xf32>
    %select_n3A_35 = arith.select %gt3A_31, %rsqrt3A_32, %broadcast_in_dim3A_34 : vector<2000xi1>, vector<2000xf32>
    %broadcast_in_dim3A_36 = vector.shape_cast %select_n3A_35 : vector<2000xf32> to vector<2000x1xf32>
    %mul3A_37 = vector.broadcast %broadcast_in_dim3A_36 : vector<2000x1xf32> to vector<2000x64xf32>
    %mul3A_38 = arith.mulf %get3A_1, %mul3A_37 : vector<2000x64xf32>
    %swap3A_39 = arith.constant 0 : index
    %swap3A_40 = arith.constant 0 : index
    %swap3A_41 = vector.load %arg5[%swap3A_39, %swap3A_40] : memref<2000x64xf32, #tpu.memory_space<vmem>>, vector<2000x64xf32>
    tpu.vector_store %arg5[%swap3A_39, %swap3A_40], %mul3A_38 {strides = array<i32>} : memref<2000x64xf32, #tpu.memory_space<vmem>>, vector<2000x64xf32>,
    return
  }
  func.func @transform_0(%arg0: i32) -> (i32, i32) {
    %c0_i32 = arith.constant 0 : i32
    %c0_i32_0 = arith.constant 0 : i32
    return %arg0, %c0_i32 : i32, i32
  }
  func.func @transform_1(%arg0: i32) -> (i32, i32, i32) {
    %c0_i32 = arith.constant 0 : i32
    %c0_i32_0 = arith.constant 0 : i32
    %c0_i32_1 = arith.constant 0 : i32
    return %c0_i32, %arg0, %c0_i32_0 : i32, i32, i32
  }
  func.func @transform_2(%arg0: i32) -> (i32, i32, i32) {
    %c0_i32 = arith.constant 0 : i32
    %c0_i32_0 = arith.constant 0 : i32
    %c0_i32_1 = arith.constant 0 : i32
    return %c0_i32, %arg0, %c0_i32_0 : i32, i32, i32
  }
  func.func @transform_3(%arg0: i32) -> (i32, i32) {
    %c0_i32 = arith.constant 0 : i32
    %c0_i32_0 = arith.constant 0 : i32
    return %arg0, %c0_i32 : i32, i32
  }
  func.func @transform_4(%arg0: i32) -> (i32, i32) {
    %c0_i32 = arith.constant 0 : i32
    %c0_i32_0 = arith.constant 0 : i32
    return %arg0, %c0_i32 : i32, i32
  }
}

module attributes {stable_mosaic.version = 14 : i64} {
  func.func @body1(%arg0: i32, %arg1: memref<2x2000x64xf32, #tpu.memory_space<vmem>>, %arg2: memref<2x2000x64xf32, #tpu.memory_space<vmem>>, %arg3: memref<2x2000x16xf32, #tpu.memory_space<vmem>>, %arg4: memref<2x2000x16xf32, #tpu.memory_space<vmem>>, %arg5: memref<2000x128xf32, #tpu.memory_space<vmem>>, %arg6: memref<1x128xf32, #tpu.memory_space<vmem>>, %arg7: memref<1x128xf32, #tpu.memory_space<vmem>>) attributes {dimension_semantics = [#tpu.dimension_semantics<arbitrary>], iteration_bounds = array<i64: 5>, scalar_prefetch = 0 : i64, scratch_operands = 0 : i64, tpu.core_type = #tpu.core_type<tc>, window_params = [{transform_indices = @transform_0, window_bounds = array<i64: 2, 2000, 64>}, {transform_indices = @transform_1, window_bounds = array<i64: 2, 2000, 64>}, {transform_indices = @transform_2, window_bounds = array<i64: 2, 2000, 16>}, {transform_indices = @transform_3, window_bounds = array<i64: 2, 2000, 16>}, {transform_indices = @transform_4, window_bounds = array<i64: 2000, 128>}, {pipeline_mode = #tpu.pipeline_mode<synchronous>, transform_indices = @transform_5, window_bounds = array<i64: 1, 128>}, {pipeline_mode = #tpu.pipeline_mode<synchronous>, transform_indices = @transform_6, window_bounds = array<i64: 1, 128>}]} {
    %get3A = arith.constant 0 : index
    %get3A_0 = arith.constant 0 : index
    %get3A_1 = arith.constant 0 : index
    %get3A_2 = vector.load %arg3[%get3A, %get3A_0, %get3A_1] : memref<2x2000x16xf32, #tpu.memory_space<vmem>>, vector<1x2000x1xf32>
    %get3A_3 = vector.shape_cast %get3A_2 : vector<1x2000x1xf32> to vector<2000xf32>
    %get3A_4 = arith.constant 1 : index
    %get3A_5 = arith.constant 0 : index
    %get3A_6 = arith.constant 0 : index
    %get3A_7 = vector.load %arg3[%get3A_4, %get3A_5, %get3A_6] : memref<2x2000x16xf32, #tpu.memory_space<vmem>>, vector<1x2000x1xf32>
    %get3A_8 = vector.shape_cast %get3A_7 : vector<1x2000x1xf32> to vector<2000xf32>
    %add3A = arith.addf %get3A_3, %get3A_8 : vector<2000xf32>
    %gt3A = arith.constant 5.000000e-01 : f32
    %gt3A_9 = vector.broadcast %gt3A : f32 to vector<2000xf32>
    %gt3A_10 = arith.cmpf ogt, %add3A, %gt3A_9 : vector<2000xf32>
    %rsqrt3A = math.rsqrt %add3A : vector<2000xf32>
    %jit3A = arith.constant 0.000000e+00 : f32
    %broadcast_in_dim3A = vector.broadcast %jit3A : f32 to vector<2000xf32>
    %select_n3A = arith.select %gt3A_10, %rsqrt3A, %broadcast_in_dim3A : vector<2000xi1>, vector<2000xf32>
    %broadcast_in_dim3A_11 = vector.shape_cast %select_n3A : vector<2000xf32> to vector<2000x1xf32>
    %get3A_12 = arith.constant 0 : index
    %get3A_13 = arith.constant 0 : index
    %get3A_14 = arith.constant 0 : index
    %get3A_15 = vector.load %arg1[%get3A_12, %get3A_13, %get3A_14] : memref<2x2000x64xf32, #tpu.memory_space<vmem>>, vector<1x2000x64xf32>
    %get3A_16 = vector.shape_cast %get3A_15 : vector<1x2000x64xf32> to vector<2000x64xf32>
    %get3A_17 = arith.constant 1 : index
    %get3A_18 = arith.constant 0 : index
    %get3A_19 = arith.constant 0 : index
    %get3A_20 = vector.load %arg1[%get3A_17, %get3A_18, %get3A_19] : memref<2x2000x64xf32, #tpu.memory_space<vmem>>, vector<1x2000x64xf32>
    %get3A_21 = vector.shape_cast %get3A_20 : vector<1x2000x64xf32> to vector<2000x64xf32>
    %add3A_22 = arith.addf %get3A_16, %get3A_21 : vector<2000x64xf32>
    %mul3A = vector.broadcast %broadcast_in_dim3A_11 : vector<2000x1xf32> to vector<2000x64xf32>
    %mul3A_23 = arith.mulf %mul3A, %add3A_22 : vector<2000x64xf32>
    %get3A_24 = arith.constant 0 : index
    %get3A_25 = arith.constant 0 : index
    %get3A_26 = arith.constant 0 : index
    %get3A_27 = vector.load %arg4[%get3A_24, %get3A_25, %get3A_26] : memref<2x2000x16xf32, #tpu.memory_space<vmem>>, vector<1x2000x1xf32>
    %get3A_28 = vector.shape_cast %get3A_27 : vector<1x2000x1xf32> to vector<2000xf32>
    %get3A_29 = arith.constant 1 : index
    %get3A_30 = arith.constant 0 : index
    %get3A_31 = arith.constant 0 : index
    %get3A_32 = vector.load %arg4[%get3A_29, %get3A_30, %get3A_31] : memref<2x2000x16xf32, #tpu.memory_space<vmem>>, vector<1x2000x1xf32>
    %get3A_33 = vector.shape_cast %get3A_32 : vector<1x2000x1xf32> to vector<2000xf32>
    %add3A_34 = arith.addf %get3A_28, %get3A_33 : vector<2000xf32>
    %gt3A_35 = arith.constant 5.000000e-01 : f32
    %gt3A_36 = vector.broadcast %gt3A_35 : f32 to vector<2000xf32>
    %gt3A_37 = arith.cmpf ogt, %add3A_34, %gt3A_36 : vector<2000xf32>
    %rsqrt3A_38 = math.rsqrt %add3A_34 : vector<2000xf32>
    %jit3A_39 = arith.constant 0.000000e+00 : f32
    %broadcast_in_dim3A_40 = vector.broadcast %jit3A_39 : f32 to vector<2000xf32>
    %select_n3A_41 = arith.select %gt3A_37, %rsqrt3A_38, %broadcast_in_dim3A_40 : vector<2000xi1>, vector<2000xf32>
    %broadcast_in_dim3A_42 = vector.shape_cast %select_n3A_41 : vector<2000xf32> to vector<2000x1xf32>
    %get3A_43 = arith.constant 0 : index
    %get3A_44 = arith.constant 0 : index
    %get3A_45 = arith.constant 0 : index
    %get3A_46 = vector.load %arg2[%get3A_43, %get3A_44, %get3A_45] : memref<2x2000x64xf32, #tpu.memory_space<vmem>>, vector<1x2000x64xf32>
    %get3A_47 = vector.shape_cast %get3A_46 : vector<1x2000x64xf32> to vector<2000x64xf32>
    %get3A_48 = arith.constant 1 : index
    %get3A_49 = arith.constant 0 : index
    %get3A_50 = arith.constant 0 : index
    %get3A_51 = vector.load %arg2[%get3A_48, %get3A_49, %get3A_50] : memref<2x2000x64xf32, #tpu.memory_space<vmem>>, vector<1x2000x64xf32>
    %get3A_52 = vector.shape_cast %get3A_51 : vector<1x2000x64xf32> to vector<2000x64xf32>
    %add3A_53 = arith.addf %get3A_47, %get3A_52 : vector<2000x64xf32>
    %mul3A_54 = vector.broadcast %broadcast_in_dim3A_42 : vector<2000x1xf32> to vector<2000x64xf32>
    %mul3A_55 = arith.mulf %mul3A_54, %add3A_53 : vector<2000x64xf32>
    %concatenate3A = tpu.concatenate %mul3A_23, %mul3A_55 in 1 : vector<2000x64xf32>, vector<2000x64xf32> -> vector<2000x128xf32>
    %swap3A = arith.constant 0 : index
    %swap3A_56 = arith.constant 0 : index
    %swap3A_57 = vector.load %arg5[%swap3A, %swap3A_56] : memref<2000x128xf32, #tpu.memory_space<vmem>>, vector<2000x128xf32>
    tpu.vector_store %arg5[%swap3A, %swap3A_56], %concatenate3A {strides = array<i32>} : memref<2000x128xf32, #tpu.memory_space<vmem>>, vector<2000x128xf32>,
    %reduce_sum3A = arith.constant dense<0.000000e+00> : vector<128xf32>
    %reduce_sum3A_58 = vector.multi_reduction <add>, %concatenate3A, %reduce_sum3A [0] : vector<2000x128xf32> to vector<128xf32>
    %broadcast_in_dim3A_59 = vector.shape_cast %reduce_sum3A_58 : vector<128xf32> to vector<1x128xf32>
    %mul3A_60 = arith.mulf %concatenate3A, %concatenate3A : vector<2000x128xf32>
    %reduce_sum3A_61 = arith.constant dense<0.000000e+00> : vector<128xf32>
    %reduce_sum3A_62 = vector.multi_reduction <add>, %mul3A_60, %reduce_sum3A_61 [0] : vector<2000x128xf32> to vector<128xf32>
    %broadcast_in_dim3A_63 = vector.shape_cast %reduce_sum3A_62 : vector<128xf32> to vector<1x128xf32>
    %eq3A = arith.constant 0 : i32
    %eq3A_64 = arith.cmpi eq, %arg0, %eq3A : i32
    %convert_element_type3A = arith.extui %eq3A_64 : i1 to i32
    %cond3A = arith.constant 0 : i32
    %cond3A_65 = arith.cmpi ne, %convert_element_type3A, %cond3A : i32
    scf.if %cond3A_65 {
      %swap3A_70 = arith.constant 0 : index
      %swap3A_71 = arith.constant 0 : index
      %swap3A_72 = vector.load %arg6[%swap3A_70, %swap3A_71] : memref<1x128xf32, #tpu.memory_space<vmem>>, vector<1x128xf32>
      tpu.vector_store %arg6[%swap3A_70, %swap3A_71], %broadcast_in_dim3A_59 {strides = array<i32>} : memref<1x128xf32, #tpu.memory_space<vmem>>, vector<1x128xf32>,
      %swap3A_73 = arith.constant 0 : index
      %swap3A_74 = arith.constant 0 : index
      %swap3A_75 = vector.load %arg7[%swap3A_73, %swap3A_74] : memref<1x128xf32, #tpu.memory_space<vmem>>, vector<1x128xf32>
      tpu.vector_store %arg7[%swap3A_73, %swap3A_74], %broadcast_in_dim3A_63 {strides = array<i32>} : memref<1x128xf32, #tpu.memory_space<vmem>>, vector<1x128xf32>,
    } else {
    }
    %ne3A = arith.constant 0 : i32
    %ne3A_66 = arith.cmpi ne, %arg0, %ne3A : i32
    %convert_element_type3A_67 = arith.extui %ne3A_66 : i1 to i32
    %cond3A_68 = arith.constant 0 : i32
    %cond3A_69 = arith.cmpi ne, %convert_element_type3A_67, %cond3A_68 : i32
    scf.if %cond3A_69 {
      %get3A_70 = arith.constant 0 : index
      %get3A_71 = arith.constant 0 : index
      %get3A_72 = vector.load %arg6[%get3A_70, %get3A_71] : memref<1x128xf32, #tpu.memory_space<vmem>>, vector<1x128xf32>
      %add3A_73 = arith.addf %get3A_72, %broadcast_in_dim3A_59 : vector<1x128xf32>
      %swap3A_74 = arith.constant 0 : index
      %swap3A_75 = arith.constant 0 : index
      %swap3A_76 = vector.load %arg6[%swap3A_74, %swap3A_75] : memref<1x128xf32, #tpu.memory_space<vmem>>, vector<1x128xf32>
      tpu.vector_store %arg6[%swap3A_74, %swap3A_75], %add3A_73 {strides = array<i32>} : memref<1x128xf32, #tpu.memory_space<vmem>>, vector<1x128xf32>,
      %get3A_77 = arith.constant 0 : index
      %get3A_78 = arith.constant 0 : index
      %get3A_79 = vector.load %arg7[%get3A_77, %get3A_78] : memref<1x128xf32, #tpu.memory_space<vmem>>, vector<1x128xf32>
      %add3A_80 = arith.addf %get3A_79, %broadcast_in_dim3A_63 : vector<1x128xf32>
      %swap3A_81 = arith.constant 0 : index
      %swap3A_82 = arith.constant 0 : index
      %swap3A_83 = vector.load %arg7[%swap3A_81, %swap3A_82] : memref<1x128xf32, #tpu.memory_space<vmem>>, vector<1x128xf32>
      tpu.vector_store %arg7[%swap3A_81, %swap3A_82], %add3A_80 {strides = array<i32>} : memref<1x128xf32, #tpu.memory_space<vmem>>, vector<1x128xf32>,
    } else {
    }
    return
  }
  func.func @transform_0(%arg0: i32) -> (i32, i32, i32) {
    %c0_i32 = arith.constant 0 : i32
    %c0_i32_0 = arith.constant 0 : i32
    %c0_i32_1 = arith.constant 0 : i32
    return %c0_i32, %arg0, %c0_i32_0 : i32, i32, i32
  }
  func.func @transform_1(%arg0: i32) -> (i32, i32, i32) {
    %c0_i32 = arith.constant 0 : i32
    %c0_i32_0 = arith.constant 0 : i32
    %c0_i32_1 = arith.constant 0 : i32
    return %c0_i32, %arg0, %c0_i32_0 : i32, i32, i32
  }
  func.func @transform_2(%arg0: i32) -> (i32, i32, i32) {
    %c0_i32 = arith.constant 0 : i32
    %c0_i32_0 = arith.constant 0 : i32
    %c0_i32_1 = arith.constant 0 : i32
    return %c0_i32, %arg0, %c0_i32_0 : i32, i32, i32
  }
  func.func @transform_3(%arg0: i32) -> (i32, i32, i32) {
    %c0_i32 = arith.constant 0 : i32
    %c0_i32_0 = arith.constant 0 : i32
    %c0_i32_1 = arith.constant 0 : i32
    return %c0_i32, %arg0, %c0_i32_0 : i32, i32, i32
  }
  func.func @transform_4(%arg0: i32) -> (i32, i32) {
    %c0_i32 = arith.constant 0 : i32
    %c0_i32_0 = arith.constant 0 : i32
    return %arg0, %c0_i32 : i32, i32
  }
  func.func @transform_5(%arg0: i32) -> (i32, i32) {
    %c0_i32 = arith.constant 0 : i32
    %c0_i32_0 = arith.constant 0 : i32
    %c0_i32_1 = arith.constant 0 : i32
    return %c0_i32, %c0_i32_0 : i32, i32
  }
  func.func @transform_6(%arg0: i32) -> (i32, i32) {
    %c0_i32 = arith.constant 0 : i32
    %c0_i32_0 = arith.constant 0 : i32
    %c0_i32_1 = arith.constant 0 : i32
    return %c0_i32, %c0_i32_0 : i32, i32
  }
}

module attributes {stable_mosaic.version = 14 : i64} {
  func.func @body2(%arg0: i32, %arg1: memref<2000x128xf32, #tpu.memory_space<vmem>>, %arg2: memref<1x128xf32, #tpu.memory_space<vmem>>, %arg3: memref<1x128xf32, #tpu.memory_space<vmem>>, %arg4: memref<2x2000x16xf32, #tpu.memory_space<vmem>>, %arg5: memref<2x2000x16xf32, #tpu.memory_space<vmem>>, %arg6: memref<128xf32, #tpu.memory_space<vmem>>, %arg7: memref<128xf32, #tpu.memory_space<vmem>>, %arg8: memref<2000x128xf32, #tpu.memory_space<vmem>>, %arg9: memref<2000x128xf32, #tpu.memory_space<vmem>>, %arg10: memref<2000x128xf32, #tpu.memory_space<vmem>>) attributes {dimension_semantics = [#tpu.dimension_semantics<arbitrary>], iteration_bounds = array<i64: 5>, scalar_prefetch = 0 : i64, scratch_operands = 0 : i64, tpu.core_type = #tpu.core_type<tc>, window_params = [{transform_indices = @transform_0, window_bounds = array<i64: 2000, 128>}, {pipeline_mode = #tpu.pipeline_mode<synchronous>, transform_indices = @transform_1, window_bounds = array<i64: 1, 128>}, {pipeline_mode = #tpu.pipeline_mode<synchronous>, transform_indices = @transform_2, window_bounds = array<i64: 1, 128>}, {transform_indices = @transform_3, window_bounds = array<i64: 2, 2000, 16>}, {transform_indices = @transform_4, window_bounds = array<i64: 2, 2000, 16>}, {pipeline_mode = #tpu.pipeline_mode<synchronous>, transform_indices = @transform_5, window_bounds = array<i64: 128>}, {pipeline_mode = #tpu.pipeline_mode<synchronous>, transform_indices = @transform_6, window_bounds = array<i64: 128>}, {transform_indices = @transform_7, window_bounds = array<i64: 2000, 128>}, {transform_indices = @transform_8, window_bounds = array<i64: 2000, 128>}, {transform_indices = @transform_9, window_bounds = array<i64: 2000, 128>}]} {
    %get3A = arith.constant 0 : index
    %get3A_0 = arith.constant 0 : index
    %get3A_1 = vector.load %arg2[%get3A, %get3A_0] : memref<1x128xf32, #tpu.memory_space<vmem>>, vector<1x128xf32>
    %mul3A = arith.constant 9.99999974E-5 : f32
    %mul3A_2 = vector.broadcast %mul3A : f32 to vector<1x128xf32>
    %mul3A_3 = arith.mulf %get3A_1, %mul3A_2 : vector<1x128xf32>
    %get3A_4 = arith.constant 0 : index
    %get3A_5 = arith.constant 0 : index
    %get3A_6 = vector.load %arg3[%get3A_4, %get3A_5] : memref<1x128xf32, #tpu.memory_space<vmem>>, vector<1x128xf32>
    %mul3A_7 = arith.constant 9.99999974E-5 : f32
    %mul3A_8 = vector.broadcast %mul3A_7 : f32 to vector<1x128xf32>
    %mul3A_9 = arith.mulf %get3A_6, %mul3A_8 : vector<1x128xf32>
    %mul3A_10 = arith.mulf %mul3A_3, %mul3A_3 : vector<1x128xf32>
    %sub3A = arith.subf %mul3A_9, %mul3A_10 : vector<1x128xf32>
    %max3A = arith.constant 0.000000e+00 : f32
    %max3A_11 = vector.broadcast %max3A : f32 to vector<1x128xf32>
    %max3A_12 = arith.maximumf %sub3A, %max3A_11 : vector<1x128xf32>
    %get3A_13 = arith.constant 0 : index
    %get3A_14 = vector.load %arg6[%get3A_13] : memref<128xf32, #tpu.memory_space<vmem>>, vector<128xf32>
    %broadcast_in_dim3A = vector.shape_cast %get3A_14 : vector<128xf32> to vector<1x128xf32>
    %add3A = arith.constant 9.99999974E-6 : f32
    %add3A_15 = vector.broadcast %add3A : f32 to vector<1x128xf32>
    %add3A_16 = arith.addf %max3A_12, %add3A_15 : vector<1x128xf32>
    %rsqrt3A = math.rsqrt %add3A_16 : vector<1x128xf32>
    %mul3A_17 = arith.mulf %broadcast_in_dim3A, %rsqrt3A : vector<1x128xf32>
    %get3A_18 = arith.constant 0 : index
    %get3A_19 = arith.constant 0 : index
    %get3A_20 = vector.load %arg1[%get3A_18, %get3A_19] : memref<2000x128xf32, #tpu.memory_space<vmem>>, vector<2000x128xf32>
    %sub3A_21 = vector.broadcast %mul3A_3 : vector<1x128xf32> to vector<2000x128xf32>
    %sub3A_22 = arith.subf %get3A_20, %sub3A_21 : vector<2000x128xf32>
    %mul3A_23 = vector.broadcast %mul3A_17 : vector<1x128xf32> to vector<2000x128xf32>
    %mul3A_24 = arith.mulf %sub3A_22, %mul3A_23 : vector<2000x128xf32>
    %get3A_25 = arith.constant 0 : index
    %get3A_26 = vector.load %arg7[%get3A_25] : memref<128xf32, #tpu.memory_space<vmem>>, vector<128xf32>
    %broadcast_in_dim3A_27 = vector.shape_cast %get3A_26 : vector<128xf32> to vector<1x128xf32>
    %add3A_28 = vector.broadcast %broadcast_in_dim3A_27 : vector<1x128xf32> to vector<2000x128xf32>
    %add3A_29 = arith.addf %mul3A_24, %add3A_28 : vector<2000x128xf32>
    %swap3A = arith.constant 0 : index
    %swap3A_30 = arith.constant 0 : index
    %swap3A_31 = vector.load %arg8[%swap3A, %swap3A_30] : memref<2000x128xf32, #tpu.memory_space<vmem>>, vector<2000x128xf32>
    tpu.vector_store %arg8[%swap3A, %swap3A_30], %add3A_29 {strides = array<i32>} : memref<2000x128xf32, #tpu.memory_space<vmem>>, vector<2000x128xf32>,
    %get3A_32 = arith.constant 0 : index
    %get3A_33 = arith.constant 0 : index
    %get3A_34 = arith.constant 0 : index
    %get3A_35 = vector.load %arg4[%get3A_32, %get3A_33, %get3A_34] : memref<2x2000x16xf32, #tpu.memory_space<vmem>>, vector<1x2000x1xf32>
    %get3A_36 = vector.shape_cast %get3A_35 : vector<1x2000x1xf32> to vector<2000xf32>
    %get3A_37 = arith.constant 1 : index
    %get3A_38 = arith.constant 0 : index
    %get3A_39 = arith.constant 0 : index
    %get3A_40 = vector.load %arg4[%get3A_37, %get3A_38, %get3A_39] : memref<2x2000x16xf32, #tpu.memory_space<vmem>>, vector<1x2000x1xf32>
    %get3A_41 = vector.shape_cast %get3A_40 : vector<1x2000x1xf32> to vector<2000xf32>
    %add3A_42 = arith.addf %get3A_36, %get3A_41 : vector<2000xf32>
    %gt3A = arith.constant 5.000000e-01 : f32
    %gt3A_43 = vector.broadcast %gt3A : f32 to vector<2000xf32>
    %gt3A_44 = arith.cmpf ogt, %add3A_42, %gt3A_43 : vector<2000xf32>
    %rsqrt3A_45 = math.rsqrt %add3A_42 : vector<2000xf32>
    %jit3A = arith.constant 0.000000e+00 : f32
    %broadcast_in_dim3A_46 = vector.broadcast %jit3A : f32 to vector<2000xf32>
    %select_n3A = arith.select %gt3A_44, %rsqrt3A_45, %broadcast_in_dim3A_46 : vector<2000xi1>, vector<2000xf32>
    %broadcast_in_dim3A_47 = vector.shape_cast %select_n3A : vector<2000xf32> to vector<2000x1xf32>
    %mul3A_48 = vector.broadcast %broadcast_in_dim3A_47 : vector<2000x1xf32> to vector<2000x128xf32>
    %mul3A_49 = arith.mulf %add3A_29, %mul3A_48 : vector<2000x128xf32>
    %swap3A_50 = arith.constant 0 : index
    %swap3A_51 = arith.constant 0 : index
    %swap3A_52 = vector.load %arg9[%swap3A_50, %swap3A_51] : memref<2000x128xf32, #tpu.memory_space<vmem>>, vector<2000x128xf32>
    tpu.vector_store %arg9[%swap3A_50, %swap3A_51], %mul3A_49 {strides = array<i32>} : memref<2000x128xf32, #tpu.memory_space<vmem>>, vector<2000x128xf32>,
    %get3A_53 = arith.constant 0 : index
    %get3A_54 = arith.constant 0 : index
    %get3A_55 = arith.constant 0 : index
    %get3A_56 = vector.load %arg5[%get3A_53, %get3A_54, %get3A_55] : memref<2x2000x16xf32, #tpu.memory_space<vmem>>, vector<1x2000x1xf32>
    %get3A_57 = vector.shape_cast %get3A_56 : vector<1x2000x1xf32> to vector<2000xf32>
    %get3A_58 = arith.constant 1 : index
    %get3A_59 = arith.constant 0 : index
    %get3A_60 = arith.constant 0 : index
    %get3A_61 = vector.load %arg5[%get3A_58, %get3A_59, %get3A_60] : memref<2x2000x16xf32, #tpu.memory_space<vmem>>, vector<1x2000x1xf32>
    %get3A_62 = vector.shape_cast %get3A_61 : vector<1x2000x1xf32> to vector<2000xf32>
    %add3A_63 = arith.addf %get3A_57, %get3A_62 : vector<2000xf32>
    %gt3A_64 = arith.constant 5.000000e-01 : f32
    %gt3A_65 = vector.broadcast %gt3A_64 : f32 to vector<2000xf32>
    %gt3A_66 = arith.cmpf ogt, %add3A_63, %gt3A_65 : vector<2000xf32>
    %rsqrt3A_67 = math.rsqrt %add3A_63 : vector<2000xf32>
    %jit3A_68 = arith.constant 0.000000e+00 : f32
    %broadcast_in_dim3A_69 = vector.broadcast %jit3A_68 : f32 to vector<2000xf32>
    %select_n3A_70 = arith.select %gt3A_66, %rsqrt3A_67, %broadcast_in_dim3A_69 : vector<2000xi1>, vector<2000xf32>
    %broadcast_in_dim3A_71 = vector.shape_cast %select_n3A_70 : vector<2000xf32> to vector<2000x1xf32>
    %mul3A_72 = vector.broadcast %broadcast_in_dim3A_71 : vector<2000x1xf32> to vector<2000x128xf32>
    %mul3A_73 = arith.mulf %add3A_29, %mul3A_72 : vector<2000x128xf32>
    %swap3A_74 = arith.constant 0 : index
    %swap3A_75 = arith.constant 0 : index
    %swap3A_76 = vector.load %arg10[%swap3A_74, %swap3A_75] : memref<2000x128xf32, #tpu.memory_space<vmem>>, vector<2000x128xf32>
    tpu.vector_store %arg10[%swap3A_74, %swap3A_75], %mul3A_73 {strides = array<i32>} : memref<2000x128xf32, #tpu.memory_space<vmem>>, vector<2000x128xf32>,
    return
  }
  func.func @transform_0(%arg0: i32) -> (i32, i32) {
    %c0_i32 = arith.constant 0 : i32
    %c0_i32_0 = arith.constant 0 : i32
    return %arg0, %c0_i32 : i32, i32
  }
  func.func @transform_1(%arg0: i32) -> (i32, i32) {
    %c0_i32 = arith.constant 0 : i32
    %c0_i32_0 = arith.constant 0 : i32
    %c0_i32_1 = arith.constant 0 : i32
    return %c0_i32, %c0_i32_0 : i32, i32
  }
  func.func @transform_2(%arg0: i32) -> (i32, i32) {
    %c0_i32 = arith.constant 0 : i32
    %c0_i32_0 = arith.constant 0 : i32
    %c0_i32_1 = arith.constant 0 : i32
    return %c0_i32, %c0_i32_0 : i32, i32
  }
  func.func @transform_3(%arg0: i32) -> (i32, i32, i32) {
    %c0_i32 = arith.constant 0 : i32
    %c0_i32_0 = arith.constant 0 : i32
    %c0_i32_1 = arith.constant 0 : i32
    return %c0_i32, %arg0, %c0_i32_0 : i32, i32, i32
  }
  func.func @transform_4(%arg0: i32) -> (i32, i32, i32) {
    %c0_i32 = arith.constant 0 : i32
    %c0_i32_0 = arith.constant 0 : i32
    %c0_i32_1 = arith.constant 0 : i32
    return %c0_i32, %arg0, %c0_i32_0 : i32, i32, i32
  }
  func.func @transform_5(%arg0: i32) -> i32 {
    %c0_i32 = arith.constant 0 : i32
    %c0_i32_0 = arith.constant 0 : i32
    return %c0_i32 : i32
  }
  func.func @transform_6(%arg0: i32) -> i32 {
    %c0_i32 = arith.constant 0 : i32
    %c0_i32_0 = arith.constant 0 : i32
    return %c0_i32 : i32
  }
  func.func @transform_7(%arg0: i32) -> (i32, i32) {
    %c0_i32 = arith.constant 0 : i32
    %c0_i32_0 = arith.constant 0 : i32
    return %arg0, %c0_i32 : i32, i32
  }
  func.func @transform_8(%arg0: i32) -> (i32, i32) {
    %c0_i32 = arith.constant 0 : i32
    %c0_i32_0 = arith.constant 0 : i32
    return %arg0, %c0_i32 : i32, i32
  }
  func.func @transform_9(%arg0: i32) -> (i32, i32) {
    %c0_i32 = arith.constant 0 : i32
    %c0_i32_0 = arith.constant 0 : i32
    return %arg0, %c0_i32 : i32, i32
  }
}

module attributes {stable_mosaic.version = 14 : i64} {
  func.func @body(%arg0: i32, %arg1: memref<2000x64xf32, #tpu.memory_space<vmem>>, %arg2: memref<2000x128xf32, #tpu.memory_space<vmem>>, %arg3: memref<2x2000x128xf32, #tpu.memory_space<vmem>>, %arg4: memref<2x2000x128xf32, #tpu.memory_space<vmem>>, %arg5: memref<2x2000x16xf32, #tpu.memory_space<vmem>>, %arg6: memref<2x2000x16xf32, #tpu.memory_space<vmem>>, %arg7: memref<448x40xf32, #tpu.memory_space<vmem>>, %arg8: memref<40xf32, #tpu.memory_space<vmem>>, %arg9: memref<2000x40xf32, #tpu.memory_space<vmem>>) attributes {dimension_semantics = [#tpu.dimension_semantics<arbitrary>], iteration_bounds = array<i64: 5>, scalar_prefetch = 0 : i64, scratch_operands = 0 : i64, tpu.core_type = #tpu.core_type<tc>, window_params = [{transform_indices = @transform_0, window_bounds = array<i64: 2000, 64>}, {transform_indices = @transform_1, window_bounds = array<i64: 2000, 128>}, {transform_indices = @transform_2, window_bounds = array<i64: 2, 2000, 128>}, {transform_indices = @transform_3, window_bounds = array<i64: 2, 2000, 128>}, {transform_indices = @transform_4, window_bounds = array<i64: 2, 2000, 16>}, {transform_indices = @transform_5, window_bounds = array<i64: 2, 2000, 16>}, {pipeline_mode = #tpu.pipeline_mode<synchronous>, transform_indices = @transform_6, window_bounds = array<i64: 448, 40>}, {pipeline_mode = #tpu.pipeline_mode<synchronous>, transform_indices = @transform_7, window_bounds = array<i64: 40>}, {transform_indices = @transform_8, window_bounds = array<i64: 2000, 40>}]} {
    %get3A = arith.constant 0 : index
    %get3A_0 = arith.constant 0 : index
    %get3A_1 = arith.constant 0 : index
    %get3A_2 = vector.load %arg5[%get3A, %get3A_0, %get3A_1] : memref<2x2000x16xf32, #tpu.memory_space<vmem>>, vector<1x2000x1xf32>
    %get3A_3 = vector.shape_cast %get3A_2 : vector<1x2000x1xf32> to vector<2000xf32>
    %get3A_4 = arith.constant 1 : index
    %get3A_5 = arith.constant 0 : index
    %get3A_6 = arith.constant 0 : index
    %get3A_7 = vector.load %arg5[%get3A_4, %get3A_5, %get3A_6] : memref<2x2000x16xf32, #tpu.memory_space<vmem>>, vector<1x2000x1xf32>
    %get3A_8 = vector.shape_cast %get3A_7 : vector<1x2000x1xf32> to vector<2000xf32>
    %add3A = arith.addf %get3A_3, %get3A_8 : vector<2000xf32>
    %gt3A = arith.constant 5.000000e-01 : f32
    %gt3A_9 = vector.broadcast %gt3A : f32 to vector<2000xf32>
    %gt3A_10 = arith.cmpf ogt, %add3A, %gt3A_9 : vector<2000xf32>
    %rsqrt3A = math.rsqrt %add3A : vector<2000xf32>
    %jit3A = arith.constant 0.000000e+00 : f32
    %broadcast_in_dim3A = vector.broadcast %jit3A : f32 to vector<2000xf32>
    %select_n3A = arith.select %gt3A_10, %rsqrt3A, %broadcast_in_dim3A : vector<2000xi1>, vector<2000xf32>
    %broadcast_in_dim3A_11 = vector.shape_cast %select_n3A : vector<2000xf32> to vector<2000x1xf32>
    %get3A_12 = arith.constant 0 : index
    %get3A_13 = arith.constant 0 : index
    %get3A_14 = arith.constant 0 : index
    %get3A_15 = vector.load %arg3[%get3A_12, %get3A_13, %get3A_14] : memref<2x2000x128xf32, #tpu.memory_space<vmem>>, vector<1x2000x128xf32>
    %get3A_16 = vector.shape_cast %get3A_15 : vector<1x2000x128xf32> to vector<2000x128xf32>
    %get3A_17 = arith.constant 1 : index
    %get3A_18 = arith.constant 0 : index
    %get3A_19 = arith.constant 0 : index
    %get3A_20 = vector.load %arg3[%get3A_17, %get3A_18, %get3A_19] : memref<2x2000x128xf32, #tpu.memory_space<vmem>>, vector<1x2000x128xf32>
    %get3A_21 = vector.shape_cast %get3A_20 : vector<1x2000x128xf32> to vector<2000x128xf32>
    %add3A_22 = arith.addf %get3A_16, %get3A_21 : vector<2000x128xf32>
    %mul3A = vector.broadcast %broadcast_in_dim3A_11 : vector<2000x1xf32> to vector<2000x128xf32>
    %mul3A_23 = arith.mulf %mul3A, %add3A_22 : vector<2000x128xf32>
    %get3A_24 = arith.constant 0 : index
    %get3A_25 = arith.constant 0 : index
    %get3A_26 = arith.constant 0 : index
    %get3A_27 = vector.load %arg6[%get3A_24, %get3A_25, %get3A_26] : memref<2x2000x16xf32, #tpu.memory_space<vmem>>, vector<1x2000x1xf32>
    %get3A_28 = vector.shape_cast %get3A_27 : vector<1x2000x1xf32> to vector<2000xf32>
    %get3A_29 = arith.constant 1 : index
    %get3A_30 = arith.constant 0 : index
    %get3A_31 = arith.constant 0 : index
    %get3A_32 = vector.load %arg6[%get3A_29, %get3A_30, %get3A_31] : memref<2x2000x16xf32, #tpu.memory_space<vmem>>, vector<1x2000x1xf32>
    %get3A_33 = vector.shape_cast %get3A_32 : vector<1x2000x1xf32> to vector<2000xf32>
    %add3A_34 = arith.addf %get3A_28, %get3A_33 : vector<2000xf32>
    %gt3A_35 = arith.constant 5.000000e-01 : f32
    %gt3A_36 = vector.broadcast %gt3A_35 : f32 to vector<2000xf32>
    %gt3A_37 = arith.cmpf ogt, %add3A_34, %gt3A_36 : vector<2000xf32>
    %rsqrt3A_38 = math.rsqrt %add3A_34 : vector<2000xf32>
    %jit3A_39 = arith.constant 0.000000e+00 : f32
    %broadcast_in_dim3A_40 = vector.broadcast %jit3A_39 : f32 to vector<2000xf32>
    %select_n3A_41 = arith.select %gt3A_37, %rsqrt3A_38, %broadcast_in_dim3A_40 : vector<2000xi1>, vector<2000xf32>
    %broadcast_in_dim3A_42 = vector.shape_cast %select_n3A_41 : vector<2000xf32> to vector<2000x1xf32>
    %get3A_43 = arith.constant 0 : index
    %get3A_44 = arith.constant 0 : index
    %get3A_45 = arith.constant 0 : index
    %get3A_46 = vector.load %arg4[%get3A_43, %get3A_44, %get3A_45] : memref<2x2000x128xf32, #tpu.memory_space<vmem>>, vector<1x2000x128xf32>
    %get3A_47 = vector.shape_cast %get3A_46 : vector<1x2000x128xf32> to vector<2000x128xf32>
    %get3A_48 = arith.constant 1 : index
    %get3A_49 = arith.constant 0 : index
    %get3A_50 = arith.constant 0 : index
    %get3A_51 = vector.load %arg4[%get3A_48, %get3A_49, %get3A_50] : memref<2x2000x128xf32, #tpu.memory_space<vmem>>, vector<1x2000x128xf32>
    %get3A_52 = vector.shape_cast %get3A_51 : vector<1x2000x128xf32> to vector<2000x128xf32>
    %add3A_53 = arith.addf %get3A_47, %get3A_52 : vector<2000x128xf32>
    %mul3A_54 = vector.broadcast %broadcast_in_dim3A_42 : vector<2000x1xf32> to vector<2000x128xf32>
    %mul3A_55 = arith.mulf %mul3A_54, %add3A_53 : vector<2000x128xf32>
    %get3A_56 = arith.constant 0 : index
    %get3A_57 = arith.constant 0 : index
    %get3A_58 = vector.load %arg7[%get3A_56, %get3A_57] : memref<448x40xf32, #tpu.memory_space<vmem>>, vector<448x40xf32>
    %get3A_59 = arith.constant 0 : index
    %get3A_60 = arith.constant 0 : index
    %get3A_61 = vector.load %arg1[%get3A_59, %get3A_60] : memref<2000x64xf32, #tpu.memory_space<vmem>>, vector<2000x64xf32>
    %slice3A = vector.extract_strided_slice %get3A_58 {offsets = [0, 0], sizes = [64, 40], strides = [1, 1]} : vector<448x40xf32> to vector<64x40xf32>
    %dot_general3A = arith.constant dense<0.000000e+00> : vector<2000x40xf32>
    %dot_general3A_62 = tpu.matmul %get3A_61, %slice3A, %dot_general3A {dimension_numbers = #tpu.dot_dimension_numbers<[1], [0], [0], [1], [0, 0, 1, 1], [], []>, transpose_lhs_hint = false} : vector<2000x64xf32>, vector<64x40xf32>, vector<2000x40xf32> -> vector<2000x40xf32>
    %get3A_63 = arith.constant 0 : index
    %get3A_64 = arith.constant 0 : index
    %get3A_65 = vector.load %arg2[%get3A_63, %get3A_64] : memref<2000x128xf32, #tpu.memory_space<vmem>>, vector<2000x128xf32>
    %slice3A_66 = vector.extract_strided_slice %get3A_58 {offsets = [64, 0], sizes = [128, 40], strides = [1, 1]} : vector<448x40xf32> to vector<128x40xf32>
    %dot_general3A_67 = arith.constant dense<0.000000e+00> : vector<2000x40xf32>
    %dot_general3A_68 = tpu.matmul %get3A_65, %slice3A_66, %dot_general3A_67 {dimension_numbers = #tpu.dot_dimension_numbers<[1], [0], [0], [1], [0, 0, 1, 1], [], []>, transpose_lhs_hint = false} : vector<2000x128xf32>, vector<128x40xf32>, vector<2000x40xf32> -> vector<2000x40xf32>
    %add3A_69 = arith.addf %dot_general3A_62, %dot_general3A_68 : vector<2000x40xf32>
    %slice3A_70 = vector.extract_strided_slice %get3A_58 {offsets = [192, 0], sizes = [128, 40], strides = [1, 1]} : vector<448x40xf32> to vector<128x40xf32>
    %dot_general3A_71 = arith.constant dense<0.000000e+00> : vector<2000x40xf32>
    %dot_general3A_72 = tpu.matmul %mul3A_23, %slice3A_70, %dot_general3A_71 {dimension_numbers = #tpu.dot_dimension_numbers<[1], [0], [0], [1], [0, 0, 1, 1], [], []>, transpose_lhs_hint = false} : vector<2000x128xf32>, vector<128x40xf32>, vector<2000x40xf32> -> vector<2000x40xf32>
    %add3A_73 = arith.addf %add3A_69, %dot_general3A_72 : vector<2000x40xf32>
    %slice3A_74 = vector.extract_strided_slice %get3A_58 {offsets = [320, 0], sizes = [128, 40], strides = [1, 1]} : vector<448x40xf32> to vector<128x40xf32>
    %dot_general3A_75 = arith.constant dense<0.000000e+00> : vector<2000x40xf32>
    %dot_general3A_76 = tpu.matmul %mul3A_55, %slice3A_74, %dot_general3A_75 {dimension_numbers = #tpu.dot_dimension_numbers<[1], [0], [0], [1], [0, 0, 1, 1], [], []>, transpose_lhs_hint = false} : vector<2000x128xf32>, vector<128x40xf32>, vector<2000x40xf32> -> vector<2000x40xf32>
    %add3A_77 = arith.addf %add3A_73, %dot_general3A_76 : vector<2000x40xf32>
    %get3A_78 = arith.constant 0 : index
    %get3A_79 = vector.load %arg8[%get3A_78] : memref<40xf32, #tpu.memory_space<vmem>>, vector<40xf32>
    %broadcast_in_dim3A_80 = vector.shape_cast %get3A_79 : vector<40xf32> to vector<1x40xf32>
    %add3A_81 = vector.broadcast %broadcast_in_dim3A_80 : vector<1x40xf32> to vector<2000x40xf32>
    %add3A_82 = arith.addf %add3A_77, %add3A_81 : vector<2000x40xf32>
    %swap3A = arith.constant 0 : index
    %swap3A_83 = arith.constant 0 : index
    %swap3A_84 = vector.load %arg9[%swap3A, %swap3A_83] : memref<2000x40xf32, #tpu.memory_space<vmem>>, vector<2000x40xf32>
    tpu.vector_store %arg9[%swap3A, %swap3A_83], %add3A_82 {strides = array<i32>} : memref<2000x40xf32, #tpu.memory_space<vmem>>, vector<2000x40xf32>,
    return
  }
  func.func @transform_0(%arg0: i32) -> (i32, i32) {
    %c0_i32 = arith.constant 0 : i32
    %c0_i32_0 = arith.constant 0 : i32
    return %arg0, %c0_i32 : i32, i32
  }
  func.func @transform_1(%arg0: i32) -> (i32, i32) {
    %c0_i32 = arith.constant 0 : i32
    %c0_i32_0 = arith.constant 0 : i32
    return %arg0, %c0_i32 : i32, i32
  }
  func.func @transform_2(%arg0: i32) -> (i32, i32, i32) {
    %c0_i32 = arith.constant 0 : i32
    %c0_i32_0 = arith.constant 0 : i32
    %c0_i32_1 = arith.constant 0 : i32
    return %c0_i32, %arg0, %c0_i32_0 : i32, i32, i32
  }
  func.func @transform_3(%arg0: i32) -> (i32, i32, i32) {
    %c0_i32 = arith.constant 0 : i32
    %c0_i32_0 = arith.constant 0 : i32
    %c0_i32_1 = arith.constant 0 : i32
    return %c0_i32, %arg0, %c0_i32_0 : i32, i32, i32
  }
  func.func @transform_4(%arg0: i32) -> (i32, i32, i32) {
    %c0_i32 = arith.constant 0 : i32
    %c0_i32_0 = arith.constant 0 : i32
    %c0_i32_1 = arith.constant 0 : i32
    return %c0_i32, %arg0, %c0_i32_0 : i32, i32, i32
  }
  func.func @transform_5(%arg0: i32) -> (i32, i32, i32) {
    %c0_i32 = arith.constant 0 : i32
    %c0_i32_0 = arith.constant 0 : i32
    %c0_i32_1 = arith.constant 0 : i32
    return %c0_i32, %arg0, %c0_i32_0 : i32, i32, i32
  }
  func.func @transform_6(%arg0: i32) -> (i32, i32) {
    %c0_i32 = arith.constant 0 : i32
    %c0_i32_0 = arith.constant 0 : i32
    %c0_i32_1 = arith.constant 0 : i32
    return %c0_i32, %c0_i32_0 : i32, i32
  }
  func.func @transform_7(%arg0: i32) -> i32 {
    %c0_i32 = arith.constant 0 : i32
    %c0_i32_0 = arith.constant 0 : i32
    return %c0_i32 : i32
  }
  func.func @transform_8(%arg0: i32) -> (i32, i32) {
    %c0_i32 = arith.constant 0 : i32
    %c0_i32_0 = arith.constant 0 : i32
    return %arg0, %c0_i32 : i32, i32
  }
}

</mosaic_0001>

<sc_bundles>
// kernel: kernel.12.cloned.1.call-start
scs
__scs_entry_jumppad:
0x0: {  	(pc) =	sbr.rel $0x88, $3  }
0x1: {  	(tag) =	ssettag $0x0;
	lr =	simm.s32 $0x1  }
0x2: {  	[smem:$0x3F96] =	sst lr;
	_ =	strace $0xD0000000  }
0x3: {  	_ = 	snop  }
0x4: {  	_ = 	snop  }
0x5: {  	_ = 	snop  }
0x6: {  	_ = 	snop  }
0x7: {  	_ = 	snop  }
__scs_overlays_trampoline_lowered:
0x8: {  	[smem:$0x3FA5] =	sst s0  }
0x9: {  	[smem:$0x3FA6] =	sst s1  }
0xa: {  	[smem:$0x3FA7] =	sst s2  }
0xb: {  	[smem:$0x3FA8] =	sst s3  }
0xc: {  	[smem:$0x3FA9] =	sst s4  }
0xd: {  	[smem:$0x3FAA] =	sst s5  }
0xe: {  	[smem:$0x3FAB] =	sst s6  }
0xf: {  	[smem:$0x3FAC] =	sst s7  }
0x10: {  	[smem:$0x3FAD] =	sst s8  }
0x11: {  	[smem:$0x3FAE] =	sst s9;
	s0 =	simm.s32 @!p0 $0x0  }
0x12: {  	s1 =	sld [smem:$0x3F94];
	s0 =	simm.s32 @p0 $0x1  }
0x13: {  	[smem:$0x3FAF] =	sst s0;
	s0 =	simm.s32 @!p1 $0x0  }
0x14: {  	s2 =	sld [smem:$0x3F93];
	s0 =	simm.s32 @p1 $0x1  }
0x15: {  	[smem:$0x3FB0] =	sst s0;
	s0 =	simm.s32 @!p2 $0x0  }
0x16: {  	s3 =	sld [smem:$0x3FDB];
	s0 =	simm.s32 @p2 $0x1  }
0x17: {  	s4 =	simm.s32 $0x1BF5;
	[smem:$0x3FB2] =	sst s0  }
0x18: {  	s0 =	sld [smem:$0x3F95];
	_ =	swait.ge [sflag:s4], $0x0  }
0x19: {  	s7 =	sld [smem:$0x3F96]  }
0x1a: {  	s8 =	sadd.s32 $0xFFFFE003, lr  }
0x1b: {  	s9 =	sadd.s32 $0xFFFFFEF7, lr;
	s5 =	simm.s32 $0xFFFFFFFF;
	p2 =	slt.u32 s8, $0xFFFFF086  }
0x1c: {  	p1 =	slt.u32 s9, $0xF7A;
	s5 =	simm.s32 @!p2 $0x0  }
0x1d: {  	s5 =	simm.s32 @p1 $0x1;
	p0 =	seq.s32 s7, s2  }
0x1e: {  	s7 =	smul.u32 @!p0 $0xF7A, s2;
	p2 =	seq.s32 @!p0 s5, $0x0  }
0x1f: {  	s9 =	smul.u32 $0xF7A, s1;
	s8 =	simm.s32 @!p0 $0x1BF5;
	p2 =	por !p2, p0  }
0x20: {  	[sflag:s8] =	ssyncset.s32 @!p0 $0xFFFFF086;
	s6 =	sadd.s32 @!p0 s3, s7;
	s7 =	simm.s32 @!p0 $0x108  }
0x21: {  	s3 =	sadd.s32 s3, s9;
	s6 =	sadd.s32 @!p0 $0x88, s6;
	s7 =	simm.s32 @p2 $0x1082  }
0x22: {  	[simem:s7], [sflag:s8] =	dma.local @!p0 [hbm:s6], $0xF7A  }
0x23: {  	s9 =	sor.u32 $0xD0000000, s2;
	s6 =	simm.s32 $0x108;
	_ =	swait.ge @!p0 [sflag:s8], $0x0  }
0x24: {  	s3 =	sadd.s32 $0x88, s3;
	s6 =	simm.s32 @!p1 $0x1082;
	[sflag:s4] =	ssyncset.s32 $0xFFFFF086  }
0x25: {  	[simem:s6], [sflag:s4] =	dma.local [hbm:s3], $0xF7A  }
0x26: {  	[smem:$0x3F96] =	sst s1;
	(tag) =	ssettag s2;
	_ =	strace s9  }
0x27: {  	s1 =	sld [smem:$0x3FA6]  }
0x28: {  	s2 =	sld [smem:$0x3FA7]  }
0x29: {  	s4 =	sld [smem:$0x3FA9]  }
0x2a: {  	p0 =	seq.s32 s5, $0x0;
	s5 =	sld [smem:$0x3FAA]  }
0x2b: {  	s6 =	sld [smem:$0x3FAB]  }
0x2c: {  	s7 =	sld [smem:$0x3FAC]  }
0x2d: {  	s3 =	simm.s32 $0x108;
	s8 =	sld [smem:$0x3FAD]  }
0x2e: {  	s3 =	simm.s32 @!p0 $0x1082;
	s9 =	sld [smem:$0x3FAE]  }
0x2f: {  	lr =	sadd.s32 s0, s3;
	s0 =	sld [smem:$0x3FA5]  }
0x30: {  	s3 =	sld [smem:$0x3FA8]  }
0x31: {  	[smem:$0x3FB1] =	sst s10  }
0x32: {  	s10 =	sld [smem:$0x3FAF];
	_ =	sdelay $0x3  }
0x33: {  	p0 =	seq.s32 s10, $0x1;
	s10 =	sld [smem:$0x3FB1];
	_ =	sdelay $0x3  }
0x34: {  	[smem:$0x3FB1] =	sst s10  }
0x35: {  	s10 =	sld [smem:$0x3FB0];
	_ =	sdelay $0x3  }
0x36: {  	p1 =	seq.s32 s10, $0x1;
	s10 =	sld [smem:$0x3FB1];
	_ =	sdelay $0x3  }
0x37: {  	[smem:$0x3FB1] =	sst s10  }
0x38: {  	s10 =	sld [smem:$0x3FB2]  }
0x39: {  	_ = 	snop;
	(pc) =	sbr.ind lr, $3  }
0x3a: {  	_ = 	snop  }
0x3b: {  	_ = 	snop  }
0x3c: {  	p2 =	seq.s32 s10, $0x1;
	s10 =	sld [smem:$0x3FB1]  }
0x3d: {  	_ =	shalt  }
0x3e: {  	_ =	shalt  }
0x3f: {  	_ =	shalt  }
0x40: {  	_ =	shalt  }
0x41: {  	_ =	shalt  }
0x42: {  	_ =	shalt  }
0x43: {  	_ =	shalt  }
0x44: {  	_ =	shalt  }
0x45: {  	_ =	shalt  }
0x46: {  	_ =	shalt  }
0x47: {  	_ =	shalt  }
0x48: {  	_ =	shalt  }
0x49: {  	_ =	shalt  }
0x4a: {  	_ =	shalt  }
0x4b: {  	_ =	shalt  }
0x4c: {  	_ =	shalt  }
0x4d: {  	_ =	shalt  }
0x4e: {  	_ =	shalt  }
0x4f: {  	_ =	shalt  }
0x50: {  	_ =	shalt  }
0x51: {  	_ =	shalt  }
0x52: {  	_ =	shalt  }
0x53: {  	_ =	shalt  }
0x54: {  	_ =	shalt  }
0x55: {  	_ =	shalt  }
0x56: {  	_ =	shalt  }
0x57: {  	_ =	shalt  }
0x58: {  	_ =	shalt  }
0x59: {  	_ =	shalt  }
0x5a: {  	_ =	shalt  }
0x5b: {  	_ =	shalt  }
0x5c: {  	_ =	shalt  }
0x5d: {  	_ =	shalt  }
0x5e: {  	_ =	shalt  }
0x5f: {  	_ =	shalt  }
0x60: {  	_ =	shalt  }
0x61: {  	_ =	shalt  }
0x62: {  	_ =	shalt  }
0x63: {  	_ =	shalt  }
0x64: {  	_ =	shalt  }
0x65: {  	_ =	shalt  }
0x66: {  	_ =	shalt  }
0x67: {  	_ =	shalt  }
0x68: {  	_ =	shalt  }
0x69: {  	_ =	shalt  }
0x6a: {  	_ =	shalt  }
0x6b: {  	_ =	shalt  }
0x6c: {  	_ =	shalt  }
0x6d: {  	_ =	shalt  }
0x6e: {  	_ =	shalt  }
0x6f: {  	_ =	shalt  }
0x70: {  	_ =	shalt  }
0x71: {  	_ =	shalt  }
0x72: {  	_ =	shalt  }
0x73: {  	_ =	shalt  }
0x74: {  	_ =	shalt  }
0x75: {  	_ =	shalt  }
0x76: {  	_ =	shalt  }
0x77: {  	_ =	shalt  }
0x78: {  	_ =	shalt  }
0x79: {  	_ =	shalt  }
0x7a: {  	_ =	shalt  }
0x7b: {  	_ =	shalt  }
0x7c: {  	_ =	shalt  }
0x7d: {  	_ =	shalt  }
0x7e: {  	_ =	shalt  }
0x7f: {  	_ =	shalt  }
0x80: {  	_ =	shalt  }
0x81: {  	_ =	shalt  }
0x82: {  	_ =	shalt  }
0x83: {  	_ =	shalt  }
0x84: {  	_ =	shalt  }
0x85: {  	_ =	shalt  }
0x86: {  	_ =	shalt  }
0x87: {  	_ =	shalt  }
.Lfunc_end0:
.L_simem_size_0:
called_computation_lowered:
.L_overlay_start_0:
0x88: {  	s2 =	sld [smem:$0x3FD9]  }
0x89: {  	s3 =	sld [smem:$0x3FFE];
	_ =	sdelay $0x1  }
0x8a: {  	s1 =	srdreg.scid  }
0x8b: {  	s0 =	sand.u32 $0x1, s1  }
0x8c: {  	s17 =	sshll.u32 s0, $0xA;
	s2 =	sadd.s32 s3, s2  }
0x8d: {  	s2 =	sadd.s32 s2, s17  }
0x8e: {  	[smem:$0x3FBD] =	sst s2  }
0x8f: {  	_ = 	snop  }
0x90: {  	s2 =	sld [smem:$0x3FD0];
	(tm) =	ssettm $0x1  }
0x91: {  	s18 =	sld [smem:$0x3FFB];
	_ =	sdelay $0x3  }
0x92: {  	_ =	strace s18  }
0x93: {  	s3 =	sld [smem:$0x3FFC];
	_ =	sdelay $0x3  }
0x94: {  	_ =	strace s3  }
0x95: {  	s3 =	sld [smem:$0x3FFD];
	_ =	sdelay $0x3  }
0x96: {  	_ =	strace s3  }
0x97: {  	_ =	strace $0x8FFFFFFF  }
0x98: {  	s19 =	sld [smem:$0x3FDB];
	_ =	sdelay $0x1  }
0x99: {  	s4 =	simm.s32 $_scs_section_size  }
0x9a: {  	s5 =	simm.s32 $_size__tile_overlayer_lowered;
	s6 =	simm.s32 $_tile_overlayer_lowered  }
0x9b: {  	s22 =	simm.s32 $0x1BFF;
	s21 =	sshll.u32 s6, $0x1;
	s3 =	sadd.s32 s4, s19  }
0x9c: {  	s7 =	simm.s32 $0x0;
	s20 =	sshll.u32 s5, $0x1;
	s5 =	sadd.s32 s21, s3  }
0x9d: {  	[timem:s7], [sflag:s22] =	dma.local [hbm:s5], s20  }
0x9e: {  	_ =	swait.ge [sflag:s22], s20  }
0x9f: {  	s4 =	ssub.s32 $0x0, s20;
	[sflag:s22] =	ssyncset.done $0x0  }
0xa0: {  	[sflag:s22] =	ssyncadd.s32 s4;
	_ =	sdelay $0x1  }
0xa1: {  	s23 =	simm.s32 $0x1B8B  }
0xa2: {  	_ =	swait.ge [sflag:s23], $0x1  }
0xa3: {  	[sflag:s23] =	ssyncset.done $0x0  }
0xa4: {  	s25 =	simm.s32 $0x1B8E;
	s24 =	sld [smem:$0x3FFE];
	[sflag:s23] =	ssyncadd.s32 $0xFFFFFFFF  }
0xa5: {  	s26 =	simm.s32 $execute0_lowered;
	[smem:$0x3FD2] =	sst s25  }
0xa6: {  	s5 =	sshll.u32 s26, $0x1;
	_ =	strace $0x80000046;
	[dreg:$0x1] =	wrdreg $0xFFFFFFFF  }
0xa7: {  	s28 =	simm.s32 $_size_execute0_lowered;
	s3 =	sadd.s32 s3, s5;
	[dreg:$0x0] =	wrdreg $0x0  }
0xa8: {  	s5 =	sshll.u32 s28, $0x1;
	[dreg:$0x2] =	wrdreg s3  }
0xa9: {  	[dreg:$0x3] =	wrdreg s5  }
0xaa: {  	[dreg:$0x4] =	wrdreg $0xC0  }
0xab: {  	_ =	task [dreg:s7], $0x5FFFF  }
0xac: {  	[dreg:$0x1] =	wrdreg $0xFFFFFFFF  }
0xad: {  	[dreg:$0x0] =	wrdreg $0x60  }
0xae: {  	[dreg:$0x2] =	wrdreg s24  }
0xaf: {  	[dreg:$0x3] =	wrdreg s2  }
0xb0: {  	[dreg:$0x4] =	wrdreg $0x14000  }
0xb1: {  	[dreg:$0x5] =	wrdreg $0x3C000  }
0xb2: {  	[dreg:$0x6] =	wrdreg $0x9  }
0xb3: {  	_ =	task.clear_ibuf [dreg:s7], $0x7FFFF;
	_ =	strace $0x90000046  }
0xb4: {  	s29 =	simm.s32 $0x9;
	_ =	strace $0x80000048  }
0xb5: {  	_ =	swait.ge [sflag:s29], $0x1  }
0xb6: {  	[sflag:s29] =	ssyncadd.s32 $0xFFFFFFFF  }
0xb7: {  	_ =	strace $0x90000048  }
0xb8: {  	_ =	sfence  }
0xb9: {  	s30 =	sld [smem:$0x0];
	_ =	sdelay $0x2  }
0xba: {  	s31 =	sshll.u32 s1, $0xD;
	s1 =	sshrl.u32 s1, $0x2  }
0xbb: {  	s3 =	sand.u32 $0x4000, s31;
	s1 =	sadd.s32 s1, s30  }
0xbc: {  	s0 =	sor.u32 s3, s0;
	s1 =	sshll.u32 s1, $0x11  }
0xbd: {  	s0 =	sor.u32 s1, s0  }
0xbe: {  	s0 =	sadd.s32 $0x8F2B, s0  }
0xbf: {  	[sflag:s0] =	ssyncadd.remote.s32 $0x1  }
0xc0: {  	_ =	sfence.sel $0xFFFF  }
0xc1: {  	[dreg:$0x0] =	wrdreg $0xFFFFFFFF;
	(pc) =	sbr.abs _section_cstart, $3  }
0xc2: {  	[dreg:$0x1] =	wrdreg $0xFFFFFFFF  }
0xc3: {  	_ =	task.clear_ibuf [dreg:s7], $0x2FFFF;
	_ =	strace $0x9FFFFFFF  }
0xc4: {  	(tm) =	ssettm $0x7FFFFFFF  }
0xc5: {  	_ =	shalt  }
tec
execute0_lowered:
.L_overlay_start_1:
0x0: {  	(tag) =	ssettag $0x1  }
0x1: {  	s0 =	rddreg [dreg:$0x0]  }
0x2: {  	s1 =	rddreg [dreg:$0x1]  }
0x3: {  	s3 =	srdreg.scid;
	s4 =	stileid.u32  }
0x4: {  	s2 =	rddreg [dreg:$0x2];
	s7 =	smul.u32 $0x2800, s4  }
0x5: {  	s28 =	simm.s32 $0x280;
	s5 =	sand.u32 $0x1, s3;
	s8 =	smul.u32 $0x26800, s4  }
0x6: {  	s29 =	simm.s32 $0x300;
	s30 =	simm.s32 $0x380;
	s6 =	smul.u32 $0x1400, s5  }
0x7: {  	s31 =	simm.s32 $0x1;
	s4 =	simm.s32 $0x0;
	s9 =	smul.u32 $0x13400, s5  }
0x8: {  	[smem:$0x7FF] =	sst s4;
	s10 =	smul.u32 $0x28000, s5;
	s5 =	ssub.s32 $0x2, s5  }
0x9: {  	s3 =	rddreg [dreg:$0x3];
	_ =	strace $0x80000047;
	s20 =	sshrl.u32 s5, $0x1  }
0xa: {  	s22 =	sadd.s32 $0x800, s7;
	s23 =	sadd.s32 $0x1000, s7;
	s25 =	sadd.s32 $0x1800, s7  }
0xb: {  	s26 =	sadd.s32 $0x2000, s7;
	s6 =	sadd.s32 s6, s7;
	s9 =	sadd.s32 s9, s8  }
0xc: {  	s10 =	sadd.s32 s7, s10;
	s5 =	ssub.s32 s5, s20;
	s8 =	sadd.s32 s7, s3  }
0xd: {  	s24 =	sadd.s32 s22, s2;
	s12 =	sadd.s32 s23, s2;
	s13 =	sadd.s32 s23, s3  }
0xe: {  	s14 =	sadd.s32 s25, s2;
	s15 =	sadd.s32 s25, s3;
	s16 =	sadd.s32 s26, s2  }
0xf: {  	s17 =	sadd.s32 s26, s3;
	s20 =	simm.s32 $0xC00;
	s23 =	simm.s32 $0x400  }
0x10: {  	s25 =	simm.s32 $0x180;
	s26 =	simm.s32 $0x200;
	s6 =	sshrl.u32 s6, $0x3  }
0x11: {  	s19 =	sshrl.u32 s10, $0x3;
	s21 =	smax.u32 s5, $0x1;
	[dreg:$0x8] =	wrdreg s24  }
0x12: {  	s24 =	simm.s32 $0x100;
	s18 =	sadd.s32 s6, s0;
	s6 =	sshrl.u32 s9, $0x3  }
0x13: {  	s1 =	sadd.s32 s1, s19;
	[dreg:$0x7] =	wrdreg s21;
	s21 =	simm.s32 $0x2  }
0x14: {  	s11 =	sadd.s32 s6, s0;
	s0 =	sadd.s32 s19, s0;
	[dreg:$0x5] =	wrdreg s1  }
0x15: {  	s6 =	sadd.s32 s7, s2;
	s18 =	sadd.s32 $0x51800, s18;
	s0 =	sadd.s32 $0x56800, s0  }
0x16: {  	s1 =	simm.s32 $0x0;
	[dreg:$0x6] =	wrdreg s0;
	s0 =	sadd.s32 s22, s3  }
0x17: {  	v0 =	vimm.f32 $1.000000000e+00;
	v1 =	vimm.f32 $0.0e+00;
	s19 =	sadd.s32 $0x4800, s11;
	s22 =	simm.s32 $0x80;
	[dreg:$0x9] =	wrdreg s0  }
.LBB2_1:
0x18: {  	s0 =	simm.s32 $0x40;
	s5 =	simm.s32 $0x0  }
.LBB2_2:
0x19: {  	p0 =	sne.s32 s0, $0x1FC0;
	[tilespmem:s5+$0x400] =	vst v0;
	s7 =	smov.u32 s0;
	s0 =	sadd.s32 $0x40, s0  }
.Ltmp0:
0x1a: {  	[tilespmem:s5+$0xC00] =	vst v1;
	(pc) =	sbr.rel @p0 .LBB2_2-.Ltmp0, $2  }
0x1b: {  	_ =	sdelay $0x2  }
0x1c: {  	s5 =	sshra.s32 s7, $0x2  }
0x1d: {  	[tilespmem:s5+$0x400] =	vst v0  }
0x1e: {  	[tilespmem:s5+$0xC00] =	vst v1  }
0x1f: {  	[spmem:s6] =	stream.linear.scatter [tilespmem:s20], [sflag:$0x2], $0x800, $0x38;
	[tilespmem:$0x6400] =	vst v63  }
0x20: {  	_ =	swait.ge [sflag:s21], $0x800  }
0x21: {  	[sflag:s21] =	ssyncset.done $0x0  }
0x22: {  	[sflag:s21] =	ssyncadd.s32 $0xFFFFF800  }
0x23: {  	[spmem:s8] =	stream.linear.scatter [tilespmem:s20], [sflag:$0x2], $0x800, $0x38;
	[tilespmem:$0x6400] =	vst v63  }
0x24: {  	_ =	swait.ge [sflag:s21], $0x800  }
0x25: {  	[sflag:s21] =	ssyncset.done $0x0  }
0x26: {  	s0 =	rddreg [dreg:$0x8];
	[sflag:s21] =	ssyncadd.s32 $0xFFFFF800  }
0x27: {  	[spmem:s0] =	stream.linear.scatter [tilespmem:s20], [sflag:$0x2], $0x800, $0x38;
	[tilespmem:$0x6400] =	vst v63  }
0x28: {  	_ =	swait.ge [sflag:s21], $0x800  }
0x29: {  	[sflag:s21] =	ssyncset.done $0x0  }
0x2a: {  	s10 =	rddreg [dreg:$0x9];
	[sflag:s21] =	ssyncadd.s32 $0xFFFFF800  }
0x2b: {  	[spmem:s10] =	stream.linear.scatter [tilespmem:s20], [sflag:$0x2], $0x800, $0x38;
	[tilespmem:$0x6400] =	vst v63  }
0x2c: {  	_ =	swait.ge [sflag:s21], $0x800  }
0x2d: {  	[sflag:s21] =	ssyncset.done $0x0  }
0x2e: {  	[sflag:s21] =	ssyncadd.s32 $0xFFFFF800  }
0x2f: {  	[spmem:s12] =	stream.linear.scatter [tilespmem:s20], [sflag:$0x2], $0x800, $0x38;
	[tilespmem:$0x6400] =	vst v63  }
0x30: {  	_ =	swait.ge [sflag:s21], $0x800  }
0x31: {  	[sflag:s21] =	ssyncset.done $0x0  }
0x32: {  	[sflag:s21] =	ssyncadd.s32 $0xFFFFF800  }
0x33: {  	[spmem:s13] =	stream.linear.scatter [tilespmem:s20], [sflag:$0x2], $0x800, $0x38;
	[tilespmem:$0x6400] =	vst v63  }
0x34: {  	_ =	swait.ge [sflag:s21], $0x800  }
0x35: {  	[sflag:s21] =	ssyncset.done $0x0  }
0x36: {  	[sflag:s21] =	ssyncadd.s32 $0xFFFFF800  }
0x37: {  	[spmem:s14] =	stream.linear.scatter [tilespmem:s20], [sflag:$0x2], $0x800, $0x38;
	[tilespmem:$0x6400] =	vst v63  }
0x38: {  	_ =	swait.ge [sflag:s21], $0x800  }
0x39: {  	[sflag:s21] =	ssyncset.done $0x0  }
0x3a: {  	[sflag:s21] =	ssyncadd.s32 $0xFFFFF800  }
0x3b: {  	[spmem:s15] =	stream.linear.scatter [tilespmem:s20], [sflag:$0x2], $0x800, $0x38;
	[tilespmem:$0x6400] =	vst v63  }
0x3c: {  	_ =	swait.ge [sflag:s21], $0x800  }
0x3d: {  	[sflag:s21] =	ssyncset.done $0x0  }
0x3e: {  	[sflag:s21] =	ssyncadd.s32 $0xFFFFF800  }
0x3f: {  	[spmem:s16] =	stream.linear.scatter [tilespmem:s20], [sflag:$0x2], $0x800, $0x38;
	[tilespmem:$0x6400] =	vst v63  }
0x40: {  	_ =	swait.ge [sflag:s21], $0x800  }
0x41: {  	[sflag:s21] =	ssyncset.done $0x0  }
0x42: {  	[sflag:s21] =	ssyncadd.s32 $0xFFFFF800  }
0x43: {  	[spmem:s17] =	stream.linear.scatter [tilespmem:s20], [sflag:$0x2], $0x800, $0x38;
	[tilespmem:$0x6400] =	vst v63  }
0x44: {  	_ =	swait.ge [sflag:s21], $0x800  }
0x45: {  	[sflag:s21] =	ssyncset.done $0x0  }
0x46: {  	[sflag:s21] =	ssyncadd.s32 $0xFFFFF800  }
0x47: {  	s5 =	simm.s32 $0x0;
	s11 =	sadd.s32 $0x0, s18;
	[bflag:$0x0] =	sbarrier.arrive $0xFFFF  }
0x48: {  	[tilespmem:s5], [sflag:$0x2] =	stream.linear.gather [hbm4b:s11+s5], $0x400, $0x38;
	[tilespmem:$0x6400] =	vst v63  }
0x49: {  	_ =	swait.ge [sflag:s21], $0x400  }
0x4a: {  	[sflag:s21] =	ssyncset.done $0x0  }
0x4b: {  	[sflag:s21] =	ssyncadd.s32 $0xFFFFFC00  }
0x4c: {  	[spmem:s2] =	stream.indirect.scatter.add.f32 [tilespmem:s23], [sflag:$0x1], $0x10, s5, s22, $0xb8;
	[tilespmem:$0x6400] =	vst v63  }
0x4d: {  	_ = 	snop  }
0x4e: {  	[spmem:s2] =	stream.indirect.scatter.add.f32 [tilespmem:s23], [sflag:$0x1], $0x10, s22, s22, $0xb8;
	[tilespmem:$0x6400] =	vst v63  }
0x4f: {  	_ = 	snop  }
0x50: {  	[spmem:s2] =	stream.indirect.scatter.add.f32 [tilespmem:s23], [sflag:$0x1], $0x10, s24, s22, $0xb8;
	[tilespmem:$0x6400] =	vst v63  }
0x51: {  	_ = 	snop  }
0x52: {  	[spmem:s2] =	stream.indirect.scatter.add.f32 [tilespmem:s23], [sflag:$0x1], $0x10, s25, s22, $0xb8;
	[tilespmem:$0x6400] =	vst v63  }
0x53: {  	_ = 	snop  }
0x54: {  	[spmem:s2] =	stream.indirect.scatter.add.f32 [tilespmem:s23], [sflag:$0x1], $0x10, s26, s22, $0xb8;
	[tilespmem:$0x6400] =	vst v63  }
0x55: {  	_ = 	snop  }
0x56: {  	[spmem:s2] =	stream.indirect.scatter.add.f32 [tilespmem:s23], [sflag:$0x1], $0x10, s28, s22, $0xb8;
	[tilespmem:$0x6400] =	vst v63  }
0x57: {  	_ = 	snop  }
0x58: {  	[spmem:s2] =	stream.indirect.scatter.add.f32 [tilespmem:s23], [sflag:$0x1], $0x10, s29, s22, $0xb8;
	[tilespmem:$0x6400] =	vst v63  }
0x59: {  	_ = 	snop  }
0x5a: {  	[spmem:s2] =	stream.indirect.scatter.add.f32 [tilespmem:s23], [sflag:$0x1], $0x10, s30, s22, $0xb8;
	[tilespmem:$0x6400] =	vst v63  }
0x5b: {  	_ =	swait.ge [sflag:s31], $0x800  }
0x5c: {  	[sflag:s31] =	ssyncset.done $0x0  }
0x5d: {  	[sflag:s31] =	ssyncadd.s32 $0xFFFFF800  }
0x5e: {  	_ =	swait.ge [sflag:s31], $0x800  }
0x5f: {  	[sflag:s31] =	ssyncset.done $0x0  }
0x60: {  	[sflag:s31] =	ssyncadd.s32 $0xFFFFF800  }
0x61: {  	_ =	swait.ge [sflag:s31], $0x800  }
0x62: {  	[sflag:s31] =	ssyncset.done $0x0  }
0x63: {  	[sflag:s31] =	ssyncadd.s32 $0xFFFFF800  }
0x64: {  	_ =	swait.ge [sflag:s31], $0x800  }
0x65: {  	[sflag:s31] =	ssyncset.done $0x0  }
0x66: {  	[sflag:s31] =	ssyncadd.s32 $0xFFFFF800  }
0x67: {  	_ =	swait.ge [sflag:s31], $0x800  }
0x68: {  	[sflag:s31] =	ssyncset.done $0x0  }
0x69: {  	[sflag:s31] =	ssyncadd.s32 $0xFFFFF800  }
0x6a: {  	_ =	swait.ge [sflag:s31], $0x800  }
0x6b: {  	[sflag:s31] =	ssyncset.done $0x0  }
0x6c: {  	[sflag:s31] =	ssyncadd.s32 $0xFFFFF800  }
0x6d: {  	_ =	swait.ge [sflag:s31], $0x800  }
0x6e: {  	[sflag:s31] =	ssyncset.done $0x0  }
0x6f: {  	[sflag:s31] =	ssyncadd.s32 $0xFFFFF800  }
0x70: {  	s9 =	simm.s32 $0x100;
	_ =	swait.ge [sflag:s31], $0x800  }
0x71: {  	s7 =	simm.s32 $0x80;
	s0 =	simm.s32 $0x80;
	[sflag:s31] =	ssyncset.done $0x0  }
.LBB2_4:
0x72: {  	s11 =	sadd.s32 s7, s18  }
0x73: {  	[sflag:s31] =	ssyncadd.s32 $0xFFFFF800;
	s7 =	smov.u32 s9;
	s10 =	sadd.s32 $0x80, s9  }
0x74: {  	[tilespmem:s5], [sflag:$0x2] =	stream.linear.gather [hbm4b:s11+s5], $0x400, $0x38;
	[tilespmem:$0x6400] =	vst v63  }
0x75: {  	p0 =	sne.s32 s9, $0x200;
	_ =	swait.ge [sflag:s21], $0x400  }
0x76: {  	[sflag:s21] =	ssyncset.done $0x0  }
0x77: {  	[sflag:s21] =	ssyncadd.s32 $0xFFFFFC00  }
0x78: {  	[spmem:s2] =	stream.indirect.scatter.add.f32 [tilespmem:s23], [sflag:$0x1], $0x10, s5, s22, $0xb8;
	[tilespmem:$0x6400] =	vst v63  }
0x79: {  	_ = 	snop  }
0x7a: {  	[spmem:s2] =	stream.indirect.scatter.add.f32 [tilespmem:s23], [sflag:$0x1], $0x10, s22, s22, $0xb8;
	[tilespmem:$0x6400] =	vst v63  }
0x7b: {  	_ = 	snop  }
0x7c: {  	[spmem:s2] =	stream.indirect.scatter.add.f32 [tilespmem:s23], [sflag:$0x1], $0x10, s24, s22, $0xb8;
	[tilespmem:$0x6400] =	vst v63  }
0x7d: {  	_ = 	snop  }
0x7e: {  	[spmem:s2] =	stream.indirect.scatter.add.f32 [tilespmem:s23], [sflag:$0x1], $0x10, s25, s22, $0xb8;
	[tilespmem:$0x6400] =	vst v63  }
0x7f: {  	_ = 	snop  }
0x80: {  	[spmem:s2] =	stream.indirect.scatter.add.f32 [tilespmem:s23], [sflag:$0x1], $0x10, s26, s22, $0xb8;
	[tilespmem:$0x6400] =	vst v63  }
0x81: {  	_ = 	snop  }
0x82: {  	[spmem:s2] =	stream.indirect.scatter.add.f32 [tilespmem:s23], [sflag:$0x1], $0x10, s28, s22, $0xb8;
	[tilespmem:$0x6400] =	vst v63  }
0x83: {  	_ = 	snop  }
0x84: {  	[spmem:s2] =	stream.indirect.scatter.add.f32 [tilespmem:s23], [sflag:$0x1], $0x10, s29, s22, $0xb8;
	[tilespmem:$0x6400] =	vst v63  }
0x85: {  	_ = 	snop  }
0x86: {  	[spmem:s2] =	stream.indirect.scatter.add.f32 [tilespmem:s23], [sflag:$0x1], $0x10, s30, s22, $0xb8;
	[tilespmem:$0x6400] =	vst v63  }
0x87: {  	_ =	swait.ge [sflag:s31], $0x800  }
0x88: {  	[sflag:s31] =	ssyncset.done $0x0  }
0x89: {  	[sflag:s31] =	ssyncadd.s32 $0xFFFFF800  }
0x8a: {  	_ =	swait.ge [sflag:s31], $0x800  }
0x8b: {  	[sflag:s31] =	ssyncset.done $0x0  }
0x8c: {  	[sflag:s31] =	ssyncadd.s32 $0xFFFFF800  }
0x8d: {  	_ =	swait.ge [sflag:s31], $0x800  }
0x8e: {  	[sflag:s31] =	ssyncset.done $0x0  }
0x8f: {  	[sflag:s31] =	ssyncadd.s32 $0xFFFFF800  }
0x90: {  	_ =	swait.ge [sflag:s31], $0x800  }
0x91: {  	[sflag:s31] =	ssyncset.done $0x0  }
0x92: {  	[sflag:s31] =	ssyncadd.s32 $0xFFFFF800  }
0x93: {  	_ =	swait.ge [sflag:s31], $0x800  }
0x94: {  	[sflag:s31] =	ssyncset.done $0x0  }
0x95: {  	[sflag:s31] =	ssyncadd.s32 $0xFFFFF800  }
0x96: {  	_ =	swait.ge [sflag:s31], $0x800  }
0x97: {  	[sflag:s31] =	ssyncset.done $0x0  }
0x98: {  	[sflag:s31] =	ssyncadd.s32 $0xFFFFF800  }
.Ltmp1:
0x99: {  	_ =	swait.ge [sflag:s31], $0x800;
	(pc) =	sbr.rel @p0 .LBB2_4-.Ltmp1, $4  }
0x9a: {  	[sflag:s31] =	ssyncset.done $0x0  }
0x9b: {  	[sflag:s31] =	ssyncadd.s32 $0xFFFFF800  }
0x9c: {  	_ =	swait.ge [sflag:s31], $0x800  }
0x9d: {  	s9 =	smov.u32 s10;
	[sflag:s31] =	ssyncset.done $0x0  }
0x9e: {  	s7 =	sadd.s32 s7, s18;
	[sflag:s31] =	ssyncadd.s32 $0xFFFFF800  }
0x9f: {  	[tilespmem:s5], [sflag:$0x2] =	stream.linear.gather [hbm4b:s7+s5], $0x400, $0x38;
	[tilespmem:$0x6400] =	vst v63  }
0xa0: {  	_ =	swait.ge [sflag:s21], $0x400  }
0xa1: {  	[sflag:s21] =	ssyncset.done $0x0  }
0xa2: {  	[sflag:s21] =	ssyncadd.s32 $0xFFFFFC00  }
0xa3: {  	[spmem:s2] =	stream.indirect.scatter.add.f32 [tilespmem:s23], [sflag:$0x1], $0x10, s5, s22, $0xb8;
	[tilespmem:$0x6400] =	vst v63  }
0xa4: {  	_ = 	snop  }
0xa5: {  	[spmem:s2] =	stream.indirect.scatter.add.f32 [tilespmem:s23], [sflag:$0x1], $0x10, s22, s22, $0xb8;
	[tilespmem:$0x6400] =	vst v63  }
0xa6: {  	_ = 	snop  }
0xa7: {  	[spmem:s2] =	stream.indirect.scatter.add.f32 [tilespmem:s23], [sflag:$0x1], $0x10, s24, s22, $0xb8;
	[tilespmem:$0x6400] =	vst v63  }
0xa8: {  	_ = 	snop  }
0xa9: {  	[spmem:s2] =	stream.indirect.scatter.add.f32 [tilespmem:s23], [sflag:$0x1], $0x10, s25, s22, $0xb8;
	[tilespmem:$0x6400] =	vst v63  }
0xaa: {  	_ = 	snop  }
0xab: {  	[spmem:s2] =	stream.indirect.scatter.add.f32 [tilespmem:s23], [sflag:$0x1], $0x10, s26, s22, $0xb8;
	[tilespmem:$0x6400] =	vst v63  }
0xac: {  	_ = 	snop  }
0xad: {  	[spmem:s2] =	stream.indirect.scatter.add.f32 [tilespmem:s23], [sflag:$0x1], $0x10, s28, s22, $0xb8;
	[tilespmem:$0x6400] =	vst v63  }
0xae: {  	_ = 	snop  }
0xaf: {  	[spmem:s2] =	stream.indirect.scatter.add.f32 [tilespmem:s23], [sflag:$0x1], $0x10, s29, s22, $0xb8;
	[tilespmem:$0x6400] =	vst v63  }
0xb0: {  	_ = 	snop  }
0xb1: {  	[spmem:s2] =	stream.indirect.scatter.add.f32 [tilespmem:s23], [sflag:$0x1], $0x10, s30, s22, $0xb8;
	[tilespmem:$0x6400] =	vst v63  }
0xb2: {  	_ =	swait.ge [sflag:s31], $0x800  }
0xb3: {  	[sflag:s31] =	ssyncset.done $0x0  }
0xb4: {  	[sflag:s31] =	ssyncadd.s32 $0xFFFFF800  }
0xb5: {  	_ =	swait.ge [sflag:s31], $0x800  }
0xb6: {  	[sflag:s31] =	ssyncset.done $0x0  }
0xb7: {  	[sflag:s31] =	ssyncadd.s32 $0xFFFFF800  }
0xb8: {  	_ =	swait.ge [sflag:s31], $0x800  }
0xb9: {  	[sflag:s31] =	ssyncset.done $0x0  }
0xba: {  	[sflag:s31] =	ssyncadd.s32 $0xFFFFF800  }
0xbb: {  	_ =	swait.ge [sflag:s31], $0x800  }
0xbc: {  	[sflag:s31] =	ssyncset.done $0x0  }
0xbd: {  	[sflag:s31] =	ssyncadd.s32 $0xFFFFF800  }
0xbe: {  	_ =	swait.ge [sflag:s31], $0x800  }
0xbf: {  	[sflag:s31] =	ssyncset.done $0x0  }
0xc0: {  	[sflag:s31] =	ssyncadd.s32 $0xFFFFF800  }
0xc1: {  	_ =	swait.ge [sflag:s31], $0x800  }
0xc2: {  	[sflag:s31] =	ssyncset.done $0x0  }
0xc3: {  	[sflag:s31] =	ssyncadd.s32 $0xFFFFF800  }
0xc4: {  	_ =	swait.ge [sflag:s31], $0x800  }
0xc5: {  	[sflag:s31] =	ssyncset.done $0x0  }
0xc6: {  	[sflag:s31] =	ssyncadd.s32 $0xFFFFF800  }
0xc7: {  	_ =	swait.ge [sflag:s31], $0x800  }
0xc8: {  	[sflag:s31] =	ssyncset.done $0x0  }
0xc9: {  	s11 =	sadd.s32 $0x0, s19;
	[sflag:s31] =	ssyncadd.s32 $0xFFFFF800  }
0xca: {  	[tilespmem:s4], [sflag:$0x2] =	stream.linear.gather [hbm4b:s11+s4], $0x400, $0x38;
	[tilespmem:$0x6400] =	vst v63  }
0xcb: {  	_ =	swait.ge [sflag:s21], $0x400  }
0xcc: {  	[sflag:s21] =	ssyncset.done $0x0  }
0xcd: {  	[sflag:s21] =	ssyncadd.s32 $0xFFFFFC00  }
0xce: {  	[spmem:s3] =	stream.indirect.scatter.add.f32 [tilespmem:s23], [sflag:$0x1], $0x10, s4, s22, $0xb8;
	[tilespmem:$0x6400] =	vst v63  }
0xcf: {  	_ = 	snop  }
0xd0: {  	[spmem:s3] =	stream.indirect.scatter.add.f32 [tilespmem:s23], [sflag:$0x1], $0x10, s22, s22, $0xb8;
	[tilespmem:$0x6400] =	vst v63  }
0xd1: {  	_ = 	snop  }
0xd2: {  	[spmem:s3] =	stream.indirect.scatter.add.f32 [tilespmem:s23], [sflag:$0x1], $0x10, s24, s22, $0xb8;
	[tilespmem:$0x6400] =	vst v63  }
0xd3: {  	_ = 	snop  }
0xd4: {  	[spmem:s3] =	stream.indirect.scatter.add.f32 [tilespmem:s23], [sflag:$0x1], $0x10, s25, s22, $0xb8;
	[tilespmem:$0x6400] =	vst v63  }
0xd5: {  	_ = 	snop  }
0xd6: {  	[spmem:s3] =	stream.indirect.scatter.add.f32 [tilespmem:s23], [sflag:$0x1], $0x10, s26, s22, $0xb8;
	[tilespmem:$0x6400] =	vst v63  }
0xd7: {  	_ = 	snop  }
0xd8: {  	[spmem:s3] =	stream.indirect.scatter.add.f32 [tilespmem:s23], [sflag:$0x1], $0x10, s28, s22, $0xb8;
	[tilespmem:$0x6400] =	vst v63  }
0xd9: {  	_ = 	snop  }
0xda: {  	[spmem:s3] =	stream.indirect.scatter.add.f32 [tilespmem:s23], [sflag:$0x1], $0x10, s29, s22, $0xb8;
	[tilespmem:$0x6400] =	vst v63  }
0xdb: {  	_ = 	snop  }
0xdc: {  	[spmem:s3] =	stream.indirect.scatter.add.f32 [tilespmem:s23], [sflag:$0x1], $0x10, s30, s22, $0xb8;
	[tilespmem:$0x6400] =	vst v63  }
0xdd: {  	_ =	swait.ge [sflag:s31], $0x800  }
0xde: {  	[sflag:s31] =	ssyncset.done $0x0  }
0xdf: {  	[sflag:s31] =	ssyncadd.s32 $0xFFFFF800  }
0xe0: {  	_ =	swait.ge [sflag:s31], $0x800  }
0xe1: {  	[sflag:s31] =	ssyncset.done $0x0  }
0xe2: {  	[sflag:s31] =	ssyncadd.s32 $0xFFFFF800  }
0xe3: {  	_ =	swait.ge [sflag:s31], $0x800  }
0xe4: {  	[sflag:s31] =	ssyncset.done $0x0  }
0xe5: {  	[sflag:s31] =	ssyncadd.s32 $0xFFFFF800  }
0xe6: {  	_ =	swait.ge [sflag:s31], $0x800  }
0xe7: {  	[sflag:s31] =	ssyncset.done $0x0  }
0xe8: {  	[sflag:s31] =	ssyncadd.s32 $0xFFFFF800  }
0xe9: {  	_ =	swait.ge [sflag:s31], $0x800  }
0xea: {  	[sflag:s31] =	ssyncset.done $0x0  }
0xeb: {  	[sflag:s31] =	ssyncadd.s32 $0xFFFFF800  }
0xec: {  	_ =	swait.ge [sflag:s31], $0x800  }
0xed: {  	[sflag:s31] =	ssyncset.done $0x0  }
0xee: {  	[sflag:s31] =	ssyncadd.s32 $0xFFFFF800  }
0xef: {  	_ =	swait.ge [sflag:s31], $0x800  }
0xf0: {  	[sflag:s31] =	ssyncset.done $0x0  }
0xf1: {  	[sflag:s31] =	ssyncadd.s32 $0xFFFFF800  }
0xf2: {  	_ =	swait.ge [sflag:s31], $0x800  }
0xf3: {  	s7 =	simm.s32 $0x100;
	[sflag:s31] =	ssyncset.done $0x0  }
.LBB2_6:
0xf4: {  	s9 =	sadd.s32 s0, s19  }
0xf5: {  	[sflag:s31] =	ssyncadd.s32 $0xFFFFF800;
	s0 =	smov.u32 s7;
	s5 =	sadd.s32 $0x80, s7  }
0xf6: {  	[tilespmem:s4], [sflag:$0x2] =	stream.linear.gather [hbm4b:s9+s4], $0x400, $0x38;
	[tilespmem:$0x6400] =	vst v63  }
0xf7: {  	p0 =	sne.s32 s7, $0x2600;
	_ =	swait.ge [sflag:s21], $0x400  }
0xf8: {  	[sflag:s21] =	ssyncset.done $0x0  }
0xf9: {  	[sflag:s21] =	ssyncadd.s32 $0xFFFFFC00  }
0xfa: {  	[spmem:s3] =	stream.indirect.scatter.add.f32 [tilespmem:s23], [sflag:$0x1], $0x10, s4, s22, $0xb8;
	[tilespmem:$0x6400] =	vst v63  }
0xfb: {  	_ = 	snop  }
0xfc: {  	[spmem:s3] =	stream.indirect.scatter.add.f32 [tilespmem:s23], [sflag:$0x1], $0x10, s22, s22, $0xb8;
	[tilespmem:$0x6400] =	vst v63  }
0xfd: {  	_ = 	snop  }
0xfe: {  	[spmem:s3] =	stream.indirect.scatter.add.f32 [tilespmem:s23], [sflag:$0x1], $0x10, s24, s22, $0xb8;
	[tilespmem:$0x6400] =	vst v63  }
0xff: {  	_ = 	snop  }
0x100: {  	[spmem:s3] =	stream.indirect.scatter.add.f32 [tilespmem:s23], [sflag:$0x1], $0x10, s25, s22, $0xb8;
	[tilespmem:$0x6400] =	vst v63  }
0x101: {  	_ = 	snop  }
0x102: {  	[spmem:s3] =	stream.indirect.scatter.add.f32 [tilespmem:s23], [sflag:$0x1], $0x10, s26, s22, $0xb8;
	[tilespmem:$0x6400] =	vst v63  }
0x103: {  	_ = 	snop  }
0x104: {  	[spmem:s3] =	stream.indirect.scatter.add.f32 [tilespmem:s23], [sflag:$0x1], $0x10, s28, s22, $0xb8;
	[tilespmem:$0x6400] =	vst v63  }
0x105: {  	_ = 	snop  }
0x106: {  	[spmem:s3] =	stream.indirect.scatter.add.f32 [tilespmem:s23], [sflag:$0x1], $0x10, s29, s22, $0xb8;
	[tilespmem:$0x6400] =	vst v63  }
0x107: {  	_ = 	snop  }
0x108: {  	[spmem:s3] =	stream.indirect.scatter.add.f32 [tilespmem:s23], [sflag:$0x1], $0x10, s30, s22, $0xb8;
	[tilespmem:$0x6400] =	vst v63  }
0x109: {  	_ =	swait.ge [sflag:s31], $0x800  }
0x10a: {  	[sflag:s31] =	ssyncset.done $0x0  }
0x10b: {  	[sflag:s31] =	ssyncadd.s32 $0xFFFFF800  }
0x10c: {  	_ =	swait.ge [sflag:s31], $0x800  }
0x10d: {  	[sflag:s31] =	ssyncset.done $0x0  }
0x10e: {  	[sflag:s31] =	ssyncadd.s32 $0xFFFFF800  }
0x10f: {  	_ =	swait.ge [sflag:s31], $0x800  }
0x110: {  	[sflag:s31] =	ssyncset.done $0x0  }
0x111: {  	[sflag:s31] =	ssyncadd.s32 $0xFFFFF800  }
0x112: {  	_ =	swait.ge [sflag:s31], $0x800  }
0x113: {  	[sflag:s31] =	ssyncset.done $0x0  }
0x114: {  	[sflag:s31] =	ssyncadd.s32 $0xFFFFF800  }
0x115: {  	_ =	swait.ge [sflag:s31], $0x800  }
0x116: {  	[sflag:s31] =	ssyncset.done $0x0  }
0x117: {  	[sflag:s31] =	ssyncadd.s32 $0xFFFFF800  }
0x118: {  	_ =	swait.ge [sflag:s31], $0x800  }
0x119: {  	[sflag:s31] =	ssyncset.done $0x0  }
0x11a: {  	[sflag:s31] =	ssyncadd.s32 $0xFFFFF800  }
.Ltmp2:
0x11b: {  	_ =	swait.ge [sflag:s31], $0x800;
	(pc) =	sbr.rel @p0 .LBB2_6-.Ltmp2, $4  }
0x11c: {  	[sflag:s31] =	ssyncset.done $0x0  }
0x11d: {  	[sflag:s31] =	ssyncadd.s32 $0xFFFFF800  }
0x11e: {  	_ =	swait.ge [sflag:s31], $0x800  }
0x11f: {  	s7 =	smov.u32 s5;
	[sflag:s31] =	ssyncset.done $0x0  }
0x120: {  	s0 =	sadd.s32 s0, s19;
	[sflag:s31] =	ssyncadd.s32 $0xFFFFF800  }
0x121: {  	[tilespmem:s4], [sflag:$0x2] =	stream.linear.gather [hbm4b:s0+s4], $0x400, $0x38;
	[tilespmem:$0x6400] =	vst v63  }
0x122: {  	_ =	swait.ge [sflag:s21], $0x400  }
0x123: {  	[sflag:s21] =	ssyncset.done $0x0  }
0x124: {  	[sflag:s21] =	ssyncadd.s32 $0xFFFFFC00  }
0x125: {  	[spmem:s3] =	stream.indirect.scatter.add.f32 [tilespmem:s23], [sflag:$0x1], $0x10, s4, s22, $0xb8;
	[tilespmem:$0x6400] =	vst v63  }
0x126: {  	_ = 	snop  }
0x127: {  	[spmem:s3] =	stream.indirect.scatter.add.f32 [tilespmem:s23], [sflag:$0x1], $0x10, s22, s22, $0xb8;
	[tilespmem:$0x6400] =	vst v63  }
0x128: {  	_ = 	snop  }
0x129: {  	[spmem:s3] =	stream.indirect.scatter.add.f32 [tilespmem:s23], [sflag:$0x1], $0x10, s24, s22, $0xb8;
	[tilespmem:$0x6400] =	vst v63  }
0x12a: {  	_ = 	snop  }
0x12b: {  	[spmem:s3] =	stream.indirect.scatter.add.f32 [tilespmem:s23], [sflag:$0x1], $0x10, s25, s22, $0xb8;
	[tilespmem:$0x6400] =	vst v63  }
0x12c: {  	_ = 	snop  }
0x12d: {  	[spmem:s3] =	stream.indirect.scatter.add.f32 [tilespmem:s23], [sflag:$0x1], $0x10, s26, s22, $0xb8;
	[tilespmem:$0x6400] =	vst v63  }
0x12e: {  	_ = 	snop  }
0x12f: {  	[spmem:s3] =	stream.indirect.scatter.add.f32 [tilespmem:s23], [sflag:$0x1], $0x10, s28, s22, $0xb8;
	[tilespmem:$0x6400] =	vst v63  }
0x130: {  	_ = 	snop  }
0x131: {  	[spmem:s3] =	stream.indirect.scatter.add.f32 [tilespmem:s23], [sflag:$0x1], $0x10, s29, s22, $0xb8;
	[tilespmem:$0x6400] =	vst v63  }
0x132: {  	_ = 	snop  }
0x133: {  	[spmem:s3] =	stream.indirect.scatter.add.f32 [tilespmem:s23], [sflag:$0x1], $0x10, s30, s22, $0xb8;
	[tilespmem:$0x6400] =	vst v63  }
0x134: {  	_ =	swait.ge [sflag:s31], $0x800  }
0x135: {  	[sflag:s31] =	ssyncset.done $0x0  }
0x136: {  	[sflag:s31] =	ssyncadd.s32 $0xFFFFF800  }
0x137: {  	_ =	swait.ge [sflag:s31], $0x800  }
0x138: {  	[sflag:s31] =	ssyncset.done $0x0  }
0x139: {  	[sflag:s31] =	ssyncadd.s32 $0xFFFFF800  }
0x13a: {  	_ =	swait.ge [sflag:s31], $0x800  }
0x13b: {  	[sflag:s31] =	ssyncset.done $0x0  }
0x13c: {  	[sflag:s31] =	ssyncadd.s32 $0xFFFFF800  }
0x13d: {  	_ =	swait.ge [sflag:s31], $0x800  }
0x13e: {  	[sflag:s31] =	ssyncset.done $0x0  }
0x13f: {  	[sflag:s31] =	ssyncadd.s32 $0xFFFFF800  }
0x140: {  	_ =	swait.ge [sflag:s31], $0x800  }
0x141: {  	[sflag:s31] =	ssyncset.done $0x0  }
0x142: {  	[sflag:s31] =	ssyncadd.s32 $0xFFFFF800  }
0x143: {  	_ =	swait.ge [sflag:s31], $0x800  }
0x144: {  	[sflag:s31] =	ssyncset.done $0x0  }
0x145: {  	[sflag:s31] =	ssyncadd.s32 $0xFFFFF800  }
0x146: {  	_ =	swait.ge [sflag:s31], $0x800  }
0x147: {  	[sflag:s31] =	ssyncset.done $0x0  }
0x148: {  	[sflag:s31] =	ssyncadd.s32 $0xFFFFF800  }
0x149: {  	_ =	swait.ge [sflag:s31], $0x800  }
0x14a: {  	[sflag:s31] =	ssyncset.done $0x0  }
0x14b: {  	s7 =	stileid.u32;
	[sflag:s31] =	ssyncadd.s32 $0xFFFFF800  }
0x14c: {  	s0 =	sshll.u32 s7, $0x6;
	[bflag:$0x0] =	sbarrier.arrive $0xFFFF  }
0x14d: {  	s5 =	sshrl.u32 s6, $0x3;
	s0 =	sor.u32 $0x1C02, s0;
	s7 =	rddreg [dreg:$0x5]  }
0x14e: {  	[hbm:s7], [sflag:s0] =	dma.local [spmem:s5], $0x500  }
0x14f: {  	_ =	swait.ge [sflag:s21], $0x500  }
0x150: {  	[sflag:s21] =	ssyncset.done $0x0  }
0x151: {  	s9 =	sshrl.u32 s8, $0x3;
	s10 =	rddreg [dreg:$0x6];
	[sflag:s21] =	ssyncadd.s32 $0xFFFFFB00  }
0x152: {  	[hbm:s10], [sflag:s0] =	dma.local [spmem:s9], $0x500  }
0x153: {  	_ =	swait.ge [sflag:s21], $0x500  }
0x154: {  	s1 =	sadd.s32 $0x1, s1;
	s11 =	rddreg [dreg:$0x7]  }
0x155: {  	p0 =	sne.s32 s1, s11  }
.Ltmp3:
0x156: {  	_ = 	snop;
	(pc) =	sbr.rel @p0 .LBB2_1-.Ltmp3, $3  }
0x157: {  	_ =	sdelay $0x1  }
0x158: {  	[sflag:s21] =	ssyncset.done $0x0  }
0x159: {  	[sflag:s21] =	ssyncadd.s32 $0xFFFFFB00  }
0x15a: {  	_ =	sfence.sel $0x180000  }
0x15b: {  	[bflag:$0x0] =	sbarrier.arrive $0xFFFF  }
0x15c: {  	_ =	strace $0x90000047  }
0x15d: {  	s0 =	stileid.u32;
	[bflag:$0x2] =	sbarrier.arrive $0xFFFF  }
0x15e: {  	p0 =	sne.s32 s0, $0x0;
	s0 =	rddreg [dreg:$0x4]  }
0x15f: {  	s0 =	sadd.s32 @!p0 $0x100000, s0  }
0x160: {  	[sflag:s0] =	ssyncadd.tile.s32 @!p0 $0x1;
	_ =	shalt  }
.Lfunc_end2:
_tile_overlayer_lowered:
.L_overlay_start_2:
0x161: {  	(tag) =	ssettag $0x2  }
0x162: {  	s0 =	rddreg [dreg:$0x0];
	s2 =	stileid.u32  }
0x163: {  	s1 =	rddreg [dreg:$0x1];
	p0 =	sne.s32 s2, $0x0  }
0x164: {  	s3 =	rddreg [dreg:$0x2];
	[bflag:$0x3] =	sbarrier.arrive $0xFFFF;
	s2 =	simm.s32 @!p0 $0x1C02  }
0x165: {  	[timem:s3], [sflag:s2] =	dma.local @!p0 [hbm:s0], s1  }
0x166: {  	s0 =	simm.s32 @!p0 $0x2  }
0x167: {  	_ =	swait.ge @!p0 [sflag:s0], s1  }
0x168: {  	s1 =	ssub.s32 @!p0 $0x0, s1;
	[sflag:s0] =	ssyncset.done @!p0 $0x0  }
0x169: {  	[sflag:s0] =	ssyncadd.s32 @!p0 s1  }
0x16a: {  	[bflag:$0x3] =	sbarrier.arrive $0xFFFF  }
0x16b: {  	_ =	shalt  }

// kernel: kernel.15.cloned.1.call-start
scs
__scs_entry_jumppad:
0x0: {  	(pc) =	sbr.rel $0x88, $3  }
0x1: {  	(tag) =	ssettag $0x0;
	lr =	simm.s32 $0x1  }
0x2: {  	[smem:$0x3F96] =	sst lr;
	_ =	strace $0xD0000000  }
0x3: {  	_ = 	snop  }
0x4: {  	_ = 	snop  }
0x5: {  	_ = 	snop  }
0x6: {  	_ = 	snop  }
0x7: {  	_ = 	snop  }
__scs_overlays_trampoline_lowered:
0x8: {  	[smem:$0x3FA5] =	sst s0  }
0x9: {  	[smem:$0x3FA6] =	sst s1  }
0xa: {  	[smem:$0x3FA7] =	sst s2  }
0xb: {  	[smem:$0x3FA8] =	sst s3  }
0xc: {  	[smem:$0x3FA9] =	sst s4  }
0xd: {  	[smem:$0x3FAA] =	sst s5  }
0xe: {  	[smem:$0x3FAB] =	sst s6  }
0xf: {  	[smem:$0x3FAC] =	sst s7  }
0x10: {  	[smem:$0x3FAD] =	sst s8  }
0x11: {  	[smem:$0x3FAE] =	sst s9;
	s0 =	simm.s32 @!p0 $0x0  }
0x12: {  	s1 =	sld [smem:$0x3F94];
	s0 =	simm.s32 @p0 $0x1  }
0x13: {  	[smem:$0x3FAF] =	sst s0;
	s0 =	simm.s32 @!p1 $0x0  }
0x14: {  	s2 =	sld [smem:$0x3F93];
	s0 =	simm.s32 @p1 $0x1  }
0x15: {  	[smem:$0x3FB0] =	sst s0;
	s0 =	simm.s32 @!p2 $0x0  }
0x16: {  	s3 =	sld [smem:$0x3FDB];
	s0 =	simm.s32 @p2 $0x1  }
0x17: {  	s4 =	simm.s32 $0x1BF5;
	[smem:$0x3FB2] =	sst s0  }
0x18: {  	s0 =	sld [smem:$0x3F95];
	_ =	swait.ge [sflag:s4], $0x0  }
0x19: {  	s7 =	sld [smem:$0x3F96]  }
0x1a: {  	s8 =	sadd.s32 $0xFFFFE003, lr  }
0x1b: {  	s9 =	sadd.s32 $0xFFFFFEF7, lr;
	s5 =	simm.s32 $0xFFFFFFFF;
	p2 =	slt.u32 s8, $0xFFFFF086  }
0x1c: {  	p1 =	slt.u32 s9, $0xF7A;
	s5 =	simm.s32 @!p2 $0x0  }
0x1d: {  	s5 =	simm.s32 @p1 $0x1;
	p0 =	seq.s32 s7, s2  }
0x1e: {  	s7 =	smul.u32 @!p0 $0xF7A, s2;
	p2 =	seq.s32 @!p0 s5, $0x0  }
0x1f: {  	s9 =	smul.u32 $0xF7A, s1;
	s8 =	simm.s32 @!p0 $0x1BF5;
	p2 =	por !p2, p0  }
0x20: {  	[sflag:s8] =	ssyncset.s32 @!p0 $0xFFFFF086;
	s6 =	sadd.s32 @!p0 s3, s7;
	s7 =	simm.s32 @!p0 $0x108  }
0x21: {  	s3 =	sadd.s32 s3, s9;
	s6 =	sadd.s32 @!p0 $0x88, s6;
	s7 =	simm.s32 @p2 $0x1082  }
0x22: {  	[simem:s7], [sflag:s8] =	dma.local @!p0 [hbm:s6], $0xF7A  }
0x23: {  	s9 =	sor.u32 $0xD0000000, s2;
	s6 =	simm.s32 $0x108;
	_ =	swait.ge @!p0 [sflag:s8], $0x0  }
0x24: {  	s3 =	sadd.s32 $0x88, s3;
	s6 =	simm.s32 @!p1 $0x1082;
	[sflag:s4] =	ssyncset.s32 $0xFFFFF086  }
0x25: {  	[simem:s6], [sflag:s4] =	dma.local [hbm:s3], $0xF7A  }
0x26: {  	[smem:$0x3F96] =	sst s1;
	(tag) =	ssettag s2;
	_ =	strace s9  }
0x27: {  	s1 =	sld [smem:$0x3FA6]  }
0x28: {  	s2 =	sld [smem:$0x3FA7]  }
0x29: {  	s4 =	sld [smem:$0x3FA9]  }
0x2a: {  	p0 =	seq.s32 s5, $0x0;
	s5 =	sld [smem:$0x3FAA]  }
0x2b: {  	s6 =	sld [smem:$0x3FAB]  }
0x2c: {  	s7 =	sld [smem:$0x3FAC]  }
0x2d: {  	s3 =	simm.s32 $0x108;
	s8 =	sld [smem:$0x3FAD]  }
0x2e: {  	s3 =	simm.s32 @!p0 $0x1082;
	s9 =	sld [smem:$0x3FAE]  }
0x2f: {  	lr =	sadd.s32 s0, s3;
	s0 =	sld [smem:$0x3FA5]  }
0x30: {  	s3 =	sld [smem:$0x3FA8]  }
0x31: {  	[smem:$0x3FB1] =	sst s10  }
0x32: {  	s10 =	sld [smem:$0x3FAF];
	_ =	sdelay $0x3  }
0x33: {  	p0 =	seq.s32 s10, $0x1;
	s10 =	sld [smem:$0x3FB1];
	_ =	sdelay $0x3  }
0x34: {  	[smem:$0x3FB1] =	sst s10  }
0x35: {  	s10 =	sld [smem:$0x3FB0];
	_ =	sdelay $0x3  }
0x36: {  	p1 =	seq.s32 s10, $0x1;
	s10 =	sld [smem:$0x3FB1];
	_ =	sdelay $0x3  }
0x37: {  	[smem:$0x3FB1] =	sst s10  }
0x38: {  	s10 =	sld [smem:$0x3FB2]  }
0x39: {  	_ = 	snop;
	(pc) =	sbr.ind lr, $3  }
0x3a: {  	_ = 	snop  }
0x3b: {  	_ = 	snop  }
0x3c: {  	p2 =	seq.s32 s10, $0x1;
	s10 =	sld [smem:$0x3FB1]  }
0x3d: {  	_ =	shalt  }
0x3e: {  	_ =	shalt  }
0x3f: {  	_ =	shalt  }
0x40: {  	_ =	shalt  }
0x41: {  	_ =	shalt  }
0x42: {  	_ =	shalt  }
0x43: {  	_ =	shalt  }
0x44: {  	_ =	shalt  }
0x45: {  	_ =	shalt  }
0x46: {  	_ =	shalt  }
0x47: {  	_ =	shalt  }
0x48: {  	_ =	shalt  }
0x49: {  	_ =	shalt  }
0x4a: {  	_ =	shalt  }
0x4b: {  	_ =	shalt  }
0x4c: {  	_ =	shalt  }
0x4d: {  	_ =	shalt  }
0x4e: {  	_ =	shalt  }
0x4f: {  	_ =	shalt  }
0x50: {  	_ =	shalt  }
0x51: {  	_ =	shalt  }
0x52: {  	_ =	shalt  }
0x53: {  	_ =	shalt  }
0x54: {  	_ =	shalt  }
0x55: {  	_ =	shalt  }
0x56: {  	_ =	shalt  }
0x57: {  	_ =	shalt  }
0x58: {  	_ =	shalt  }
0x59: {  	_ =	shalt  }
0x5a: {  	_ =	shalt  }
0x5b: {  	_ =	shalt  }
0x5c: {  	_ =	shalt  }
0x5d: {  	_ =	shalt  }
0x5e: {  	_ =	shalt  }
0x5f: {  	_ =	shalt  }
0x60: {  	_ =	shalt  }
0x61: {  	_ =	shalt  }
0x62: {  	_ =	shalt  }
0x63: {  	_ =	shalt  }
0x64: {  	_ =	shalt  }
0x65: {  	_ =	shalt  }
0x66: {  	_ =	shalt  }
0x67: {  	_ =	shalt  }
0x68: {  	_ =	shalt  }
0x69: {  	_ =	shalt  }
0x6a: {  	_ =	shalt  }
0x6b: {  	_ =	shalt  }
0x6c: {  	_ =	shalt  }
0x6d: {  	_ =	shalt  }
0x6e: {  	_ =	shalt  }
0x6f: {  	_ =	shalt  }
0x70: {  	_ =	shalt  }
0x71: {  	_ =	shalt  }
0x72: {  	_ =	shalt  }
0x73: {  	_ =	shalt  }
0x74: {  	_ =	shalt  }
0x75: {  	_ =	shalt  }
0x76: {  	_ =	shalt  }
0x77: {  	_ =	shalt  }
0x78: {  	_ =	shalt  }
0x79: {  	_ =	shalt  }
0x7a: {  	_ =	shalt  }
0x7b: {  	_ =	shalt  }
0x7c: {  	_ =	shalt  }
0x7d: {  	_ =	shalt  }
0x7e: {  	_ =	shalt  }
0x7f: {  	_ =	shalt  }
0x80: {  	_ =	shalt  }
0x81: {  	_ =	shalt  }
0x82: {  	_ =	shalt  }
0x83: {  	_ =	shalt  }
0x84: {  	_ =	shalt  }
0x85: {  	_ =	shalt  }
0x86: {  	_ =	shalt  }
0x87: {  	_ =	shalt  }
.Lfunc_end0:
.L_simem_size_0:
called_computation.1_lowered:
.L_overlay_start_0:
0x88: {  	s2 =	sld [smem:$0x3FD9]  }
0x89: {  	s3 =	sld [smem:$0x3FFE];
	_ =	sdelay $0x1  }
0x8a: {  	s1 =	srdreg.scid  }
0x8b: {  	s0 =	sand.u32 $0x1, s1  }
0x8c: {  	s17 =	sshll.u32 s0, $0xA;
	s2 =	sadd.s32 s3, s2  }
0x8d: {  	s2 =	sadd.s32 s2, s17  }
0x8e: {  	[smem:$0x3FBD] =	sst s2  }
0x8f: {  	_ = 	snop  }
0x90: {  	s18 =	sld [smem:$0x3FD0];
	(tm) =	ssettm $0x1  }
0x91: {  	s19 =	sld [smem:$0x3FFB];
	_ =	sdelay $0x3  }
0x92: {  	_ =	strace s19  }
0x93: {  	s2 =	sld [smem:$0x3FFC];
	_ =	sdelay $0x3  }
0x94: {  	_ =	strace s2  }
0x95: {  	s2 =	sld [smem:$0x3FFD];
	_ =	sdelay $0x3  }
0x96: {  	_ =	strace s2  }
0x97: {  	_ =	strace $0x8FFFFFFF  }
0x98: {  	s20 =	sld [smem:$0x3FDB];
	_ =	sdelay $0x1  }
0x99: {  	s4 =	simm.s32 $_scs_section_size  }
0x9a: {  	s5 =	simm.s32 $_size__tile_overlayer_lowered;
	s6 =	simm.s32 $_tile_overlayer_lowered  }
0x9b: {  	s7 =	simm.s32 $0x1BFF;
	s21 =	sshll.u32 s6, $0x1;
	s4 =	sadd.s32 s4, s20  }
0x9c: {  	s22 =	simm.s32 $0x0;
	s5 =	sshll.u32 s5, $0x1;
	s6 =	sadd.s32 s21, s4  }
0x9d: {  	[timem:s22], [sflag:s7] =	dma.local [hbm:s6], s5  }
0x9e: {  	_ =	swait.ge [sflag:s7], s5  }
0x9f: {  	s5 =	ssub.s32 $0x0, s5;
	[sflag:s7] =	ssyncset.done $0x0  }
0xa0: {  	[sflag:s7] =	ssyncadd.s32 s5;
	_ =	sdelay $0x1  }
0xa1: {  	s23 =	simm.s32 $0x1B8B  }
0xa2: {  	_ =	swait.ge [sflag:s23], $0x1  }
0xa3: {  	[sflag:s23] =	ssyncset.done $0x0  }
0xa4: {  	[sflag:s23] =	ssyncadd.s32 $0xFFFFFFFF  }
0xa5: {  	s5 =	sld [smem:$0x0]  }
0xa6: {  	s6 =	sand.u32 $0xFFFFFFFE, s1  }
0xa7: {  	p0 =	sne.s32 s1, s6  }
0xa8: {  	s6 =	sshll.u32 @p0 s6, $0xE  }
0xa9: {  	s6 =	sadd.s32 @p0 $0x11B8D, s6;
	s7 =	sshll.u32 @p0 s5, $0x11  }
0xaa: {  	s6 =	sor.u32 @p0 s7, s6  }
0xab: {  	[sflag:s6] =	ssyncadd.remote.s32 @p0 $0x1;
	_ =	sdelay $0x1  }
0xac: {  	s6 =	simm.s32 @p0 $0x1B8D  }
0xad: {  	_ =	swait.eq @p0 [sflag:s6], $0x1  }
0xae: {  	[sflag:s6] =	ssyncadd.s32 @p0 $0xFFFFFFFF  }
0xaf: {  	s7 =	sshll.u32 @!p0 s1, $0xE  }
0xb0: {  	s7 =	sor.u32 @!p0 $0x4000, s7;
	s6 =	simm.s32 @!p0 $0x1B8D  }
0xb1: {  	s5 =	sshll.u32 @!p0 s5, $0x11;
	s7 =	sadd.s32 @!p0 $0x11B8D, s7;
	_ =	swait.eq @!p0 [sflag:s6], $0x1  }
0xb2: {  	s5 =	sor.u32 @!p0 s5, s7;
	[sflag:s6] =	ssyncadd.s32 @!p0 $0xFFFFFFFF  }
0xb3: {  	s25 =	simm.s32 $0x1B8E;
	s24 =	sld [smem:$0x3FFE];
	[sflag:s5] =	ssyncadd.remote.s32 @!p0 $0x1  }
0xb4: {  	s26 =	simm.s32 $execute0_lowered;
	[smem:$0x3FD2] =	sst s25  }
0xb5: {  	s6 =	sshll.u32 s26, $0x1;
	_ =	strace $0x8000004C;
	[dreg:$0x1] =	wrdreg $0xFFFFFFFF  }
0xb6: {  	s28 =	simm.s32 $_size_execute0_lowered;
	s4 =	sadd.s32 s4, s6;
	[dreg:$0x0] =	wrdreg $0x0  }
0xb7: {  	s6 =	sshll.u32 s28, $0x1;
	[dreg:$0x2] =	wrdreg s4  }
0xb8: {  	[dreg:$0x3] =	wrdreg s6  }
0xb9: {  	[dreg:$0x4] =	wrdreg $0xC0  }
0xba: {  	_ =	task [dreg:s22], $0x5FFFF  }
0xbb: {  	[dreg:$0x1] =	wrdreg $0xFFFFFFFF  }
0xbc: {  	[dreg:$0x0] =	wrdreg $0x60  }
0xbd: {  	[dreg:$0x2] =	wrdreg s24  }
0xbe: {  	[dreg:$0x3] =	wrdreg s18  }
0xbf: {  	[dreg:$0x4] =	wrdreg $0x48000  }
0xc0: {  	[dreg:$0x5] =	wrdreg $0x9  }
0xc1: {  	_ =	task.clear_ibuf [dreg:s22], $0x6FFFF;
	_ =	strace $0x9000004C  }
0xc2: {  	s29 =	simm.s32 $0x9;
	_ =	strace $0x8000004E  }
0xc3: {  	_ =	swait.ge [sflag:s29], $0x1  }
0xc4: {  	[sflag:s29] =	ssyncadd.s32 $0xFFFFFFFF  }
0xc5: {  	_ =	strace $0x9000004E  }
0xc6: {  	_ =	sfence  }
0xc7: {  	s30 =	sld [smem:$0x0];
	_ =	sdelay $0x2  }
0xc8: {  	s31 =	sshll.u32 s1, $0xD;
	s1 =	sshrl.u32 s1, $0x2  }
0xc9: {  	s4 =	sand.u32 $0x4000, s31;
	s1 =	sadd.s32 s1, s30  }
0xca: {  	s0 =	sor.u32 s4, s0;
	s1 =	sshll.u32 s1, $0x11  }
0xcb: {  	s0 =	sor.u32 s1, s0  }
0xcc: {  	s0 =	sadd.s32 $0x8F2B, s0  }
0xcd: {  	[sflag:s0] =	ssyncadd.remote.s32 $0x1  }
0xce: {  	_ =	sfence.sel $0xFFFF  }
0xcf: {  	[dreg:$0x0] =	wrdreg $0xFFFFFFFF;
	(pc) =	sbr.abs _section_cstart, $3  }
0xd0: {  	[dreg:$0x1] =	wrdreg $0xFFFFFFFF  }
0xd1: {  	_ =	task.clear_ibuf [dreg:s22], $0x2FFFF;
	_ =	strace $0x9FFFFFFF  }
0xd2: {  	(tm) =	ssettm $0x7FFFFFFF  }
0xd3: {  	_ =	shalt  }
tec
execute0_lowered:
.L_overlay_start_1:
0x0: {  	(tag) =	ssettag $0x1  }
0x1: {  	s0 =	rddreg [dreg:$0x0]  }
0x2: {  	s1 =	srdreg.scid;
	s6 =	rddreg [dreg:$0x1]  }
0x3: {  	s10 =	stileid.u32;
	s2 =	rddreg [dreg:$0x2]  }
0x4: {  	s3 =	simm.s32 $0x0;
	s13 =	simm.s32 $0x800;
	s14 =	simm.s32 $0x5  }
0x5: {  	s15 =	simm.s32 $0x400;
	s16 =	simm.s32 $0x80;
	s17 =	simm.s32 $0x2800  }
0x6: {  	s18 =	simm.s32 $0x1;
	s19 =	simm.s32 $0x3;
	s5 =	smul.u32 $0x2800, s10  }
0x7: {  	s28 =	simm.s32 $0x200;
	s29 =	simm.s32 $0x580;
	s9 =	smul.u32 $0xA000, s10  }
0x8: {  	s30 =	simm.s32 $0x280;
	s1 =	sand.u32 $0x1, s1;
	s21 =	smul.u32 $0x28000, s10  }
0x9: {  	s31 =	simm.s32 $0x600;
	[smem:$0x7FF] =	sst s3;
	s7 =	smul.u32 $0x1400, s1  }
0xa: {  	s4 =	sadd.s32 $0x189200, s0;
	s8 =	smul.u32 $0xA0000, s1;
	s1 =	ssub.s32 $0x2, s1  }
0xb: {  	_ =	strace $0x8000004D;
	s26 =	sshrl.u32 s1, $0x1;
	s11 =	sadd.s32 s9, s2  }
0xc: {  	s5 =	sadd.s32 s7, s5;
	s20 =	sadd.s32 s9, s8;
	s8 =	sshrl.u32 s21, $0x2  }
0xd: {  	s1 =	ssub.s32 s1, s26;
	s21 =	simm.s32 $0x2;
	s9 =	simm.s32 $0x0  }
0xe: {  	s7 =	sshrl.u32 s5, $0x3;
	s5 =	sshrl.u32 s20, $0x3;
	s8 =	sadd.s32 s8, s2  }
0xf: {  	s1 =	smax.u32 s1, $0x1;
	s20 =	simm.s32 $0x100;
	s22 =	sadd.s32 s7, s0  }
0x10: {  	s0 =	sadd.s32 s5, s0;
	[dreg:$0x7] =	wrdreg s1;
	s23 =	sadd.s32 $0x2000, s8  }
0x11: {  	s24 =	sadd.s32 $0x4000, s8;
	s25 =	sadd.s32 $0x6000, s8;
	[dreg:$0x5] =	wrdreg s8  }
0x12: {  	s5 =	sadd.s32 $0x8000, s8;
	s12 =	sadd.s32 s7, s6;
	[dreg:$0x8] =	wrdreg s23  }
0x13: {  	s1 =	simm.s32 $0x300;
	s6 =	simm.s32 $0x380;
	[dreg:$0x9] =	wrdreg s24  }
0x14: {  	s7 =	simm.s32 $0x700;
	s8 =	simm.s32 $0x780;
	[dreg:$0xa] =	wrdreg s25  }
0x15: {  	s0 =	sadd.s32 $0x19CC00, s0;
	s26 =	sadd.s32 $0x51800, s22;
	[dreg:$0xb] =	wrdreg s5  }
0x16: {  	s22 =	simm.s32 $0x480;
	s23 =	simm.s32 $0x4;
	[dreg:$0x6] =	wrdreg s0  }
0x17: {  	s24 =	simm.s32 $0x180;
	[dreg:$0x4] =	wrdreg s26;
	s0 =	sshrl.u32 s11, $0x3  }
0x18: {  	v0 =	vimm.f32 $0.0e+00;
	s26 =	simm.s32 $0x500;
	[dreg:$0xc] =	wrdreg s0;
	s0 =	simm.s32 $0x680  }
.LBB2_1:
0x19: {  	s11 =	simm.s32 $0x100;
	s10 =	simm.s32 $0x0  }
.LBB2_2:
0x1a: {  	p0 =	sne.s32 s11, $0x7F00;
	[tilespmem:s10+$0x830] =	vst v0;
	s25 =	smov.u32 s11;
	s11 =	sadd.s32 $0x100, s11  }
.Ltmp0:
0x1b: {  	[tilespmem:s10+$0x820] =	vst v0;
	(pc) =	sbr.rel @p0 .LBB2_2-.Ltmp0, $3  }
0x1c: {  	[tilespmem:s10+$0x800] =	vst v0  }
0x1d: {  	[tilespmem:s10+$0x810] =	vst v0;
	_ =	sdelay $0x1  }
0x1e: {  	s10 =	sshra.s32 s25, $0x2  }
0x1f: {  	[tilespmem:s10+$0x830] =	vst v0  }
0x20: {  	[tilespmem:s10+$0x820] =	vst v0  }
0x21: {  	[dreg:$0xd] =	wrdreg s9;
	[tilespmem:s10+$0x800] =	vst v0  }
0x22: {  	[tilespmem:s10+$0x810] =	vst v0;
	s5 =	rddreg [dreg:$0x5]  }
0x23: {  	[spmem:s5] =	stream.linear.scatter [tilespmem:s13], [sflag:$0x5], $0x2000, $0x38;
	[tilespmem:$0xE800] =	vst v63  }
0x24: {  	_ =	swait.ge [sflag:s14], $0x2000  }
0x25: {  	[sflag:s14] =	ssyncset.done $0x0  }
0x26: {  	s11 =	rddreg [dreg:$0x8];
	[sflag:s14] =	ssyncadd.s32 $0xFFFFE000  }
0x27: {  	[spmem:s11] =	stream.linear.scatter [tilespmem:s13], [sflag:$0x5], $0x2000, $0x38;
	[tilespmem:$0xE800] =	vst v63  }
0x28: {  	_ =	swait.ge [sflag:s14], $0x2000  }
0x29: {  	[sflag:s14] =	ssyncset.done $0x0  }
0x2a: {  	s25 =	rddreg [dreg:$0x9];
	[sflag:s14] =	ssyncadd.s32 $0xFFFFE000  }
0x2b: {  	[spmem:s25] =	stream.linear.scatter [tilespmem:s13], [sflag:$0x5], $0x2000, $0x38;
	[tilespmem:$0xE800] =	vst v63  }
0x2c: {  	_ =	swait.ge [sflag:s14], $0x2000  }
0x2d: {  	[sflag:s14] =	ssyncset.done $0x0  }
0x2e: {  	s9 =	rddreg [dreg:$0xa];
	[sflag:s14] =	ssyncadd.s32 $0xFFFFE000  }
0x2f: {  	[spmem:s9] =	stream.linear.scatter [tilespmem:s13], [sflag:$0x5], $0x2000, $0x38;
	[tilespmem:$0xE800] =	vst v63  }
0x30: {  	_ =	swait.ge [sflag:s14], $0x2000  }
0x31: {  	[sflag:s14] =	ssyncset.done $0x0  }
0x32: {  	s10 =	rddreg [dreg:$0xb];
	[sflag:s14] =	ssyncadd.s32 $0xFFFFE000  }
0x33: {  	[spmem:s10] =	stream.linear.scatter [tilespmem:s13], [sflag:$0x5], $0x2000, $0x38;
	[tilespmem:$0xE800] =	vst v63  }
0x34: {  	_ =	swait.ge [sflag:s14], $0x2000  }
0x35: {  	[sflag:s14] =	ssyncset.done $0x0  }
0x36: {  	[sflag:s14] =	ssyncadd.s32 $0xFFFFE000  }
0x37: {  	s11 =	sadd.s32 $0x0, s12;
	[bflag:$0x0] =	sbarrier.arrive $0xFFFF  }
0x38: {  	[tilespmem:s3], [sflag:$0x5] =	stream.linear.gather [hbm4b:s11+s3], $0x400, $0x38;
	[tilespmem:$0xE800] =	vst v63  }
0x39: {  	_ =	swait.ge [sflag:s14], $0x400  }
0x3a: {  	s25 =	rddreg [dreg:$0x4];
	[sflag:s14] =	ssyncset.done $0x0  }
0x3b: {  	[sflag:s14] =	ssyncadd.s32 $0xFFFFFC00;
	s10 =	sadd.s32 $0x0, s25  }
0x3c: {  	[tilespmem:s15], [sflag:$0x5] =	stream.linear.gather [hbm4b:s10+s3], $0x400, $0x38;
	[tilespmem:$0xE800] =	vst v63  }
0x3d: {  	_ =	swait.ge [sflag:s14], $0x400  }
0x3e: {  	[sflag:s14] =	ssyncset.done $0x0  }
0x3f: {  	[sflag:s14] =	ssyncadd.s32 $0xFFFFFC00  }
0x40: {  	[tilespmem:s13], [sflag:$0x1] =	stream.indirect.gather [hbm4b:s4+s16], $0x40, s3, s16, $0xb8;
	[tilespmem:$0xE800] =	vst v63  }
0x41: {  	_ = 	snop  }
0x42: {  	[tilespmem:s17], [sflag:$0x2] =	stream.indirect.gather [hbm4b:s4+s16], $0x40, s16, s16, $0xb8;
	[tilespmem:$0xE800] =	vst v63  }
0x43: {  	_ =	swait.ge [sflag:s18], $0x2000  }
0x44: {  	[sflag:s18] =	ssyncset.done $0x0  }
0x45: {  	[sflag:s18] =	ssyncadd.s32 $0xFFFFE000  }
0x46: {  	[spmem:s2] =	stream.indirect.scatter.add.f32 [tilespmem:s13], [sflag:$0x3], $0x40, s15, s16, $0xb8;
	[tilespmem:$0xE800] =	vst v63  }
0x47: {  	_ =	swait.ge [sflag:s19], $0x2000  }
0x48: {  	[sflag:s19] =	ssyncset.done $0x0  }
0x49: {  	[sflag:s19] =	ssyncadd.s32 $0xFFFFE000  }
0x4a: {  	[tilespmem:s13], [sflag:$0x1] =	stream.indirect.gather [hbm4b:s4+s16], $0x40, s20, s16, $0xb8;
	[tilespmem:$0xE800] =	vst v63  }
0x4b: {  	_ =	swait.ge [sflag:s21], $0x2000  }
0x4c: {  	[sflag:s21] =	ssyncset.done $0x0  }
0x4d: {  	[sflag:s21] =	ssyncadd.s32 $0xFFFFE000  }
0x4e: {  	[spmem:s2] =	stream.indirect.scatter.add.f32 [tilespmem:s17], [sflag:$0x4], $0x40, s22, s16, $0xb8;
	[tilespmem:$0xE800] =	vst v63  }
0x4f: {  	_ =	swait.ge [sflag:s23], $0x2000  }
0x50: {  	[sflag:s23] =	ssyncset.done $0x0  }
0x51: {  	[sflag:s23] =	ssyncadd.s32 $0xFFFFE000  }
0x52: {  	[tilespmem:s17], [sflag:$0x2] =	stream.indirect.gather [hbm4b:s4+s16], $0x40, s24, s16, $0xb8;
	[tilespmem:$0xE800] =	vst v63  }
0x53: {  	_ =	swait.ge [sflag:s18], $0x2000  }
0x54: {  	[sflag:s18] =	ssyncset.done $0x0  }
0x55: {  	[sflag:s18] =	ssyncadd.s32 $0xFFFFE000  }
0x56: {  	[spmem:s2] =	stream.indirect.scatter.add.f32 [tilespmem:s13], [sflag:$0x3], $0x40, s26, s16, $0xb8;
	[tilespmem:$0xE800] =	vst v63  }
0x57: {  	_ =	swait.ge [sflag:s19], $0x2000  }
0x58: {  	[sflag:s19] =	ssyncset.done $0x0  }
0x59: {  	[sflag:s19] =	ssyncadd.s32 $0xFFFFE000  }
0x5a: {  	[tilespmem:s13], [sflag:$0x1] =	stream.indirect.gather [hbm4b:s4+s16], $0x40, s28, s16, $0xb8;
	[tilespmem:$0xE800] =	vst v63  }
0x5b: {  	_ =	swait.ge [sflag:s21], $0x2000  }
0x5c: {  	[sflag:s21] =	ssyncset.done $0x0  }
0x5d: {  	[sflag:s21] =	ssyncadd.s32 $0xFFFFE000  }
0x5e: {  	[spmem:s2] =	stream.indirect.scatter.add.f32 [tilespmem:s17], [sflag:$0x4], $0x40, s29, s16, $0xb8;
	[tilespmem:$0xE800] =	vst v63  }
0x5f: {  	_ =	swait.ge [sflag:s23], $0x2000  }
0x60: {  	[sflag:s23] =	ssyncset.done $0x0  }
0x61: {  	[sflag:s23] =	ssyncadd.s32 $0xFFFFE000  }
0x62: {  	[tilespmem:s17], [sflag:$0x2] =	stream.indirect.gather [hbm4b:s4+s16], $0x40, s30, s16, $0xb8;
	[tilespmem:$0xE800] =	vst v63  }
0x63: {  	_ =	swait.ge [sflag:s18], $0x2000  }
0x64: {  	[sflag:s18] =	ssyncset.done $0x0  }
0x65: {  	[sflag:s18] =	ssyncadd.s32 $0xFFFFE000  }
0x66: {  	[spmem:s2] =	stream.indirect.scatter.add.f32 [tilespmem:s13], [sflag:$0x3], $0x40, s31, s16, $0xb8;
	[tilespmem:$0xE800] =	vst v63  }
0x67: {  	_ =	swait.ge [sflag:s19], $0x2000  }
0x68: {  	[sflag:s19] =	ssyncset.done $0x0  }
0x69: {  	[sflag:s19] =	ssyncadd.s32 $0xFFFFE000  }
0x6a: {  	[tilespmem:s13], [sflag:$0x1] =	stream.indirect.gather [hbm4b:s4+s16], $0x40, s1, s16, $0xb8;
	[tilespmem:$0xE800] =	vst v63  }
0x6b: {  	_ =	swait.ge [sflag:s21], $0x2000  }
0x6c: {  	[sflag:s21] =	ssyncset.done $0x0  }
0x6d: {  	[sflag:s21] =	ssyncadd.s32 $0xFFFFE000  }
0x6e: {  	[spmem:s2] =	stream.indirect.scatter.add.f32 [tilespmem:s17], [sflag:$0x4], $0x40, s0, s16, $0xb8;
	[tilespmem:$0xE800] =	vst v63  }
0x6f: {  	_ =	swait.ge [sflag:s23], $0x2000  }
0x70: {  	[sflag:s23] =	ssyncset.done $0x0  }
0x71: {  	[sflag:s23] =	ssyncadd.s32 $0xFFFFE000  }
0x72: {  	[tilespmem:s17], [sflag:$0x2] =	stream.indirect.gather [hbm4b:s4+s16], $0x40, s6, s16, $0xb8;
	[tilespmem:$0xE800] =	vst v63  }
0x73: {  	_ =	swait.ge [sflag:s18], $0x2000  }
0x74: {  	[sflag:s18] =	ssyncset.done $0x0  }
0x75: {  	[sflag:s18] =	ssyncadd.s32 $0xFFFFE000  }
0x76: {  	[spmem:s2] =	stream.indirect.scatter.add.f32 [tilespmem:s13], [sflag:$0x3], $0x40, s7, s16, $0xb8;
	[tilespmem:$0xE800] =	vst v63  }
0x77: {  	_ =	swait.ge [sflag:s21], $0x2000  }
0x78: {  	[sflag:s21] =	ssyncset.done $0x0  }
0x79: {  	[sflag:s21] =	ssyncadd.s32 $0xFFFFE000  }
0x7a: {  	[spmem:s2] =	stream.indirect.scatter.add.f32 [tilespmem:s17], [sflag:$0x4], $0x40, s8, s16, $0xb8;
	[tilespmem:$0xE800] =	vst v63  }
0x7b: {  	_ =	swait.ge [sflag:s19], $0x2000  }
0x7c: {  	[sflag:s19] =	ssyncset.done $0x0  }
0x7d: {  	[sflag:s19] =	ssyncadd.s32 $0xFFFFE000  }
0x7e: {  	_ =	swait.ge [sflag:s23], $0x2000  }
0x7f: {  	s11 =	simm.s32 $0x100;
	s10 =	simm.s32 $0x80;
	[sflag:s23] =	ssyncset.done $0x0  }
.LBB2_4:
0x80: {  	s5 =	sadd.s32 s10, s12;
	[sflag:s23] =	ssyncadd.s32 $0xFFFFE000  }
0x81: {  	[tilespmem:s3], [sflag:$0x5] =	stream.linear.gather [hbm4b:s5+s3], $0x400, $0x38;
	[tilespmem:$0xE800] =	vst v63  }
0x82: {  	s9 =	smov.u32 s11;
	s25 =	sadd.s32 $0x80, s11;
	_ =	swait.ge [sflag:s14], $0x400  }
0x83: {  	p0 =	sne.s32 s11, $0x200;
	s11 =	rddreg [dreg:$0x4];
	[sflag:s14] =	ssyncset.done $0x0  }
0x84: {  	[sflag:s14] =	ssyncadd.s32 $0xFFFFFC00;
	s5 =	sadd.s32 s10, s11  }
0x85: {  	[tilespmem:s15], [sflag:$0x5] =	stream.linear.gather [hbm4b:s5+s3], $0x400, $0x38;
	[tilespmem:$0xE800] =	vst v63  }
0x86: {  	_ =	swait.ge [sflag:s14], $0x400  }
0x87: {  	[sflag:s14] =	ssyncset.done $0x0  }
0x88: {  	[sflag:s14] =	ssyncadd.s32 $0xFFFFFC00  }
0x89: {  	[tilespmem:s13], [sflag:$0x1] =	stream.indirect.gather [hbm4b:s4+s16], $0x40, s3, s16, $0xb8;
	[tilespmem:$0xE800] =	vst v63  }
0x8a: {  	_ = 	snop  }
0x8b: {  	[tilespmem:s17], [sflag:$0x2] =	stream.indirect.gather [hbm4b:s4+s16], $0x40, s16, s16, $0xb8;
	[tilespmem:$0xE800] =	vst v63  }
0x8c: {  	_ =	swait.ge [sflag:s18], $0x2000  }
0x8d: {  	[sflag:s18] =	ssyncset.done $0x0  }
0x8e: {  	[sflag:s18] =	ssyncadd.s32 $0xFFFFE000  }
0x8f: {  	[spmem:s2] =	stream.indirect.scatter.add.f32 [tilespmem:s13], [sflag:$0x3], $0x40, s15, s16, $0xb8;
	[tilespmem:$0xE800] =	vst v63  }
0x90: {  	_ =	swait.ge [sflag:s19], $0x2000  }
0x91: {  	[sflag:s19] =	ssyncset.done $0x0  }
0x92: {  	[sflag:s19] =	ssyncadd.s32 $0xFFFFE000  }
0x93: {  	[tilespmem:s13], [sflag:$0x1] =	stream.indirect.gather [hbm4b:s4+s16], $0x40, s20, s16, $0xb8;
	[tilespmem:$0xE800] =	vst v63  }
0x94: {  	_ =	swait.ge [sflag:s21], $0x2000  }
0x95: {  	[sflag:s21] =	ssyncset.done $0x0  }
0x96: {  	[sflag:s21] =	ssyncadd.s32 $0xFFFFE000  }
0x97: {  	[spmem:s2] =	stream.indirect.scatter.add.f32 [tilespmem:s17], [sflag:$0x4], $0x40, s22, s16, $0xb8;
	[tilespmem:$0xE800] =	vst v63  }
0x98: {  	_ =	swait.ge [sflag:s23], $0x2000  }
0x99: {  	[sflag:s23] =	ssyncset.done $0x0  }
0x9a: {  	[sflag:s23] =	ssyncadd.s32 $0xFFFFE000  }
0x9b: {  	[tilespmem:s17], [sflag:$0x2] =	stream.indirect.gather [hbm4b:s4+s16], $0x40, s24, s16, $0xb8;
	[tilespmem:$0xE800] =	vst v63  }
0x9c: {  	_ =	swait.ge [sflag:s18], $0x2000  }
0x9d: {  	[sflag:s18] =	ssyncset.done $0x0  }
0x9e: {  	[sflag:s18] =	ssyncadd.s32 $0xFFFFE000  }
0x9f: {  	[spmem:s2] =	stream.indirect.scatter.add.f32 [tilespmem:s13], [sflag:$0x3], $0x40, s26, s16, $0xb8;
	[tilespmem:$0xE800] =	vst v63  }
0xa0: {  	_ =	swait.ge [sflag:s19], $0x2000  }
0xa1: {  	[sflag:s19] =	ssyncset.done $0x0  }
0xa2: {  	[sflag:s19] =	ssyncadd.s32 $0xFFFFE000  }
0xa3: {  	[tilespmem:s13], [sflag:$0x1] =	stream.indirect.gather [hbm4b:s4+s16], $0x40, s28, s16, $0xb8;
	[tilespmem:$0xE800] =	vst v63  }
0xa4: {  	_ =	swait.ge [sflag:s21], $0x2000  }
0xa5: {  	[sflag:s21] =	ssyncset.done $0x0  }
0xa6: {  	[sflag:s21] =	ssyncadd.s32 $0xFFFFE000  }
0xa7: {  	[spmem:s2] =	stream.indirect.scatter.add.f32 [tilespmem:s17], [sflag:$0x4], $0x40, s29, s16, $0xb8;
	[tilespmem:$0xE800] =	vst v63  }
0xa8: {  	_ =	swait.ge [sflag:s23], $0x2000  }
0xa9: {  	[sflag:s23] =	ssyncset.done $0x0  }
0xaa: {  	[sflag:s23] =	ssyncadd.s32 $0xFFFFE000  }
0xab: {  	[tilespmem:s17], [sflag:$0x2] =	stream.indirect.gather [hbm4b:s4+s16], $0x40, s30, s16, $0xb8;
	[tilespmem:$0xE800] =	vst v63  }
0xac: {  	_ =	swait.ge [sflag:s18], $0x2000  }
0xad: {  	[sflag:s18] =	ssyncset.done $0x0  }
0xae: {  	[sflag:s18] =	ssyncadd.s32 $0xFFFFE000  }
0xaf: {  	[spmem:s2] =	stream.indirect.scatter.add.f32 [tilespmem:s13], [sflag:$0x3], $0x40, s31, s16, $0xb8;
	[tilespmem:$0xE800] =	vst v63  }
0xb0: {  	_ =	swait.ge [sflag:s19], $0x2000  }
0xb1: {  	[sflag:s19] =	ssyncset.done $0x0  }
0xb2: {  	[sflag:s19] =	ssyncadd.s32 $0xFFFFE000  }
0xb3: {  	[tilespmem:s13], [sflag:$0x1] =	stream.indirect.gather [hbm4b:s4+s16], $0x40, s1, s16, $0xb8;
	[tilespmem:$0xE800] =	vst v63  }
0xb4: {  	_ =	swait.ge [sflag:s21], $0x2000  }
0xb5: {  	[sflag:s21] =	ssyncset.done $0x0  }
0xb6: {  	[sflag:s21] =	ssyncadd.s32 $0xFFFFE000  }
0xb7: {  	[spmem:s2] =	stream.indirect.scatter.add.f32 [tilespmem:s17], [sflag:$0x4], $0x40, s0, s16, $0xb8;
	[tilespmem:$0xE800] =	vst v63  }
0xb8: {  	_ =	swait.ge [sflag:s23], $0x2000  }
0xb9: {  	[sflag:s23] =	ssyncset.done $0x0  }
0xba: {  	[sflag:s23] =	ssyncadd.s32 $0xFFFFE000  }
0xbb: {  	[tilespmem:s17], [sflag:$0x2] =	stream.indirect.gather [hbm4b:s4+s16], $0x40, s6, s16, $0xb8;
	[tilespmem:$0xE800] =	vst v63  }
0xbc: {  	_ =	swait.ge [sflag:s18], $0x2000  }
0xbd: {  	[sflag:s18] =	ssyncset.done $0x0  }
0xbe: {  	[sflag:s18] =	ssyncadd.s32 $0xFFFFE000  }
0xbf: {  	[spmem:s2] =	stream.indirect.scatter.add.f32 [tilespmem:s13], [sflag:$0x3], $0x40, s7, s16, $0xb8;
	[tilespmem:$0xE800] =	vst v63  }
0xc0: {  	_ =	swait.ge [sflag:s21], $0x2000  }
0xc1: {  	[sflag:s21] =	ssyncset.done $0x0  }
0xc2: {  	[sflag:s21] =	ssyncadd.s32 $0xFFFFE000  }
0xc3: {  	[spmem:s2] =	stream.indirect.scatter.add.f32 [tilespmem:s17], [sflag:$0x4], $0x40, s8, s16, $0xb8;
	[tilespmem:$0xE800] =	vst v63  }
.Ltmp1:
0xc4: {  	_ =	swait.ge [sflag:s19], $0x2000;
	(pc) =	sbr.rel @p0 .LBB2_4-.Ltmp1, $4  }
0xc5: {  	[sflag:s19] =	ssyncset.done $0x0  }
0xc6: {  	[sflag:s19] =	ssyncadd.s32 $0xFFFFE000  }
0xc7: {  	_ =	swait.ge [sflag:s23], $0x2000  }
0xc8: {  	s10 =	smov.u32 s9;
	s11 =	smov.u32 s25;
	[sflag:s23] =	ssyncset.done $0x0  }
0xc9: {  	s5 =	sadd.s32 s10, s12;
	[sflag:s23] =	ssyncadd.s32 $0xFFFFE000  }
0xca: {  	[tilespmem:s3], [sflag:$0x5] =	stream.linear.gather [hbm4b:s5+s3], $0x400, $0x38;
	[tilespmem:$0xE800] =	vst v63  }
0xcb: {  	_ =	swait.ge [sflag:s14], $0x400  }
0xcc: {  	s9 =	rddreg [dreg:$0x4];
	[sflag:s14] =	ssyncset.done $0x0  }
0xcd: {  	s5 =	sadd.s32 s10, s9;
	[sflag:s14] =	ssyncadd.s32 $0xFFFFFC00  }
0xce: {  	[tilespmem:s15], [sflag:$0x5] =	stream.linear.gather [hbm4b:s5+s3], $0x400, $0x38;
	[tilespmem:$0xE800] =	vst v63  }
0xcf: {  	_ =	swait.ge [sflag:s14], $0x400  }
0xd0: {  	[sflag:s14] =	ssyncset.done $0x0  }
0xd1: {  	[sflag:s14] =	ssyncadd.s32 $0xFFFFFC00  }
0xd2: {  	[tilespmem:s13], [sflag:$0x1] =	stream.indirect.gather [hbm4b:s4+s16], $0x40, s3, s16, $0xb8;
	[tilespmem:$0xE800] =	vst v63  }
0xd3: {  	_ = 	snop  }
0xd4: {  	[tilespmem:s17], [sflag:$0x2] =	stream.indirect.gather [hbm4b:s4+s16], $0x40, s16, s16, $0xb8;
	[tilespmem:$0xE800] =	vst v63  }
0xd5: {  	_ =	swait.ge [sflag:s18], $0x2000  }
0xd6: {  	[sflag:s18] =	ssyncset.done $0x0  }
0xd7: {  	[sflag:s18] =	ssyncadd.s32 $0xFFFFE000  }
0xd8: {  	[spmem:s2] =	stream.indirect.scatter.add.f32 [tilespmem:s13], [sflag:$0x3], $0x40, s15, s16, $0xb8;
	[tilespmem:$0xE800] =	vst v63  }
0xd9: {  	_ =	swait.ge [sflag:s19], $0x2000  }
0xda: {  	[sflag:s19] =	ssyncset.done $0x0  }
0xdb: {  	[sflag:s19] =	ssyncadd.s32 $0xFFFFE000  }
0xdc: {  	[tilespmem:s13], [sflag:$0x1] =	stream.indirect.gather [hbm4b:s4+s16], $0x40, s20, s16, $0xb8;
	[tilespmem:$0xE800] =	vst v63  }
0xdd: {  	_ =	swait.ge [sflag:s21], $0x2000  }
0xde: {  	[sflag:s21] =	ssyncset.done $0x0  }
0xdf: {  	[sflag:s21] =	ssyncadd.s32 $0xFFFFE000  }
0xe0: {  	[spmem:s2] =	stream.indirect.scatter.add.f32 [tilespmem:s17], [sflag:$0x4], $0x40, s22, s16, $0xb8;
	[tilespmem:$0xE800] =	vst v63  }
0xe1: {  	_ =	swait.ge [sflag:s23], $0x2000  }
0xe2: {  	[sflag:s23] =	ssyncset.done $0x0  }
0xe3: {  	[sflag:s23] =	ssyncadd.s32 $0xFFFFE000  }
0xe4: {  	[tilespmem:s17], [sflag:$0x2] =	stream.indirect.gather [hbm4b:s4+s16], $0x40, s24, s16, $0xb8;
	[tilespmem:$0xE800] =	vst v63  }
0xe5: {  	_ =	swait.ge [sflag:s18], $0x2000  }
0xe6: {  	[sflag:s18] =	ssyncset.done $0x0  }
0xe7: {  	[sflag:s18] =	ssyncadd.s32 $0xFFFFE000  }
0xe8: {  	[spmem:s2] =	stream.indirect.scatter.add.f32 [tilespmem:s13], [sflag:$0x3], $0x40, s26, s16, $0xb8;
	[tilespmem:$0xE800] =	vst v63  }
0xe9: {  	_ =	swait.ge [sflag:s19], $0x2000  }
0xea: {  	[sflag:s19] =	ssyncset.done $0x0  }
0xeb: {  	[sflag:s19] =	ssyncadd.s32 $0xFFFFE000  }
0xec: {  	[tilespmem:s13], [sflag:$0x1] =	stream.indirect.gather [hbm4b:s4+s16], $0x40, s28, s16, $0xb8;
	[tilespmem:$0xE800] =	vst v63  }
0xed: {  	_ =	swait.ge [sflag:s21], $0x2000  }
0xee: {  	[sflag:s21] =	ssyncset.done $0x0  }
0xef: {  	[sflag:s21] =	ssyncadd.s32 $0xFFFFE000  }
0xf0: {  	[spmem:s2] =	stream.indirect.scatter.add.f32 [tilespmem:s17], [sflag:$0x4], $0x40, s29, s16, $0xb8;
	[tilespmem:$0xE800] =	vst v63  }
0xf1: {  	_ =	swait.ge [sflag:s23], $0x2000  }
0xf2: {  	[sflag:s23] =	ssyncset.done $0x0  }
0xf3: {  	[sflag:s23] =	ssyncadd.s32 $0xFFFFE000  }
0xf4: {  	[tilespmem:s17], [sflag:$0x2] =	stream.indirect.gather [hbm4b:s4+s16], $0x40, s30, s16, $0xb8;
	[tilespmem:$0xE800] =	vst v63  }
0xf5: {  	_ =	swait.ge [sflag:s18], $0x2000  }
0xf6: {  	[sflag:s18] =	ssyncset.done $0x0  }
0xf7: {  	[sflag:s18] =	ssyncadd.s32 $0xFFFFE000  }
0xf8: {  	[spmem:s2] =	stream.indirect.scatter.add.f32 [tilespmem:s13], [sflag:$0x3], $0x40, s31, s16, $0xb8;
	[tilespmem:$0xE800] =	vst v63  }
0xf9: {  	_ =	swait.ge [sflag:s19], $0x2000  }
0xfa: {  	[sflag:s19] =	ssyncset.done $0x0  }
0xfb: {  	[sflag:s19] =	ssyncadd.s32 $0xFFFFE000  }
0xfc: {  	[tilespmem:s13], [sflag:$0x1] =	stream.indirect.gather [hbm4b:s4+s16], $0x40, s1, s16, $0xb8;
	[tilespmem:$0xE800] =	vst v63  }
0xfd: {  	_ =	swait.ge [sflag:s21], $0x2000  }
0xfe: {  	[sflag:s21] =	ssyncset.done $0x0  }
0xff: {  	[sflag:s21] =	ssyncadd.s32 $0xFFFFE000  }
0x100: {  	[spmem:s2] =	stream.indirect.scatter.add.f32 [tilespmem:s17], [sflag:$0x4], $0x40, s0, s16, $0xb8;
	[tilespmem:$0xE800] =	vst v63  }
0x101: {  	_ =	swait.ge [sflag:s23], $0x2000  }
0x102: {  	[sflag:s23] =	ssyncset.done $0x0  }
0x103: {  	[sflag:s23] =	ssyncadd.s32 $0xFFFFE000  }
0x104: {  	[tilespmem:s17], [sflag:$0x2] =	stream.indirect.gather [hbm4b:s4+s16], $0x40, s6, s16, $0xb8;
	[tilespmem:$0xE800] =	vst v63  }
0x105: {  	_ =	swait.ge [sflag:s18], $0x2000  }
0x106: {  	[sflag:s18] =	ssyncset.done $0x0  }
0x107: {  	[sflag:s18] =	ssyncadd.s32 $0xFFFFE000  }
0x108: {  	[spmem:s2] =	stream.indirect.scatter.add.f32 [tilespmem:s13], [sflag:$0x3], $0x40, s7, s16, $0xb8;
	[tilespmem:$0xE800] =	vst v63  }
0x109: {  	_ =	swait.ge [sflag:s21], $0x2000  }
0x10a: {  	[sflag:s21] =	ssyncset.done $0x0  }
0x10b: {  	[sflag:s21] =	ssyncadd.s32 $0xFFFFE000  }
0x10c: {  	[spmem:s2] =	stream.indirect.scatter.add.f32 [tilespmem:s17], [sflag:$0x4], $0x40, s8, s16, $0xb8;
	[tilespmem:$0xE800] =	vst v63  }
0x10d: {  	_ =	swait.ge [sflag:s19], $0x2000  }
0x10e: {  	[sflag:s19] =	ssyncset.done $0x0  }
0x10f: {  	[sflag:s19] =	ssyncadd.s32 $0xFFFFE000  }
0x110: {  	_ =	swait.ge [sflag:s23], $0x2000  }
0x111: {  	[sflag:s23] =	ssyncset.done $0x0  }
0x112: {  	[sflag:s23] =	ssyncadd.s32 $0xFFFFE000  }
0x113: {  	s11 =	stileid.u32;
	[bflag:$0x0] =	sbarrier.arrive $0xFFFF  }
0x114: {  	s5 =	sshll.u32 s11, $0x6;
	s9 =	rddreg [dreg:$0x6]  }
0x115: {  	s5 =	sor.u32 $0x1C05, s5;
	s25 =	rddreg [dreg:$0xc]  }
0x116: {  	[hbm:s9], [sflag:s5] =	dma.local [spmem:s25], $0x1400  }
0x117: {  	_ =	swait.ge [sflag:s14], $0x1400  }
0x118: {  	s11 =	rddreg [dreg:$0xd]  }
0x119: {  	s25 =	rddreg [dreg:$0x7];
	s9 =	sadd.s32 $0x1, s11  }
0x11a: {  	p0 =	sne.s32 s9, s25  }
.Ltmp2:
0x11b: {  	_ = 	snop;
	(pc) =	sbr.rel @p0 .LBB2_1-.Ltmp2, $3  }
0x11c: {  	_ =	sdelay $0x1  }
0x11d: {  	[sflag:s14] =	ssyncset.done $0x0  }
0x11e: {  	[sflag:s14] =	ssyncadd.s32 $0xFFFFEC00  }
0x11f: {  	_ =	sfence.sel $0x180000  }
0x120: {  	[bflag:$0x0] =	sbarrier.arrive $0xFFFF  }
0x121: {  	_ =	strace $0x9000004D  }
0x122: {  	s0 =	stileid.u32;
	[bflag:$0x2] =	sbarrier.arrive $0xFFFF  }
0x123: {  	p0 =	sne.s32 s0, $0x0;
	s0 =	rddreg [dreg:$0x3]  }
0x124: {  	s0 =	sadd.s32 @!p0 $0x100000, s0  }
0x125: {  	[sflag:s0] =	ssyncadd.tile.s32 @!p0 $0x1;
	_ =	shalt  }
.Lfunc_end2:
_tile_overlayer_lowered:
.L_overlay_start_2:
0x126: {  	(tag) =	ssettag $0x2  }
0x127: {  	s0 =	rddreg [dreg:$0x0];
	s2 =	stileid.u32  }
0x128: {  	s1 =	rddreg [dreg:$0x1];
	p0 =	sne.s32 s2, $0x0  }
0x129: {  	s3 =	rddreg [dreg:$0x2];
	[bflag:$0x3] =	sbarrier.arrive $0xFFFF;
	s2 =	simm.s32 @!p0 $0x1C05  }
0x12a: {  	[timem:s3], [sflag:s2] =	dma.local @!p0 [hbm:s0], s1  }
0x12b: {  	s0 =	simm.s32 @!p0 $0x5  }
0x12c: {  	_ =	swait.ge @!p0 [sflag:s0], s1  }
0x12d: {  	s1 =	ssub.s32 @!p0 $0x0, s1;
	[sflag:s0] =	ssyncset.done @!p0 $0x0  }
0x12e: {  	[sflag:s0] =	ssyncadd.s32 @!p0 s1  }
0x12f: {  	[bflag:$0x3] =	sbarrier.arrive $0xFFFF  }
0x130: {  	_ =	shalt  }

// kernel: kernel.18.cloned.1.call-start
scs
__scs_entry_jumppad:
0x0: {  	(pc) =	sbr.rel $0x88, $3  }
0x1: {  	(tag) =	ssettag $0x0;
	lr =	simm.s32 $0x1  }
0x2: {  	[smem:$0x3F96] =	sst lr;
	_ =	strace $0xD0000000  }
0x3: {  	_ = 	snop  }
0x4: {  	_ = 	snop  }
0x5: {  	_ = 	snop  }
0x6: {  	_ = 	snop  }
0x7: {  	_ = 	snop  }
__scs_overlays_trampoline_lowered:
0x8: {  	[smem:$0x3FA5] =	sst s0  }
0x9: {  	[smem:$0x3FA6] =	sst s1  }
0xa: {  	[smem:$0x3FA7] =	sst s2  }
0xb: {  	[smem:$0x3FA8] =	sst s3  }
0xc: {  	[smem:$0x3FA9] =	sst s4  }
0xd: {  	[smem:$0x3FAA] =	sst s5  }
0xe: {  	[smem:$0x3FAB] =	sst s6  }
0xf: {  	[smem:$0x3FAC] =	sst s7  }
0x10: {  	[smem:$0x3FAD] =	sst s8  }
0x11: {  	[smem:$0x3FAE] =	sst s9;
	s0 =	simm.s32 @!p0 $0x0  }
0x12: {  	s1 =	sld [smem:$0x3F94];
	s0 =	simm.s32 @p0 $0x1  }
0x13: {  	[smem:$0x3FAF] =	sst s0;
	s0 =	simm.s32 @!p1 $0x0  }
0x14: {  	s2 =	sld [smem:$0x3F93];
	s0 =	simm.s32 @p1 $0x1  }
0x15: {  	[smem:$0x3FB0] =	sst s0;
	s0 =	simm.s32 @!p2 $0x0  }
0x16: {  	s3 =	sld [smem:$0x3FDB];
	s0 =	simm.s32 @p2 $0x1  }
0x17: {  	s4 =	simm.s32 $0x1BF5;
	[smem:$0x3FB2] =	sst s0  }
0x18: {  	s0 =	sld [smem:$0x3F95];
	_ =	swait.ge [sflag:s4], $0x0  }
0x19: {  	s7 =	sld [smem:$0x3F96]  }
0x1a: {  	s8 =	sadd.s32 $0xFFFFE003, lr  }
0x1b: {  	s9 =	sadd.s32 $0xFFFFFEF7, lr;
	s5 =	simm.s32 $0xFFFFFFFF;
	p2 =	slt.u32 s8, $0xFFFFF086  }
0x1c: {  	p1 =	slt.u32 s9, $0xF7A;
	s5 =	simm.s32 @!p2 $0x0  }
0x1d: {  	s5 =	simm.s32 @p1 $0x1;
	p0 =	seq.s32 s7, s2  }
0x1e: {  	s7 =	smul.u32 @!p0 $0xF7A, s2;
	p2 =	seq.s32 @!p0 s5, $0x0  }
0x1f: {  	s9 =	smul.u32 $0xF7A, s1;
	s8 =	simm.s32 @!p0 $0x1BF5;
	p2 =	por !p2, p0  }
0x20: {  	[sflag:s8] =	ssyncset.s32 @!p0 $0xFFFFF086;
	s6 =	sadd.s32 @!p0 s3, s7;
	s7 =	simm.s32 @!p0 $0x108  }
0x21: {  	s3 =	sadd.s32 s3, s9;
	s6 =	sadd.s32 @!p0 $0x88, s6;
	s7 =	simm.s32 @p2 $0x1082  }
0x22: {  	[simem:s7], [sflag:s8] =	dma.local @!p0 [hbm:s6], $0xF7A  }
0x23: {  	s9 =	sor.u32 $0xD0000000, s2;
	s6 =	simm.s32 $0x108;
	_ =	swait.ge @!p0 [sflag:s8], $0x0  }
0x24: {  	s3 =	sadd.s32 $0x88, s3;
	s6 =	simm.s32 @!p1 $0x1082;
	[sflag:s4] =	ssyncset.s32 $0xFFFFF086  }
0x25: {  	[simem:s6], [sflag:s4] =	dma.local [hbm:s3], $0xF7A  }
0x26: {  	[smem:$0x3F96] =	sst s1;
	(tag) =	ssettag s2;
	_ =	strace s9  }
0x27: {  	s1 =	sld [smem:$0x3FA6]  }
0x28: {  	s2 =	sld [smem:$0x3FA7]  }
0x29: {  	s4 =	sld [smem:$0x3FA9]  }
0x2a: {  	p0 =	seq.s32 s5, $0x0;
	s5 =	sld [smem:$0x3FAA]  }
0x2b: {  	s6 =	sld [smem:$0x3FAB]  }
0x2c: {  	s7 =	sld [smem:$0x3FAC]  }
0x2d: {  	s3 =	simm.s32 $0x108;
	s8 =	sld [smem:$0x3FAD]  }
0x2e: {  	s3 =	simm.s32 @!p0 $0x1082;
	s9 =	sld [smem:$0x3FAE]  }
0x2f: {  	lr =	sadd.s32 s0, s3;
	s0 =	sld [smem:$0x3FA5]  }
0x30: {  	s3 =	sld [smem:$0x3FA8]  }
0x31: {  	[smem:$0x3FB1] =	sst s10  }
0x32: {  	s10 =	sld [smem:$0x3FAF];
	_ =	sdelay $0x3  }
0x33: {  	p0 =	seq.s32 s10, $0x1;
	s10 =	sld [smem:$0x3FB1];
	_ =	sdelay $0x3  }
0x34: {  	[smem:$0x3FB1] =	sst s10  }
0x35: {  	s10 =	sld [smem:$0x3FB0];
	_ =	sdelay $0x3  }
0x36: {  	p1 =	seq.s32 s10, $0x1;
	s10 =	sld [smem:$0x3FB1];
	_ =	sdelay $0x3  }
0x37: {  	[smem:$0x3FB1] =	sst s10  }
0x38: {  	s10 =	sld [smem:$0x3FB2]  }
0x39: {  	_ = 	snop;
	(pc) =	sbr.ind lr, $3  }
0x3a: {  	_ = 	snop  }
0x3b: {  	_ = 	snop  }
0x3c: {  	p2 =	seq.s32 s10, $0x1;
	s10 =	sld [smem:$0x3FB1]  }
0x3d: {  	_ =	shalt  }
0x3e: {  	_ =	shalt  }
0x3f: {  	_ =	shalt  }
0x40: {  	_ =	shalt  }
0x41: {  	_ =	shalt  }
0x42: {  	_ =	shalt  }
0x43: {  	_ =	shalt  }
0x44: {  	_ =	shalt  }
0x45: {  	_ =	shalt  }
0x46: {  	_ =	shalt  }
0x47: {  	_ =	shalt  }
0x48: {  	_ =	shalt  }
0x49: {  	_ =	shalt  }
0x4a: {  	_ =	shalt  }
0x4b: {  	_ =	shalt  }
0x4c: {  	_ =	shalt  }
0x4d: {  	_ =	shalt  }
0x4e: {  	_ =	shalt  }
0x4f: {  	_ =	shalt  }
0x50: {  	_ =	shalt  }
0x51: {  	_ =	shalt  }
0x52: {  	_ =	shalt  }
0x53: {  	_ =	shalt  }
0x54: {  	_ =	shalt  }
0x55: {  	_ =	shalt  }
0x56: {  	_ =	shalt  }
0x57: {  	_ =	shalt  }
0x58: {  	_ =	shalt  }
0x59: {  	_ =	shalt  }
0x5a: {  	_ =	shalt  }
0x5b: {  	_ =	shalt  }
0x5c: {  	_ =	shalt  }
0x5d: {  	_ =	shalt  }
0x5e: {  	_ =	shalt  }
0x5f: {  	_ =	shalt  }
0x60: {  	_ =	shalt  }
0x61: {  	_ =	shalt  }
0x62: {  	_ =	shalt  }
0x63: {  	_ =	shalt  }
0x64: {  	_ =	shalt  }
0x65: {  	_ =	shalt  }
0x66: {  	_ =	shalt  }
0x67: {  	_ =	shalt  }
0x68: {  	_ =	shalt  }
0x69: {  	_ =	shalt  }
0x6a: {  	_ =	shalt  }
0x6b: {  	_ =	shalt  }
0x6c: {  	_ =	shalt  }
0x6d: {  	_ =	shalt  }
0x6e: {  	_ =	shalt  }
0x6f: {  	_ =	shalt  }
0x70: {  	_ =	shalt  }
0x71: {  	_ =	shalt  }
0x72: {  	_ =	shalt  }
0x73: {  	_ =	shalt  }
0x74: {  	_ =	shalt  }
0x75: {  	_ =	shalt  }
0x76: {  	_ =	shalt  }
0x77: {  	_ =	shalt  }
0x78: {  	_ =	shalt  }
0x79: {  	_ =	shalt  }
0x7a: {  	_ =	shalt  }
0x7b: {  	_ =	shalt  }
0x7c: {  	_ =	shalt  }
0x7d: {  	_ =	shalt  }
0x7e: {  	_ =	shalt  }
0x7f: {  	_ =	shalt  }
0x80: {  	_ =	shalt  }
0x81: {  	_ =	shalt  }
0x82: {  	_ =	shalt  }
0x83: {  	_ =	shalt  }
0x84: {  	_ =	shalt  }
0x85: {  	_ =	shalt  }
0x86: {  	_ =	shalt  }
0x87: {  	_ =	shalt  }
.Lfunc_end0:
.L_simem_size_0:
called_computation.2_lowered:
.L_overlay_start_0:
0x88: {  	s2 =	sld [smem:$0x3FD9]  }
0x89: {  	s3 =	sld [smem:$0x3FFE];
	_ =	sdelay $0x1  }
0x8a: {  	s1 =	srdreg.scid  }
0x8b: {  	s0 =	sand.u32 $0x1, s1  }
0x8c: {  	s16 =	sshll.u32 s0, $0xA;
	s2 =	sadd.s32 s3, s2  }
0x8d: {  	s2 =	sadd.s32 s2, s16  }
0x8e: {  	[smem:$0x3FBD] =	sst s2  }
0x8f: {  	_ = 	snop  }
0x90: {  	(tm) =	ssettm $0x1  }
0x91: {  	s17 =	sld [smem:$0x3FFB];
	_ =	sdelay $0x3  }
0x92: {  	_ =	strace s17  }
0x93: {  	s2 =	sld [smem:$0x3FFC];
	_ =	sdelay $0x3  }
0x94: {  	_ =	strace s2  }
0x95: {  	s2 =	sld [smem:$0x3FFD];
	_ =	sdelay $0x3  }
0x96: {  	_ =	strace s2  }
0x97: {  	_ =	strace $0x8FFFFFFF  }
0x98: {  	s18 =	sld [smem:$0x3FDB];
	_ =	sdelay $0x1  }
0x99: {  	s19 =	simm.s32 $_scs_section_size  }
0x9a: {  	s4 =	simm.s32 $_size__tile_overlayer_lowered;
	s5 =	simm.s32 $_tile_overlayer_lowered  }
0x9b: {  	s22 =	simm.s32 $0x1BFF;
	s21 =	sshll.u32 s5, $0x1;
	s2 =	sadd.s32 s19, s18  }
0x9c: {  	s6 =	simm.s32 $0x0;
	s20 =	sshll.u32 s4, $0x1;
	s4 =	sadd.s32 s21, s2  }
0x9d: {  	[timem:s6], [sflag:s22] =	dma.local [hbm:s4], s20  }
0x9e: {  	_ =	swait.ge [sflag:s22], s20  }
0x9f: {  	s3 =	ssub.s32 $0x0, s20;
	[sflag:s22] =	ssyncset.done $0x0  }
0xa0: {  	[sflag:s22] =	ssyncadd.s32 s3;
	_ =	sdelay $0x1  }
0xa1: {  	s23 =	simm.s32 $0x1B8B  }
0xa2: {  	_ =	swait.ge [sflag:s23], $0x1  }
0xa3: {  	[sflag:s23] =	ssyncset.done $0x0  }
0xa4: {  	s25 =	simm.s32 $0x1B8E;
	s24 =	sld [smem:$0x3FFE];
	[sflag:s23] =	ssyncadd.s32 $0xFFFFFFFF  }
0xa5: {  	s26 =	simm.s32 $execute0_lowered;
	[smem:$0x3FD2] =	sst s25  }
0xa6: {  	s4 =	sshll.u32 s26, $0x1;
	_ =	strace $0x80000049;
	[dreg:$0x1] =	wrdreg $0xFFFFFFFF  }
0xa7: {  	s28 =	simm.s32 $_size_execute0_lowered;
	s2 =	sadd.s32 s2, s4;
	[dreg:$0x0] =	wrdreg $0x0  }
0xa8: {  	s4 =	sshll.u32 s28, $0x1;
	[dreg:$0x2] =	wrdreg s2  }
0xa9: {  	[dreg:$0x3] =	wrdreg s4  }
0xaa: {  	[dreg:$0x4] =	wrdreg $0xC0  }
0xab: {  	_ =	task [dreg:s6], $0x5FFFF  }
0xac: {  	[dreg:$0x1] =	wrdreg $0xFFFFFFFF  }
0xad: {  	[dreg:$0x0] =	wrdreg $0x60  }
0xae: {  	[dreg:$0x2] =	wrdreg s24  }
0xaf: {  	[dreg:$0x3] =	wrdreg $0x48000  }
0xb0: {  	[dreg:$0x4] =	wrdreg $0xA  }
0xb1: {  	_ =	task.clear_ibuf [dreg:s6], $0x5FFFF;
	_ =	strace $0x90000049  }
0xb2: {  	s29 =	simm.s32 $0xA;
	_ =	strace $0x8000004B  }
0xb3: {  	_ =	swait.ge [sflag:s29], $0x1  }
0xb4: {  	[sflag:s29] =	ssyncadd.s32 $0xFFFFFFFF  }
0xb5: {  	_ =	strace $0x9000004B  }
0xb6: {  	_ =	sfence  }
0xb7: {  	s30 =	sld [smem:$0x0];
	_ =	sdelay $0x2  }
0xb8: {  	s31 =	sshll.u32 s1, $0xD;
	s1 =	sshrl.u32 s1, $0x2  }
0xb9: {  	s3 =	sand.u32 $0x4000, s31;
	s1 =	sadd.s32 s1, s30  }
0xba: {  	s0 =	sor.u32 s3, s0;
	s1 =	sshll.u32 s1, $0x11  }
0xbb: {  	s0 =	sor.u32 s1, s0  }
0xbc: {  	s0 =	sadd.s32 $0x8F2B, s0  }
0xbd: {  	[sflag:s0] =	ssyncadd.remote.s32 $0x1  }
0xbe: {  	_ =	sfence.sel $0xFFFF  }
0xbf: {  	[dreg:$0x0] =	wrdreg $0xFFFFFFFF;
	(pc) =	sbr.abs _section_cstart, $3  }
0xc0: {  	[dreg:$0x1] =	wrdreg $0xFFFFFFFF  }
0xc1: {  	_ =	task.clear_ibuf [dreg:s6], $0x2FFFF;
	_ =	strace $0x9FFFFFFF  }
0xc2: {  	(tm) =	ssettm $0x7FFFFFFF  }
0xc3: {  	_ =	shalt  }
tec
execute0_lowered:
.L_overlay_start_1:
0x0: {  	(tag) =	ssettag $0x1  }
0x1: {  	s0 =	srdreg.scid;
	s1 =	rddreg [dreg:$0x0]  }
0x2: {  	s9 =	stileid.u32;
	s2 =	rddreg [dreg:$0x1]  }
0x3: {  	s3 =	simm.s32 $0x0;
	s13 =	simm.s32 $0x800;
	s14 =	simm.s32 $0x5  }
0x4: {  	s15 =	simm.s32 $0x400;
	s16 =	simm.s32 $0x80;
	s17 =	simm.s32 $0x2800  }
0x5: {  	s18 =	simm.s32 $0x1;
	s28 =	simm.s32 $0x200;
	s5 =	smul.u32 $0x26800, s9  }
0x6: {  	s29 =	simm.s32 $0x580;
	s30 =	simm.s32 $0x280;
	s8 =	smul.u32 $0xA000, s9  }
0x7: {  	s31 =	simm.s32 $0x600;
	s0 =	sand.u32 $0x1, s0;
	s20 =	smul.u32 $0x28000, s9  }
0x8: {  	[smem:$0x7FF] =	sst s3;
	s4 =	sadd.s32 $0x14D800, s1;
	s6 =	smul.u32 $0x13400, s0  }
0x9: {  	s9 =	simm.s32 $0x0;
	s7 =	smul.u32 $0xA0000, s0;
	_ =	strace $0x8000004A  }
0xa: {  	s0 =	ssub.s32 $0x2, s0;
	s11 =	sadd.s32 s8, s2;
	s5 =	sadd.s32 s6, s5  }
0xb: {  	s19 =	sadd.s32 s8, s7;
	s6 =	sshrl.u32 s0, $0x1;
	s7 =	sshrl.u32 s20, $0x2  }
0xc: {  	s20 =	simm.s32 $0x100;
	s8 =	simm.s32 $0x780;
	s5 =	sshrl.u32 s5, $0x3  }
0xd: {  	s26 =	sshrl.u32 s19, $0x3;
	s0 =	ssub.s32 s0, s6;
	s10 =	sadd.s32 s7, s2  }
0xe: {  	s19 =	simm.s32 $0x3;
	s6 =	simm.s32 $0x380;
	s7 =	simm.s32 $0x700  }
0xf: {  	s21 =	sadd.s32 s5, s1;
	s0 =	smax.u32 s0, $0x1;
	[dreg:$0x4] =	wrdreg s10  }
0x10: {  	s1 =	sadd.s32 s26, s1;
	s22 =	sadd.s32 $0x2000, s10;
	[dreg:$0x6] =	wrdreg s0  }
0x11: {  	s23 =	sadd.s32 $0x4000, s10;
	s24 =	sadd.s32 $0x6000, s10;
	[dreg:$0x7] =	wrdreg s22  }
0x12: {  	s5 =	sadd.s32 $0x8000, s10;
	s26 =	sshrl.u32 s11, $0x3;
	[dreg:$0x8] =	wrdreg s23  }
0x13: {  	s1 =	sadd.s32 $0x161200, s1;
	[dreg:$0x9] =	wrdreg s24;
	s25 =	sadd.s32 $0x4800, s21  }
0x14: {  	[dreg:$0xa] =	wrdreg s5;
	s12 =	sadd.s32 $0x60800, s21;
	s21 =	simm.s32 $0x2  }
0x15: {  	s22 =	simm.s32 $0x480;
	s23 =	simm.s32 $0x4;
	[dreg:$0xb] =	wrdreg s26  }
0x16: {  	s24 =	simm.s32 $0x180;
	s26 =	simm.s32 $0x500;
	[dreg:$0x5] =	wrdreg s1  }
0x17: {  	v0 =	vimm.f32 $0.0e+00;
	s0 =	simm.s32 $0x680;
	[dreg:$0x3] =	wrdreg s25;
	s1 =	simm.s32 $0x300  }
.LBB2_1:
0x18: {  	s11 =	simm.s32 $0x100;
	s10 =	simm.s32 $0x0  }
.LBB2_2:
0x19: {  	p0 =	sne.s32 s11, $0x7F00;
	[tilespmem:s10+$0x830] =	vst v0;
	s25 =	smov.u32 s11;
	s11 =	sadd.s32 $0x100, s11  }
.Ltmp0:
0x1a: {  	[tilespmem:s10+$0x820] =	vst v0;
	(pc) =	sbr.rel @p0 .LBB2_2-.Ltmp0, $3  }
0x1b: {  	[tilespmem:s10+$0x800] =	vst v0  }
0x1c: {  	[tilespmem:s10+$0x810] =	vst v0;
	_ =	sdelay $0x1  }
0x1d: {  	s10 =	sshra.s32 s25, $0x2  }
0x1e: {  	[tilespmem:s10+$0x830] =	vst v0  }
0x1f: {  	[tilespmem:s10+$0x820] =	vst v0  }
0x20: {  	[dreg:$0xc] =	wrdreg s9;
	[tilespmem:s10+$0x800] =	vst v0  }
0x21: {  	[tilespmem:s10+$0x810] =	vst v0;
	s5 =	rddreg [dreg:$0x4]  }
0x22: {  	[spmem:s5] =	stream.linear.scatter [tilespmem:s13], [sflag:$0x5], $0x2000, $0x38;
	[tilespmem:$0xE800] =	vst v63  }
0x23: {  	_ =	swait.ge [sflag:s14], $0x2000  }
0x24: {  	[sflag:s14] =	ssyncset.done $0x0  }
0x25: {  	s11 =	rddreg [dreg:$0x7];
	[sflag:s14] =	ssyncadd.s32 $0xFFFFE000  }
0x26: {  	[spmem:s11] =	stream.linear.scatter [tilespmem:s13], [sflag:$0x5], $0x2000, $0x38;
	[tilespmem:$0xE800] =	vst v63  }
0x27: {  	_ =	swait.ge [sflag:s14], $0x2000  }
0x28: {  	[sflag:s14] =	ssyncset.done $0x0  }
0x29: {  	s25 =	rddreg [dreg:$0x8];
	[sflag:s14] =	ssyncadd.s32 $0xFFFFE000  }
0x2a: {  	[spmem:s25] =	stream.linear.scatter [tilespmem:s13], [sflag:$0x5], $0x2000, $0x38;
	[tilespmem:$0xE800] =	vst v63  }
0x2b: {  	_ =	swait.ge [sflag:s14], $0x2000  }
0x2c: {  	[sflag:s14] =	ssyncset.done $0x0  }
0x2d: {  	s9 =	rddreg [dreg:$0x9];
	[sflag:s14] =	ssyncadd.s32 $0xFFFFE000  }
0x2e: {  	[spmem:s9] =	stream.linear.scatter [tilespmem:s13], [sflag:$0x5], $0x2000, $0x38;
	[tilespmem:$0xE800] =	vst v63  }
0x2f: {  	_ =	swait.ge [sflag:s14], $0x2000  }
0x30: {  	[sflag:s14] =	ssyncset.done $0x0  }
0x31: {  	s10 =	rddreg [dreg:$0xa];
	[sflag:s14] =	ssyncadd.s32 $0xFFFFE000  }
0x32: {  	[spmem:s10] =	stream.linear.scatter [tilespmem:s13], [sflag:$0x5], $0x2000, $0x38;
	[tilespmem:$0xE800] =	vst v63  }
0x33: {  	_ =	swait.ge [sflag:s14], $0x2000  }
0x34: {  	[sflag:s14] =	ssyncset.done $0x0  }
0x35: {  	[sflag:s14] =	ssyncadd.s32 $0xFFFFE000  }
0x36: {  	s11 =	sadd.s32 $0x0, s12;
	[bflag:$0x0] =	sbarrier.arrive $0xFFFF  }
0x37: {  	[tilespmem:s3], [sflag:$0x5] =	stream.linear.gather [hbm4b:s11+s3], $0x400, $0x38;
	[tilespmem:$0xE800] =	vst v63  }
0x38: {  	_ =	swait.ge [sflag:s14], $0x400  }
0x39: {  	s25 =	rddreg [dreg:$0x3];
	[sflag:s14] =	ssyncset.done $0x0  }
0x3a: {  	[sflag:s14] =	ssyncadd.s32 $0xFFFFFC00;
	s10 =	sadd.s32 $0x0, s25  }
0x3b: {  	[tilespmem:s15], [sflag:$0x5] =	stream.linear.gather [hbm4b:s10+s3], $0x400, $0x38;
	[tilespmem:$0xE800] =	vst v63  }
0x3c: {  	_ =	swait.ge [sflag:s14], $0x400  }
0x3d: {  	[sflag:s14] =	ssyncset.done $0x0  }
0x3e: {  	[sflag:s14] =	ssyncadd.s32 $0xFFFFFC00  }
0x3f: {  	[tilespmem:s13], [sflag:$0x1] =	stream.indirect.gather [hbm4b:s4+s16], $0x40, s3, s16, $0xb8;
	[tilespmem:$0xE800] =	vst v63  }
0x40: {  	_ = 	snop  }
0x41: {  	[tilespmem:s17], [sflag:$0x2] =	stream.indirect.gather [hbm4b:s4+s16], $0x40, s16, s16, $0xb8;
	[tilespmem:$0xE800] =	vst v63  }
0x42: {  	_ =	swait.ge [sflag:s18], $0x2000  }
0x43: {  	[sflag:s18] =	ssyncset.done $0x0  }
0x44: {  	[sflag:s18] =	ssyncadd.s32 $0xFFFFE000  }
0x45: {  	[spmem:s2] =	stream.indirect.scatter.add.f32 [tilespmem:s13], [sflag:$0x3], $0x40, s15, s16, $0xb8;
	[tilespmem:$0xE800] =	vst v63  }
0x46: {  	_ =	swait.ge [sflag:s19], $0x2000  }
0x47: {  	[sflag:s19] =	ssyncset.done $0x0  }
0x48: {  	[sflag:s19] =	ssyncadd.s32 $0xFFFFE000  }
0x49: {  	[tilespmem:s13], [sflag:$0x1] =	stream.indirect.gather [hbm4b:s4+s16], $0x40, s20, s16, $0xb8;
	[tilespmem:$0xE800] =	vst v63  }
0x4a: {  	_ =	swait.ge [sflag:s21], $0x2000  }
0x4b: {  	[sflag:s21] =	ssyncset.done $0x0  }
0x4c: {  	[sflag:s21] =	ssyncadd.s32 $0xFFFFE000  }
0x4d: {  	[spmem:s2] =	stream.indirect.scatter.add.f32 [tilespmem:s17], [sflag:$0x4], $0x40, s22, s16, $0xb8;
	[tilespmem:$0xE800] =	vst v63  }
0x4e: {  	_ =	swait.ge [sflag:s23], $0x2000  }
0x4f: {  	[sflag:s23] =	ssyncset.done $0x0  }
0x50: {  	[sflag:s23] =	ssyncadd.s32 $0xFFFFE000  }
0x51: {  	[tilespmem:s17], [sflag:$0x2] =	stream.indirect.gather [hbm4b:s4+s16], $0x40, s24, s16, $0xb8;
	[tilespmem:$0xE800] =	vst v63  }
0x52: {  	_ =	swait.ge [sflag:s18], $0x2000  }
0x53: {  	[sflag:s18] =	ssyncset.done $0x0  }
0x54: {  	[sflag:s18] =	ssyncadd.s32 $0xFFFFE000  }
0x55: {  	[spmem:s2] =	stream.indirect.scatter.add.f32 [tilespmem:s13], [sflag:$0x3], $0x40, s26, s16, $0xb8;
	[tilespmem:$0xE800] =	vst v63  }
0x56: {  	_ =	swait.ge [sflag:s19], $0x2000  }
0x57: {  	[sflag:s19] =	ssyncset.done $0x0  }
0x58: {  	[sflag:s19] =	ssyncadd.s32 $0xFFFFE000  }
0x59: {  	[tilespmem:s13], [sflag:$0x1] =	stream.indirect.gather [hbm4b:s4+s16], $0x40, s28, s16, $0xb8;
	[tilespmem:$0xE800] =	vst v63  }
0x5a: {  	_ =	swait.ge [sflag:s21], $0x2000  }
0x5b: {  	[sflag:s21] =	ssyncset.done $0x0  }
0x5c: {  	[sflag:s21] =	ssyncadd.s32 $0xFFFFE000  }
0x5d: {  	[spmem:s2] =	stream.indirect.scatter.add.f32 [tilespmem:s17], [sflag:$0x4], $0x40, s29, s16, $0xb8;
	[tilespmem:$0xE800] =	vst v63  }
0x5e: {  	_ =	swait.ge [sflag:s23], $0x2000  }
0x5f: {  	[sflag:s23] =	ssyncset.done $0x0  }
0x60: {  	[sflag:s23] =	ssyncadd.s32 $0xFFFFE000  }
0x61: {  	[tilespmem:s17], [sflag:$0x2] =	stream.indirect.gather [hbm4b:s4+s16], $0x40, s30, s16, $0xb8;
	[tilespmem:$0xE800] =	vst v63  }
0x62: {  	_ =	swait.ge [sflag:s18], $0x2000  }
0x63: {  	[sflag:s18] =	ssyncset.done $0x0  }
0x64: {  	[sflag:s18] =	ssyncadd.s32 $0xFFFFE000  }
0x65: {  	[spmem:s2] =	stream.indirect.scatter.add.f32 [tilespmem:s13], [sflag:$0x3], $0x40, s31, s16, $0xb8;
	[tilespmem:$0xE800] =	vst v63  }
0x66: {  	_ =	swait.ge [sflag:s19], $0x2000  }
0x67: {  	[sflag:s19] =	ssyncset.done $0x0  }
0x68: {  	[sflag:s19] =	ssyncadd.s32 $0xFFFFE000  }
0x69: {  	[tilespmem:s13], [sflag:$0x1] =	stream.indirect.gather [hbm4b:s4+s16], $0x40, s1, s16, $0xb8;
	[tilespmem:$0xE800] =	vst v63  }
0x6a: {  	_ =	swait.ge [sflag:s21], $0x2000  }
0x6b: {  	[sflag:s21] =	ssyncset.done $0x0  }
0x6c: {  	[sflag:s21] =	ssyncadd.s32 $0xFFFFE000  }
0x6d: {  	[spmem:s2] =	stream.indirect.scatter.add.f32 [tilespmem:s17], [sflag:$0x4], $0x40, s0, s16, $0xb8;
	[tilespmem:$0xE800] =	vst v63  }
0x6e: {  	_ =	swait.ge [sflag:s23], $0x2000  }
0x6f: {  	[sflag:s23] =	ssyncset.done $0x0  }
0x70: {  	[sflag:s23] =	ssyncadd.s32 $0xFFFFE000  }
0x71: {  	[tilespmem:s17], [sflag:$0x2] =	stream.indirect.gather [hbm4b:s4+s16], $0x40, s6, s16, $0xb8;
	[tilespmem:$0xE800] =	vst v63  }
0x72: {  	_ =	swait.ge [sflag:s18], $0x2000  }
0x73: {  	[sflag:s18] =	ssyncset.done $0x0  }
0x74: {  	[sflag:s18] =	ssyncadd.s32 $0xFFFFE000  }
0x75: {  	[spmem:s2] =	stream.indirect.scatter.add.f32 [tilespmem:s13], [sflag:$0x3], $0x40, s7, s16, $0xb8;
	[tilespmem:$0xE800] =	vst v63  }
0x76: {  	_ =	swait.ge [sflag:s21], $0x2000  }
0x77: {  	[sflag:s21] =	ssyncset.done $0x0  }
0x78: {  	[sflag:s21] =	ssyncadd.s32 $0xFFFFE000  }
0x79: {  	[spmem:s2] =	stream.indirect.scatter.add.f32 [tilespmem:s17], [sflag:$0x4], $0x40, s8, s16, $0xb8;
	[tilespmem:$0xE800] =	vst v63  }
0x7a: {  	_ =	swait.ge [sflag:s19], $0x2000  }
0x7b: {  	[sflag:s19] =	ssyncset.done $0x0  }
0x7c: {  	[sflag:s19] =	ssyncadd.s32 $0xFFFFE000  }
0x7d: {  	_ =	swait.ge [sflag:s23], $0x2000  }
0x7e: {  	s11 =	simm.s32 $0x100;
	s10 =	simm.s32 $0x80;
	[sflag:s23] =	ssyncset.done $0x0  }
.LBB2_4:
0x7f: {  	s5 =	sadd.s32 s10, s12;
	[sflag:s23] =	ssyncadd.s32 $0xFFFFE000  }
0x80: {  	[tilespmem:s3], [sflag:$0x5] =	stream.linear.gather [hbm4b:s5+s3], $0x400, $0x38;
	[tilespmem:$0xE800] =	vst v63  }
0x81: {  	s9 =	smov.u32 s11;
	s25 =	sadd.s32 $0x80, s11;
	_ =	swait.ge [sflag:s14], $0x400  }
0x82: {  	p0 =	sne.s32 s11, $0x2600;
	s11 =	rddreg [dreg:$0x3];
	[sflag:s14] =	ssyncset.done $0x0  }
0x83: {  	[sflag:s14] =	ssyncadd.s32 $0xFFFFFC00;
	s5 =	sadd.s32 s10, s11  }
0x84: {  	[tilespmem:s15], [sflag:$0x5] =	stream.linear.gather [hbm4b:s5+s3], $0x400, $0x38;
	[tilespmem:$0xE800] =	vst v63  }
0x85: {  	_ =	swait.ge [sflag:s14], $0x400  }
0x86: {  	[sflag:s14] =	ssyncset.done $0x0  }
0x87: {  	[sflag:s14] =	ssyncadd.s32 $0xFFFFFC00  }
0x88: {  	[tilespmem:s13], [sflag:$0x1] =	stream.indirect.gather [hbm4b:s4+s16], $0x40, s3, s16, $0xb8;
	[tilespmem:$0xE800] =	vst v63  }
0x89: {  	_ = 	snop  }
0x8a: {  	[tilespmem:s17], [sflag:$0x2] =	stream.indirect.gather [hbm4b:s4+s16], $0x40, s16, s16, $0xb8;
	[tilespmem:$0xE800] =	vst v63  }
0x8b: {  	_ =	swait.ge [sflag:s18], $0x2000  }
0x8c: {  	[sflag:s18] =	ssyncset.done $0x0  }
0x8d: {  	[sflag:s18] =	ssyncadd.s32 $0xFFFFE000  }
0x8e: {  	[spmem:s2] =	stream.indirect.scatter.add.f32 [tilespmem:s13], [sflag:$0x3], $0x40, s15, s16, $0xb8;
	[tilespmem:$0xE800] =	vst v63  }
0x8f: {  	_ =	swait.ge [sflag:s19], $0x2000  }
0x90: {  	[sflag:s19] =	ssyncset.done $0x0  }
0x91: {  	[sflag:s19] =	ssyncadd.s32 $0xFFFFE000  }
0x92: {  	[tilespmem:s13], [sflag:$0x1] =	stream.indirect.gather [hbm4b:s4+s16], $0x40, s20, s16, $0xb8;
	[tilespmem:$0xE800] =	vst v63  }
0x93: {  	_ =	swait.ge [sflag:s21], $0x2000  }
0x94: {  	[sflag:s21] =	ssyncset.done $0x0  }
0x95: {  	[sflag:s21] =	ssyncadd.s32 $0xFFFFE000  }
0x96: {  	[spmem:s2] =	stream.indirect.scatter.add.f32 [tilespmem:s17], [sflag:$0x4], $0x40, s22, s16, $0xb8;
	[tilespmem:$0xE800] =	vst v63  }
0x97: {  	_ =	swait.ge [sflag:s23], $0x2000  }
0x98: {  	[sflag:s23] =	ssyncset.done $0x0  }
0x99: {  	[sflag:s23] =	ssyncadd.s32 $0xFFFFE000  }
0x9a: {  	[tilespmem:s17], [sflag:$0x2] =	stream.indirect.gather [hbm4b:s4+s16], $0x40, s24, s16, $0xb8;
	[tilespmem:$0xE800] =	vst v63  }
0x9b: {  	_ =	swait.ge [sflag:s18], $0x2000  }
0x9c: {  	[sflag:s18] =	ssyncset.done $0x0  }
0x9d: {  	[sflag:s18] =	ssyncadd.s32 $0xFFFFE000  }
0x9e: {  	[spmem:s2] =	stream.indirect.scatter.add.f32 [tilespmem:s13], [sflag:$0x3], $0x40, s26, s16, $0xb8;
	[tilespmem:$0xE800] =	vst v63  }
0x9f: {  	_ =	swait.ge [sflag:s19], $0x2000  }
0xa0: {  	[sflag:s19] =	ssyncset.done $0x0  }
0xa1: {  	[sflag:s19] =	ssyncadd.s32 $0xFFFFE000  }
0xa2: {  	[tilespmem:s13], [sflag:$0x1] =	stream.indirect.gather [hbm4b:s4+s16], $0x40, s28, s16, $0xb8;
	[tilespmem:$0xE800] =	vst v63  }
0xa3: {  	_ =	swait.ge [sflag:s21], $0x2000  }
0xa4: {  	[sflag:s21] =	ssyncset.done $0x0  }
0xa5: {  	[sflag:s21] =	ssyncadd.s32 $0xFFFFE000  }
0xa6: {  	[spmem:s2] =	stream.indirect.scatter.add.f32 [tilespmem:s17], [sflag:$0x4], $0x40, s29, s16, $0xb8;
	[tilespmem:$0xE800] =	vst v63  }
0xa7: {  	_ =	swait.ge [sflag:s23], $0x2000  }
0xa8: {  	[sflag:s23] =	ssyncset.done $0x0  }
0xa9: {  	[sflag:s23] =	ssyncadd.s32 $0xFFFFE000  }
0xaa: {  	[tilespmem:s17], [sflag:$0x2] =	stream.indirect.gather [hbm4b:s4+s16], $0x40, s30, s16, $0xb8;
	[tilespmem:$0xE800] =	vst v63  }
0xab: {  	_ =	swait.ge [sflag:s18], $0x2000  }
0xac: {  	[sflag:s18] =	ssyncset.done $0x0  }
0xad: {  	[sflag:s18] =	ssyncadd.s32 $0xFFFFE000  }
0xae: {  	[spmem:s2] =	stream.indirect.scatter.add.f32 [tilespmem:s13], [sflag:$0x3], $0x40, s31, s16, $0xb8;
	[tilespmem:$0xE800] =	vst v63  }
0xaf: {  	_ =	swait.ge [sflag:s19], $0x2000  }
0xb0: {  	[sflag:s19] =	ssyncset.done $0x0  }
0xb1: {  	[sflag:s19] =	ssyncadd.s32 $0xFFFFE000  }
0xb2: {  	[tilespmem:s13], [sflag:$0x1] =	stream.indirect.gather [hbm4b:s4+s16], $0x40, s1, s16, $0xb8;
	[tilespmem:$0xE800] =	vst v63  }
0xb3: {  	_ =	swait.ge [sflag:s21], $0x2000  }
0xb4: {  	[sflag:s21] =	ssyncset.done $0x0  }
0xb5: {  	[sflag:s21] =	ssyncadd.s32 $0xFFFFE000  }
0xb6: {  	[spmem:s2] =	stream.indirect.scatter.add.f32 [tilespmem:s17], [sflag:$0x4], $0x40, s0, s16, $0xb8;
	[tilespmem:$0xE800] =	vst v63  }
0xb7: {  	_ =	swait.ge [sflag:s23], $0x2000  }
0xb8: {  	[sflag:s23] =	ssyncset.done $0x0  }
0xb9: {  	[sflag:s23] =	ssyncadd.s32 $0xFFFFE000  }
0xba: {  	[tilespmem:s17], [sflag:$0x2] =	stream.indirect.gather [hbm4b:s4+s16], $0x40, s6, s16, $0xb8;
	[tilespmem:$0xE800] =	vst v63  }
0xbb: {  	_ =	swait.ge [sflag:s18], $0x2000  }
0xbc: {  	[sflag:s18] =	ssyncset.done $0x0  }
0xbd: {  	[sflag:s18] =	ssyncadd.s32 $0xFFFFE000  }
0xbe: {  	[spmem:s2] =	stream.indirect.scatter.add.f32 [tilespmem:s13], [sflag:$0x3], $0x40, s7, s16, $0xb8;
	[tilespmem:$0xE800] =	vst v63  }
0xbf: {  	_ =	swait.ge [sflag:s21], $0x2000  }
0xc0: {  	[sflag:s21] =	ssyncset.done $0x0  }
0xc1: {  	[sflag:s21] =	ssyncadd.s32 $0xFFFFE000  }
0xc2: {  	[spmem:s2] =	stream.indirect.scatter.add.f32 [tilespmem:s17], [sflag:$0x4], $0x40, s8, s16, $0xb8;
	[tilespmem:$0xE800] =	vst v63  }
.Ltmp1:
0xc3: {  	_ =	swait.ge [sflag:s19], $0x2000;
	(pc) =	sbr.rel @p0 .LBB2_4-.Ltmp1, $4  }
0xc4: {  	[sflag:s19] =	ssyncset.done $0x0  }
0xc5: {  	[sflag:s19] =	ssyncadd.s32 $0xFFFFE000  }
0xc6: {  	_ =	swait.ge [sflag:s23], $0x2000  }
0xc7: {  	s10 =	smov.u32 s9;
	s11 =	smov.u32 s25;
	[sflag:s23] =	ssyncset.done $0x0  }
0xc8: {  	s5 =	sadd.s32 s10, s12;
	[sflag:s23] =	ssyncadd.s32 $0xFFFFE000  }
0xc9: {  	[tilespmem:s3], [sflag:$0x5] =	stream.linear.gather [hbm4b:s5+s3], $0x400, $0x38;
	[tilespmem:$0xE800] =	vst v63  }
0xca: {  	_ =	swait.ge [sflag:s14], $0x400  }
0xcb: {  	s9 =	rddreg [dreg:$0x3];
	[sflag:s14] =	ssyncset.done $0x0  }
0xcc: {  	s5 =	sadd.s32 s10, s9;
	[sflag:s14] =	ssyncadd.s32 $0xFFFFFC00  }
0xcd: {  	[tilespmem:s15], [sflag:$0x5] =	stream.linear.gather [hbm4b:s5+s3], $0x400, $0x38;
	[tilespmem:$0xE800] =	vst v63  }
0xce: {  	_ =	swait.ge [sflag:s14], $0x400  }
0xcf: {  	[sflag:s14] =	ssyncset.done $0x0  }
0xd0: {  	[sflag:s14] =	ssyncadd.s32 $0xFFFFFC00  }
0xd1: {  	[tilespmem:s13], [sflag:$0x1] =	stream.indirect.gather [hbm4b:s4+s16], $0x40, s3, s16, $0xb8;
	[tilespmem:$0xE800] =	vst v63  }
0xd2: {  	_ = 	snop  }
0xd3: {  	[tilespmem:s17], [sflag:$0x2] =	stream.indirect.gather [hbm4b:s4+s16], $0x40, s16, s16, $0xb8;
	[tilespmem:$0xE800] =	vst v63  }
0xd4: {  	_ =	swait.ge [sflag:s18], $0x2000  }
0xd5: {  	[sflag:s18] =	ssyncset.done $0x0  }
0xd6: {  	[sflag:s18] =	ssyncadd.s32 $0xFFFFE000  }
0xd7: {  	[spmem:s2] =	stream.indirect.scatter.add.f32 [tilespmem:s13], [sflag:$0x3], $0x40, s15, s16, $0xb8;
	[tilespmem:$0xE800] =	vst v63  }
0xd8: {  	_ =	swait.ge [sflag:s19], $0x2000  }
0xd9: {  	[sflag:s19] =	ssyncset.done $0x0  }
0xda: {  	[sflag:s19] =	ssyncadd.s32 $0xFFFFE000  }
0xdb: {  	[tilespmem:s13], [sflag:$0x1] =	stream.indirect.gather [hbm4b:s4+s16], $0x40, s20, s16, $0xb8;
	[tilespmem:$0xE800] =	vst v63  }
0xdc: {  	_ =	swait.ge [sflag:s21], $0x2000  }
0xdd: {  	[sflag:s21] =	ssyncset.done $0x0  }
0xde: {  	[sflag:s21] =	ssyncadd.s32 $0xFFFFE000  }
0xdf: {  	[spmem:s2] =	stream.indirect.scatter.add.f32 [tilespmem:s17], [sflag:$0x4], $0x40, s22, s16, $0xb8;
	[tilespmem:$0xE800] =	vst v63  }
0xe0: {  	_ =	swait.ge [sflag:s23], $0x2000  }
0xe1: {  	[sflag:s23] =	ssyncset.done $0x0  }
0xe2: {  	[sflag:s23] =	ssyncadd.s32 $0xFFFFE000  }
0xe3: {  	[tilespmem:s17], [sflag:$0x2] =	stream.indirect.gather [hbm4b:s4+s16], $0x40, s24, s16, $0xb8;
	[tilespmem:$0xE800] =	vst v63  }
0xe4: {  	_ =	swait.ge [sflag:s18], $0x2000  }
0xe5: {  	[sflag:s18] =	ssyncset.done $0x0  }
0xe6: {  	[sflag:s18] =	ssyncadd.s32 $0xFFFFE000  }
0xe7: {  	[spmem:s2] =	stream.indirect.scatter.add.f32 [tilespmem:s13], [sflag:$0x3], $0x40, s26, s16, $0xb8;
	[tilespmem:$0xE800] =	vst v63  }
0xe8: {  	_ =	swait.ge [sflag:s19], $0x2000  }
0xe9: {  	[sflag:s19] =	ssyncset.done $0x0  }
0xea: {  	[sflag:s19] =	ssyncadd.s32 $0xFFFFE000  }
0xeb: {  	[tilespmem:s13], [sflag:$0x1] =	stream.indirect.gather [hbm4b:s4+s16], $0x40, s28, s16, $0xb8;
	[tilespmem:$0xE800] =	vst v63  }
0xec: {  	_ =	swait.ge [sflag:s21], $0x2000  }
0xed: {  	[sflag:s21] =	ssyncset.done $0x0  }
0xee: {  	[sflag:s21] =	ssyncadd.s32 $0xFFFFE000  }
0xef: {  	[spmem:s2] =	stream.indirect.scatter.add.f32 [tilespmem:s17], [sflag:$0x4], $0x40, s29, s16, $0xb8;
	[tilespmem:$0xE800] =	vst v63  }
0xf0: {  	_ =	swait.ge [sflag:s23], $0x2000  }
0xf1: {  	[sflag:s23] =	ssyncset.done $0x0  }
0xf2: {  	[sflag:s23] =	ssyncadd.s32 $0xFFFFE000  }
0xf3: {  	[tilespmem:s17], [sflag:$0x2] =	stream.indirect.gather [hbm4b:s4+s16], $0x40, s30, s16, $0xb8;
	[tilespmem:$0xE800] =	vst v63  }
0xf4: {  	_ =	swait.ge [sflag:s18], $0x2000  }
0xf5: {  	[sflag:s18] =	ssyncset.done $0x0  }
0xf6: {  	[sflag:s18] =	ssyncadd.s32 $0xFFFFE000  }
0xf7: {  	[spmem:s2] =	stream.indirect.scatter.add.f32 [tilespmem:s13], [sflag:$0x3], $0x40, s31, s16, $0xb8;
	[tilespmem:$0xE800] =	vst v63  }
0xf8: {  	_ =	swait.ge [sflag:s19], $0x2000  }
0xf9: {  	[sflag:s19] =	ssyncset.done $0x0  }
0xfa: {  	[sflag:s19] =	ssyncadd.s32 $0xFFFFE000  }
0xfb: {  	[tilespmem:s13], [sflag:$0x1] =	stream.indirect.gather [hbm4b:s4+s16], $0x40, s1, s16, $0xb8;
	[tilespmem:$0xE800] =	vst v63  }
0xfc: {  	_ =	swait.ge [sflag:s21], $0x2000  }
0xfd: {  	[sflag:s21] =	ssyncset.done $0x0  }
0xfe: {  	[sflag:s21] =	ssyncadd.s32 $0xFFFFE000  }
0xff: {  	[spmem:s2] =	stream.indirect.scatter.add.f32 [tilespmem:s17], [sflag:$0x4], $0x40, s0, s16, $0xb8;
	[tilespmem:$0xE800] =	vst v63  }
0x100: {  	_ =	swait.ge [sflag:s23], $0x2000  }
0x101: {  	[sflag:s23] =	ssyncset.done $0x0  }
0x102: {  	[sflag:s23] =	ssyncadd.s32 $0xFFFFE000  }
0x103: {  	[tilespmem:s17], [sflag:$0x2] =	stream.indirect.gather [hbm4b:s4+s16], $0x40, s6, s16, $0xb8;
	[tilespmem:$0xE800] =	vst v63  }
0x104: {  	_ =	swait.ge [sflag:s18], $0x2000  }
0x105: {  	[sflag:s18] =	ssyncset.done $0x0  }
0x106: {  	[sflag:s18] =	ssyncadd.s32 $0xFFFFE000  }
0x107: {  	[spmem:s2] =	stream.indirect.scatter.add.f32 [tilespmem:s13], [sflag:$0x3], $0x40, s7, s16, $0xb8;
	[tilespmem:$0xE800] =	vst v63  }
0x108: {  	_ =	swait.ge [sflag:s21], $0x2000  }
0x109: {  	[sflag:s21] =	ssyncset.done $0x0  }
0x10a: {  	[sflag:s21] =	ssyncadd.s32 $0xFFFFE000  }
0x10b: {  	[spmem:s2] =	stream.indirect.scatter.add.f32 [tilespmem:s17], [sflag:$0x4], $0x40, s8, s16, $0xb8;
	[tilespmem:$0xE800] =	vst v63  }
0x10c: {  	_ =	swait.ge [sflag:s19], $0x2000  }
0x10d: {  	[sflag:s19] =	ssyncset.done $0x0  }
0x10e: {  	[sflag:s19] =	ssyncadd.s32 $0xFFFFE000  }
0x10f: {  	_ =	swait.ge [sflag:s23], $0x2000  }
0x110: {  	[sflag:s23] =	ssyncset.done $0x0  }
0x111: {  	[sflag:s23] =	ssyncadd.s32 $0xFFFFE000  }
0x112: {  	s11 =	stileid.u32;
	[bflag:$0x0] =	sbarrier.arrive $0xFFFF  }
0x113: {  	s5 =	sshll.u32 s11, $0x6;
	s9 =	rddreg [dreg:$0x5]  }
0x114: {  	s5 =	sor.u32 $0x1C05, s5;
	s25 =	rddreg [dreg:$0xb]  }
0x115: {  	[hbm:s9], [sflag:s5] =	dma.local [spmem:s25], $0x1400  }
0x116: {  	_ =	swait.ge [sflag:s14], $0x1400  }
0x117: {  	s11 =	rddreg [dreg:$0xc]  }
0x118: {  	s25 =	rddreg [dreg:$0x6];
	s9 =	sadd.s32 $0x1, s11  }
0x119: {  	p0 =	sne.s32 s9, s25  }
.Ltmp2:
0x11a: {  	_ = 	snop;
	(pc) =	sbr.rel @p0 .LBB2_1-.Ltmp2, $3  }
0x11b: {  	_ =	sdelay $0x1  }
0x11c: {  	[sflag:s14] =	ssyncset.done $0x0  }
0x11d: {  	[sflag:s14] =	ssyncadd.s32 $0xFFFFEC00  }
0x11e: {  	_ =	sfence.sel $0x180000  }
0x11f: {  	[bflag:$0x0] =	sbarrier.arrive $0xFFFF  }
0x120: {  	_ =	strace $0x9000004A  }
0x121: {  	s0 =	stileid.u32;
	[bflag:$0x2] =	sbarrier.arrive $0xFFFF  }
0x122: {  	p0 =	sne.s32 s0, $0x0;
	s0 =	rddreg [dreg:$0x2]  }
0x123: {  	s0 =	sadd.s32 @!p0 $0x100000, s0  }
0x124: {  	[sflag:s0] =	ssyncadd.tile.s32 @!p0 $0x1;
	_ =	shalt  }
.Lfunc_end2:
_tile_overlayer_lowered:
.L_overlay_start_2:
0x125: {  	(tag) =	ssettag $0x2  }
0x126: {  	s0 =	rddreg [dreg:$0x0];
	s2 =	stileid.u32  }
0x127: {  	s1 =	rddreg [dreg:$0x1];
	p0 =	sne.s32 s2, $0x0  }
0x128: {  	s3 =	rddreg [dreg:$0x2];
	[bflag:$0x3] =	sbarrier.arrive $0xFFFF;
	s2 =	simm.s32 @!p0 $0x1C05  }
0x129: {  	[timem:s3], [sflag:s2] =	dma.local @!p0 [hbm:s0], s1  }
0x12a: {  	s0 =	simm.s32 @!p0 $0x5  }
0x12b: {  	_ =	swait.ge @!p0 [sflag:s0], s1  }
0x12c: {  	s1 =	ssub.s32 @!p0 $0x0, s1;
	[sflag:s0] =	ssyncset.done @!p0 $0x0  }
0x12d: {  	[sflag:s0] =	ssyncadd.s32 @!p0 s1  }
0x12e: {  	[bflag:$0x3] =	sbarrier.arrive $0xFFFF  }
0x12f: {  	_ =	shalt  }

// kernel: kernel.21.cloned.1.call-start
scs
__scs_entry_jumppad:
0x0: {  	(pc) =	sbr.rel $0x88, $3  }
0x1: {  	(tag) =	ssettag $0x0;
	lr =	simm.s32 $0x1  }
0x2: {  	[smem:$0x3F96] =	sst lr;
	_ =	strace $0xD0000000  }
0x3: {  	_ = 	snop  }
0x4: {  	_ = 	snop  }
0x5: {  	_ = 	snop  }
0x6: {  	_ = 	snop  }
0x7: {  	_ = 	snop  }
__scs_overlays_trampoline_lowered:
0x8: {  	[smem:$0x3FA5] =	sst s0  }
0x9: {  	[smem:$0x3FA6] =	sst s1  }
0xa: {  	[smem:$0x3FA7] =	sst s2  }
0xb: {  	[smem:$0x3FA8] =	sst s3  }
0xc: {  	[smem:$0x3FA9] =	sst s4  }
0xd: {  	[smem:$0x3FAA] =	sst s5  }
0xe: {  	[smem:$0x3FAB] =	sst s6  }
0xf: {  	[smem:$0x3FAC] =	sst s7  }
0x10: {  	[smem:$0x3FAD] =	sst s8  }
0x11: {  	[smem:$0x3FAE] =	sst s9;
	s0 =	simm.s32 @!p0 $0x0  }
0x12: {  	s1 =	sld [smem:$0x3F94];
	s0 =	simm.s32 @p0 $0x1  }
0x13: {  	[smem:$0x3FAF] =	sst s0;
	s0 =	simm.s32 @!p1 $0x0  }
0x14: {  	s2 =	sld [smem:$0x3F93];
	s0 =	simm.s32 @p1 $0x1  }
0x15: {  	[smem:$0x3FB0] =	sst s0;
	s0 =	simm.s32 @!p2 $0x0  }
0x16: {  	s3 =	sld [smem:$0x3FDB];
	s0 =	simm.s32 @p2 $0x1  }
0x17: {  	s4 =	simm.s32 $0x1BF5;
	[smem:$0x3FB2] =	sst s0  }
0x18: {  	s0 =	sld [smem:$0x3F95];
	_ =	swait.ge [sflag:s4], $0x0  }
0x19: {  	s7 =	sld [smem:$0x3F96]  }
0x1a: {  	s8 =	sadd.s32 $0xFFFFE003, lr  }
0x1b: {  	s9 =	sadd.s32 $0xFFFFFEF7, lr;
	s5 =	simm.s32 $0xFFFFFFFF;
	p2 =	slt.u32 s8, $0xFFFFF086  }
0x1c: {  	p1 =	slt.u32 s9, $0xF7A;
	s5 =	simm.s32 @!p2 $0x0  }
0x1d: {  	s5 =	simm.s32 @p1 $0x1;
	p0 =	seq.s32 s7, s2  }
0x1e: {  	s7 =	smul.u32 @!p0 $0xF7A, s2;
	p2 =	seq.s32 @!p0 s5, $0x0  }
0x1f: {  	s9 =	smul.u32 $0xF7A, s1;
	s8 =	simm.s32 @!p0 $0x1BF5;
	p2 =	por !p2, p0  }
0x20: {  	[sflag:s8] =	ssyncset.s32 @!p0 $0xFFFFF086;
	s6 =	sadd.s32 @!p0 s3, s7;
	s7 =	simm.s32 @!p0 $0x108  }
0x21: {  	s3 =	sadd.s32 s3, s9;
	s6 =	sadd.s32 @!p0 $0x88, s6;
	s7 =	simm.s32 @p2 $0x1082  }
0x22: {  	[simem:s7], [sflag:s8] =	dma.local @!p0 [hbm:s6], $0xF7A  }
0x23: {  	s9 =	sor.u32 $0xD0000000, s2;
	s6 =	simm.s32 $0x108;
	_ =	swait.ge @!p0 [sflag:s8], $0x0  }
0x24: {  	s3 =	sadd.s32 $0x88, s3;
	s6 =	simm.s32 @!p1 $0x1082;
	[sflag:s4] =	ssyncset.s32 $0xFFFFF086  }
0x25: {  	[simem:s6], [sflag:s4] =	dma.local [hbm:s3], $0xF7A  }
0x26: {  	[smem:$0x3F96] =	sst s1;
	(tag) =	ssettag s2;
	_ =	strace s9  }
0x27: {  	s1 =	sld [smem:$0x3FA6]  }
0x28: {  	s2 =	sld [smem:$0x3FA7]  }
0x29: {  	s4 =	sld [smem:$0x3FA9]  }
0x2a: {  	p0 =	seq.s32 s5, $0x0;
	s5 =	sld [smem:$0x3FAA]  }
0x2b: {  	s6 =	sld [smem:$0x3FAB]  }
0x2c: {  	s7 =	sld [smem:$0x3FAC]  }
0x2d: {  	s3 =	simm.s32 $0x108;
	s8 =	sld [smem:$0x3FAD]  }
0x2e: {  	s3 =	simm.s32 @!p0 $0x1082;
	s9 =	sld [smem:$0x3FAE]  }
0x2f: {  	lr =	sadd.s32 s0, s3;
	s0 =	sld [smem:$0x3FA5]  }
0x30: {  	s3 =	sld [smem:$0x3FA8]  }
0x31: {  	[smem:$0x3FB1] =	sst s10  }
0x32: {  	s10 =	sld [smem:$0x3FAF];
	_ =	sdelay $0x3  }
0x33: {  	p0 =	seq.s32 s10, $0x1;
	s10 =	sld [smem:$0x3FB1];
	_ =	sdelay $0x3  }
0x34: {  	[smem:$0x3FB1] =	sst s10  }
0x35: {  	s10 =	sld [smem:$0x3FB0];
	_ =	sdelay $0x3  }
0x36: {  	p1 =	seq.s32 s10, $0x1;
	s10 =	sld [smem:$0x3FB1];
	_ =	sdelay $0x3  }
0x37: {  	[smem:$0x3FB1] =	sst s10  }
0x38: {  	s10 =	sld [smem:$0x3FB2]  }
0x39: {  	_ = 	snop;
	(pc) =	sbr.ind lr, $3  }
0x3a: {  	_ = 	snop  }
0x3b: {  	_ = 	snop  }
0x3c: {  	p2 =	seq.s32 s10, $0x1;
	s10 =	sld [smem:$0x3FB1]  }
0x3d: {  	_ =	shalt  }
0x3e: {  	_ =	shalt  }
0x3f: {  	_ =	shalt  }
0x40: {  	_ =	shalt  }
0x41: {  	_ =	shalt  }
0x42: {  	_ =	shalt  }
0x43: {  	_ =	shalt  }
0x44: {  	_ =	shalt  }
0x45: {  	_ =	shalt  }
0x46: {  	_ =	shalt  }
0x47: {  	_ =	shalt  }
0x48: {  	_ =	shalt  }
0x49: {  	_ =	shalt  }
0x4a: {  	_ =	shalt  }
0x4b: {  	_ =	shalt  }
0x4c: {  	_ =	shalt  }
0x4d: {  	_ =	shalt  }
0x4e: {  	_ =	shalt  }
0x4f: {  	_ =	shalt  }
0x50: {  	_ =	shalt  }
0x51: {  	_ =	shalt  }
0x52: {  	_ =	shalt  }
0x53: {  	_ =	shalt  }
0x54: {  	_ =	shalt  }
0x55: {  	_ =	shalt  }
0x56: {  	_ =	shalt  }
0x57: {  	_ =	shalt  }
0x58: {  	_ =	shalt  }
0x59: {  	_ =	shalt  }
0x5a: {  	_ =	shalt  }
0x5b: {  	_ =	shalt  }
0x5c: {  	_ =	shalt  }
0x5d: {  	_ =	shalt  }
0x5e: {  	_ =	shalt  }
0x5f: {  	_ =	shalt  }
0x60: {  	_ =	shalt  }
0x61: {  	_ =	shalt  }
0x62: {  	_ =	shalt  }
0x63: {  	_ =	shalt  }
0x64: {  	_ =	shalt  }
0x65: {  	_ =	shalt  }
0x66: {  	_ =	shalt  }
0x67: {  	_ =	shalt  }
0x68: {  	_ =	shalt  }
0x69: {  	_ =	shalt  }
0x6a: {  	_ =	shalt  }
0x6b: {  	_ =	shalt  }
0x6c: {  	_ =	shalt  }
0x6d: {  	_ =	shalt  }
0x6e: {  	_ =	shalt  }
0x6f: {  	_ =	shalt  }
0x70: {  	_ =	shalt  }
0x71: {  	_ =	shalt  }
0x72: {  	_ =	shalt  }
0x73: {  	_ =	shalt  }
0x74: {  	_ =	shalt  }
0x75: {  	_ =	shalt  }
0x76: {  	_ =	shalt  }
0x77: {  	_ =	shalt  }
0x78: {  	_ =	shalt  }
0x79: {  	_ =	shalt  }
0x7a: {  	_ =	shalt  }
0x7b: {  	_ =	shalt  }
0x7c: {  	_ =	shalt  }
0x7d: {  	_ =	shalt  }
0x7e: {  	_ =	shalt  }
0x7f: {  	_ =	shalt  }
0x80: {  	_ =	shalt  }
0x81: {  	_ =	shalt  }
0x82: {  	_ =	shalt  }
0x83: {  	_ =	shalt  }
0x84: {  	_ =	shalt  }
0x85: {  	_ =	shalt  }
0x86: {  	_ =	shalt  }
0x87: {  	_ =	shalt  }
.Lfunc_end0:
.L_simem_size_0:
called_computation.3_lowered:
.L_overlay_start_0:
0x88: {  	s2 =	sld [smem:$0x3FD9]  }
0x89: {  	s3 =	sld [smem:$0x3FFE];
	_ =	sdelay $0x1  }
0x8a: {  	s1 =	srdreg.scid  }
0x8b: {  	s0 =	sand.u32 $0x1, s1  }
0x8c: {  	s17 =	sshll.u32 s0, $0xA;
	s2 =	sadd.s32 s3, s2  }
0x8d: {  	s2 =	sadd.s32 s2, s17  }
0x8e: {  	[smem:$0x3FBD] =	sst s2  }
0x8f: {  	_ = 	snop  }
0x90: {  	s18 =	sld [smem:$0x3FD0];
	(tm) =	ssettm $0x1  }
0x91: {  	s19 =	sld [smem:$0x3FFB];
	_ =	sdelay $0x3  }
0x92: {  	_ =	strace s19  }
0x93: {  	s2 =	sld [smem:$0x3FFC];
	_ =	sdelay $0x3  }
0x94: {  	_ =	strace s2  }
0x95: {  	s2 =	sld [smem:$0x3FFD];
	_ =	sdelay $0x3  }
0x96: {  	_ =	strace s2  }
0x97: {  	_ =	strace $0x8FFFFFFF  }
0x98: {  	s20 =	sld [smem:$0x3FDB];
	_ =	sdelay $0x1  }
0x99: {  	s4 =	simm.s32 $_scs_section_size  }
0x9a: {  	s5 =	simm.s32 $_size__tile_overlayer_lowered;
	s6 =	simm.s32 $_tile_overlayer_lowered  }
0x9b: {  	s7 =	simm.s32 $0x1BFF;
	s21 =	sshll.u32 s6, $0x1;
	s4 =	sadd.s32 s4, s20  }
0x9c: {  	s22 =	simm.s32 $0x0;
	s5 =	sshll.u32 s5, $0x1;
	s6 =	sadd.s32 s21, s4  }
0x9d: {  	[timem:s22], [sflag:s7] =	dma.local [hbm:s6], s5  }
0x9e: {  	_ =	swait.ge [sflag:s7], s5  }
0x9f: {  	s5 =	ssub.s32 $0x0, s5;
	[sflag:s7] =	ssyncset.done $0x0  }
0xa0: {  	[sflag:s7] =	ssyncadd.s32 s5;
	_ =	sdelay $0x1  }
0xa1: {  	s23 =	simm.s32 $0x1B8B  }
0xa2: {  	_ =	swait.ge [sflag:s23], $0x1  }
0xa3: {  	[sflag:s23] =	ssyncset.done $0x0  }
0xa4: {  	[sflag:s23] =	ssyncadd.s32 $0xFFFFFFFF  }
0xa5: {  	s5 =	sld [smem:$0x0]  }
0xa6: {  	s6 =	sand.u32 $0xFFFFFFFE, s1  }
0xa7: {  	p0 =	sne.s32 s1, s6  }
0xa8: {  	s6 =	sshll.u32 @p0 s6, $0xE  }
0xa9: {  	s6 =	sadd.s32 @p0 $0x11B8D, s6;
	s7 =	sshll.u32 @p0 s5, $0x11  }
0xaa: {  	s6 =	sor.u32 @p0 s7, s6  }
0xab: {  	[sflag:s6] =	ssyncadd.remote.s32 @p0 $0x1;
	_ =	sdelay $0x1  }
0xac: {  	s6 =	simm.s32 @p0 $0x1B8D  }
0xad: {  	_ =	swait.eq @p0 [sflag:s6], $0x1  }
0xae: {  	[sflag:s6] =	ssyncadd.s32 @p0 $0xFFFFFFFF  }
0xaf: {  	s7 =	sshll.u32 @!p0 s1, $0xE  }
0xb0: {  	s7 =	sor.u32 @!p0 $0x4000, s7;
	s6 =	simm.s32 @!p0 $0x1B8D  }
0xb1: {  	s5 =	sshll.u32 @!p0 s5, $0x11;
	s7 =	sadd.s32 @!p0 $0x11B8D, s7;
	_ =	swait.eq @!p0 [sflag:s6], $0x1  }
0xb2: {  	s5 =	sor.u32 @!p0 s5, s7;
	[sflag:s6] =	ssyncadd.s32 @!p0 $0xFFFFFFFF  }
0xb3: {  	s25 =	simm.s32 $0x1B8E;
	s24 =	sld [smem:$0x3FFE];
	[sflag:s5] =	ssyncadd.remote.s32 @!p0 $0x1  }
0xb4: {  	s26 =	simm.s32 $execute0_lowered;
	[smem:$0x3FD2] =	sst s25  }
0xb5: {  	s6 =	sshll.u32 s26, $0x1;
	_ =	strace $0x80000052;
	[dreg:$0x1] =	wrdreg $0xFFFFFFFF  }
0xb6: {  	s28 =	simm.s32 $_size_execute0_lowered;
	s4 =	sadd.s32 s4, s6;
	[dreg:$0x0] =	wrdreg $0x0  }
0xb7: {  	s6 =	sshll.u32 s28, $0x1;
	[dreg:$0x2] =	wrdreg s4  }
0xb8: {  	[dreg:$0x3] =	wrdreg s6  }
0xb9: {  	[dreg:$0x4] =	wrdreg $0xC0  }
0xba: {  	_ =	task [dreg:s22], $0x5FFFF  }
0xbb: {  	[dreg:$0x1] =	wrdreg $0xFFFFFFFF  }
0xbc: {  	[dreg:$0x0] =	wrdreg $0x60  }
0xbd: {  	[dreg:$0x2] =	wrdreg s24  }
0xbe: {  	[dreg:$0x3] =	wrdreg s18  }
0xbf: {  	[dreg:$0x4] =	wrdreg $0x88000  }
0xc0: {  	[dreg:$0x5] =	wrdreg $0x9  }
0xc1: {  	_ =	task.clear_ibuf [dreg:s22], $0x6FFFF;
	_ =	strace $0x90000052  }
0xc2: {  	s29 =	simm.s32 $0x9;
	_ =	strace $0x80000054  }
0xc3: {  	_ =	swait.ge [sflag:s29], $0x1  }
0xc4: {  	[sflag:s29] =	ssyncadd.s32 $0xFFFFFFFF  }
0xc5: {  	_ =	strace $0x90000054  }
0xc6: {  	_ =	sfence  }
0xc7: {  	s30 =	sld [smem:$0x0];
	_ =	sdelay $0x2  }
0xc8: {  	s31 =	sshll.u32 s1, $0xD;
	s1 =	sshrl.u32 s1, $0x2  }
0xc9: {  	s4 =	sand.u32 $0x4000, s31;
	s1 =	sadd.s32 s1, s30  }
0xca: {  	s0 =	sor.u32 s4, s0;
	s1 =	sshll.u32 s1, $0x11  }
0xcb: {  	s0 =	sor.u32 s1, s0  }
0xcc: {  	s0 =	sadd.s32 $0x8F2B, s0  }
0xcd: {  	[sflag:s0] =	ssyncadd.remote.s32 $0x1  }
0xce: {  	_ =	sfence.sel $0xFFFF  }
0xcf: {  	[dreg:$0x0] =	wrdreg $0xFFFFFFFF;
	(pc) =	sbr.abs _section_cstart, $3  }
0xd0: {  	[dreg:$0x1] =	wrdreg $0xFFFFFFFF  }
0xd1: {  	_ =	task.clear_ibuf [dreg:s22], $0x2FFFF;
	_ =	strace $0x9FFFFFFF  }
0xd2: {  	(tm) =	ssettm $0x7FFFFFFF  }
0xd3: {  	_ =	shalt  }
tec
execute0_lowered:
.L_overlay_start_1:
0x0: {  	(tag) =	ssettag $0x1  }
0x1: {  	s0 =	rddreg [dreg:$0x0]  }
0x2: {  	s1 =	srdreg.scid;
	s6 =	rddreg [dreg:$0x1]  }
0x3: {  	s10 =	stileid.u32;
	s2 =	rddreg [dreg:$0x2]  }
0x4: {  	s3 =	simm.s32 $0x0;
	s13 =	simm.s32 $0x800;
	s14 =	simm.s32 $0x5  }
0x5: {  	s15 =	simm.s32 $0x400;
	s16 =	simm.s32 $0x80;
	s17 =	simm.s32 $0x4800  }
0x6: {  	s18 =	simm.s32 $0x1;
	s19 =	simm.s32 $0x3;
	s5 =	smul.u32 $0x2800, s10  }
0x7: {  	s28 =	simm.s32 $0x200;
	s29 =	simm.s32 $0x580;
	s9 =	smul.u32 $0x14000, s10  }
0x8: {  	s30 =	simm.s32 $0x280;
	s1 =	sand.u32 $0x1, s1;
	s21 =	smul.u32 $0x50000, s10  }
0x9: {  	s31 =	simm.s32 $0x600;
	[smem:$0x7FF] =	sst s3;
	s7 =	smul.u32 $0x1400, s1  }
0xa: {  	s4 =	sadd.s32 $0x174A00, s0;
	s8 =	smul.u32 $0x140000, s1;
	s1 =	ssub.s32 $0x2, s1  }
0xb: {  	_ =	strace $0x80000053;
	s26 =	sshrl.u32 s1, $0x1;
	s11 =	sadd.s32 s9, s2  }
0xc: {  	s5 =	sadd.s32 s7, s5;
	s20 =	sadd.s32 s9, s8;
	s8 =	sshrl.u32 s21, $0x2  }
0xd: {  	s1 =	ssub.s32 s1, s26;
	s21 =	simm.s32 $0x2;
	s9 =	simm.s32 $0x0  }
0xe: {  	s7 =	sshrl.u32 s5, $0x3;
	s5 =	sshrl.u32 s20, $0x3;
	s8 =	sadd.s32 s8, s2  }
0xf: {  	s1 =	smax.u32 s1, $0x1;
	s20 =	simm.s32 $0x100;
	s22 =	sadd.s32 s7, s0  }
0x10: {  	s0 =	sadd.s32 s5, s0;
	[dreg:$0x7] =	wrdreg s1;
	s23 =	sadd.s32 $0x4000, s8  }
0x11: {  	s24 =	sadd.s32 $0x8000, s8;
	s25 =	sadd.s32 $0xC000, s8;
	[dreg:$0x5] =	wrdreg s8  }
0x12: {  	s5 =	sadd.s32 $0x10000, s8;
	s12 =	sadd.s32 s7, s6;
	[dreg:$0x8] =	wrdreg s23  }
0x13: {  	s1 =	simm.s32 $0x300;
	s6 =	simm.s32 $0x380;
	[dreg:$0x9] =	wrdreg s24  }
0x14: {  	s7 =	simm.s32 $0x700;
	s8 =	simm.s32 $0x780;
	[dreg:$0xa] =	wrdreg s25  }
0x15: {  	s0 =	sadd.s32 $0x1EBC00, s0;
	s26 =	sadd.s32 $0x51800, s22;
	[dreg:$0xb] =	wrdreg s5  }
0x16: {  	s22 =	simm.s32 $0x480;
	s23 =	simm.s32 $0x4;
	[dreg:$0x6] =	wrdreg s0  }
0x17: {  	s24 =	simm.s32 $0x180;
	[dreg:$0x4] =	wrdreg s26;
	s0 =	sshrl.u32 s11, $0x3  }
0x18: {  	v0 =	vimm.f32 $0.0e+00;
	s26 =	simm.s32 $0x500;
	[dreg:$0xc] =	wrdreg s0;
	s0 =	simm.s32 $0x680  }
.LBB2_1:
0x19: {  	s10 =	simm.s32 $0x0;
	s11 =	simm.s32 $0x200  }
.LBB2_2:
0x1a: {  	p0 =	sne.s32 s11, $0xFE00;
	[tilespmem:s10+$0x870] =	vst v0  }
0x1b: {  	[tilespmem:s10+$0x800] =	vst v0  }
0x1c: {  	[tilespmem:s10+$0x810] =	vst v0  }
.Ltmp0:
0x1d: {  	[tilespmem:s10+$0x820] =	vst v0;
	(pc) =	sbr.rel @p0 .LBB2_2-.Ltmp0, $4  }
0x1e: {  	[tilespmem:s10+$0x830] =	vst v0  }
0x1f: {  	[tilespmem:s10+$0x840] =	vst v0  }
0x20: {  	[tilespmem:s10+$0x850] =	vst v0  }
0x21: {  	[tilespmem:s10+$0x860] =	vst v0;
	s10 =	sshra.s32 s11, $0x2;
	s11 =	sadd.s32 $0x200, s11  }
0x22: {  	[tilespmem:s10+$0x870] =	vst v0  }
0x23: {  	[tilespmem:s10+$0x800] =	vst v0  }
0x24: {  	[tilespmem:s10+$0x810] =	vst v0  }
0x25: {  	[tilespmem:s10+$0x820] =	vst v0  }
0x26: {  	[tilespmem:s10+$0x830] =	vst v0  }
0x27: {  	[tilespmem:s10+$0x840] =	vst v0  }
0x28: {  	[dreg:$0xd] =	wrdreg s9;
	[tilespmem:s10+$0x850] =	vst v0  }
0x29: {  	[tilespmem:s10+$0x860] =	vst v0;
	s5 =	rddreg [dreg:$0x5]  }
0x2a: {  	[spmem:s5] =	stream.linear.scatter [tilespmem:s13], [sflag:$0x5], $0x4000, $0x38;
	[tilespmem:$0x1C800] =	vst v63  }
0x2b: {  	_ =	swait.ge [sflag:s14], $0x4000  }
0x2c: {  	[sflag:s14] =	ssyncset.done $0x0  }
0x2d: {  	s11 =	rddreg [dreg:$0x8];
	[sflag:s14] =	ssyncadd.s32 $0xFFFFC000  }
0x2e: {  	[spmem:s11] =	stream.linear.scatter [tilespmem:s13], [sflag:$0x5], $0x4000, $0x38;
	[tilespmem:$0x1C800] =	vst v63  }
0x2f: {  	_ =	swait.ge [sflag:s14], $0x4000  }
0x30: {  	[sflag:s14] =	ssyncset.done $0x0  }
0x31: {  	s25 =	rddreg [dreg:$0x9];
	[sflag:s14] =	ssyncadd.s32 $0xFFFFC000  }
0x32: {  	[spmem:s25] =	stream.linear.scatter [tilespmem:s13], [sflag:$0x5], $0x4000, $0x38;
	[tilespmem:$0x1C800] =	vst v63  }
0x33: {  	_ =	swait.ge [sflag:s14], $0x4000  }
0x34: {  	[sflag:s14] =	ssyncset.done $0x0  }
0x35: {  	s9 =	rddreg [dreg:$0xa];
	[sflag:s14] =	ssyncadd.s32 $0xFFFFC000  }
0x36: {  	[spmem:s9] =	stream.linear.scatter [tilespmem:s13], [sflag:$0x5], $0x4000, $0x38;
	[tilespmem:$0x1C800] =	vst v63  }
0x37: {  	_ =	swait.ge [sflag:s14], $0x4000  }
0x38: {  	[sflag:s14] =	ssyncset.done $0x0  }
0x39: {  	s10 =	rddreg [dreg:$0xb];
	[sflag:s14] =	ssyncadd.s32 $0xFFFFC000  }
0x3a: {  	[spmem:s10] =	stream.linear.scatter [tilespmem:s13], [sflag:$0x5], $0x4000, $0x38;
	[tilespmem:$0x1C800] =	vst v63  }
0x3b: {  	_ =	swait.ge [sflag:s14], $0x4000  }
0x3c: {  	[sflag:s14] =	ssyncset.done $0x0  }
0x3d: {  	[sflag:s14] =	ssyncadd.s32 $0xFFFFC000  }
0x3e: {  	s11 =	sadd.s32 $0x0, s12;
	[bflag:$0x0] =	sbarrier.arrive $0xFFFF  }
0x3f: {  	[tilespmem:s3], [sflag:$0x5] =	stream.linear.gather [hbm4b:s11+s3], $0x400, $0x38;
	[tilespmem:$0x1C800] =	vst v63  }
0x40: {  	_ =	swait.ge [sflag:s14], $0x400  }
0x41: {  	s25 =	rddreg [dreg:$0x4];
	[sflag:s14] =	ssyncset.done $0x0  }
0x42: {  	[sflag:s14] =	ssyncadd.s32 $0xFFFFFC00;
	s10 =	sadd.s32 $0x0, s25  }
0x43: {  	[tilespmem:s15], [sflag:$0x5] =	stream.linear.gather [hbm4b:s10+s3], $0x400, $0x38;
	[tilespmem:$0x1C800] =	vst v63  }
0x44: {  	_ =	swait.ge [sflag:s14], $0x400  }
0x45: {  	[sflag:s14] =	ssyncset.done $0x0  }
0x46: {  	[sflag:s14] =	ssyncadd.s32 $0xFFFFFC00  }
0x47: {  	[tilespmem:s13], [sflag:$0x1] =	stream.indirect.gather [hbm4b:s4+s16], $0x80, s3, s16, $0xb8;
	[tilespmem:$0x1C800] =	vst v63  }
0x48: {  	_ = 	snop  }
0x49: {  	[tilespmem:s17], [sflag:$0x2] =	stream.indirect.gather [hbm4b:s4+s16], $0x80, s16, s16, $0xb8;
	[tilespmem:$0x1C800] =	vst v63  }
0x4a: {  	_ =	swait.ge [sflag:s18], $0x4000  }
0x4b: {  	[sflag:s18] =	ssyncset.done $0x0  }
0x4c: {  	[sflag:s18] =	ssyncadd.s32 $0xFFFFC000  }
0x4d: {  	[spmem:s2] =	stream.indirect.scatter.add.f32 [tilespmem:s13], [sflag:$0x3], $0x80, s15, s16, $0xb8;
	[tilespmem:$0x1C800] =	vst v63  }
0x4e: {  	_ =	swait.ge [sflag:s19], $0x4000  }
0x4f: {  	[sflag:s19] =	ssyncset.done $0x0  }
0x50: {  	[sflag:s19] =	ssyncadd.s32 $0xFFFFC000  }
0x51: {  	[tilespmem:s13], [sflag:$0x1] =	stream.indirect.gather [hbm4b:s4+s16], $0x80, s20, s16, $0xb8;
	[tilespmem:$0x1C800] =	vst v63  }
0x52: {  	_ =	swait.ge [sflag:s21], $0x4000  }
0x53: {  	[sflag:s21] =	ssyncset.done $0x0  }
0x54: {  	[sflag:s21] =	ssyncadd.s32 $0xFFFFC000  }
0x55: {  	[spmem:s2] =	stream.indirect.scatter.add.f32 [tilespmem:s17], [sflag:$0x4], $0x80, s22, s16, $0xb8;
	[tilespmem:$0x1C800] =	vst v63  }
0x56: {  	_ =	swait.ge [sflag:s23], $0x4000  }
0x57: {  	[sflag:s23] =	ssyncset.done $0x0  }
0x58: {  	[sflag:s23] =	ssyncadd.s32 $0xFFFFC000  }
0x59: {  	[tilespmem:s17], [sflag:$0x2] =	stream.indirect.gather [hbm4b:s4+s16], $0x80, s24, s16, $0xb8;
	[tilespmem:$0x1C800] =	vst v63  }
0x5a: {  	_ =	swait.ge [sflag:s18], $0x4000  }
0x5b: {  	[sflag:s18] =	ssyncset.done $0x0  }
0x5c: {  	[sflag:s18] =	ssyncadd.s32 $0xFFFFC000  }
0x5d: {  	[spmem:s2] =	stream.indirect.scatter.add.f32 [tilespmem:s13], [sflag:$0x3], $0x80, s26, s16, $0xb8;
	[tilespmem:$0x1C800] =	vst v63  }
0x5e: {  	_ =	swait.ge [sflag:s19], $0x4000  }
0x5f: {  	[sflag:s19] =	ssyncset.done $0x0  }
0x60: {  	[sflag:s19] =	ssyncadd.s32 $0xFFFFC000  }
0x61: {  	[tilespmem:s13], [sflag:$0x1] =	stream.indirect.gather [hbm4b:s4+s16], $0x80, s28, s16, $0xb8;
	[tilespmem:$0x1C800] =	vst v63  }
0x62: {  	_ =	swait.ge [sflag:s21], $0x4000  }
0x63: {  	[sflag:s21] =	ssyncset.done $0x0  }
0x64: {  	[sflag:s21] =	ssyncadd.s32 $0xFFFFC000  }
0x65: {  	[spmem:s2] =	stream.indirect.scatter.add.f32 [tilespmem:s17], [sflag:$0x4], $0x80, s29, s16, $0xb8;
	[tilespmem:$0x1C800] =	vst v63  }
0x66: {  	_ =	swait.ge [sflag:s23], $0x4000  }
0x67: {  	[sflag:s23] =	ssyncset.done $0x0  }
0x68: {  	[sflag:s23] =	ssyncadd.s32 $0xFFFFC000  }
0x69: {  	[tilespmem:s17], [sflag:$0x2] =	stream.indirect.gather [hbm4b:s4+s16], $0x80, s30, s16, $0xb8;
	[tilespmem:$0x1C800] =	vst v63  }
0x6a: {  	_ =	swait.ge [sflag:s18], $0x4000  }
0x6b: {  	[sflag:s18] =	ssyncset.done $0x0  }
0x6c: {  	[sflag:s18] =	ssyncadd.s32 $0xFFFFC000  }
0x6d: {  	[spmem:s2] =	stream.indirect.scatter.add.f32 [tilespmem:s13], [sflag:$0x3], $0x80, s31, s16, $0xb8;
	[tilespmem:$0x1C800] =	vst v63  }
0x6e: {  	_ =	swait.ge [sflag:s19], $0x4000  }
0x6f: {  	[sflag:s19] =	ssyncset.done $0x0  }
0x70: {  	[sflag:s19] =	ssyncadd.s32 $0xFFFFC000  }
0x71: {  	[tilespmem:s13], [sflag:$0x1] =	stream.indirect.gather [hbm4b:s4+s16], $0x80, s1, s16, $0xb8;
	[tilespmem:$0x1C800] =	vst v63  }
0x72: {  	_ =	swait.ge [sflag:s21], $0x4000  }
0x73: {  	[sflag:s21] =	ssyncset.done $0x0  }
0x74: {  	[sflag:s21] =	ssyncadd.s32 $0xFFFFC000  }
0x75: {  	[spmem:s2] =	stream.indirect.scatter.add.f32 [tilespmem:s17], [sflag:$0x4], $0x80, s0, s16, $0xb8;
	[tilespmem:$0x1C800] =	vst v63  }
0x76: {  	_ =	swait.ge [sflag:s23], $0x4000  }
0x77: {  	[sflag:s23] =	ssyncset.done $0x0  }
0x78: {  	[sflag:s23] =	ssyncadd.s32 $0xFFFFC000  }
0x79: {  	[tilespmem:s17], [sflag:$0x2] =	stream.indirect.gather [hbm4b:s4+s16], $0x80, s6, s16, $0xb8;
	[tilespmem:$0x1C800] =	vst v63  }
0x7a: {  	_ =	swait.ge [sflag:s18], $0x4000  }
0x7b: {  	[sflag:s18] =	ssyncset.done $0x0  }
0x7c: {  	[sflag:s18] =	ssyncadd.s32 $0xFFFFC000  }
0x7d: {  	[spmem:s2] =	stream.indirect.scatter.add.f32 [tilespmem:s13], [sflag:$0x3], $0x80, s7, s16, $0xb8;
	[tilespmem:$0x1C800] =	vst v63  }
0x7e: {  	_ =	swait.ge [sflag:s21], $0x4000  }
0x7f: {  	[sflag:s21] =	ssyncset.done $0x0  }
0x80: {  	[sflag:s21] =	ssyncadd.s32 $0xFFFFC000  }
0x81: {  	[spmem:s2] =	stream.indirect.scatter.add.f32 [tilespmem:s17], [sflag:$0x4], $0x80, s8, s16, $0xb8;
	[tilespmem:$0x1C800] =	vst v63  }
0x82: {  	_ =	swait.ge [sflag:s19], $0x4000  }
0x83: {  	[sflag:s19] =	ssyncset.done $0x0  }
0x84: {  	[sflag:s19] =	ssyncadd.s32 $0xFFFFC000  }
0x85: {  	_ =	swait.ge [sflag:s23], $0x4000  }
0x86: {  	s11 =	simm.s32 $0x100;
	s10 =	simm.s32 $0x80;
	[sflag:s23] =	ssyncset.done $0x0  }
.LBB2_4:
0x87: {  	s5 =	sadd.s32 s10, s12;
	[sflag:s23] =	ssyncadd.s32 $0xFFFFC000  }
0x88: {  	[tilespmem:s3], [sflag:$0x5] =	stream.linear.gather [hbm4b:s5+s3], $0x400, $0x38;
	[tilespmem:$0x1C800] =	vst v63  }
0x89: {  	s9 =	smov.u32 s11;
	s25 =	sadd.s32 $0x80, s11;
	_ =	swait.ge [sflag:s14], $0x400  }
0x8a: {  	p0 =	sne.s32 s11, $0x200;
	s11 =	rddreg [dreg:$0x4];
	[sflag:s14] =	ssyncset.done $0x0  }
0x8b: {  	[sflag:s14] =	ssyncadd.s32 $0xFFFFFC00;
	s5 =	sadd.s32 s10, s11  }
0x8c: {  	[tilespmem:s15], [sflag:$0x5] =	stream.linear.gather [hbm4b:s5+s3], $0x400, $0x38;
	[tilespmem:$0x1C800] =	vst v63  }
0x8d: {  	_ =	swait.ge [sflag:s14], $0x400  }
0x8e: {  	[sflag:s14] =	ssyncset.done $0x0  }
0x8f: {  	[sflag:s14] =	ssyncadd.s32 $0xFFFFFC00  }
0x90: {  	[tilespmem:s13], [sflag:$0x1] =	stream.indirect.gather [hbm4b:s4+s16], $0x80, s3, s16, $0xb8;
	[tilespmem:$0x1C800] =	vst v63  }
0x91: {  	_ = 	snop  }
0x92: {  	[tilespmem:s17], [sflag:$0x2] =	stream.indirect.gather [hbm4b:s4+s16], $0x80, s16, s16, $0xb8;
	[tilespmem:$0x1C800] =	vst v63  }
0x93: {  	_ =	swait.ge [sflag:s18], $0x4000  }
0x94: {  	[sflag:s18] =	ssyncset.done $0x0  }
0x95: {  	[sflag:s18] =	ssyncadd.s32 $0xFFFFC000  }
0x96: {  	[spmem:s2] =	stream.indirect.scatter.add.f32 [tilespmem:s13], [sflag:$0x3], $0x80, s15, s16, $0xb8;
	[tilespmem:$0x1C800] =	vst v63  }
0x97: {  	_ =	swait.ge [sflag:s19], $0x4000  }
0x98: {  	[sflag:s19] =	ssyncset.done $0x0  }
0x99: {  	[sflag:s19] =	ssyncadd.s32 $0xFFFFC000  }
0x9a: {  	[tilespmem:s13], [sflag:$0x1] =	stream.indirect.gather [hbm4b:s4+s16], $0x80, s20, s16, $0xb8;
	[tilespmem:$0x1C800] =	vst v63  }
0x9b: {  	_ =	swait.ge [sflag:s21], $0x4000  }
0x9c: {  	[sflag:s21] =	ssyncset.done $0x0  }
0x9d: {  	[sflag:s21] =	ssyncadd.s32 $0xFFFFC000  }
0x9e: {  	[spmem:s2] =	stream.indirect.scatter.add.f32 [tilespmem:s17], [sflag:$0x4], $0x80, s22, s16, $0xb8;
	[tilespmem:$0x1C800] =	vst v63  }
0x9f: {  	_ =	swait.ge [sflag:s23], $0x4000  }
0xa0: {  	[sflag:s23] =	ssyncset.done $0x0  }
0xa1: {  	[sflag:s23] =	ssyncadd.s32 $0xFFFFC000  }
0xa2: {  	[tilespmem:s17], [sflag:$0x2] =	stream.indirect.gather [hbm4b:s4+s16], $0x80, s24, s16, $0xb8;
	[tilespmem:$0x1C800] =	vst v63  }
0xa3: {  	_ =	swait.ge [sflag:s18], $0x4000  }
0xa4: {  	[sflag:s18] =	ssyncset.done $0x0  }
0xa5: {  	[sflag:s18] =	ssyncadd.s32 $0xFFFFC000  }
0xa6: {  	[spmem:s2] =	stream.indirect.scatter.add.f32 [tilespmem:s13], [sflag:$0x3], $0x80, s26, s16, $0xb8;
	[tilespmem:$0x1C800] =	vst v63  }
0xa7: {  	_ =	swait.ge [sflag:s19], $0x4000  }
0xa8: {  	[sflag:s19] =	ssyncset.done $0x0  }
0xa9: {  	[sflag:s19] =	ssyncadd.s32 $0xFFFFC000  }
0xaa: {  	[tilespmem:s13], [sflag:$0x1] =	stream.indirect.gather [hbm4b:s4+s16], $0x80, s28, s16, $0xb8;
	[tilespmem:$0x1C800] =	vst v63  }
0xab: {  	_ =	swait.ge [sflag:s21], $0x4000  }
0xac: {  	[sflag:s21] =	ssyncset.done $0x0  }
0xad: {  	[sflag:s21] =	ssyncadd.s32 $0xFFFFC000  }
0xae: {  	[spmem:s2] =	stream.indirect.scatter.add.f32 [tilespmem:s17], [sflag:$0x4], $0x80, s29, s16, $0xb8;
	[tilespmem:$0x1C800] =	vst v63  }
0xaf: {  	_ =	swait.ge [sflag:s23], $0x4000  }
0xb0: {  	[sflag:s23] =	ssyncset.done $0x0  }
0xb1: {  	[sflag:s23] =	ssyncadd.s32 $0xFFFFC000  }
0xb2: {  	[tilespmem:s17], [sflag:$0x2] =	stream.indirect.gather [hbm4b:s4+s16], $0x80, s30, s16, $0xb8;
	[tilespmem:$0x1C800] =	vst v63  }
0xb3: {  	_ =	swait.ge [sflag:s18], $0x4000  }
0xb4: {  	[sflag:s18] =	ssyncset.done $0x0  }
0xb5: {  	[sflag:s18] =	ssyncadd.s32 $0xFFFFC000  }
0xb6: {  	[spmem:s2] =	stream.indirect.scatter.add.f32 [tilespmem:s13], [sflag:$0x3], $0x80, s31, s16, $0xb8;
	[tilespmem:$0x1C800] =	vst v63  }
0xb7: {  	_ =	swait.ge [sflag:s19], $0x4000  }
0xb8: {  	[sflag:s19] =	ssyncset.done $0x0  }
0xb9: {  	[sflag:s19] =	ssyncadd.s32 $0xFFFFC000  }
0xba: {  	[tilespmem:s13], [sflag:$0x1] =	stream.indirect.gather [hbm4b:s4+s16], $0x80, s1, s16, $0xb8;
	[tilespmem:$0x1C800] =	vst v63  }
0xbb: {  	_ =	swait.ge [sflag:s21], $0x4000  }
0xbc: {  	[sflag:s21] =	ssyncset.done $0x0  }
0xbd: {  	[sflag:s21] =	ssyncadd.s32 $0xFFFFC000  }
0xbe: {  	[spmem:s2] =	stream.indirect.scatter.add.f32 [tilespmem:s17], [sflag:$0x4], $0x80, s0, s16, $0xb8;
	[tilespmem:$0x1C800] =	vst v63  }
0xbf: {  	_ =	swait.ge [sflag:s23], $0x4000  }
0xc0: {  	[sflag:s23] =	ssyncset.done $0x0  }
0xc1: {  	[sflag:s23] =	ssyncadd.s32 $0xFFFFC000  }
0xc2: {  	[tilespmem:s17], [sflag:$0x2] =	stream.indirect.gather [hbm4b:s4+s16], $0x80, s6, s16, $0xb8;
	[tilespmem:$0x1C800] =	vst v63  }
0xc3: {  	_ =	swait.ge [sflag:s18], $0x4000  }
0xc4: {  	[sflag:s18] =	ssyncset.done $0x0  }
0xc5: {  	[sflag:s18] =	ssyncadd.s32 $0xFFFFC000  }
0xc6: {  	[spmem:s2] =	stream.indirect.scatter.add.f32 [tilespmem:s13], [sflag:$0x3], $0x80, s7, s16, $0xb8;
	[tilespmem:$0x1C800] =	vst v63  }
0xc7: {  	_ =	swait.ge [sflag:s21], $0x4000  }
0xc8: {  	[sflag:s21] =	ssyncset.done $0x0  }
0xc9: {  	[sflag:s21] =	ssyncadd.s32 $0xFFFFC000  }
0xca: {  	[spmem:s2] =	stream.indirect.scatter.add.f32 [tilespmem:s17], [sflag:$0x4], $0x80, s8, s16, $0xb8;
	[tilespmem:$0x1C800] =	vst v63  }
.Ltmp1:
0xcb: {  	_ =	swait.ge [sflag:s19], $0x4000;
	(pc) =	sbr.rel @p0 .LBB2_4-.Ltmp1, $4  }
0xcc: {  	[sflag:s19] =	ssyncset.done $0x0  }
0xcd: {  	[sflag:s19] =	ssyncadd.s32 $0xFFFFC000  }
0xce: {  	_ =	swait.ge [sflag:s23], $0x4000  }
0xcf: {  	s10 =	smov.u32 s9;
	s11 =	smov.u32 s25;
	[sflag:s23] =	ssyncset.done $0x0  }
0xd0: {  	s5 =	sadd.s32 s10, s12;
	[sflag:s23] =	ssyncadd.s32 $0xFFFFC000  }
0xd1: {  	[tilespmem:s3], [sflag:$0x5] =	stream.linear.gather [hbm4b:s5+s3], $0x400, $0x38;
	[tilespmem:$0x1C800] =	vst v63  }
0xd2: {  	_ =	swait.ge [sflag:s14], $0x400  }
0xd3: {  	s9 =	rddreg [dreg:$0x4];
	[sflag:s14] =	ssyncset.done $0x0  }
0xd4: {  	s5 =	sadd.s32 s10, s9;
	[sflag:s14] =	ssyncadd.s32 $0xFFFFFC00  }
0xd5: {  	[tilespmem:s15], [sflag:$0x5] =	stream.linear.gather [hbm4b:s5+s3], $0x400, $0x38;
	[tilespmem:$0x1C800] =	vst v63  }
0xd6: {  	_ =	swait.ge [sflag:s14], $0x400  }
0xd7: {  	[sflag:s14] =	ssyncset.done $0x0  }
0xd8: {  	[sflag:s14] =	ssyncadd.s32 $0xFFFFFC00  }
0xd9: {  	[tilespmem:s13], [sflag:$0x1] =	stream.indirect.gather [hbm4b:s4+s16], $0x80, s3, s16, $0xb8;
	[tilespmem:$0x1C800] =	vst v63  }
0xda: {  	_ = 	snop  }
0xdb: {  	[tilespmem:s17], [sflag:$0x2] =	stream.indirect.gather [hbm4b:s4+s16], $0x80, s16, s16, $0xb8;
	[tilespmem:$0x1C800] =	vst v63  }
0xdc: {  	_ =	swait.ge [sflag:s18], $0x4000  }
0xdd: {  	[sflag:s18] =	ssyncset.done $0x0  }
0xde: {  	[sflag:s18] =	ssyncadd.s32 $0xFFFFC000  }
0xdf: {  	[spmem:s2] =	stream.indirect.scatter.add.f32 [tilespmem:s13], [sflag:$0x3], $0x80, s15, s16, $0xb8;
	[tilespmem:$0x1C800] =	vst v63  }
0xe0: {  	_ =	swait.ge [sflag:s19], $0x4000  }
0xe1: {  	[sflag:s19] =	ssyncset.done $0x0  }
0xe2: {  	[sflag:s19] =	ssyncadd.s32 $0xFFFFC000  }
0xe3: {  	[tilespmem:s13], [sflag:$0x1] =	stream.indirect.gather [hbm4b:s4+s16], $0x80, s20, s16, $0xb8;
	[tilespmem:$0x1C800] =	vst v63  }
0xe4: {  	_ =	swait.ge [sflag:s21], $0x4000  }
0xe5: {  	[sflag:s21] =	ssyncset.done $0x0  }
0xe6: {  	[sflag:s21] =	ssyncadd.s32 $0xFFFFC000  }
0xe7: {  	[spmem:s2] =	stream.indirect.scatter.add.f32 [tilespmem:s17], [sflag:$0x4], $0x80, s22, s16, $0xb8;
	[tilespmem:$0x1C800] =	vst v63  }
0xe8: {  	_ =	swait.ge [sflag:s23], $0x4000  }
0xe9: {  	[sflag:s23] =	ssyncset.done $0x0  }
0xea: {  	[sflag:s23] =	ssyncadd.s32 $0xFFFFC000  }
0xeb: {  	[tilespmem:s17], [sflag:$0x2] =	stream.indirect.gather [hbm4b:s4+s16], $0x80, s24, s16, $0xb8;
	[tilespmem:$0x1C800] =	vst v63  }
0xec: {  	_ =	swait.ge [sflag:s18], $0x4000  }
0xed: {  	[sflag:s18] =	ssyncset.done $0x0  }
0xee: {  	[sflag:s18] =	ssyncadd.s32 $0xFFFFC000  }
0xef: {  	[spmem:s2] =	stream.indirect.scatter.add.f32 [tilespmem:s13], [sflag:$0x3], $0x80, s26, s16, $0xb8;
	[tilespmem:$0x1C800] =	vst v63  }
0xf0: {  	_ =	swait.ge [sflag:s19], $0x4000  }
0xf1: {  	[sflag:s19] =	ssyncset.done $0x0  }
0xf2: {  	[sflag:s19] =	ssyncadd.s32 $0xFFFFC000  }
0xf3: {  	[tilespmem:s13], [sflag:$0x1] =	stream.indirect.gather [hbm4b:s4+s16], $0x80, s28, s16, $0xb8;
	[tilespmem:$0x1C800] =	vst v63  }
0xf4: {  	_ =	swait.ge [sflag:s21], $0x4000  }
0xf5: {  	[sflag:s21] =	ssyncset.done $0x0  }
0xf6: {  	[sflag:s21] =	ssyncadd.s32 $0xFFFFC000  }
0xf7: {  	[spmem:s2] =	stream.indirect.scatter.add.f32 [tilespmem:s17], [sflag:$0x4], $0x80, s29, s16, $0xb8;
	[tilespmem:$0x1C800] =	vst v63  }
0xf8: {  	_ =	swait.ge [sflag:s23], $0x4000  }
0xf9: {  	[sflag:s23] =	ssyncset.done $0x0  }
0xfa: {  	[sflag:s23] =	ssyncadd.s32 $0xFFFFC000  }
0xfb: {  	[tilespmem:s17], [sflag:$0x2] =	stream.indirect.gather [hbm4b:s4+s16], $0x80, s30, s16, $0xb8;
	[tilespmem:$0x1C800] =	vst v63  }
0xfc: {  	_ =	swait.ge [sflag:s18], $0x4000  }
0xfd: {  	[sflag:s18] =	ssyncset.done $0x0  }
0xfe: {  	[sflag:s18] =	ssyncadd.s32 $0xFFFFC000  }
0xff: {  	[spmem:s2] =	stream.indirect.scatter.add.f32 [tilespmem:s13], [sflag:$0x3], $0x80, s31, s16, $0xb8;
	[tilespmem:$0x1C800] =	vst v63  }
0x100: {  	_ =	swait.ge [sflag:s19], $0x4000  }
0x101: {  	[sflag:s19] =	ssyncset.done $0x0  }
0x102: {  	[sflag:s19] =	ssyncadd.s32 $0xFFFFC000  }
0x103: {  	[tilespmem:s13], [sflag:$0x1] =	stream.indirect.gather [hbm4b:s4+s16], $0x80, s1, s16, $0xb8;
	[tilespmem:$0x1C800] =	vst v63  }
0x104: {  	_ =	swait.ge [sflag:s21], $0x4000  }
0x105: {  	[sflag:s21] =	ssyncset.done $0x0  }
0x106: {  	[sflag:s21] =	ssyncadd.s32 $0xFFFFC000  }
0x107: {  	[spmem:s2] =	stream.indirect.scatter.add.f32 [tilespmem:s17], [sflag:$0x4], $0x80, s0, s16, $0xb8;
	[tilespmem:$0x1C800] =	vst v63  }
0x108: {  	_ =	swait.ge [sflag:s23], $0x4000  }
0x109: {  	[sflag:s23] =	ssyncset.done $0x0  }
0x10a: {  	[sflag:s23] =	ssyncadd.s32 $0xFFFFC000  }
0x10b: {  	[tilespmem:s17], [sflag:$0x2] =	stream.indirect.gather [hbm4b:s4+s16], $0x80, s6, s16, $0xb8;
	[tilespmem:$0x1C800] =	vst v63  }
0x10c: {  	_ =	swait.ge [sflag:s18], $0x4000  }
0x10d: {  	[sflag:s18] =	ssyncset.done $0x0  }
0x10e: {  	[sflag:s18] =	ssyncadd.s32 $0xFFFFC000  }
0x10f: {  	[spmem:s2] =	stream.indirect.scatter.add.f32 [tilespmem:s13], [sflag:$0x3], $0x80, s7, s16, $0xb8;
	[tilespmem:$0x1C800] =	vst v63  }
0x110: {  	_ =	swait.ge [sflag:s21], $0x4000  }
0x111: {  	[sflag:s21] =	ssyncset.done $0x0  }
0x112: {  	[sflag:s21] =	ssyncadd.s32 $0xFFFFC000  }
0x113: {  	[spmem:s2] =	stream.indirect.scatter.add.f32 [tilespmem:s17], [sflag:$0x4], $0x80, s8, s16, $0xb8;
	[tilespmem:$0x1C800] =	vst v63  }
0x114: {  	_ =	swait.ge [sflag:s19], $0x4000  }
0x115: {  	[sflag:s19] =	ssyncset.done $0x0  }
0x116: {  	[sflag:s19] =	ssyncadd.s32 $0xFFFFC000  }
0x117: {  	_ =	swait.ge [sflag:s23], $0x4000  }
0x118: {  	[sflag:s23] =	ssyncset.done $0x0  }
0x119: {  	[sflag:s23] =	ssyncadd.s32 $0xFFFFC000  }
0x11a: {  	s11 =	stileid.u32;
	[bflag:$0x0] =	sbarrier.arrive $0xFFFF  }
0x11b: {  	s5 =	sshll.u32 s11, $0x6;
	s9 =	rddreg [dreg:$0x6]  }
0x11c: {  	s5 =	sor.u32 $0x1C05, s5;
	s25 =	rddreg [dreg:$0xc]  }
0x11d: {  	[hbm:s9], [sflag:s5] =	dma.local [spmem:s25], $0x2800  }
0x11e: {  	_ =	swait.ge [sflag:s14], $0x2800  }
0x11f: {  	s11 =	rddreg [dreg:$0xd]  }
0x120: {  	s25 =	rddreg [dreg:$0x7];
	s9 =	sadd.s32 $0x1, s11  }
0x121: {  	p0 =	sne.s32 s9, s25  }
.Ltmp2:
0x122: {  	_ = 	snop;
	(pc) =	sbr.rel @p0 .LBB2_1-.Ltmp2, $3  }
0x123: {  	_ =	sdelay $0x1  }
0x124: {  	[sflag:s14] =	ssyncset.done $0x0  }
0x125: {  	[sflag:s14] =	ssyncadd.s32 $0xFFFFD800  }
0x126: {  	_ =	sfence.sel $0x180000  }
0x127: {  	[bflag:$0x0] =	sbarrier.arrive $0xFFFF  }
0x128: {  	_ =	strace $0x90000053  }
0x129: {  	s0 =	stileid.u32;
	[bflag:$0x2] =	sbarrier.arrive $0xFFFF  }
0x12a: {  	p0 =	sne.s32 s0, $0x0;
	s0 =	rddreg [dreg:$0x3]  }
0x12b: {  	s0 =	sadd.s32 @!p0 $0x100000, s0  }
0x12c: {  	[sflag:s0] =	ssyncadd.tile.s32 @!p0 $0x1;
	_ =	shalt  }
.Lfunc_end2:
_tile_overlayer_lowered:
.L_overlay_start_2:
0x12d: {  	(tag) =	ssettag $0x2  }
0x12e: {  	s0 =	rddreg [dreg:$0x0];
	s2 =	stileid.u32  }
0x12f: {  	s1 =	rddreg [dreg:$0x1];
	p0 =	sne.s32 s2, $0x0  }
0x130: {  	s3 =	rddreg [dreg:$0x2];
	[bflag:$0x3] =	sbarrier.arrive $0xFFFF;
	s2 =	simm.s32 @!p0 $0x1C05  }
0x131: {  	[timem:s3], [sflag:s2] =	dma.local @!p0 [hbm:s0], s1  }
0x132: {  	s0 =	simm.s32 @!p0 $0x5  }
0x133: {  	_ =	swait.ge @!p0 [sflag:s0], s1  }
0x134: {  	s1 =	ssub.s32 @!p0 $0x0, s1;
	[sflag:s0] =	ssyncset.done @!p0 $0x0  }
0x135: {  	[sflag:s0] =	ssyncadd.s32 @!p0 s1  }
0x136: {  	[bflag:$0x3] =	sbarrier.arrive $0xFFFF  }
0x137: {  	_ =	shalt  }

// kernel: kernel.24.cloned.1.call-start
scs
__scs_entry_jumppad:
0x0: {  	(pc) =	sbr.rel $0x88, $3  }
0x1: {  	(tag) =	ssettag $0x0;
	lr =	simm.s32 $0x1  }
0x2: {  	[smem:$0x3F96] =	sst lr;
	_ =	strace $0xD0000000  }
0x3: {  	_ = 	snop  }
0x4: {  	_ = 	snop  }
0x5: {  	_ = 	snop  }
0x6: {  	_ = 	snop  }
0x7: {  	_ = 	snop  }
__scs_overlays_trampoline_lowered:
0x8: {  	[smem:$0x3FA5] =	sst s0  }
0x9: {  	[smem:$0x3FA6] =	sst s1  }
0xa: {  	[smem:$0x3FA7] =	sst s2  }
0xb: {  	[smem:$0x3FA8] =	sst s3  }
0xc: {  	[smem:$0x3FA9] =	sst s4  }
0xd: {  	[smem:$0x3FAA] =	sst s5  }
0xe: {  	[smem:$0x3FAB] =	sst s6  }
0xf: {  	[smem:$0x3FAC] =	sst s7  }
0x10: {  	[smem:$0x3FAD] =	sst s8  }
0x11: {  	[smem:$0x3FAE] =	sst s9;
	s0 =	simm.s32 @!p0 $0x0  }
0x12: {  	s1 =	sld [smem:$0x3F94];
	s0 =	simm.s32 @p0 $0x1  }
0x13: {  	[smem:$0x3FAF] =	sst s0;
	s0 =	simm.s32 @!p1 $0x0  }
0x14: {  	s2 =	sld [smem:$0x3F93];
	s0 =	simm.s32 @p1 $0x1  }
0x15: {  	[smem:$0x3FB0] =	sst s0;
	s0 =	simm.s32 @!p2 $0x0  }
0x16: {  	s3 =	sld [smem:$0x3FDB];
	s0 =	simm.s32 @p2 $0x1  }
0x17: {  	s4 =	simm.s32 $0x1BF5;
	[smem:$0x3FB2] =	sst s0  }
0x18: {  	s0 =	sld [smem:$0x3F95];
	_ =	swait.ge [sflag:s4], $0x0  }
0x19: {  	s7 =	sld [smem:$0x3F96]  }
0x1a: {  	s8 =	sadd.s32 $0xFFFFE003, lr  }
0x1b: {  	s9 =	sadd.s32 $0xFFFFFEF7, lr;
	s5 =	simm.s32 $0xFFFFFFFF;
	p2 =	slt.u32 s8, $0xFFFFF086  }
0x1c: {  	p1 =	slt.u32 s9, $0xF7A;
	s5 =	simm.s32 @!p2 $0x0  }
0x1d: {  	s5 =	simm.s32 @p1 $0x1;
	p0 =	seq.s32 s7, s2  }
0x1e: {  	s7 =	smul.u32 @!p0 $0xF7A, s2;
	p2 =	seq.s32 @!p0 s5, $0x0  }
0x1f: {  	s9 =	smul.u32 $0xF7A, s1;
	s8 =	simm.s32 @!p0 $0x1BF5;
	p2 =	por !p2, p0  }
0x20: {  	[sflag:s8] =	ssyncset.s32 @!p0 $0xFFFFF086;
	s6 =	sadd.s32 @!p0 s3, s7;
	s7 =	simm.s32 @!p0 $0x108  }
0x21: {  	s3 =	sadd.s32 s3, s9;
	s6 =	sadd.s32 @!p0 $0x88, s6;
	s7 =	simm.s32 @p2 $0x1082  }
0x22: {  	[simem:s7], [sflag:s8] =	dma.local @!p0 [hbm:s6], $0xF7A  }
0x23: {  	s9 =	sor.u32 $0xD0000000, s2;
	s6 =	simm.s32 $0x108;
	_ =	swait.ge @!p0 [sflag:s8], $0x0  }
0x24: {  	s3 =	sadd.s32 $0x88, s3;
	s6 =	simm.s32 @!p1 $0x1082;
	[sflag:s4] =	ssyncset.s32 $0xFFFFF086  }
0x25: {  	[simem:s6], [sflag:s4] =	dma.local [hbm:s3], $0xF7A  }
0x26: {  	[smem:$0x3F96] =	sst s1;
	(tag) =	ssettag s2;
	_ =	strace s9  }
0x27: {  	s1 =	sld [smem:$0x3FA6]  }
0x28: {  	s2 =	sld [smem:$0x3FA7]  }
0x29: {  	s4 =	sld [smem:$0x3FA9]  }
0x2a: {  	p0 =	seq.s32 s5, $0x0;
	s5 =	sld [smem:$0x3FAA]  }
0x2b: {  	s6 =	sld [smem:$0x3FAB]  }
0x2c: {  	s7 =	sld [smem:$0x3FAC]  }
0x2d: {  	s3 =	simm.s32 $0x108;
	s8 =	sld [smem:$0x3FAD]  }
0x2e: {  	s3 =	simm.s32 @!p0 $0x1082;
	s9 =	sld [smem:$0x3FAE]  }
0x2f: {  	lr =	sadd.s32 s0, s3;
	s0 =	sld [smem:$0x3FA5]  }
0x30: {  	s3 =	sld [smem:$0x3FA8]  }
0x31: {  	[smem:$0x3FB1] =	sst s10  }
0x32: {  	s10 =	sld [smem:$0x3FAF];
	_ =	sdelay $0x3  }
0x33: {  	p0 =	seq.s32 s10, $0x1;
	s10 =	sld [smem:$0x3FB1];
	_ =	sdelay $0x3  }
0x34: {  	[smem:$0x3FB1] =	sst s10  }
0x35: {  	s10 =	sld [smem:$0x3FB0];
	_ =	sdelay $0x3  }
0x36: {  	p1 =	seq.s32 s10, $0x1;
	s10 =	sld [smem:$0x3FB1];
	_ =	sdelay $0x3  }
0x37: {  	[smem:$0x3FB1] =	sst s10  }
0x38: {  	s10 =	sld [smem:$0x3FB2]  }
0x39: {  	_ = 	snop;
	(pc) =	sbr.ind lr, $3  }
0x3a: {  	_ = 	snop  }
0x3b: {  	_ = 	snop  }
0x3c: {  	p2 =	seq.s32 s10, $0x1;
	s10 =	sld [smem:$0x3FB1]  }
0x3d: {  	_ =	shalt  }
0x3e: {  	_ =	shalt  }
0x3f: {  	_ =	shalt  }
0x40: {  	_ =	shalt  }
0x41: {  	_ =	shalt  }
0x42: {  	_ =	shalt  }
0x43: {  	_ =	shalt  }
0x44: {  	_ =	shalt  }
0x45: {  	_ =	shalt  }
0x46: {  	_ =	shalt  }
0x47: {  	_ =	shalt  }
0x48: {  	_ =	shalt  }
0x49: {  	_ =	shalt  }
0x4a: {  	_ =	shalt  }
0x4b: {  	_ =	shalt  }
0x4c: {  	_ =	shalt  }
0x4d: {  	_ =	shalt  }
0x4e: {  	_ =	shalt  }
0x4f: {  	_ =	shalt  }
0x50: {  	_ =	shalt  }
0x51: {  	_ =	shalt  }
0x52: {  	_ =	shalt  }
0x53: {  	_ =	shalt  }
0x54: {  	_ =	shalt  }
0x55: {  	_ =	shalt  }
0x56: {  	_ =	shalt  }
0x57: {  	_ =	shalt  }
0x58: {  	_ =	shalt  }
0x59: {  	_ =	shalt  }
0x5a: {  	_ =	shalt  }
0x5b: {  	_ =	shalt  }
0x5c: {  	_ =	shalt  }
0x5d: {  	_ =	shalt  }
0x5e: {  	_ =	shalt  }
0x5f: {  	_ =	shalt  }
0x60: {  	_ =	shalt  }
0x61: {  	_ =	shalt  }
0x62: {  	_ =	shalt  }
0x63: {  	_ =	shalt  }
0x64: {  	_ =	shalt  }
0x65: {  	_ =	shalt  }
0x66: {  	_ =	shalt  }
0x67: {  	_ =	shalt  }
0x68: {  	_ =	shalt  }
0x69: {  	_ =	shalt  }
0x6a: {  	_ =	shalt  }
0x6b: {  	_ =	shalt  }
0x6c: {  	_ =	shalt  }
0x6d: {  	_ =	shalt  }
0x6e: {  	_ =	shalt  }
0x6f: {  	_ =	shalt  }
0x70: {  	_ =	shalt  }
0x71: {  	_ =	shalt  }
0x72: {  	_ =	shalt  }
0x73: {  	_ =	shalt  }
0x74: {  	_ =	shalt  }
0x75: {  	_ =	shalt  }
0x76: {  	_ =	shalt  }
0x77: {  	_ =	shalt  }
0x78: {  	_ =	shalt  }
0x79: {  	_ =	shalt  }
0x7a: {  	_ =	shalt  }
0x7b: {  	_ =	shalt  }
0x7c: {  	_ =	shalt  }
0x7d: {  	_ =	shalt  }
0x7e: {  	_ =	shalt  }
0x7f: {  	_ =	shalt  }
0x80: {  	_ =	shalt  }
0x81: {  	_ =	shalt  }
0x82: {  	_ =	shalt  }
0x83: {  	_ =	shalt  }
0x84: {  	_ =	shalt  }
0x85: {  	_ =	shalt  }
0x86: {  	_ =	shalt  }
0x87: {  	_ =	shalt  }
.Lfunc_end0:
.L_simem_size_0:
called_computation.4_lowered:
.L_overlay_start_0:
0x88: {  	s2 =	sld [smem:$0x3FD9]  }
0x89: {  	s3 =	sld [smem:$0x3FFE];
	_ =	sdelay $0x1  }
0x8a: {  	s1 =	srdreg.scid  }
0x8b: {  	s0 =	sand.u32 $0x1, s1  }
0x8c: {  	s16 =	sshll.u32 s0, $0xA;
	s2 =	sadd.s32 s3, s2  }
0x8d: {  	s2 =	sadd.s32 s2, s16  }
0x8e: {  	[smem:$0x3FBD] =	sst s2  }
0x8f: {  	_ = 	snop  }
0x90: {  	(tm) =	ssettm $0x1  }
0x91: {  	s17 =	sld [smem:$0x3FFB];
	_ =	sdelay $0x3  }
0x92: {  	_ =	strace s17  }
0x93: {  	s2 =	sld [smem:$0x3FFC];
	_ =	sdelay $0x3  }
0x94: {  	_ =	strace s2  }
0x95: {  	s2 =	sld [smem:$0x3FFD];
	_ =	sdelay $0x3  }
0x96: {  	_ =	strace s2  }
0x97: {  	_ =	strace $0x8FFFFFFF  }
0x98: {  	s18 =	sld [smem:$0x3FDB];
	_ =	sdelay $0x1  }
0x99: {  	s19 =	simm.s32 $_scs_section_size  }
0x9a: {  	s4 =	simm.s32 $_size__tile_overlayer_lowered;
	s5 =	simm.s32 $_tile_overlayer_lowered  }
0x9b: {  	s22 =	simm.s32 $0x1BFF;
	s21 =	sshll.u32 s5, $0x1;
	s2 =	sadd.s32 s19, s18  }
0x9c: {  	s6 =	simm.s32 $0x0;
	s20 =	sshll.u32 s4, $0x1;
	s4 =	sadd.s32 s21, s2  }
0x9d: {  	[timem:s6], [sflag:s22] =	dma.local [hbm:s4], s20  }
0x9e: {  	_ =	swait.ge [sflag:s22], s20  }
0x9f: {  	s3 =	ssub.s32 $0x0, s20;
	[sflag:s22] =	ssyncset.done $0x0  }
0xa0: {  	[sflag:s22] =	ssyncadd.s32 s3;
	_ =	sdelay $0x1  }
0xa1: {  	s23 =	simm.s32 $0x1B8B  }
0xa2: {  	_ =	swait.ge [sflag:s23], $0x1  }
0xa3: {  	[sflag:s23] =	ssyncset.done $0x0  }
0xa4: {  	s25 =	simm.s32 $0x1B8E;
	s24 =	sld [smem:$0x3FFE];
	[sflag:s23] =	ssyncadd.s32 $0xFFFFFFFF  }
0xa5: {  	s26 =	simm.s32 $execute0_lowered;
	[smem:$0x3FD2] =	sst s25  }
0xa6: {  	s4 =	sshll.u32 s26, $0x1;
	_ =	strace $0x8000004F;
	[dreg:$0x1] =	wrdreg $0xFFFFFFFF  }
0xa7: {  	s28 =	simm.s32 $_size_execute0_lowered;
	s2 =	sadd.s32 s2, s4;
	[dreg:$0x0] =	wrdreg $0x0  }
0xa8: {  	s4 =	sshll.u32 s28, $0x1;
	[dreg:$0x2] =	wrdreg s2  }
0xa9: {  	[dreg:$0x3] =	wrdreg s4  }
0xaa: {  	[dreg:$0x4] =	wrdreg $0xC0  }
0xab: {  	_ =	task [dreg:s6], $0x5FFFF  }
0xac: {  	[dreg:$0x1] =	wrdreg $0xFFFFFFFF  }
0xad: {  	[dreg:$0x0] =	wrdreg $0x60  }
0xae: {  	[dreg:$0x2] =	wrdreg s24  }
0xaf: {  	[dreg:$0x3] =	wrdreg $0x88000  }
0xb0: {  	[dreg:$0x4] =	wrdreg $0xA  }
0xb1: {  	_ =	task.clear_ibuf [dreg:s6], $0x5FFFF;
	_ =	strace $0x9000004F  }
0xb2: {  	s29 =	simm.s32 $0xA;
	_ =	strace $0x80000051  }
0xb3: {  	_ =	swait.ge [sflag:s29], $0x1  }
0xb4: {  	[sflag:s29] =	ssyncadd.s32 $0xFFFFFFFF  }
0xb5: {  	_ =	strace $0x90000051  }
0xb6: {  	_ =	sfence  }
0xb7: {  	s30 =	sld [smem:$0x0];
	_ =	sdelay $0x2  }
0xb8: {  	s31 =	sshll.u32 s1, $0xD;
	s1 =	sshrl.u32 s1, $0x2  }
0xb9: {  	s3 =	sand.u32 $0x4000, s31;
	s1 =	sadd.s32 s1, s30  }
0xba: {  	s0 =	sor.u32 s3, s0;
	s1 =	sshll.u32 s1, $0x11  }
0xbb: {  	s0 =	sor.u32 s1, s0  }
0xbc: {  	s0 =	sadd.s32 $0x8F2B, s0  }
0xbd: {  	[sflag:s0] =	ssyncadd.remote.s32 $0x1  }
0xbe: {  	_ =	sfence.sel $0xFFFF  }
0xbf: {  	[dreg:$0x0] =	wrdreg $0xFFFFFFFF;
	(pc) =	sbr.abs _section_cstart, $3  }
0xc0: {  	[dreg:$0x1] =	wrdreg $0xFFFFFFFF  }
0xc1: {  	_ =	task.clear_ibuf [dreg:s6], $0x2FFFF;
	_ =	strace $0x9FFFFFFF  }
0xc2: {  	(tm) =	ssettm $0x7FFFFFFF  }
0xc3: {  	_ =	shalt  }
tec
execute0_lowered:
.L_overlay_start_1:
0x0: {  	(tag) =	ssettag $0x1  }
0x1: {  	s0 =	srdreg.scid;
	s1 =	rddreg [dreg:$0x0]  }
0x2: {  	s9 =	stileid.u32;
	s2 =	rddreg [dreg:$0x1]  }
0x3: {  	s3 =	simm.s32 $0x0;
	s13 =	simm.s32 $0x800;
	s14 =	simm.s32 $0x5  }
0x4: {  	s15 =	simm.s32 $0x400;
	s16 =	simm.s32 $0x80;
	s17 =	simm.s32 $0x4800  }
0x5: {  	s18 =	simm.s32 $0x1;
	s28 =	simm.s32 $0x200;
	s5 =	smul.u32 $0x26800, s9  }
0x6: {  	s29 =	simm.s32 $0x580;
	s30 =	simm.s32 $0x280;
	s8 =	smul.u32 $0x14000, s9  }
0x7: {  	s31 =	simm.s32 $0x600;
	s0 =	sand.u32 $0x1, s0;
	s20 =	smul.u32 $0x50000, s9  }
0x8: {  	[smem:$0x7FF] =	sst s3;
	s4 =	sadd.s32 $0x14D800, s1;
	s6 =	smul.u32 $0x13400, s0  }
0x9: {  	s9 =	simm.s32 $0x0;
	s7 =	smul.u32 $0x140000, s0;
	_ =	strace $0x80000050  }
0xa: {  	s0 =	ssub.s32 $0x2, s0;
	s11 =	sadd.s32 s8, s2;
	s5 =	sadd.s32 s6, s5  }
0xb: {  	s19 =	sadd.s32 s8, s7;
	s6 =	sshrl.u32 s0, $0x1;
	s7 =	sshrl.u32 s20, $0x2  }
0xc: {  	s20 =	simm.s32 $0x100;
	s8 =	simm.s32 $0x780;
	s5 =	sshrl.u32 s5, $0x3  }
0xd: {  	s26 =	sshrl.u32 s19, $0x3;
	s0 =	ssub.s32 s0, s6;
	s10 =	sadd.s32 s7, s2  }
0xe: {  	s19 =	simm.s32 $0x3;
	s6 =	simm.s32 $0x380;
	s7 =	simm.s32 $0x700  }
0xf: {  	s21 =	sadd.s32 s5, s1;
	s0 =	smax.u32 s0, $0x1;
	[dreg:$0x4] =	wrdreg s10  }
0x10: {  	s1 =	sadd.s32 s26, s1;
	s22 =	sadd.s32 $0x4000, s10;
	[dreg:$0x6] =	wrdreg s0  }
0x11: {  	s23 =	sadd.s32 $0x8000, s10;
	s24 =	sadd.s32 $0xC000, s10;
	[dreg:$0x7] =	wrdreg s22  }
0x12: {  	s5 =	sadd.s32 $0x10000, s10;
	s26 =	sshrl.u32 s11, $0x3;
	[dreg:$0x8] =	wrdreg s23  }
0x13: {  	s1 =	sadd.s32 $0x19BC00, s1;
	[dreg:$0x9] =	wrdreg s24;
	s25 =	sadd.s32 $0x4800, s21  }
0x14: {  	[dreg:$0xa] =	wrdreg s5;
	s12 =	sadd.s32 $0x60800, s21;
	s21 =	simm.s32 $0x2  }
0x15: {  	s22 =	simm.s32 $0x480;
	s23 =	simm.s32 $0x4;
	[dreg:$0xb] =	wrdreg s26  }
0x16: {  	s24 =	simm.s32 $0x180;
	s26 =	simm.s32 $0x500;
	[dreg:$0x5] =	wrdreg s1  }
0x17: {  	v0 =	vimm.f32 $0.0e+00;
	s0 =	simm.s32 $0x680;
	[dreg:$0x3] =	wrdreg s25;
	s1 =	simm.s32 $0x300  }
.LBB2_1:
0x18: {  	s10 =	simm.s32 $0x0;
	s11 =	simm.s32 $0x200  }
.LBB2_2:
0x19: {  	p0 =	sne.s32 s11, $0xFE00;
	[tilespmem:s10+$0x870] =	vst v0  }
0x1a: {  	[tilespmem:s10+$0x800] =	vst v0  }
0x1b: {  	[tilespmem:s10+$0x810] =	vst v0  }
.Ltmp0:
0x1c: {  	[tilespmem:s10+$0x820] =	vst v0;
	(pc) =	sbr.rel @p0 .LBB2_2-.Ltmp0, $4  }
0x1d: {  	[tilespmem:s10+$0x830] =	vst v0  }
0x1e: {  	[tilespmem:s10+$0x840] =	vst v0  }
0x1f: {  	[tilespmem:s10+$0x850] =	vst v0  }
0x20: {  	[tilespmem:s10+$0x860] =	vst v0;
	s10 =	sshra.s32 s11, $0x2;
	s11 =	sadd.s32 $0x200, s11  }
0x21: {  	[tilespmem:s10+$0x870] =	vst v0  }
0x22: {  	[tilespmem:s10+$0x800] =	vst v0  }
0x23: {  	[tilespmem:s10+$0x810] =	vst v0  }
0x24: {  	[tilespmem:s10+$0x820] =	vst v0  }
0x25: {  	[tilespmem:s10+$0x830] =	vst v0  }
0x26: {  	[tilespmem:s10+$0x840] =	vst v0  }
0x27: {  	[dreg:$0xc] =	wrdreg s9;
	[tilespmem:s10+$0x850] =	vst v0  }
0x28: {  	[tilespmem:s10+$0x860] =	vst v0;
	s5 =	rddreg [dreg:$0x4]  }
0x29: {  	[spmem:s5] =	stream.linear.scatter [tilespmem:s13], [sflag:$0x5], $0x4000, $0x38;
	[tilespmem:$0x1C800] =	vst v63  }
0x2a: {  	_ =	swait.ge [sflag:s14], $0x4000  }
0x2b: {  	[sflag:s14] =	ssyncset.done $0x0  }
0x2c: {  	s11 =	rddreg [dreg:$0x7];
	[sflag:s14] =	ssyncadd.s32 $0xFFFFC000  }
0x2d: {  	[spmem:s11] =	stream.linear.scatter [tilespmem:s13], [sflag:$0x5], $0x4000, $0x38;
	[tilespmem:$0x1C800] =	vst v63  }
0x2e: {  	_ =	swait.ge [sflag:s14], $0x4000  }
0x2f: {  	[sflag:s14] =	ssyncset.done $0x0  }
0x30: {  	s25 =	rddreg [dreg:$0x8];
	[sflag:s14] =	ssyncadd.s32 $0xFFFFC000  }
0x31: {  	[spmem:s25] =	stream.linear.scatter [tilespmem:s13], [sflag:$0x5], $0x4000, $0x38;
	[tilespmem:$0x1C800] =	vst v63  }
0x32: {  	_ =	swait.ge [sflag:s14], $0x4000  }
0x33: {  	[sflag:s14] =	ssyncset.done $0x0  }
0x34: {  	s9 =	rddreg [dreg:$0x9];
	[sflag:s14] =	ssyncadd.s32 $0xFFFFC000  }
0x35: {  	[spmem:s9] =	stream.linear.scatter [tilespmem:s13], [sflag:$0x5], $0x4000, $0x38;
	[tilespmem:$0x1C800] =	vst v63  }
0x36: {  	_ =	swait.ge [sflag:s14], $0x4000  }
0x37: {  	[sflag:s14] =	ssyncset.done $0x0  }
0x38: {  	s10 =	rddreg [dreg:$0xa];
	[sflag:s14] =	ssyncadd.s32 $0xFFFFC000  }
0x39: {  	[spmem:s10] =	stream.linear.scatter [tilespmem:s13], [sflag:$0x5], $0x4000, $0x38;
	[tilespmem:$0x1C800] =	vst v63  }
0x3a: {  	_ =	swait.ge [sflag:s14], $0x4000  }
0x3b: {  	[sflag:s14] =	ssyncset.done $0x0  }
0x3c: {  	[sflag:s14] =	ssyncadd.s32 $0xFFFFC000  }
0x3d: {  	s11 =	sadd.s32 $0x0, s12;
	[bflag:$0x0] =	sbarrier.arrive $0xFFFF  }
0x3e: {  	[tilespmem:s3], [sflag:$0x5] =	stream.linear.gather [hbm4b:s11+s3], $0x400, $0x38;
	[tilespmem:$0x1C800] =	vst v63  }
0x3f: {  	_ =	swait.ge [sflag:s14], $0x400  }
0x40: {  	s25 =	rddreg [dreg:$0x3];
	[sflag:s14] =	ssyncset.done $0x0  }
0x41: {  	[sflag:s14] =	ssyncadd.s32 $0xFFFFFC00;
	s10 =	sadd.s32 $0x0, s25  }
0x42: {  	[tilespmem:s15], [sflag:$0x5] =	stream.linear.gather [hbm4b:s10+s3], $0x400, $0x38;
	[tilespmem:$0x1C800] =	vst v63  }
0x43: {  	_ =	swait.ge [sflag:s14], $0x400  }
0x44: {  	[sflag:s14] =	ssyncset.done $0x0  }
0x45: {  	[sflag:s14] =	ssyncadd.s32 $0xFFFFFC00  }
0x46: {  	[tilespmem:s13], [sflag:$0x1] =	stream.indirect.gather [hbm4b:s4+s16], $0x80, s3, s16, $0xb8;
	[tilespmem:$0x1C800] =	vst v63  }
0x47: {  	_ = 	snop  }
0x48: {  	[tilespmem:s17], [sflag:$0x2] =	stream.indirect.gather [hbm4b:s4+s16], $0x80, s16, s16, $0xb8;
	[tilespmem:$0x1C800] =	vst v63  }
0x49: {  	_ =	swait.ge [sflag:s18], $0x4000  }
0x4a: {  	[sflag:s18] =	ssyncset.done $0x0  }
0x4b: {  	[sflag:s18] =	ssyncadd.s32 $0xFFFFC000  }
0x4c: {  	[spmem:s2] =	stream.indirect.scatter.add.f32 [tilespmem:s13], [sflag:$0x3], $0x80, s15, s16, $0xb8;
	[tilespmem:$0x1C800] =	vst v63  }
0x4d: {  	_ =	swait.ge [sflag:s19], $0x4000  }
0x4e: {  	[sflag:s19] =	ssyncset.done $0x0  }
0x4f: {  	[sflag:s19] =	ssyncadd.s32 $0xFFFFC000  }
0x50: {  	[tilespmem:s13], [sflag:$0x1] =	stream.indirect.gather [hbm4b:s4+s16], $0x80, s20, s16, $0xb8;
	[tilespmem:$0x1C800] =	vst v63  }
0x51: {  	_ =	swait.ge [sflag:s21], $0x4000  }
0x52: {  	[sflag:s21] =	ssyncset.done $0x0  }
0x53: {  	[sflag:s21] =	ssyncadd.s32 $0xFFFFC000  }
0x54: {  	[spmem:s2] =	stream.indirect.scatter.add.f32 [tilespmem:s17], [sflag:$0x4], $0x80, s22, s16, $0xb8;
	[tilespmem:$0x1C800] =	vst v63  }
0x55: {  	_ =	swait.ge [sflag:s23], $0x4000  }
0x56: {  	[sflag:s23] =	ssyncset.done $0x0  }
0x57: {  	[sflag:s23] =	ssyncadd.s32 $0xFFFFC000  }
0x58: {  	[tilespmem:s17], [sflag:$0x2] =	stream.indirect.gather [hbm4b:s4+s16], $0x80, s24, s16, $0xb8;
	[tilespmem:$0x1C800] =	vst v63  }
0x59: {  	_ =	swait.ge [sflag:s18], $0x4000  }
0x5a: {  	[sflag:s18] =	ssyncset.done $0x0  }
0x5b: {  	[sflag:s18] =	ssyncadd.s32 $0xFFFFC000  }
0x5c: {  	[spmem:s2] =	stream.indirect.scatter.add.f32 [tilespmem:s13], [sflag:$0x3], $0x80, s26, s16, $0xb8;
	[tilespmem:$0x1C800] =	vst v63  }
0x5d: {  	_ =	swait.ge [sflag:s19], $0x4000  }
0x5e: {  	[sflag:s19] =	ssyncset.done $0x0  }
0x5f: {  	[sflag:s19] =	ssyncadd.s32 $0xFFFFC000  }
0x60: {  	[tilespmem:s13], [sflag:$0x1] =	stream.indirect.gather [hbm4b:s4+s16], $0x80, s28, s16, $0xb8;
	[tilespmem:$0x1C800] =	vst v63  }
0x61: {  	_ =	swait.ge [sflag:s21], $0x4000  }
0x62: {  	[sflag:s21] =	ssyncset.done $0x0  }
0x63: {  	[sflag:s21] =	ssyncadd.s32 $0xFFFFC000  }
0x64: {  	[spmem:s2] =	stream.indirect.scatter.add.f32 [tilespmem:s17], [sflag:$0x4], $0x80, s29, s16, $0xb8;
	[tilespmem:$0x1C800] =	vst v63  }
0x65: {  	_ =	swait.ge [sflag:s23], $0x4000  }
0x66: {  	[sflag:s23] =	ssyncset.done $0x0  }
0x67: {  	[sflag:s23] =	ssyncadd.s32 $0xFFFFC000  }
0x68: {  	[tilespmem:s17], [sflag:$0x2] =	stream.indirect.gather [hbm4b:s4+s16], $0x80, s30, s16, $0xb8;
	[tilespmem:$0x1C800] =	vst v63  }
0x69: {  	_ =	swait.ge [sflag:s18], $0x4000  }
0x6a: {  	[sflag:s18] =	ssyncset.done $0x0  }
0x6b: {  	[sflag:s18] =	ssyncadd.s32 $0xFFFFC000  }
0x6c: {  	[spmem:s2] =	stream.indirect.scatter.add.f32 [tilespmem:s13], [sflag:$0x3], $0x80, s31, s16, $0xb8;
	[tilespmem:$0x1C800] =	vst v63  }
0x6d: {  	_ =	swait.ge [sflag:s19], $0x4000  }
0x6e: {  	[sflag:s19] =	ssyncset.done $0x0  }
0x6f: {  	[sflag:s19] =	ssyncadd.s32 $0xFFFFC000  }
0x70: {  	[tilespmem:s13], [sflag:$0x1] =	stream.indirect.gather [hbm4b:s4+s16], $0x80, s1, s16, $0xb8;
	[tilespmem:$0x1C800] =	vst v63  }
0x71: {  	_ =	swait.ge [sflag:s21], $0x4000  }
0x72: {  	[sflag:s21] =	ssyncset.done $0x0  }
0x73: {  	[sflag:s21] =	ssyncadd.s32 $0xFFFFC000  }
0x74: {  	[spmem:s2] =	stream.indirect.scatter.add.f32 [tilespmem:s17], [sflag:$0x4], $0x80, s0, s16, $0xb8;
	[tilespmem:$0x1C800] =	vst v63  }
0x75: {  	_ =	swait.ge [sflag:s23], $0x4000  }
0x76: {  	[sflag:s23] =	ssyncset.done $0x0  }
0x77: {  	[sflag:s23] =	ssyncadd.s32 $0xFFFFC000  }
0x78: {  	[tilespmem:s17], [sflag:$0x2] =	stream.indirect.gather [hbm4b:s4+s16], $0x80, s6, s16, $0xb8;
	[tilespmem:$0x1C800] =	vst v63  }
0x79: {  	_ =	swait.ge [sflag:s18], $0x4000  }
0x7a: {  	[sflag:s18] =	ssyncset.done $0x0  }
0x7b: {  	[sflag:s18] =	ssyncadd.s32 $0xFFFFC000  }
0x7c: {  	[spmem:s2] =	stream.indirect.scatter.add.f32 [tilespmem:s13], [sflag:$0x3], $0x80, s7, s16, $0xb8;
	[tilespmem:$0x1C800] =	vst v63  }
0x7d: {  	_ =	swait.ge [sflag:s21], $0x4000  }
0x7e: {  	[sflag:s21] =	ssyncset.done $0x0  }
0x7f: {  	[sflag:s21] =	ssyncadd.s32 $0xFFFFC000  }
0x80: {  	[spmem:s2] =	stream.indirect.scatter.add.f32 [tilespmem:s17], [sflag:$0x4], $0x80, s8, s16, $0xb8;
	[tilespmem:$0x1C800] =	vst v63  }
0x81: {  	_ =	swait.ge [sflag:s19], $0x4000  }
0x82: {  	[sflag:s19] =	ssyncset.done $0x0  }
0x83: {  	[sflag:s19] =	ssyncadd.s32 $0xFFFFC000  }
0x84: {  	_ =	swait.ge [sflag:s23], $0x4000  }
0x85: {  	s11 =	simm.s32 $0x100;
	s10 =	simm.s32 $0x80;
	[sflag:s23] =	ssyncset.done $0x0  }
.LBB2_4:
0x86: {  	s5 =	sadd.s32 s10, s12;
	[sflag:s23] =	ssyncadd.s32 $0xFFFFC000  }
0x87: {  	[tilespmem:s3], [sflag:$0x5] =	stream.linear.gather [hbm4b:s5+s3], $0x400, $0x38;
	[tilespmem:$0x1C800] =	vst v63  }
0x88: {  	s9 =	smov.u32 s11;
	s25 =	sadd.s32 $0x80, s11;
	_ =	swait.ge [sflag:s14], $0x400  }
0x89: {  	p0 =	sne.s32 s11, $0x2600;
	s11 =	rddreg [dreg:$0x3];
	[sflag:s14] =	ssyncset.done $0x0  }
0x8a: {  	[sflag:s14] =	ssyncadd.s32 $0xFFFFFC00;
	s5 =	sadd.s32 s10, s11  }
0x8b: {  	[tilespmem:s15], [sflag:$0x5] =	stream.linear.gather [hbm4b:s5+s3], $0x400, $0x38;
	[tilespmem:$0x1C800] =	vst v63  }
0x8c: {  	_ =	swait.ge [sflag:s14], $0x400  }
0x8d: {  	[sflag:s14] =	ssyncset.done $0x0  }
0x8e: {  	[sflag:s14] =	ssyncadd.s32 $0xFFFFFC00  }
0x8f: {  	[tilespmem:s13], [sflag:$0x1] =	stream.indirect.gather [hbm4b:s4+s16], $0x80, s3, s16, $0xb8;
	[tilespmem:$0x1C800] =	vst v63  }
0x90: {  	_ = 	snop  }
0x91: {  	[tilespmem:s17], [sflag:$0x2] =	stream.indirect.gather [hbm4b:s4+s16], $0x80, s16, s16, $0xb8;
	[tilespmem:$0x1C800] =	vst v63  }
0x92: {  	_ =	swait.ge [sflag:s18], $0x4000  }
0x93: {  	[sflag:s18] =	ssyncset.done $0x0  }
0x94: {  	[sflag:s18] =	ssyncadd.s32 $0xFFFFC000  }
0x95: {  	[spmem:s2] =	stream.indirect.scatter.add.f32 [tilespmem:s13], [sflag:$0x3], $0x80, s15, s16, $0xb8;
	[tilespmem:$0x1C800] =	vst v63  }
0x96: {  	_ =	swait.ge [sflag:s19], $0x4000  }
0x97: {  	[sflag:s19] =	ssyncset.done $0x0  }
0x98: {  	[sflag:s19] =	ssyncadd.s32 $0xFFFFC000  }
0x99: {  	[tilespmem:s13], [sflag:$0x1] =	stream.indirect.gather [hbm4b:s4+s16], $0x80, s20, s16, $0xb8;
	[tilespmem:$0x1C800] =	vst v63  }
0x9a: {  	_ =	swait.ge [sflag:s21], $0x4000  }
0x9b: {  	[sflag:s21] =	ssyncset.done $0x0  }
0x9c: {  	[sflag:s21] =	ssyncadd.s32 $0xFFFFC000  }
0x9d: {  	[spmem:s2] =	stream.indirect.scatter.add.f32 [tilespmem:s17], [sflag:$0x4], $0x80, s22, s16, $0xb8;
	[tilespmem:$0x1C800] =	vst v63  }
0x9e: {  	_ =	swait.ge [sflag:s23], $0x4000  }
0x9f: {  	[sflag:s23] =	ssyncset.done $0x0  }
0xa0: {  	[sflag:s23] =	ssyncadd.s32 $0xFFFFC000  }
0xa1: {  	[tilespmem:s17], [sflag:$0x2] =	stream.indirect.gather [hbm4b:s4+s16], $0x80, s24, s16, $0xb8;
	[tilespmem:$0x1C800] =	vst v63  }
0xa2: {  	_ =	swait.ge [sflag:s18], $0x4000  }
0xa3: {  	[sflag:s18] =	ssyncset.done $0x0  }
0xa4: {  	[sflag:s18] =	ssyncadd.s32 $0xFFFFC000  }
0xa5: {  	[spmem:s2] =	stream.indirect.scatter.add.f32 [tilespmem:s13], [sflag:$0x3], $0x80, s26, s16, $0xb8;
	[tilespmem:$0x1C800] =	vst v63  }
0xa6: {  	_ =	swait.ge [sflag:s19], $0x4000  }
0xa7: {  	[sflag:s19] =	ssyncset.done $0x0  }
0xa8: {  	[sflag:s19] =	ssyncadd.s32 $0xFFFFC000  }
0xa9: {  	[tilespmem:s13], [sflag:$0x1] =	stream.indirect.gather [hbm4b:s4+s16], $0x80, s28, s16, $0xb8;
	[tilespmem:$0x1C800] =	vst v63  }
0xaa: {  	_ =	swait.ge [sflag:s21], $0x4000  }
0xab: {  	[sflag:s21] =	ssyncset.done $0x0  }
0xac: {  	[sflag:s21] =	ssyncadd.s32 $0xFFFFC000  }
0xad: {  	[spmem:s2] =	stream.indirect.scatter.add.f32 [tilespmem:s17], [sflag:$0x4], $0x80, s29, s16, $0xb8;
	[tilespmem:$0x1C800] =	vst v63  }
0xae: {  	_ =	swait.ge [sflag:s23], $0x4000  }
0xaf: {  	[sflag:s23] =	ssyncset.done $0x0  }
0xb0: {  	[sflag:s23] =	ssyncadd.s32 $0xFFFFC000  }
0xb1: {  	[tilespmem:s17], [sflag:$0x2] =	stream.indirect.gather [hbm4b:s4+s16], $0x80, s30, s16, $0xb8;
	[tilespmem:$0x1C800] =	vst v63  }
0xb2: {  	_ =	swait.ge [sflag:s18], $0x4000  }
0xb3: {  	[sflag:s18] =	ssyncset.done $0x0  }
0xb4: {  	[sflag:s18] =	ssyncadd.s32 $0xFFFFC000  }
0xb5: {  	[spmem:s2] =	stream.indirect.scatter.add.f32 [tilespmem:s13], [sflag:$0x3], $0x80, s31, s16, $0xb8;
	[tilespmem:$0x1C800] =	vst v63  }
0xb6: {  	_ =	swait.ge [sflag:s19], $0x4000  }
0xb7: {  	[sflag:s19] =	ssyncset.done $0x0  }
0xb8: {  	[sflag:s19] =	ssyncadd.s32 $0xFFFFC000  }
0xb9: {  	[tilespmem:s13], [sflag:$0x1] =	stream.indirect.gather [hbm4b:s4+s16], $0x80, s1, s16, $0xb8;
	[tilespmem:$0x1C800] =	vst v63  }
0xba: {  	_ =	swait.ge [sflag:s21], $0x4000  }
0xbb: {  	[sflag:s21] =	ssyncset.done $0x0  }
0xbc: {  	[sflag:s21] =	ssyncadd.s32 $0xFFFFC000  }
0xbd: {  	[spmem:s2] =	stream.indirect.scatter.add.f32 [tilespmem:s17], [sflag:$0x4], $0x80, s0, s16, $0xb8;
	[tilespmem:$0x1C800] =	vst v63  }
0xbe: {  	_ =	swait.ge [sflag:s23], $0x4000  }
0xbf: {  	[sflag:s23] =	ssyncset.done $0x0  }
0xc0: {  	[sflag:s23] =	ssyncadd.s32 $0xFFFFC000  }
0xc1: {  	[tilespmem:s17], [sflag:$0x2] =	stream.indirect.gather [hbm4b:s4+s16], $0x80, s6, s16, $0xb8;
	[tilespmem:$0x1C800] =	vst v63  }
0xc2: {  	_ =	swait.ge [sflag:s18], $0x4000  }
0xc3: {  	[sflag:s18] =	ssyncset.done $0x0  }
0xc4: {  	[sflag:s18] =	ssyncadd.s32 $0xFFFFC000  }
0xc5: {  	[spmem:s2] =	stream.indirect.scatter.add.f32 [tilespmem:s13], [sflag:$0x3], $0x80, s7, s16, $0xb8;
	[tilespmem:$0x1C800] =	vst v63  }
0xc6: {  	_ =	swait.ge [sflag:s21], $0x4000  }
0xc7: {  	[sflag:s21] =	ssyncset.done $0x0  }
0xc8: {  	[sflag:s21] =	ssyncadd.s32 $0xFFFFC000  }
0xc9: {  	[spmem:s2] =	stream.indirect.scatter.add.f32 [tilespmem:s17], [sflag:$0x4], $0x80, s8, s16, $0xb8;
	[tilespmem:$0x1C800] =	vst v63  }
.Ltmp1:
0xca: {  	_ =	swait.ge [sflag:s19], $0x4000;
	(pc) =	sbr.rel @p0 .LBB2_4-.Ltmp1, $4  }
0xcb: {  	[sflag:s19] =	ssyncset.done $0x0  }
0xcc: {  	[sflag:s19] =	ssyncadd.s32 $0xFFFFC000  }
0xcd: {  	_ =	swait.ge [sflag:s23], $0x4000  }
0xce: {  	s10 =	smov.u32 s9;
	s11 =	smov.u32 s25;
	[sflag:s23] =	ssyncset.done $0x0  }
0xcf: {  	s5 =	sadd.s32 s10, s12;
	[sflag:s23] =	ssyncadd.s32 $0xFFFFC000  }
0xd0: {  	[tilespmem:s3], [sflag:$0x5] =	stream.linear.gather [hbm4b:s5+s3], $0x400, $0x38;
	[tilespmem:$0x1C800] =	vst v63  }
0xd1: {  	_ =	swait.ge [sflag:s14], $0x400  }
0xd2: {  	s9 =	rddreg [dreg:$0x3];
	[sflag:s14] =	ssyncset.done $0x0  }
0xd3: {  	s5 =	sadd.s32 s10, s9;
	[sflag:s14] =	ssyncadd.s32 $0xFFFFFC00  }
0xd4: {  	[tilespmem:s15], [sflag:$0x5] =	stream.linear.gather [hbm4b:s5+s3], $0x400, $0x38;
	[tilespmem:$0x1C800] =	vst v63  }
0xd5: {  	_ =	swait.ge [sflag:s14], $0x400  }
0xd6: {  	[sflag:s14] =	ssyncset.done $0x0  }
0xd7: {  	[sflag:s14] =	ssyncadd.s32 $0xFFFFFC00  }
0xd8: {  	[tilespmem:s13], [sflag:$0x1] =	stream.indirect.gather [hbm4b:s4+s16], $0x80, s3, s16, $0xb8;
	[tilespmem:$0x1C800] =	vst v63  }
0xd9: {  	_ = 	snop  }
0xda: {  	[tilespmem:s17], [sflag:$0x2] =	stream.indirect.gather [hbm4b:s4+s16], $0x80, s16, s16, $0xb8;
	[tilespmem:$0x1C800] =	vst v63  }
0xdb: {  	_ =	swait.ge [sflag:s18], $0x4000  }
0xdc: {  	[sflag:s18] =	ssyncset.done $0x0  }
0xdd: {  	[sflag:s18] =	ssyncadd.s32 $0xFFFFC000  }
0xde: {  	[spmem:s2] =	stream.indirect.scatter.add.f32 [tilespmem:s13], [sflag:$0x3], $0x80, s15, s16, $0xb8;
	[tilespmem:$0x1C800] =	vst v63  }
0xdf: {  	_ =	swait.ge [sflag:s19], $0x4000  }
0xe0: {  	[sflag:s19] =	ssyncset.done $0x0  }
0xe1: {  	[sflag:s19] =	ssyncadd.s32 $0xFFFFC000  }
0xe2: {  	[tilespmem:s13], [sflag:$0x1] =	stream.indirect.gather [hbm4b:s4+s16], $0x80, s20, s16, $0xb8;
	[tilespmem:$0x1C800] =	vst v63  }
0xe3: {  	_ =	swait.ge [sflag:s21], $0x4000  }
0xe4: {  	[sflag:s21] =	ssyncset.done $0x0  }
0xe5: {  	[sflag:s21] =	ssyncadd.s32 $0xFFFFC000  }
0xe6: {  	[spmem:s2] =	stream.indirect.scatter.add.f32 [tilespmem:s17], [sflag:$0x4], $0x80, s22, s16, $0xb8;
	[tilespmem:$0x1C800] =	vst v63  }
0xe7: {  	_ =	swait.ge [sflag:s23], $0x4000  }
0xe8: {  	[sflag:s23] =	ssyncset.done $0x0  }
0xe9: {  	[sflag:s23] =	ssyncadd.s32 $0xFFFFC000  }
0xea: {  	[tilespmem:s17], [sflag:$0x2] =	stream.indirect.gather [hbm4b:s4+s16], $0x80, s24, s16, $0xb8;
	[tilespmem:$0x1C800] =	vst v63  }
0xeb: {  	_ =	swait.ge [sflag:s18], $0x4000  }
0xec: {  	[sflag:s18] =	ssyncset.done $0x0  }
0xed: {  	[sflag:s18] =	ssyncadd.s32 $0xFFFFC000  }
0xee: {  	[spmem:s2] =	stream.indirect.scatter.add.f32 [tilespmem:s13], [sflag:$0x3], $0x80, s26, s16, $0xb8;
	[tilespmem:$0x1C800] =	vst v63  }
0xef: {  	_ =	swait.ge [sflag:s19], $0x4000  }
0xf0: {  	[sflag:s19] =	ssyncset.done $0x0  }
0xf1: {  	[sflag:s19] =	ssyncadd.s32 $0xFFFFC000  }
0xf2: {  	[tilespmem:s13], [sflag:$0x1] =	stream.indirect.gather [hbm4b:s4+s16], $0x80, s28, s16, $0xb8;
	[tilespmem:$0x1C800] =	vst v63  }
0xf3: {  	_ =	swait.ge [sflag:s21], $0x4000  }
0xf4: {  	[sflag:s21] =	ssyncset.done $0x0  }
0xf5: {  	[sflag:s21] =	ssyncadd.s32 $0xFFFFC000  }
0xf6: {  	[spmem:s2] =	stream.indirect.scatter.add.f32 [tilespmem:s17], [sflag:$0x4], $0x80, s29, s16, $0xb8;
	[tilespmem:$0x1C800] =	vst v63  }
0xf7: {  	_ =	swait.ge [sflag:s23], $0x4000  }
0xf8: {  	[sflag:s23] =	ssyncset.done $0x0  }
0xf9: {  	[sflag:s23] =	ssyncadd.s32 $0xFFFFC000  }
0xfa: {  	[tilespmem:s17], [sflag:$0x2] =	stream.indirect.gather [hbm4b:s4+s16], $0x80, s30, s16, $0xb8;
	[tilespmem:$0x1C800] =	vst v63  }
0xfb: {  	_ =	swait.ge [sflag:s18], $0x4000  }
0xfc: {  	[sflag:s18] =	ssyncset.done $0x0  }
0xfd: {  	[sflag:s18] =	ssyncadd.s32 $0xFFFFC000  }
0xfe: {  	[spmem:s2] =	stream.indirect.scatter.add.f32 [tilespmem:s13], [sflag:$0x3], $0x80, s31, s16, $0xb8;
	[tilespmem:$0x1C800] =	vst v63  }
0xff: {  	_ =	swait.ge [sflag:s19], $0x4000  }
0x100: {  	[sflag:s19] =	ssyncset.done $0x0  }
0x101: {  	[sflag:s19] =	ssyncadd.s32 $0xFFFFC000  }
0x102: {  	[tilespmem:s13], [sflag:$0x1] =	stream.indirect.gather [hbm4b:s4+s16], $0x80, s1, s16, $0xb8;
	[tilespmem:$0x1C800] =	vst v63  }
0x103: {  	_ =	swait.ge [sflag:s21], $0x4000  }
0x104: {  	[sflag:s21] =	ssyncset.done $0x0  }
0x105: {  	[sflag:s21] =	ssyncadd.s32 $0xFFFFC000  }
0x106: {  	[spmem:s2] =	stream.indirect.scatter.add.f32 [tilespmem:s17], [sflag:$0x4], $0x80, s0, s16, $0xb8;
	[tilespmem:$0x1C800] =	vst v63  }
0x107: {  	_ =	swait.ge [sflag:s23], $0x4000  }
0x108: {  	[sflag:s23] =	ssyncset.done $0x0  }
0x109: {  	[sflag:s23] =	ssyncadd.s32 $0xFFFFC000  }
0x10a: {  	[tilespmem:s17], [sflag:$0x2] =	stream.indirect.gather [hbm4b:s4+s16], $0x80, s6, s16, $0xb8;
	[tilespmem:$0x1C800] =	vst v63  }
0x10b: {  	_ =	swait.ge [sflag:s18], $0x4000  }
0x10c: {  	[sflag:s18] =	ssyncset.done $0x0  }
0x10d: {  	[sflag:s18] =	ssyncadd.s32 $0xFFFFC000  }
0x10e: {  	[spmem:s2] =	stream.indirect.scatter.add.f32 [tilespmem:s13], [sflag:$0x3], $0x80, s7, s16, $0xb8;
	[tilespmem:$0x1C800] =	vst v63  }
0x10f: {  	_ =	swait.ge [sflag:s21], $0x4000  }
0x110: {  	[sflag:s21] =	ssyncset.done $0x0  }
0x111: {  	[sflag:s21] =	ssyncadd.s32 $0xFFFFC000  }
0x112: {  	[spmem:s2] =	stream.indirect.scatter.add.f32 [tilespmem:s17], [sflag:$0x4], $0x80, s8, s16, $0xb8;
	[tilespmem:$0x1C800] =	vst v63  }
0x113: {  	_ =	swait.ge [sflag:s19], $0x4000  }
0x114: {  	[sflag:s19] =	ssyncset.done $0x0  }
0x115: {  	[sflag:s19] =	ssyncadd.s32 $0xFFFFC000  }
0x116: {  	_ =	swait.ge [sflag:s23], $0x4000  }
0x117: {  	[sflag:s23] =	ssyncset.done $0x0  }
0x118: {  	[sflag:s23] =	ssyncadd.s32 $0xFFFFC000  }
0x119: {  	s11 =	stileid.u32;
	[bflag:$0x0] =	sbarrier.arrive $0xFFFF  }
0x11a: {  	s5 =	sshll.u32 s11, $0x6;
	s9 =	rddreg [dreg:$0x5]  }
0x11b: {  	s5 =	sor.u32 $0x1C05, s5;
	s25 =	rddreg [dreg:$0xb]  }
0x11c: {  	[hbm:s9], [sflag:s5] =	dma.local [spmem:s25], $0x2800  }
0x11d: {  	_ =	swait.ge [sflag:s14], $0x2800  }
0x11e: {  	s11 =	rddreg [dreg:$0xc]  }
0x11f: {  	s25 =	rddreg [dreg:$0x6];
	s9 =	sadd.s32 $0x1, s11  }
0x120: {  	p0 =	sne.s32 s9, s25  }
.Ltmp2:
0x121: {  	_ = 	snop;
	(pc) =	sbr.rel @p0 .LBB2_1-.Ltmp2, $3  }
0x122: {  	_ =	sdelay $0x1  }
0x123: {  	[sflag:s14] =	ssyncset.done $0x0  }
0x124: {  	[sflag:s14] =	ssyncadd.s32 $0xFFFFD800  }
0x125: {  	_ =	sfence.sel $0x180000  }
0x126: {  	[bflag:$0x0] =	sbarrier.arrive $0xFFFF  }
0x127: {  	_ =	strace $0x90000050  }
0x128: {  	s0 =	stileid.u32;
	[bflag:$0x2] =	sbarrier.arrive $0xFFFF  }
0x129: {  	p0 =	sne.s32 s0, $0x0;
	s0 =	rddreg [dreg:$0x2]  }
0x12a: {  	s0 =	sadd.s32 @!p0 $0x100000, s0  }
0x12b: {  	[sflag:s0] =	ssyncadd.tile.s32 @!p0 $0x1;
	_ =	shalt  }
.Lfunc_end2:
_tile_overlayer_lowered:
.L_overlay_start_2:
0x12c: {  	(tag) =	ssettag $0x2  }
0x12d: {  	s0 =	rddreg [dreg:$0x0];
	s2 =	stileid.u32  }
0x12e: {  	s1 =	rddreg [dreg:$0x1];
	p0 =	sne.s32 s2, $0x0  }
0x12f: {  	s3 =	rddreg [dreg:$0x2];
	[bflag:$0x3] =	sbarrier.arrive $0xFFFF;
	s2 =	simm.s32 @!p0 $0x1C05  }
0x130: {  	[timem:s3], [sflag:s2] =	dma.local @!p0 [hbm:s0], s1  }
0x131: {  	s0 =	simm.s32 @!p0 $0x5  }
0x132: {  	_ =	swait.ge @!p0 [sflag:s0], s1  }
0x133: {  	s1 =	ssub.s32 @!p0 $0x0, s1;
	[sflag:s0] =	ssyncset.done @!p0 $0x0  }
0x134: {  	[sflag:s0] =	ssyncadd.s32 @!p0 s1  }
0x135: {  	[bflag:$0x3] =	sbarrier.arrive $0xFFFF  }
0x136: {  	_ =	shalt  }

</sc_bundles>
